<compile_context>
chip_gen: v7x
topology: tpu7x:2x2x1
jax: 0.10.2.dev20260603
libtpu: 0.0.44.dev20260713+nightly
codegen_flags: <defaults>
</compile_context>

<pallas_src>
import jax
import jax.numpy as jnp
from jax import lax
from jax.experimental import pallas as pl
from jax.experimental.pallas import tpu as pltpu
from jax.experimental.pallas import tpu_sc as plsc

_B, _V, _N, _D = 1, 4, 10000, 128
_H, _F = 4, 32
_NEG = 0.2
_BV = _B * _V
_NP = 10112
_RPT = _NP // 16
_E2 = 160000 + _N
_C = 16
_CPT = 672
_EPT = _C * _CPT
_EP = _EPT * 16
_ACC_W = 144


def _proj_body(x_ref, w_ref, m_ref, h_ref, s_ref):
    h = jnp.dot(x_ref[...], w_ref[...], preferred_element_type=jnp.float32)
    h_ref[...] = h
    lr = jnp.where(h > 0, h, _NEG * h)
    s_ref[...] = jnp.dot(lr, m_ref[...], preferred_element_type=jnp.float32)


def _mlp_body(a_ref, r_ref, w1_ref, b1_ref, w2_ref, b2_ref, y_ref):
    blk = a_ref[...]
    inv = 1.0 / (blk[:, 128:144] + 1e-16)
    factor = jnp.dot(inv, r_ref[...], preferred_element_type=jnp.float32)
    un = blk[:, 0:128] * factor
    z = jnp.maximum(
        jnp.dot(un, w1_ref[...], preferred_element_type=jnp.float32) + b1_ref[...],
        0.0)
    y_ref[...] = (jnp.dot(z, w2_ref[...], preferred_element_type=jnp.float32)
                  + b2_ref[...])


def _sc_body(ts_ref, hb_ref, src3_ref, dst3_ref, out_ref,
             vsrc, vdst, sadj0, sadj1, dsts0, dsts1, vsl0, vsl1,
             srows0, srows1, rows0, rows1, scaled0, scaled1,
             acc, tsh, ga0, ga1, gc0, gc1, sc0, sc1):
    cid = lax.axis_index("c")
    sid = lax.axis_index("s")
    r0 = sid * _RPT
    zero16 = jnp.zeros((16,), jnp.float32)
    sadj = (sadj0, sadj1)
    dsts = (dsts0, dsts1)
    vsl = (vsl0, vsl1)
    srows = (srows0, srows1)
    rows = (rows0, rows1)
    scaled = (scaled0, scaled1)
    gsa = (ga0, ga1)
    gsc = (gc0, gc1)
    ssem = (sc0, sc1)

    ebase = sid * _EPT

    seg = _EPT // 8
    def iload(g, carry):
        off = g * seg
        pltpu.sync_copy(src3_ref.at[pl.ds(ebase + off, seg)],
                        vsrc.at[pl.ds(off, seg)])
        pltpu.sync_copy(dst3_ref.at[pl.ds(ebase + off, seg)],
                        vdst.at[pl.ds(off, seg)])
        return carry
    lax.fori_loop(0, 8, iload, 0)

    def waitg(s):
        pltpu.make_async_copy(tsh.at[vsl[s]], srows[s], gsa[s]).wait()
        pltpu.make_async_copy(hb_ref.at[sadj[s]], rows[s], gsc[s]).wait()

    def start_scatter(s):
        pltpu.async_copy(scaled[s], acc.at[dsts[s]], ssem[s], add=True)

    def wait_scatter(s):
        pltpu.make_async_copy(scaled[s], acc.at[dsts[s]], ssem[s]).wait()

    def compute(s):
        msk = jnp.int32(-65536)
        def edge(e, ecarry):
            exv = jnp.exp(srows[s][e, :])
            scaled[s][e, pl.ds(128, 16)] = exv
            for hh in range(_H):
                f = exv[hh]
                w = rows[s][e, pl.ds(16 * hh, 16)]
                a = lax.bitcast_convert_type(w << 16, jnp.float32)
                b = lax.bitcast_convert_type(w & msk, jnp.float32)
                scaled[s][e, pl.ds(32 * hh, 16)] = a * f
                scaled[s][e, pl.ds(32 * hh + 16, 16)] = b * f
            return ecarry
        lax.fori_loop(0, _C, edge, 0, unroll=2)

    for vi in range(2):
        v = 2 * cid + vi
        voff = v * _NP

        def fill_gather(kk, s):
            base = kk * _C
            for i in range(_C // 16):
                sl = pl.ds(i * 16, 16)
                raw = vsrc[pl.ds(base + i * 16, 16)]
                vsl[s][sl] = raw
                sadj[s][sl] = raw + voff
            pltpu.async_copy(tsh.at[vsl[s]], srows[s], gsa[s])
            pltpu.async_copy(hb_ref.at[sadj[s]], rows[s], gsc[s])

        def fill_dsts(kk, s):
            base = kk * _C
            for i in range(_C // 16):
                sl = pl.ds(i * 16, 16)
                dsts[s][sl] = vdst[pl.ds(base + i * 16, 16)]

        def zrow(r, carry):
            for j in range(_ACC_W // 16):
                scaled0[r, pl.ds(j * 16, 16)] = zero16
            return carry
        lax.fori_loop(0, _C, zrow, 0)
        off = 0
        while off < _RPT:
            cnt = min(_C, _RPT - off)
            pltpu.sync_copy(scaled0.at[pl.ds(0, cnt), :],
                            acc.at[pl.ds(r0 + off, cnt), :])
            off += cnt
        pltpu.sync_copy(ts_ref.at[pl.ds(voff + r0, _RPT)],
                        tsh.at[pl.ds(r0, _RPT)])
        plsc.subcore_barrier()

        pltpu.async_copy(scaled0, out_ref.at[pl.ds(voff + r0, _C), :], sc0)
        pltpu.async_copy(scaled1, out_ref.at[pl.ds(voff + r0, _C), :], sc1)
        fill_gather(0, 0)
        fill_gather(1, 1)

        def pair(k2, carry):
            for s in (0, 1):
                kk = 2 * k2 + s
                waitg(s)
                wait_scatter(s)
                fill_dsts(kk, s)
                compute(s)
                start_scatter(s)
                fill_gather(jnp.minimum(kk + 2, _CPT - 1), s)
            return carry
        lax.fori_loop(0, _CPT // 2, pair, 0)
        waitg(0)
        waitg(1)
        wait_scatter(0)
        wait_scatter(1)
        plsc.subcore_barrier()

        off = 0
        while off < _RPT:
            cnt = min(128, _RPT - off)
            rsl = pl.ds(r0 + off, cnt)
            osl = pl.ds(voff + r0 + off, cnt)
            pltpu.sync_copy(acc.at[rsl, :], out_ref.at[osl, :])
            off += cnt


def _make_sc_call():
    mesh = plsc.VectorSubcoreMesh(core_axis_name="c", subcore_axis_name="s",
                                  num_cores=2, num_subcores=16)
    return pl.kernel(
        _sc_body,
        out_type=jax.ShapeDtypeStruct((_BV * _NP, _ACC_W), jnp.float32),
        mesh=mesh,
        scratch_types=(
            [
                pltpu.VMEM((_EPT,), jnp.int32),
                pltpu.VMEM((_EPT,), jnp.int32),
            ]
            + [pltpu.VMEM((_C,), jnp.int32) for _ in range(6)]
            + [
                pltpu.VMEM((_C, 16), jnp.float32),
                pltpu.VMEM((_C, 16), jnp.float32),
                pltpu.VMEM((_C, 64), jnp.int32),
                pltpu.VMEM((_C, 64), jnp.int32),
                pltpu.VMEM((_C, _ACC_W), jnp.float32),
                pltpu.VMEM((_C, _ACC_W), jnp.float32),
                pltpu.VMEM_SHARED((_NP, _ACC_W), jnp.float32),
                pltpu.VMEM_SHARED((_NP, 16), jnp.float32),
            ]
            + [pltpu.SemaphoreType.DMA for _ in range(6)]
        ),
        compiler_params=pltpu.CompilerParams(use_tc_tiling_on_sc=False),
    )


def kernel(x, edge_index, W, att, W1, b1, W2, b2, bias):
    f32 = jnp.float32
    xf = x.reshape(_BV * _N, _D)

    att2 = att[0]
    oneh = jnp.repeat(jnp.eye(_H, dtype=f32), _F, axis=0)
    msrc = oneh * att2[:, :_F].reshape(-1)[:, None]
    mcat = jnp.concatenate([msrc, jnp.zeros((_H * _F, 12), f32)], axis=1)

    h_flat, scores = pl.pallas_call(
        _proj_body,
        grid=(125,),
        in_specs=[
            pl.BlockSpec((320, 128), lambda i: (i, 0)),
            pl.BlockSpec((128, 128), lambda i: (0, 0)),
            pl.BlockSpec((128, 16), lambda i: (0, 0)),
        ],
        out_specs=[
            pl.BlockSpec((320, 128), lambda i: (i, 0)),
            pl.BlockSpec((320, 16), lambda i: (i, 0)),
        ],
        out_shape=[
            jax.ShapeDtypeStruct((_BV * _N, 128), f32),
            jax.ShapeDtypeStruct((_BV * _N, 16), f32),
        ],
    )(xf, W, mcat)

    sc3 = scores.reshape(_BV, _N, 16)
    asrc = sc3[..., 0:4]
    c_s = jnp.max(asrc, axis=(1, 2), keepdims=True)
    pad_n = _NP - _N
    zpad12 = jnp.zeros((_BV, _N, 12), f32)
    neg_row = jnp.full((_BV, pad_n, 16), -1e30, f32)
    ts = jnp.concatenate(
        [jnp.concatenate([asrc - c_s, zpad12], axis=-1), neg_row], axis=1)
    ts = ts.reshape(_BV * _NP, 16)
    hb = jnp.concatenate(
        [h_flat.reshape(_BV, _N, 128), jnp.zeros((_BV, pad_n, 128), f32)],
        axis=1).reshape(_BV * _NP, 64, 2).astype(jnp.bfloat16)
    hb = lax.bitcast_convert_type(hb, jnp.int32)

    sl = jnp.arange(_N, dtype=edge_index.dtype)
    ei = jnp.concatenate(
        [edge_index, jnp.stack([sl, sl], axis=0),
         jnp.full((2, _EP - _E2), _N, edge_index.dtype)], axis=1)
    src3 = ei[0]
    dst3 = ei[1]

    agg = _make_sc_call()(ts, hb, src3, dst3)

    perm = []
    for hh in range(_H):
        perm += [32 * hh + 2 * t for t in range(16)]
        perm += [32 * hh + 2 * t + 1 for t in range(16)]
    w1p = W1[jnp.array(perm), :]
    r16 = jnp.concatenate(
        [jnp.repeat(jnp.eye(_H, dtype=f32), _F, axis=1),
         jnp.zeros((12, _H * _F), f32)], axis=0)
    b1r = b1.reshape(1, -1)
    b2b = (b2 + bias).reshape(1, -1)

    y = pl.pallas_call(
        _mlp_body,
        grid=(158,),
        in_specs=[
            pl.BlockSpec((256, _ACC_W), lambda i: (i, 0)),
            pl.BlockSpec((16, 128), lambda i: (0, 0)),
            pl.BlockSpec((128, 256), lambda i: (0, 0)),
            pl.BlockSpec((1, 256), lambda i: (0, 0)),
            pl.BlockSpec((256, 128), lambda i: (0, 0)),
            pl.BlockSpec((1, 128), lambda i: (0, 0)),
        ],
        out_specs=pl.BlockSpec((256, 128), lambda i: (i, 0)),
        out_shape=jax.ShapeDtypeStruct((_BV * _NP, 128), f32),
    )(agg, r16, w1p, b1r, W2, b2b)

    y4 = y.reshape(_BV, _NP, 128)[:, :_N, :]
    return y4.reshape(_B, _V, _N, _H * _F)

# --- scband reference (transcript-rebuilt; emitter-appended) ---
"""Pipeline reference for scband-gatv2-network4-view-86208583566036 (READ-ONLY COPY).

The authoritative reference and input builder live on the scoring server;
editing this copy changes nothing except your own understanding.
"""

import jax, jax.numpy as jnp
import numpy as np

B, V, N, D = 1, 4, 10000, 128
E = 160000
H, F = 4, 32
NEG_SLOPE = 0.2


def setup_inputs(seed: int = 0):
    key = jax.random.key(seed)
    ks = jax.random.split(key, 9)
    x = jax.random.normal(ks[0], (B, V, N, D), dtype=jnp.float32)
    edge_index = jax.random.randint(ks[1], (2, E), 0, N, dtype=jnp.int32)
    W = jax.random.normal(ks[2], (D, H * F), dtype=jnp.float32) * (1.0 / np.sqrt(D))
    att = jax.random.normal(ks[3], (1, H, 2 * F), dtype=jnp.float32) * 0.1
    Dm = H * F
    W1 = jax.random.normal(ks[4], (Dm, 2 * Dm), dtype=jnp.float32) * (1.0 / np.sqrt(Dm))
    b1 = jax.random.normal(ks[5], (2 * Dm,), dtype=jnp.float32) * 0.01
    W2 = jax.random.normal(ks[6], (2 * Dm, Dm), dtype=jnp.float32) * (1.0 / np.sqrt(2 * Dm))
    b2 = jax.random.normal(ks[7], (Dm,), dtype=jnp.float32) * 0.01
    bias = jax.random.normal(ks[8], (Dm,), dtype=jnp.float32) * 0.01
    return {"x": x, "edge_index": edge_index, "W": W, "att": att,
            "W1": W1, "b1": b1, "W2": W2, "b2": b2, "bias": bias}


def reference(x, edge_index, W, att, W1, b1, W2, b2, bias):
    # GATv2Layer4View forward: intra-view GATv2 (weight-shared across views)
    # followed by inter-view MLP mixing, then output bias.
    Bv = B * V
    xf = x.reshape(Bv, N, D)
    # W(x): Linear without bias -> [Bv, N, H, F]
    h = (xf @ W).reshape(Bv, N, H, F)
    # add self loops
    sl = jnp.arange(N, dtype=edge_index.dtype)
    ei = jnp.concatenate([edge_index, jnp.stack([sl, sl], axis=0)], axis=1)
    src, dst = ei[0], ei[1]
    # gather endpoint features: [Bv, E2, H, F]
    h_src = h[:, src, :, :]
    h_dst = h[:, dst, :, :]
    # GATv2-style scoring: att . leaky_relu(concat(h_src, h_dst)) -> [Bv, E2, H]
    cat = jnp.concatenate([h_src, h_dst], axis=-1)
    e = jnp.sum(att[:, None, :, :] * jax.nn.leaky_relu(cat, NEG_SLOPE), axis=-1)

    def seg_softmax_agg(e_b, hsrc_b):
        # softmax over incoming edges grouped by dst node
        m = jax.ops.segment_max(e_b, dst, num_segments=N)
        m = jnp.where(jnp.isfinite(m), m, 0.0)
        ex = jnp.exp(e_b - m[dst])
        s = jax.ops.segment_sum(ex, dst, num_segments=N)
        alpha = ex / (s[dst] + 1e-16)
        return jax.ops.segment_sum(alpha[:, :, None] * hsrc_b, dst, num_segments=N)

    out = jax.vmap(seg_softmax_agg)(e, h_src)  # [Bv, N, H, F]
    out = out.reshape(Bv, N, H * F)  # concat=True
    hview = out.reshape(B, V, N, H * F)
    # inter-view mixing via shared MLP
    flat = hview.reshape(B * V * N, H * F)
    mixed = jnp.maximum(flat @ W1 + b1, 0.0) @ W2 + b2
    hview = mixed.reshape(B, V, N, H * F)
    return hview + bias

if __name__ == "__main__":
    import jax
    _d = setup_inputs()
    print(jax.jit(kernel)(*tuple(_d.values())))

</pallas_src>

<mosaic_0001>
#map = affine_map<(d0, d1) -> (0, 0)>
#map1 = affine_map<(d0, d1) -> (0)>
module attributes {stable_mosaic.version = 14 : i64} {
  func.func @_sc_body(%arg0: i32, %arg1: i32, %arg2: memref<40448x16xf32, #tpu.memory_space<hbm>>, %arg3: memref<40448x64xi32, #tpu.memory_space<hbm>>, %arg4: memref<172032xi32, #tpu.memory_space<hbm>>, %arg5: memref<172032xi32, #tpu.memory_space<hbm>>, %arg6: memref<40448x144xf32, #tpu.memory_space<hbm>>, %arg7: memref<10752xi32, #tpu.memory_space<vmem>>, %arg8: memref<10752xi32, #tpu.memory_space<vmem>>, %arg9: memref<16xi32, #tpu.memory_space<vmem>>, %arg10: memref<16xi32, #tpu.memory_space<vmem>>, %arg11: memref<16xi32, #tpu.memory_space<vmem>>, %arg12: memref<16xi32, #tpu.memory_space<vmem>>, %arg13: memref<16xi32, #tpu.memory_space<vmem>>, %arg14: memref<16xi32, #tpu.memory_space<vmem>>, %arg15: memref<16x16xf32, #tpu.memory_space<vmem>>, %arg16: memref<16x16xf32, #tpu.memory_space<vmem>>, %arg17: memref<16x64xi32, #tpu.memory_space<vmem>>, %arg18: memref<16x64xi32, #tpu.memory_space<vmem>>, %arg19: memref<16x144xf32, #tpu.memory_space<vmem>>, %arg20: memref<16x144xf32, #tpu.memory_space<vmem>>, %arg21: memref<10112x144xf32, #tpu.memory_space<vmem_shared>>, %arg22: memref<10112x16xf32, #tpu.memory_space<vmem_shared>>, %arg23: memref<!tpu.dma_semaphore, #tpu.memory_space<semaphore_mem>>, %arg24: memref<!tpu.dma_semaphore, #tpu.memory_space<semaphore_mem>>, %arg25: memref<!tpu.dma_semaphore, #tpu.memory_space<semaphore_mem>>, %arg26: memref<!tpu.dma_semaphore, #tpu.memory_space<semaphore_mem>>, %arg27: memref<!tpu.dma_semaphore, #tpu.memory_space<semaphore_mem>>, %arg28: memref<!tpu.dma_semaphore, #tpu.memory_space<semaphore_mem>>) attributes {dimension_semantics = [#tpu.dimension_semantics<core_parallel>, #tpu.dimension_semantics<subcore_parallel>], iteration_bounds = array<i64: 2, 16>, scalar_prefetch = 0 : i64, scratch_operands = 22 : i64, tpu.core_type = #tpu.core_type<sc_vector_subcore>, window_params = [{transform_indices = #map}, {transform_indices = #map}, {transform_indices = #map1}, {transform_indices = #map1}, {transform_indices = #map}]} {
    %mul3A = arith.constant 632 : i32
    %mul3A_0 = arith.muli %arg1, %mul3A : i32
    %broadcast_in_dim3A = arith.constant 0.000000e+00 : f32
    %broadcast_in_dim3A_1 = vector.broadcast %broadcast_in_dim3A : f32 to vector<16xf32>
    %mul3A_2 = arith.constant 10752 : i32
    %mul3A_3 = arith.muli %arg1, %mul3A_2 : i32
    %scan3A = arith.constant 0 : i32
    %scan3A_4 = arith.constant 0 : i32
    %scan3A_5 = arith.constant 8 : i32
    %scan3A_6 = arith.addi %scan3A_4, %scan3A_5 : i32
    %scan3A_7 = arith.constant 1 : i32
    scf.for %scan3A_387 = %scan3A_4 to %scan3A_6 step %scan3A_7  : i32 {
      %mul3A_388 = arith.constant 1344 : i32
      %mul3A_389 = arith.muli %scan3A_387, %mul3A_388 : i32
      %add3A_390 = arith.addi %mul3A_3, %mul3A_389 : i32
      "tpu.region"() ({
        %run_scoped3A = tpu.sem_alloc : memref<!tpu.dma_semaphore, #tpu.memory_space<semaphore_mem>>
        %dma_start3A_392 = tpu.memref_slice %arg7[%mul3A_389] : memref<10752xi32, #tpu.memory_space<vmem>> -> memref<1344xi32, #tpu.memory_space<vmem>>
        %dma_start3A_393 = tpu.memref_slice %arg4[%add3A_390] : memref<172032xi32, #tpu.memory_space<hbm>> -> memref<1344xi32, #tpu.memory_space<hbm>>
        %dma_start3A_394 = tpu.memref_slice %arg7[%mul3A_389] : memref<10752xi32, #tpu.memory_space<vmem>> -> memref<1344xi32, #tpu.memory_space<vmem>>
        %dma_start3A_395 = tpu.memref_slice %arg4[%add3A_390] : memref<172032xi32, #tpu.memory_space<hbm>> -> memref<1344xi32, #tpu.memory_space<hbm>>
        tpu.enqueue_dma source(%dma_start3A_395 : memref<1344xi32, #tpu.memory_space<hbm>>) target(%dma_start3A_394 : memref<1344xi32, #tpu.memory_space<vmem>>) target_semaphore(%run_scoped3A : memref<!tpu.dma_semaphore, #tpu.memory_space<semaphore_mem>>)
        %dma_wait3A_396 = tpu.memref_slice %arg7[%mul3A_389] : memref<10752xi32, #tpu.memory_space<vmem>> -> memref<1344xi32, #tpu.memory_space<vmem>>
        %dma_wait3A_397 = tpu.memref_slice %arg4[%add3A_390] : memref<172032xi32, #tpu.memory_space<hbm>> -> memref<1344xi32, #tpu.memory_space<hbm>>
        %dma_wait3A_398 = tpu.memref_slice %arg7[%mul3A_389] : memref<10752xi32, #tpu.memory_space<vmem>> -> memref<1344xi32, #tpu.memory_space<vmem>>
        %dma_wait3A_399 = tpu.memref_slice %arg4[%add3A_390] : memref<172032xi32, #tpu.memory_space<hbm>> -> memref<1344xi32, #tpu.memory_space<hbm>>
        tpu.wait_dma2 semaphore(%run_scoped3A : memref<!tpu.dma_semaphore, #tpu.memory_space<semaphore_mem>>) src(%dma_wait3A_399 : memref<1344xi32, #tpu.memory_space<hbm>>) dst(%dma_wait3A_398 : memref<1344xi32, #tpu.memory_space<vmem>>)
        tpu.yield
      }) : () -> ()
      %add3A_391 = arith.addi %mul3A_3, %mul3A_389 : i32
      "tpu.region"() ({
        %run_scoped3A = tpu.sem_alloc : memref<!tpu.dma_semaphore, #tpu.memory_space<semaphore_mem>>
        %dma_start3A_392 = tpu.memref_slice %arg8[%mul3A_389] : memref<10752xi32, #tpu.memory_space<vmem>> -> memref<1344xi32, #tpu.memory_space<vmem>>
        %dma_start3A_393 = tpu.memref_slice %arg5[%add3A_391] : memref<172032xi32, #tpu.memory_space<hbm>> -> memref<1344xi32, #tpu.memory_space<hbm>>
        %dma_start3A_394 = tpu.memref_slice %arg8[%mul3A_389] : memref<10752xi32, #tpu.memory_space<vmem>> -> memref<1344xi32, #tpu.memory_space<vmem>>
        %dma_start3A_395 = tpu.memref_slice %arg5[%add3A_391] : memref<172032xi32, #tpu.memory_space<hbm>> -> memref<1344xi32, #tpu.memory_space<hbm>>
        tpu.enqueue_dma source(%dma_start3A_395 : memref<1344xi32, #tpu.memory_space<hbm>>) target(%dma_start3A_394 : memref<1344xi32, #tpu.memory_space<vmem>>) target_semaphore(%run_scoped3A : memref<!tpu.dma_semaphore, #tpu.memory_space<semaphore_mem>>)
        %dma_wait3A_396 = tpu.memref_slice %arg8[%mul3A_389] : memref<10752xi32, #tpu.memory_space<vmem>> -> memref<1344xi32, #tpu.memory_space<vmem>>
        %dma_wait3A_397 = tpu.memref_slice %arg5[%add3A_391] : memref<172032xi32, #tpu.memory_space<hbm>> -> memref<1344xi32, #tpu.memory_space<hbm>>
        %dma_wait3A_398 = tpu.memref_slice %arg8[%mul3A_389] : memref<10752xi32, #tpu.memory_space<vmem>> -> memref<1344xi32, #tpu.memory_space<vmem>>
        %dma_wait3A_399 = tpu.memref_slice %arg5[%add3A_391] : memref<172032xi32, #tpu.memory_space<hbm>> -> memref<1344xi32, #tpu.memory_space<hbm>>
        tpu.wait_dma2 semaphore(%run_scoped3A : memref<!tpu.dma_semaphore, #tpu.memory_space<semaphore_mem>>) src(%dma_wait3A_399 : memref<1344xi32, #tpu.memory_space<hbm>>) dst(%dma_wait3A_398 : memref<1344xi32, #tpu.memory_space<vmem>>)
        tpu.yield
      }) : () -> ()
    }
    %scan3A_8 = arith.constant 8 : i32
    %mul3A_9 = arith.constant 2 : i32
    %mul3A_10 = arith.muli %mul3A_9, %arg0 : i32
    %add3A = arith.constant 0 : i32
    %add3A_11 = arith.addi %mul3A_10, %add3A : i32
    %mul3A_12 = arith.constant 10112 : i32
    %mul3A_13 = arith.muli %add3A_11, %mul3A_12 : i32
    %scan3A_14 = arith.constant 0 : i32
    %scan3A_15 = arith.constant 0 : i32
    %scan3A_16 = arith.constant 16 : i32
    %scan3A_17 = arith.addi %scan3A_15, %scan3A_16 : i32
    %scan3A_18 = arith.constant 1 : i32
    scf.for %scan3A_387 = %scan3A_15 to %scan3A_17 step %scan3A_18  : i32 {
      %swap3A_388 = arith.index_cast %scan3A_387 : i32 to index
      %swap3A_389 = arith.constant 0 : index
      %swap3A_390 = tpu.vector_load %arg19[%swap3A_388, %swap3A_389] {strides = array<i32>} : memref<16x144xf32, #tpu.memory_space<vmem>>, vector<1x16xf32>,
      %swap3A_391 = vector.shape_cast %swap3A_390 : vector<1x16xf32> to vector<16xf32>
      %swap3A_392 = vector.shape_cast %broadcast_in_dim3A_1 : vector<16xf32> to vector<1x16xf32>
      tpu.vector_store %arg19[%swap3A_388, %swap3A_389], %swap3A_392 {strides = array<i32>} : memref<16x144xf32, #tpu.memory_space<vmem>>, vector<1x16xf32>,
      %swap3A_393 = arith.index_cast %scan3A_387 : i32 to index
      %swap3A_394 = arith.constant 16 : index
      %swap3A_395 = tpu.vector_load %arg19[%swap3A_393, %swap3A_394] {strides = array<i32>} : memref<16x144xf32, #tpu.memory_space<vmem>>, vector<1x16xf32>,
      %swap3A_396 = vector.shape_cast %swap3A_395 : vector<1x16xf32> to vector<16xf32>
      %swap3A_397 = vector.shape_cast %broadcast_in_dim3A_1 : vector<16xf32> to vector<1x16xf32>
      tpu.vector_store %arg19[%swap3A_393, %swap3A_394], %swap3A_397 {strides = array<i32>} : memref<16x144xf32, #tpu.memory_space<vmem>>, vector<1x16xf32>,
      %swap3A_398 = arith.index_cast %scan3A_387 : i32 to index
      %swap3A_399 = arith.constant 32 : index
      %swap3A_400 = tpu.vector_load %arg19[%swap3A_398, %swap3A_399] {strides = array<i32>} : memref<16x144xf32, #tpu.memory_space<vmem>>, vector<1x16xf32>,
      %swap3A_401 = vector.shape_cast %swap3A_400 : vector<1x16xf32> to vector<16xf32>
      %swap3A_402 = vector.shape_cast %broadcast_in_dim3A_1 : vector<16xf32> to vector<1x16xf32>
      tpu.vector_store %arg19[%swap3A_398, %swap3A_399], %swap3A_402 {strides = array<i32>} : memref<16x144xf32, #tpu.memory_space<vmem>>, vector<1x16xf32>,
      %swap3A_403 = arith.index_cast %scan3A_387 : i32 to index
      %swap3A_404 = arith.constant 48 : index
      %swap3A_405 = tpu.vector_load %arg19[%swap3A_403, %swap3A_404] {strides = array<i32>} : memref<16x144xf32, #tpu.memory_space<vmem>>, vector<1x16xf32>,
      %swap3A_406 = vector.shape_cast %swap3A_405 : vector<1x16xf32> to vector<16xf32>
      %swap3A_407 = vector.shape_cast %broadcast_in_dim3A_1 : vector<16xf32> to vector<1x16xf32>
      tpu.vector_store %arg19[%swap3A_403, %swap3A_404], %swap3A_407 {strides = array<i32>} : memref<16x144xf32, #tpu.memory_space<vmem>>, vector<1x16xf32>,
      %swap3A_408 = arith.index_cast %scan3A_387 : i32 to index
      %swap3A_409 = arith.constant 64 : index
      %swap3A_410 = tpu.vector_load %arg19[%swap3A_408, %swap3A_409] {strides = array<i32>} : memref<16x144xf32, #tpu.memory_space<vmem>>, vector<1x16xf32>,
      %swap3A_411 = vector.shape_cast %swap3A_410 : vector<1x16xf32> to vector<16xf32>
      %swap3A_412 = vector.shape_cast %broadcast_in_dim3A_1 : vector<16xf32> to vector<1x16xf32>
      tpu.vector_store %arg19[%swap3A_408, %swap3A_409], %swap3A_412 {strides = array<i32>} : memref<16x144xf32, #tpu.memory_space<vmem>>, vector<1x16xf32>,
      %swap3A_413 = arith.index_cast %scan3A_387 : i32 to index
      %swap3A_414 = arith.constant 80 : index
      %swap3A_415 = tpu.vector_load %arg19[%swap3A_413, %swap3A_414] {strides = array<i32>} : memref<16x144xf32, #tpu.memory_space<vmem>>, vector<1x16xf32>,
      %swap3A_416 = vector.shape_cast %swap3A_415 : vector<1x16xf32> to vector<16xf32>
      %swap3A_417 = vector.shape_cast %broadcast_in_dim3A_1 : vector<16xf32> to vector<1x16xf32>
      tpu.vector_store %arg19[%swap3A_413, %swap3A_414], %swap3A_417 {strides = array<i32>} : memref<16x144xf32, #tpu.memory_space<vmem>>, vector<1x16xf32>,
      %swap3A_418 = arith.index_cast %scan3A_387 : i32 to index
      %swap3A_419 = arith.constant 96 : index
      %swap3A_420 = tpu.vector_load %arg19[%swap3A_418, %swap3A_419] {strides = array<i32>} : memref<16x144xf32, #tpu.memory_space<vmem>>, vector<1x16xf32>,
      %swap3A_421 = vector.shape_cast %swap3A_420 : vector<1x16xf32> to vector<16xf32>
      %swap3A_422 = vector.shape_cast %broadcast_in_dim3A_1 : vector<16xf32> to vector<1x16xf32>
      tpu.vector_store %arg19[%swap3A_418, %swap3A_419], %swap3A_422 {strides = array<i32>} : memref<16x144xf32, #tpu.memory_space<vmem>>, vector<1x16xf32>,
      %swap3A_423 = arith.index_cast %scan3A_387 : i32 to index
      %swap3A_424 = arith.constant 112 : index
      %swap3A_425 = tpu.vector_load %arg19[%swap3A_423, %swap3A_424] {strides = array<i32>} : memref<16x144xf32, #tpu.memory_space<vmem>>, vector<1x16xf32>,
      %swap3A_426 = vector.shape_cast %swap3A_425 : vector<1x16xf32> to vector<16xf32>
      %swap3A_427 = vector.shape_cast %broadcast_in_dim3A_1 : vector<16xf32> to vector<1x16xf32>
      tpu.vector_store %arg19[%swap3A_423, %swap3A_424], %swap3A_427 {strides = array<i32>} : memref<16x144xf32, #tpu.memory_space<vmem>>, vector<1x16xf32>,
      %swap3A_428 = arith.index_cast %scan3A_387 : i32 to index
      %swap3A_429 = arith.constant 128 : index
      %swap3A_430 = tpu.vector_load %arg19[%swap3A_428, %swap3A_429] {strides = array<i32>} : memref<16x144xf32, #tpu.memory_space<vmem>>, vector<1x16xf32>,
      %swap3A_431 = vector.shape_cast %swap3A_430 : vector<1x16xf32> to vector<16xf32>
      %swap3A_432 = vector.shape_cast %broadcast_in_dim3A_1 : vector<16xf32> to vector<1x16xf32>
      tpu.vector_store %arg19[%swap3A_428, %swap3A_429], %swap3A_432 {strides = array<i32>} : memref<16x144xf32, #tpu.memory_space<vmem>>, vector<1x16xf32>,
    }
    %scan3A_19 = arith.constant 16 : i32
    %add3A_20 = arith.constant 0 : i32
    %add3A_21 = arith.addi %mul3A_0, %add3A_20 : i32
    "tpu.region"() ({
      %run_scoped3A = tpu.sem_alloc : memref<!tpu.dma_semaphore, #tpu.memory_space<semaphore_mem>>
      %dma_start3A_387 = arith.constant 0 : i32
      %dma_start3A_388 = arith.constant 0 : i32
      %dma_start3A_389 = tpu.memref_slice %arg19[%dma_start3A_387, %dma_start3A_388] : memref<16x144xf32, #tpu.memory_space<vmem>> -> memref<16x144xf32, #tpu.memory_space<vmem>>
      %dma_start3A_390 = arith.constant 0 : i32
      %dma_start3A_391 = tpu.memref_slice %arg21[%add3A_21, %dma_start3A_390] : memref<10112x144xf32, #tpu.memory_space<vmem_shared>> -> memref<16x144xf32, #tpu.memory_space<vmem_shared>>
      %dma_start3A_392 = arith.constant 0 : i32
      %dma_start3A_393 = tpu.memref_slice %arg21[%add3A_21, %dma_start3A_392] : memref<10112x144xf32, #tpu.memory_space<vmem_shared>> -> memref<16x144xf32, #tpu.memory_space<vmem_shared>>
      %dma_start3A_394 = arith.constant 0 : i32
      %dma_start3A_395 = arith.constant 0 : i32
      %dma_start3A_396 = tpu.memref_slice %arg19[%dma_start3A_394, %dma_start3A_395] : memref<16x144xf32, #tpu.memory_space<vmem>> -> memref<16x144xf32, #tpu.memory_space<vmem>>
      tpu.enqueue_dma source(%dma_start3A_396 : memref<16x144xf32, #tpu.memory_space<vmem>>) target(%dma_start3A_393 : memref<16x144xf32, #tpu.memory_space<vmem_shared>>) target_semaphore(%run_scoped3A : memref<!tpu.dma_semaphore, #tpu.memory_space<semaphore_mem>>)
      %dma_wait3A_397 = arith.constant 0 : i32
      %dma_wait3A_398 = arith.constant 0 : i32
      %dma_wait3A_399 = tpu.memref_slice %arg19[%dma_wait3A_397, %dma_wait3A_398] : memref<16x144xf32, #tpu.memory_space<vmem>> -> memref<16x144xf32, #tpu.memory_space<vmem>>
      %dma_wait3A_400 = arith.constant 0 : i32
      %dma_wait3A_401 = tpu.memref_slice %arg21[%add3A_21, %dma_wait3A_400] : memref<10112x144xf32, #tpu.memory_space<vmem_shared>> -> memref<16x144xf32, #tpu.memory_space<vmem_shared>>
      %dma_wait3A_402 = arith.constant 0 : i32
      %dma_wait3A_403 = tpu.memref_slice %arg21[%add3A_21, %dma_wait3A_402] : memref<10112x144xf32, #tpu.memory_space<vmem_shared>> -> memref<16x144xf32, #tpu.memory_space<vmem_shared>>
      %dma_wait3A_404 = arith.constant 0 : i32
      %dma_wait3A_405 = arith.constant 0 : i32
      %dma_wait3A_406 = tpu.memref_slice %arg19[%dma_wait3A_404, %dma_wait3A_405] : memref<16x144xf32, #tpu.memory_space<vmem>> -> memref<16x144xf32, #tpu.memory_space<vmem>>
      tpu.wait_dma2 semaphore(%run_scoped3A : memref<!tpu.dma_semaphore, #tpu.memory_space<semaphore_mem>>) src(%dma_wait3A_406 : memref<16x144xf32, #tpu.memory_space<vmem>>) dst(%dma_wait3A_403 : memref<16x144xf32, #tpu.memory_space<vmem_shared>>)
      tpu.yield
    }) : () -> ()
    %add3A_22 = arith.constant 16 : i32
    %add3A_23 = arith.addi %mul3A_0, %add3A_22 : i32
    "tpu.region"() ({
      %run_scoped3A = tpu.sem_alloc : memref<!tpu.dma_semaphore, #tpu.memory_space<semaphore_mem>>
      %dma_start3A_387 = arith.constant 0 : i32
      %dma_start3A_388 = arith.constant 0 : i32
      %dma_start3A_389 = tpu.memref_slice %arg19[%dma_start3A_387, %dma_start3A_388] : memref<16x144xf32, #tpu.memory_space<vmem>> -> memref<16x144xf32, #tpu.memory_space<vmem>>
      %dma_start3A_390 = arith.constant 0 : i32
      %dma_start3A_391 = tpu.memref_slice %arg21[%add3A_23, %dma_start3A_390] : memref<10112x144xf32, #tpu.memory_space<vmem_shared>> -> memref<16x144xf32, #tpu.memory_space<vmem_shared>>
      %dma_start3A_392 = arith.constant 0 : i32
      %dma_start3A_393 = tpu.memref_slice %arg21[%add3A_23, %dma_start3A_392] : memref<10112x144xf32, #tpu.memory_space<vmem_shared>> -> memref<16x144xf32, #tpu.memory_space<vmem_shared>>
      %dma_start3A_394 = arith.constant 0 : i32
      %dma_start3A_395 = arith.constant 0 : i32
      %dma_start3A_396 = tpu.memref_slice %arg19[%dma_start3A_394, %dma_start3A_395] : memref<16x144xf32, #tpu.memory_space<vmem>> -> memref<16x144xf32, #tpu.memory_space<vmem>>
      tpu.enqueue_dma source(%dma_start3A_396 : memref<16x144xf32, #tpu.memory_space<vmem>>) target(%dma_start3A_393 : memref<16x144xf32, #tpu.memory_space<vmem_shared>>) target_semaphore(%run_scoped3A : memref<!tpu.dma_semaphore, #tpu.memory_space<semaphore_mem>>)
      %dma_wait3A_397 = arith.constant 0 : i32
      %dma_wait3A_398 = arith.constant 0 : i32
      %dma_wait3A_399 = tpu.memref_slice %arg19[%dma_wait3A_397, %dma_wait3A_398] : memref<16x144xf32, #tpu.memory_space<vmem>> -> memref<16x144xf32, #tpu.memory_space<vmem>>
      %dma_wait3A_400 = arith.constant 0 : i32
      %dma_wait3A_401 = tpu.memref_slice %arg21[%add3A_23, %dma_wait3A_400] : memref<10112x144xf32, #tpu.memory_space<vmem_shared>> -> memref<16x144xf32, #tpu.memory_space<vmem_shared>>
      %dma_wait3A_402 = arith.constant 0 : i32
      %dma_wait3A_403 = tpu.memref_slice %arg21[%add3A_23, %dma_wait3A_402] : memref<10112x144xf32, #tpu.memory_space<vmem_shared>> -> memref<16x144xf32, #tpu.memory_space<vmem_shared>>
      %dma_wait3A_404 = arith.constant 0 : i32
      %dma_wait3A_405 = arith.constant 0 : i32
      %dma_wait3A_406 = tpu.memref_slice %arg19[%dma_wait3A_404, %dma_wait3A_405] : memref<16x144xf32, #tpu.memory_space<vmem>> -> memref<16x144xf32, #tpu.memory_space<vmem>>
      tpu.wait_dma2 semaphore(%run_scoped3A : memref<!tpu.dma_semaphore, #tpu.memory_space<semaphore_mem>>) src(%dma_wait3A_406 : memref<16x144xf32, #tpu.memory_space<vmem>>) dst(%dma_wait3A_403 : memref<16x144xf32, #tpu.memory_space<vmem_shared>>)
      tpu.yield
    }) : () -> ()
    %add3A_24 = arith.constant 32 : i32
    %add3A_25 = arith.addi %mul3A_0, %add3A_24 : i32
    "tpu.region"() ({
      %run_scoped3A = tpu.sem_alloc : memref<!tpu.dma_semaphore, #tpu.memory_space<semaphore_mem>>
      %dma_start3A_387 = arith.constant 0 : i32
      %dma_start3A_388 = arith.constant 0 : i32
      %dma_start3A_389 = tpu.memref_slice %arg19[%dma_start3A_387, %dma_start3A_388] : memref<16x144xf32, #tpu.memory_space<vmem>> -> memref<16x144xf32, #tpu.memory_space<vmem>>
      %dma_start3A_390 = arith.constant 0 : i32
      %dma_start3A_391 = tpu.memref_slice %arg21[%add3A_25, %dma_start3A_390] : memref<10112x144xf32, #tpu.memory_space<vmem_shared>> -> memref<16x144xf32, #tpu.memory_space<vmem_shared>>
      %dma_start3A_392 = arith.constant 0 : i32
      %dma_start3A_393 = tpu.memref_slice %arg21[%add3A_25, %dma_start3A_392] : memref<10112x144xf32, #tpu.memory_space<vmem_shared>> -> memref<16x144xf32, #tpu.memory_space<vmem_shared>>
      %dma_start3A_394 = arith.constant 0 : i32
      %dma_start3A_395 = arith.constant 0 : i32
      %dma_start3A_396 = tpu.memref_slice %arg19[%dma_start3A_394, %dma_start3A_395] : memref<16x144xf32, #tpu.memory_space<vmem>> -> memref<16x144xf32, #tpu.memory_space<vmem>>
      tpu.enqueue_dma source(%dma_start3A_396 : memref<16x144xf32, #tpu.memory_space<vmem>>) target(%dma_start3A_393 : memref<16x144xf32, #tpu.memory_space<vmem_shared>>) target_semaphore(%run_scoped3A : memref<!tpu.dma_semaphore, #tpu.memory_space<semaphore_mem>>)
      %dma_wait3A_397 = arith.constant 0 : i32
      %dma_wait3A_398 = arith.constant 0 : i32
      %dma_wait3A_399 = tpu.memref_slice %arg19[%dma_wait3A_397, %dma_wait3A_398] : memref<16x144xf32, #tpu.memory_space<vmem>> -> memref<16x144xf32, #tpu.memory_space<vmem>>
      %dma_wait3A_400 = arith.constant 0 : i32
      %dma_wait3A_401 = tpu.memref_slice %arg21[%add3A_25, %dma_wait3A_400] : memref<10112x144xf32, #tpu.memory_space<vmem_shared>> -> memref<16x144xf32, #tpu.memory_space<vmem_shared>>
      %dma_wait3A_402 = arith.constant 0 : i32
      %dma_wait3A_403 = tpu.memref_slice %arg21[%add3A_25, %dma_wait3A_402] : memref<10112x144xf32, #tpu.memory_space<vmem_shared>> -> memref<16x144xf32, #tpu.memory_space<vmem_shared>>
      %dma_wait3A_404 = arith.constant 0 : i32
      %dma_wait3A_405 = arith.constant 0 : i32
      %dma_wait3A_406 = tpu.memref_slice %arg19[%dma_wait3A_404, %dma_wait3A_405] : memref<16x144xf32, #tpu.memory_space<vmem>> -> memref<16x144xf32, #tpu.memory_space<vmem>>
      tpu.wait_dma2 semaphore(%run_scoped3A : memref<!tpu.dma_semaphore, #tpu.memory_space<semaphore_mem>>) src(%dma_wait3A_406 : memref<16x144xf32, #tpu.memory_space<vmem>>) dst(%dma_wait3A_403 : memref<16x144xf32, #tpu.memory_space<vmem_shared>>)
      tpu.yield
    }) : () -> ()
    %add3A_26 = arith.constant 48 : i32
    %add3A_27 = arith.addi %mul3A_0, %add3A_26 : i32
    "tpu.region"() ({
      %run_scoped3A = tpu.sem_alloc : memref<!tpu.dma_semaphore, #tpu.memory_space<semaphore_mem>>
      %dma_start3A_387 = arith.constant 0 : i32
      %dma_start3A_388 = arith.constant 0 : i32
      %dma_start3A_389 = tpu.memref_slice %arg19[%dma_start3A_387, %dma_start3A_388] : memref<16x144xf32, #tpu.memory_space<vmem>> -> memref<16x144xf32, #tpu.memory_space<vmem>>
      %dma_start3A_390 = arith.constant 0 : i32
      %dma_start3A_391 = tpu.memref_slice %arg21[%add3A_27, %dma_start3A_390] : memref<10112x144xf32, #tpu.memory_space<vmem_shared>> -> memref<16x144xf32, #tpu.memory_space<vmem_shared>>
      %dma_start3A_392 = arith.constant 0 : i32
      %dma_start3A_393 = tpu.memref_slice %arg21[%add3A_27, %dma_start3A_392] : memref<10112x144xf32, #tpu.memory_space<vmem_shared>> -> memref<16x144xf32, #tpu.memory_space<vmem_shared>>
      %dma_start3A_394 = arith.constant 0 : i32
      %dma_start3A_395 = arith.constant 0 : i32
      %dma_start3A_396 = tpu.memref_slice %arg19[%dma_start3A_394, %dma_start3A_395] : memref<16x144xf32, #tpu.memory_space<vmem>> -> memref<16x144xf32, #tpu.memory_space<vmem>>
      tpu.enqueue_dma source(%dma_start3A_396 : memref<16x144xf32, #tpu.memory_space<vmem>>) target(%dma_start3A_393 : memref<16x144xf32, #tpu.memory_space<vmem_shared>>) target_semaphore(%run_scoped3A : memref<!tpu.dma_semaphore, #tpu.memory_space<semaphore_mem>>)
      %dma_wait3A_397 = arith.constant 0 : i32
      %dma_wait3A_398 = arith.constant 0 : i32
      %dma_wait3A_399 = tpu.memref_slice %arg19[%dma_wait3A_397, %dma_wait3A_398] : memref<16x144xf32, #tpu.memory_space<vmem>> -> memref<16x144xf32, #tpu.memory_space<vmem>>
      %dma_wait3A_400 = arith.constant 0 : i32
      %dma_wait3A_401 = tpu.memref_slice %arg21[%add3A_27, %dma_wait3A_400] : memref<10112x144xf32, #tpu.memory_space<vmem_shared>> -> memref<16x144xf32, #tpu.memory_space<vmem_shared>>
      %dma_wait3A_402 = arith.constant 0 : i32
      %dma_wait3A_403 = tpu.memref_slice %arg21[%add3A_27, %dma_wait3A_402] : memref<10112x144xf32, #tpu.memory_space<vmem_shared>> -> memref<16x144xf32, #tpu.memory_space<vmem_shared>>
      %dma_wait3A_404 = arith.constant 0 : i32
      %dma_wait3A_405 = arith.constant 0 : i32
      %dma_wait3A_406 = tpu.memref_slice %arg19[%dma_wait3A_404, %dma_wait3A_405] : memref<16x144xf32, #tpu.memory_space<vmem>> -> memref<16x144xf32, #tpu.memory_space<vmem>>
      tpu.wait_dma2 semaphore(%run_scoped3A : memref<!tpu.dma_semaphore, #tpu.memory_space<semaphore_mem>>) src(%dma_wait3A_406 : memref<16x144xf32, #tpu.memory_space<vmem>>) dst(%dma_wait3A_403 : memref<16x144xf32, #tpu.memory_space<vmem_shared>>)
      tpu.yield
    }) : () -> ()
    %add3A_28 = arith.constant 64 : i32
    %add3A_29 = arith.addi %mul3A_0, %add3A_28 : i32
    "tpu.region"() ({
      %run_scoped3A = tpu.sem_alloc : memref<!tpu.dma_semaphore, #tpu.memory_space<semaphore_mem>>
      %dma_start3A_387 = arith.constant 0 : i32
      %dma_start3A_388 = arith.constant 0 : i32
      %dma_start3A_389 = tpu.memref_slice %arg19[%dma_start3A_387, %dma_start3A_388] : memref<16x144xf32, #tpu.memory_space<vmem>> -> memref<16x144xf32, #tpu.memory_space<vmem>>
      %dma_start3A_390 = arith.constant 0 : i32
      %dma_start3A_391 = tpu.memref_slice %arg21[%add3A_29, %dma_start3A_390] : memref<10112x144xf32, #tpu.memory_space<vmem_shared>> -> memref<16x144xf32, #tpu.memory_space<vmem_shared>>
      %dma_start3A_392 = arith.constant 0 : i32
      %dma_start3A_393 = tpu.memref_slice %arg21[%add3A_29, %dma_start3A_392] : memref<10112x144xf32, #tpu.memory_space<vmem_shared>> -> memref<16x144xf32, #tpu.memory_space<vmem_shared>>
      %dma_start3A_394 = arith.constant 0 : i32
      %dma_start3A_395 = arith.constant 0 : i32
      %dma_start3A_396 = tpu.memref_slice %arg19[%dma_start3A_394, %dma_start3A_395] : memref<16x144xf32, #tpu.memory_space<vmem>> -> memref<16x144xf32, #tpu.memory_space<vmem>>
      tpu.enqueue_dma source(%dma_start3A_396 : memref<16x144xf32, #tpu.memory_space<vmem>>) target(%dma_start3A_393 : memref<16x144xf32, #tpu.memory_space<vmem_shared>>) target_semaphore(%run_scoped3A : memref<!tpu.dma_semaphore, #tpu.memory_space<semaphore_mem>>)
      %dma_wait3A_397 = arith.constant 0 : i32
      %dma_wait3A_398 = arith.constant 0 : i32
      %dma_wait3A_399 = tpu.memref_slice %arg19[%dma_wait3A_397, %dma_wait3A_398] : memref<16x144xf32, #tpu.memory_space<vmem>> -> memref<16x144xf32, #tpu.memory_space<vmem>>
      %dma_wait3A_400 = arith.constant 0 : i32
      %dma_wait3A_401 = tpu.memref_slice %arg21[%add3A_29, %dma_wait3A_400] : memref<10112x144xf32, #tpu.memory_space<vmem_shared>> -> memref<16x144xf32, #tpu.memory_space<vmem_shared>>
      %dma_wait3A_402 = arith.constant 0 : i32
      %dma_wait3A_403 = tpu.memref_slice %arg21[%add3A_29, %dma_wait3A_402] : memref<10112x144xf32, #tpu.memory_space<vmem_shared>> -> memref<16x144xf32, #tpu.memory_space<vmem_shared>>
      %dma_wait3A_404 = arith.constant 0 : i32
      %dma_wait3A_405 = arith.constant 0 : i32
      %dma_wait3A_406 = tpu.memref_slice %arg19[%dma_wait3A_404, %dma_wait3A_405] : memref<16x144xf32, #tpu.memory_space<vmem>> -> memref<16x144xf32, #tpu.memory_space<vmem>>
      tpu.wait_dma2 semaphore(%run_scoped3A : memref<!tpu.dma_semaphore, #tpu.memory_space<semaphore_mem>>) src(%dma_wait3A_406 : memref<16x144xf32, #tpu.memory_space<vmem>>) dst(%dma_wait3A_403 : memref<16x144xf32, #tpu.memory_space<vmem_shared>>)
      tpu.yield
    }) : () -> ()
    %add3A_30 = arith.constant 80 : i32
    %add3A_31 = arith.addi %mul3A_0, %add3A_30 : i32
    "tpu.region"() ({
      %run_scoped3A = tpu.sem_alloc : memref<!tpu.dma_semaphore, #tpu.memory_space<semaphore_mem>>
      %dma_start3A_387 = arith.constant 0 : i32
      %dma_start3A_388 = arith.constant 0 : i32
      %dma_start3A_389 = tpu.memref_slice %arg19[%dma_start3A_387, %dma_start3A_388] : memref<16x144xf32, #tpu.memory_space<vmem>> -> memref<16x144xf32, #tpu.memory_space<vmem>>
      %dma_start3A_390 = arith.constant 0 : i32
      %dma_start3A_391 = tpu.memref_slice %arg21[%add3A_31, %dma_start3A_390] : memref<10112x144xf32, #tpu.memory_space<vmem_shared>> -> memref<16x144xf32, #tpu.memory_space<vmem_shared>>
      %dma_start3A_392 = arith.constant 0 : i32
      %dma_start3A_393 = tpu.memref_slice %arg21[%add3A_31, %dma_start3A_392] : memref<10112x144xf32, #tpu.memory_space<vmem_shared>> -> memref<16x144xf32, #tpu.memory_space<vmem_shared>>
      %dma_start3A_394 = arith.constant 0 : i32
      %dma_start3A_395 = arith.constant 0 : i32
      %dma_start3A_396 = tpu.memref_slice %arg19[%dma_start3A_394, %dma_start3A_395] : memref<16x144xf32, #tpu.memory_space<vmem>> -> memref<16x144xf32, #tpu.memory_space<vmem>>
      tpu.enqueue_dma source(%dma_start3A_396 : memref<16x144xf32, #tpu.memory_space<vmem>>) target(%dma_start3A_393 : memref<16x144xf32, #tpu.memory_space<vmem_shared>>) target_semaphore(%run_scoped3A : memref<!tpu.dma_semaphore, #tpu.memory_space<semaphore_mem>>)
      %dma_wait3A_397 = arith.constant 0 : i32
      %dma_wait3A_398 = arith.constant 0 : i32
      %dma_wait3A_399 = tpu.memref_slice %arg19[%dma_wait3A_397, %dma_wait3A_398] : memref<16x144xf32, #tpu.memory_space<vmem>> -> memref<16x144xf32, #tpu.memory_space<vmem>>
      %dma_wait3A_400 = arith.constant 0 : i32
      %dma_wait3A_401 = tpu.memref_slice %arg21[%add3A_31, %dma_wait3A_400] : memref<10112x144xf32, #tpu.memory_space<vmem_shared>> -> memref<16x144xf32, #tpu.memory_space<vmem_shared>>
      %dma_wait3A_402 = arith.constant 0 : i32
      %dma_wait3A_403 = tpu.memref_slice %arg21[%add3A_31, %dma_wait3A_402] : memref<10112x144xf32, #tpu.memory_space<vmem_shared>> -> memref<16x144xf32, #tpu.memory_space<vmem_shared>>
      %dma_wait3A_404 = arith.constant 0 : i32
      %dma_wait3A_405 = arith.constant 0 : i32
      %dma_wait3A_406 = tpu.memref_slice %arg19[%dma_wait3A_404, %dma_wait3A_405] : memref<16x144xf32, #tpu.memory_space<vmem>> -> memref<16x144xf32, #tpu.memory_space<vmem>>
      tpu.wait_dma2 semaphore(%run_scoped3A : memref<!tpu.dma_semaphore, #tpu.memory_space<semaphore_mem>>) src(%dma_wait3A_406 : memref<16x144xf32, #tpu.memory_space<vmem>>) dst(%dma_wait3A_403 : memref<16x144xf32, #tpu.memory_space<vmem_shared>>)
      tpu.yield
    }) : () -> ()
    %add3A_32 = arith.constant 96 : i32
    %add3A_33 = arith.addi %mul3A_0, %add3A_32 : i32
    "tpu.region"() ({
      %run_scoped3A = tpu.sem_alloc : memref<!tpu.dma_semaphore, #tpu.memory_space<semaphore_mem>>
      %dma_start3A_387 = arith.constant 0 : i32
      %dma_start3A_388 = arith.constant 0 : i32
      %dma_start3A_389 = tpu.memref_slice %arg19[%dma_start3A_387, %dma_start3A_388] : memref<16x144xf32, #tpu.memory_space<vmem>> -> memref<16x144xf32, #tpu.memory_space<vmem>>
      %dma_start3A_390 = arith.constant 0 : i32
      %dma_start3A_391 = tpu.memref_slice %arg21[%add3A_33, %dma_start3A_390] : memref<10112x144xf32, #tpu.memory_space<vmem_shared>> -> memref<16x144xf32, #tpu.memory_space<vmem_shared>>
      %dma_start3A_392 = arith.constant 0 : i32
      %dma_start3A_393 = tpu.memref_slice %arg21[%add3A_33, %dma_start3A_392] : memref<10112x144xf32, #tpu.memory_space<vmem_shared>> -> memref<16x144xf32, #tpu.memory_space<vmem_shared>>
      %dma_start3A_394 = arith.constant 0 : i32
      %dma_start3A_395 = arith.constant 0 : i32
      %dma_start3A_396 = tpu.memref_slice %arg19[%dma_start3A_394, %dma_start3A_395] : memref<16x144xf32, #tpu.memory_space<vmem>> -> memref<16x144xf32, #tpu.memory_space<vmem>>
      tpu.enqueue_dma source(%dma_start3A_396 : memref<16x144xf32, #tpu.memory_space<vmem>>) target(%dma_start3A_393 : memref<16x144xf32, #tpu.memory_space<vmem_shared>>) target_semaphore(%run_scoped3A : memref<!tpu.dma_semaphore, #tpu.memory_space<semaphore_mem>>)
      %dma_wait3A_397 = arith.constant 0 : i32
      %dma_wait3A_398 = arith.constant 0 : i32
      %dma_wait3A_399 = tpu.memref_slice %arg19[%dma_wait3A_397, %dma_wait3A_398] : memref<16x144xf32, #tpu.memory_space<vmem>> -> memref<16x144xf32, #tpu.memory_space<vmem>>
      %dma_wait3A_400 = arith.constant 0 : i32
      %dma_wait3A_401 = tpu.memref_slice %arg21[%add3A_33, %dma_wait3A_400] : memref<10112x144xf32, #tpu.memory_space<vmem_shared>> -> memref<16x144xf32, #tpu.memory_space<vmem_shared>>
      %dma_wait3A_402 = arith.constant 0 : i32
      %dma_wait3A_403 = tpu.memref_slice %arg21[%add3A_33, %dma_wait3A_402] : memref<10112x144xf32, #tpu.memory_space<vmem_shared>> -> memref<16x144xf32, #tpu.memory_space<vmem_shared>>
      %dma_wait3A_404 = arith.constant 0 : i32
      %dma_wait3A_405 = arith.constant 0 : i32
      %dma_wait3A_406 = tpu.memref_slice %arg19[%dma_wait3A_404, %dma_wait3A_405] : memref<16x144xf32, #tpu.memory_space<vmem>> -> memref<16x144xf32, #tpu.memory_space<vmem>>
      tpu.wait_dma2 semaphore(%run_scoped3A : memref<!tpu.dma_semaphore, #tpu.memory_space<semaphore_mem>>) src(%dma_wait3A_406 : memref<16x144xf32, #tpu.memory_space<vmem>>) dst(%dma_wait3A_403 : memref<16x144xf32, #tpu.memory_space<vmem_shared>>)
      tpu.yield
    }) : () -> ()
    %add3A_34 = arith.constant 112 : i32
    %add3A_35 = arith.addi %mul3A_0, %add3A_34 : i32
    "tpu.region"() ({
      %run_scoped3A = tpu.sem_alloc : memref<!tpu.dma_semaphore, #tpu.memory_space<semaphore_mem>>
      %dma_start3A_387 = arith.constant 0 : i32
      %dma_start3A_388 = arith.constant 0 : i32
      %dma_start3A_389 = tpu.memref_slice %arg19[%dma_start3A_387, %dma_start3A_388] : memref<16x144xf32, #tpu.memory_space<vmem>> -> memref<16x144xf32, #tpu.memory_space<vmem>>
      %dma_start3A_390 = arith.constant 0 : i32
      %dma_start3A_391 = tpu.memref_slice %arg21[%add3A_35, %dma_start3A_390] : memref<10112x144xf32, #tpu.memory_space<vmem_shared>> -> memref<16x144xf32, #tpu.memory_space<vmem_shared>>
      %dma_start3A_392 = arith.constant 0 : i32
      %dma_start3A_393 = tpu.memref_slice %arg21[%add3A_35, %dma_start3A_392] : memref<10112x144xf32, #tpu.memory_space<vmem_shared>> -> memref<16x144xf32, #tpu.memory_space<vmem_shared>>
      %dma_start3A_394 = arith.constant 0 : i32
      %dma_start3A_395 = arith.constant 0 : i32
      %dma_start3A_396 = tpu.memref_slice %arg19[%dma_start3A_394, %dma_start3A_395] : memref<16x144xf32, #tpu.memory_space<vmem>> -> memref<16x144xf32, #tpu.memory_space<vmem>>
      tpu.enqueue_dma source(%dma_start3A_396 : memref<16x144xf32, #tpu.memory_space<vmem>>) target(%dma_start3A_393 : memref<16x144xf32, #tpu.memory_space<vmem_shared>>) target_semaphore(%run_scoped3A : memref<!tpu.dma_semaphore, #tpu.memory_space<semaphore_mem>>)
      %dma_wait3A_397 = arith.constant 0 : i32
      %dma_wait3A_398 = arith.constant 0 : i32
      %dma_wait3A_399 = tpu.memref_slice %arg19[%dma_wait3A_397, %dma_wait3A_398] : memref<16x144xf32, #tpu.memory_space<vmem>> -> memref<16x144xf32, #tpu.memory_space<vmem>>
      %dma_wait3A_400 = arith.constant 0 : i32
      %dma_wait3A_401 = tpu.memref_slice %arg21[%add3A_35, %dma_wait3A_400] : memref<10112x144xf32, #tpu.memory_space<vmem_shared>> -> memref<16x144xf32, #tpu.memory_space<vmem_shared>>
      %dma_wait3A_402 = arith.constant 0 : i32
      %dma_wait3A_403 = tpu.memref_slice %arg21[%add3A_35, %dma_wait3A_402] : memref<10112x144xf32, #tpu.memory_space<vmem_shared>> -> memref<16x144xf32, #tpu.memory_space<vmem_shared>>
      %dma_wait3A_404 = arith.constant 0 : i32
      %dma_wait3A_405 = arith.constant 0 : i32
      %dma_wait3A_406 = tpu.memref_slice %arg19[%dma_wait3A_404, %dma_wait3A_405] : memref<16x144xf32, #tpu.memory_space<vmem>> -> memref<16x144xf32, #tpu.memory_space<vmem>>
      tpu.wait_dma2 semaphore(%run_scoped3A : memref<!tpu.dma_semaphore, #tpu.memory_space<semaphore_mem>>) src(%dma_wait3A_406 : memref<16x144xf32, #tpu.memory_space<vmem>>) dst(%dma_wait3A_403 : memref<16x144xf32, #tpu.memory_space<vmem_shared>>)
      tpu.yield
    }) : () -> ()
    %add3A_36 = arith.constant 128 : i32
    %add3A_37 = arith.addi %mul3A_0, %add3A_36 : i32
    "tpu.region"() ({
      %run_scoped3A = tpu.sem_alloc : memref<!tpu.dma_semaphore, #tpu.memory_space<semaphore_mem>>
      %dma_start3A_387 = arith.constant 0 : i32
      %dma_start3A_388 = arith.constant 0 : i32
      %dma_start3A_389 = tpu.memref_slice %arg19[%dma_start3A_387, %dma_start3A_388] : memref<16x144xf32, #tpu.memory_space<vmem>> -> memref<16x144xf32, #tpu.memory_space<vmem>>
      %dma_start3A_390 = arith.constant 0 : i32
      %dma_start3A_391 = tpu.memref_slice %arg21[%add3A_37, %dma_start3A_390] : memref<10112x144xf32, #tpu.memory_space<vmem_shared>> -> memref<16x144xf32, #tpu.memory_space<vmem_shared>>
      %dma_start3A_392 = arith.constant 0 : i32
      %dma_start3A_393 = tpu.memref_slice %arg21[%add3A_37, %dma_start3A_392] : memref<10112x144xf32, #tpu.memory_space<vmem_shared>> -> memref<16x144xf32, #tpu.memory_space<vmem_shared>>
      %dma_start3A_394 = arith.constant 0 : i32
      %dma_start3A_395 = arith.constant 0 : i32
      %dma_start3A_396 = tpu.memref_slice %arg19[%dma_start3A_394, %dma_start3A_395] : memref<16x144xf32, #tpu.memory_space<vmem>> -> memref<16x144xf32, #tpu.memory_space<vmem>>
      tpu.enqueue_dma source(%dma_start3A_396 : memref<16x144xf32, #tpu.memory_space<vmem>>) target(%dma_start3A_393 : memref<16x144xf32, #tpu.memory_space<vmem_shared>>) target_semaphore(%run_scoped3A : memref<!tpu.dma_semaphore, #tpu.memory_space<semaphore_mem>>)
      %dma_wait3A_397 = arith.constant 0 : i32
      %dma_wait3A_398 = arith.constant 0 : i32
      %dma_wait3A_399 = tpu.memref_slice %arg19[%dma_wait3A_397, %dma_wait3A_398] : memref<16x144xf32, #tpu.memory_space<vmem>> -> memref<16x144xf32, #tpu.memory_space<vmem>>
      %dma_wait3A_400 = arith.constant 0 : i32
      %dma_wait3A_401 = tpu.memref_slice %arg21[%add3A_37, %dma_wait3A_400] : memref<10112x144xf32, #tpu.memory_space<vmem_shared>> -> memref<16x144xf32, #tpu.memory_space<vmem_shared>>
      %dma_wait3A_402 = arith.constant 0 : i32
      %dma_wait3A_403 = tpu.memref_slice %arg21[%add3A_37, %dma_wait3A_402] : memref<10112x144xf32, #tpu.memory_space<vmem_shared>> -> memref<16x144xf32, #tpu.memory_space<vmem_shared>>
      %dma_wait3A_404 = arith.constant 0 : i32
      %dma_wait3A_405 = arith.constant 0 : i32
      %dma_wait3A_406 = tpu.memref_slice %arg19[%dma_wait3A_404, %dma_wait3A_405] : memref<16x144xf32, #tpu.memory_space<vmem>> -> memref<16x144xf32, #tpu.memory_space<vmem>>
      tpu.wait_dma2 semaphore(%run_scoped3A : memref<!tpu.dma_semaphore, #tpu.memory_space<semaphore_mem>>) src(%dma_wait3A_406 : memref<16x144xf32, #tpu.memory_space<vmem>>) dst(%dma_wait3A_403 : memref<16x144xf32, #tpu.memory_space<vmem_shared>>)
      tpu.yield
    }) : () -> ()
    %add3A_38 = arith.constant 144 : i32
    %add3A_39 = arith.addi %mul3A_0, %add3A_38 : i32
    "tpu.region"() ({
      %run_scoped3A = tpu.sem_alloc : memref<!tpu.dma_semaphore, #tpu.memory_space<semaphore_mem>>
      %dma_start3A_387 = arith.constant 0 : i32
      %dma_start3A_388 = arith.constant 0 : i32
      %dma_start3A_389 = tpu.memref_slice %arg19[%dma_start3A_387, %dma_start3A_388] : memref<16x144xf32, #tpu.memory_space<vmem>> -> memref<16x144xf32, #tpu.memory_space<vmem>>
      %dma_start3A_390 = arith.constant 0 : i32
      %dma_start3A_391 = tpu.memref_slice %arg21[%add3A_39, %dma_start3A_390] : memref<10112x144xf32, #tpu.memory_space<vmem_shared>> -> memref<16x144xf32, #tpu.memory_space<vmem_shared>>
      %dma_start3A_392 = arith.constant 0 : i32
      %dma_start3A_393 = tpu.memref_slice %arg21[%add3A_39, %dma_start3A_392] : memref<10112x144xf32, #tpu.memory_space<vmem_shared>> -> memref<16x144xf32, #tpu.memory_space<vmem_shared>>
      %dma_start3A_394 = arith.constant 0 : i32
      %dma_start3A_395 = arith.constant 0 : i32
      %dma_start3A_396 = tpu.memref_slice %arg19[%dma_start3A_394, %dma_start3A_395] : memref<16x144xf32, #tpu.memory_space<vmem>> -> memref<16x144xf32, #tpu.memory_space<vmem>>
      tpu.enqueue_dma source(%dma_start3A_396 : memref<16x144xf32, #tpu.memory_space<vmem>>) target(%dma_start3A_393 : memref<16x144xf32, #tpu.memory_space<vmem_shared>>) target_semaphore(%run_scoped3A : memref<!tpu.dma_semaphore, #tpu.memory_space<semaphore_mem>>)
      %dma_wait3A_397 = arith.constant 0 : i32
      %dma_wait3A_398 = arith.constant 0 : i32
      %dma_wait3A_399 = tpu.memref_slice %arg19[%dma_wait3A_397, %dma_wait3A_398] : memref<16x144xf32, #tpu.memory_space<vmem>> -> memref<16x144xf32, #tpu.memory_space<vmem>>
      %dma_wait3A_400 = arith.constant 0 : i32
      %dma_wait3A_401 = tpu.memref_slice %arg21[%add3A_39, %dma_wait3A_400] : memref<10112x144xf32, #tpu.memory_space<vmem_shared>> -> memref<16x144xf32, #tpu.memory_space<vmem_shared>>
      %dma_wait3A_402 = arith.constant 0 : i32
      %dma_wait3A_403 = tpu.memref_slice %arg21[%add3A_39, %dma_wait3A_402] : memref<10112x144xf32, #tpu.memory_space<vmem_shared>> -> memref<16x144xf32, #tpu.memory_space<vmem_shared>>
      %dma_wait3A_404 = arith.constant 0 : i32
      %dma_wait3A_405 = arith.constant 0 : i32
      %dma_wait3A_406 = tpu.memref_slice %arg19[%dma_wait3A_404, %dma_wait3A_405] : memref<16x144xf32, #tpu.memory_space<vmem>> -> memref<16x144xf32, #tpu.memory_space<vmem>>
      tpu.wait_dma2 semaphore(%run_scoped3A : memref<!tpu.dma_semaphore, #tpu.memory_space<semaphore_mem>>) src(%dma_wait3A_406 : memref<16x144xf32, #tpu.memory_space<vmem>>) dst(%dma_wait3A_403 : memref<16x144xf32, #tpu.memory_space<vmem_shared>>)
      tpu.yield
    }) : () -> ()
    %add3A_40 = arith.constant 160 : i32
    %add3A_41 = arith.addi %mul3A_0, %add3A_40 : i32
    "tpu.region"() ({
      %run_scoped3A = tpu.sem_alloc : memref<!tpu.dma_semaphore, #tpu.memory_space<semaphore_mem>>
      %dma_start3A_387 = arith.constant 0 : i32
      %dma_start3A_388 = arith.constant 0 : i32
      %dma_start3A_389 = tpu.memref_slice %arg19[%dma_start3A_387, %dma_start3A_388] : memref<16x144xf32, #tpu.memory_space<vmem>> -> memref<16x144xf32, #tpu.memory_space<vmem>>
      %dma_start3A_390 = arith.constant 0 : i32
      %dma_start3A_391 = tpu.memref_slice %arg21[%add3A_41, %dma_start3A_390] : memref<10112x144xf32, #tpu.memory_space<vmem_shared>> -> memref<16x144xf32, #tpu.memory_space<vmem_shared>>
      %dma_start3A_392 = arith.constant 0 : i32
      %dma_start3A_393 = tpu.memref_slice %arg21[%add3A_41, %dma_start3A_392] : memref<10112x144xf32, #tpu.memory_space<vmem_shared>> -> memref<16x144xf32, #tpu.memory_space<vmem_shared>>
      %dma_start3A_394 = arith.constant 0 : i32
      %dma_start3A_395 = arith.constant 0 : i32
      %dma_start3A_396 = tpu.memref_slice %arg19[%dma_start3A_394, %dma_start3A_395] : memref<16x144xf32, #tpu.memory_space<vmem>> -> memref<16x144xf32, #tpu.memory_space<vmem>>
      tpu.enqueue_dma source(%dma_start3A_396 : memref<16x144xf32, #tpu.memory_space<vmem>>) target(%dma_start3A_393 : memref<16x144xf32, #tpu.memory_space<vmem_shared>>) target_semaphore(%run_scoped3A : memref<!tpu.dma_semaphore, #tpu.memory_space<semaphore_mem>>)
      %dma_wait3A_397 = arith.constant 0 : i32
      %dma_wait3A_398 = arith.constant 0 : i32
      %dma_wait3A_399 = tpu.memref_slice %arg19[%dma_wait3A_397, %dma_wait3A_398] : memref<16x144xf32, #tpu.memory_space<vmem>> -> memref<16x144xf32, #tpu.memory_space<vmem>>
      %dma_wait3A_400 = arith.constant 0 : i32
      %dma_wait3A_401 = tpu.memref_slice %arg21[%add3A_41, %dma_wait3A_400] : memref<10112x144xf32, #tpu.memory_space<vmem_shared>> -> memref<16x144xf32, #tpu.memory_space<vmem_shared>>
      %dma_wait3A_402 = arith.constant 0 : i32
      %dma_wait3A_403 = tpu.memref_slice %arg21[%add3A_41, %dma_wait3A_402] : memref<10112x144xf32, #tpu.memory_space<vmem_shared>> -> memref<16x144xf32, #tpu.memory_space<vmem_shared>>
      %dma_wait3A_404 = arith.constant 0 : i32
      %dma_wait3A_405 = arith.constant 0 : i32
      %dma_wait3A_406 = tpu.memref_slice %arg19[%dma_wait3A_404, %dma_wait3A_405] : memref<16x144xf32, #tpu.memory_space<vmem>> -> memref<16x144xf32, #tpu.memory_space<vmem>>
      tpu.wait_dma2 semaphore(%run_scoped3A : memref<!tpu.dma_semaphore, #tpu.memory_space<semaphore_mem>>) src(%dma_wait3A_406 : memref<16x144xf32, #tpu.memory_space<vmem>>) dst(%dma_wait3A_403 : memref<16x144xf32, #tpu.memory_space<vmem_shared>>)
      tpu.yield
    }) : () -> ()
    %add3A_42 = arith.constant 176 : i32
    %add3A_43 = arith.addi %mul3A_0, %add3A_42 : i32
    "tpu.region"() ({
      %run_scoped3A = tpu.sem_alloc : memref<!tpu.dma_semaphore, #tpu.memory_space<semaphore_mem>>
      %dma_start3A_387 = arith.constant 0 : i32
      %dma_start3A_388 = arith.constant 0 : i32
      %dma_start3A_389 = tpu.memref_slice %arg19[%dma_start3A_387, %dma_start3A_388] : memref<16x144xf32, #tpu.memory_space<vmem>> -> memref<16x144xf32, #tpu.memory_space<vmem>>
      %dma_start3A_390 = arith.constant 0 : i32
      %dma_start3A_391 = tpu.memref_slice %arg21[%add3A_43, %dma_start3A_390] : memref<10112x144xf32, #tpu.memory_space<vmem_shared>> -> memref<16x144xf32, #tpu.memory_space<vmem_shared>>
      %dma_start3A_392 = arith.constant 0 : i32
      %dma_start3A_393 = tpu.memref_slice %arg21[%add3A_43, %dma_start3A_392] : memref<10112x144xf32, #tpu.memory_space<vmem_shared>> -> memref<16x144xf32, #tpu.memory_space<vmem_shared>>
      %dma_start3A_394 = arith.constant 0 : i32
      %dma_start3A_395 = arith.constant 0 : i32
      %dma_start3A_396 = tpu.memref_slice %arg19[%dma_start3A_394, %dma_start3A_395] : memref<16x144xf32, #tpu.memory_space<vmem>> -> memref<16x144xf32, #tpu.memory_space<vmem>>
      tpu.enqueue_dma source(%dma_start3A_396 : memref<16x144xf32, #tpu.memory_space<vmem>>) target(%dma_start3A_393 : memref<16x144xf32, #tpu.memory_space<vmem_shared>>) target_semaphore(%run_scoped3A : memref<!tpu.dma_semaphore, #tpu.memory_space<semaphore_mem>>)
      %dma_wait3A_397 = arith.constant 0 : i32
      %dma_wait3A_398 = arith.constant 0 : i32
      %dma_wait3A_399 = tpu.memref_slice %arg19[%dma_wait3A_397, %dma_wait3A_398] : memref<16x144xf32, #tpu.memory_space<vmem>> -> memref<16x144xf32, #tpu.memory_space<vmem>>
      %dma_wait3A_400 = arith.constant 0 : i32
      %dma_wait3A_401 = tpu.memref_slice %arg21[%add3A_43, %dma_wait3A_400] : memref<10112x144xf32, #tpu.memory_space<vmem_shared>> -> memref<16x144xf32, #tpu.memory_space<vmem_shared>>
      %dma_wait3A_402 = arith.constant 0 : i32
      %dma_wait3A_403 = tpu.memref_slice %arg21[%add3A_43, %dma_wait3A_402] : memref<10112x144xf32, #tpu.memory_space<vmem_shared>> -> memref<16x144xf32, #tpu.memory_space<vmem_shared>>
      %dma_wait3A_404 = arith.constant 0 : i32
      %dma_wait3A_405 = arith.constant 0 : i32
      %dma_wait3A_406 = tpu.memref_slice %arg19[%dma_wait3A_404, %dma_wait3A_405] : memref<16x144xf32, #tpu.memory_space<vmem>> -> memref<16x144xf32, #tpu.memory_space<vmem>>
      tpu.wait_dma2 semaphore(%run_scoped3A : memref<!tpu.dma_semaphore, #tpu.memory_space<semaphore_mem>>) src(%dma_wait3A_406 : memref<16x144xf32, #tpu.memory_space<vmem>>) dst(%dma_wait3A_403 : memref<16x144xf32, #tpu.memory_space<vmem_shared>>)
      tpu.yield
    }) : () -> ()
    %add3A_44 = arith.constant 192 : i32
    %add3A_45 = arith.addi %mul3A_0, %add3A_44 : i32
    "tpu.region"() ({
      %run_scoped3A = tpu.sem_alloc : memref<!tpu.dma_semaphore, #tpu.memory_space<semaphore_mem>>
      %dma_start3A_387 = arith.constant 0 : i32
      %dma_start3A_388 = arith.constant 0 : i32
      %dma_start3A_389 = tpu.memref_slice %arg19[%dma_start3A_387, %dma_start3A_388] : memref<16x144xf32, #tpu.memory_space<vmem>> -> memref<16x144xf32, #tpu.memory_space<vmem>>
      %dma_start3A_390 = arith.constant 0 : i32
      %dma_start3A_391 = tpu.memref_slice %arg21[%add3A_45, %dma_start3A_390] : memref<10112x144xf32, #tpu.memory_space<vmem_shared>> -> memref<16x144xf32, #tpu.memory_space<vmem_shared>>
      %dma_start3A_392 = arith.constant 0 : i32
      %dma_start3A_393 = tpu.memref_slice %arg21[%add3A_45, %dma_start3A_392] : memref<10112x144xf32, #tpu.memory_space<vmem_shared>> -> memref<16x144xf32, #tpu.memory_space<vmem_shared>>
      %dma_start3A_394 = arith.constant 0 : i32
      %dma_start3A_395 = arith.constant 0 : i32
      %dma_start3A_396 = tpu.memref_slice %arg19[%dma_start3A_394, %dma_start3A_395] : memref<16x144xf32, #tpu.memory_space<vmem>> -> memref<16x144xf32, #tpu.memory_space<vmem>>
      tpu.enqueue_dma source(%dma_start3A_396 : memref<16x144xf32, #tpu.memory_space<vmem>>) target(%dma_start3A_393 : memref<16x144xf32, #tpu.memory_space<vmem_shared>>) target_semaphore(%run_scoped3A : memref<!tpu.dma_semaphore, #tpu.memory_space<semaphore_mem>>)
      %dma_wait3A_397 = arith.constant 0 : i32
      %dma_wait3A_398 = arith.constant 0 : i32
      %dma_wait3A_399 = tpu.memref_slice %arg19[%dma_wait3A_397, %dma_wait3A_398] : memref<16x144xf32, #tpu.memory_space<vmem>> -> memref<16x144xf32, #tpu.memory_space<vmem>>
      %dma_wait3A_400 = arith.constant 0 : i32
      %dma_wait3A_401 = tpu.memref_slice %arg21[%add3A_45, %dma_wait3A_400] : memref<10112x144xf32, #tpu.memory_space<vmem_shared>> -> memref<16x144xf32, #tpu.memory_space<vmem_shared>>
      %dma_wait3A_402 = arith.constant 0 : i32
      %dma_wait3A_403 = tpu.memref_slice %arg21[%add3A_45, %dma_wait3A_402] : memref<10112x144xf32, #tpu.memory_space<vmem_shared>> -> memref<16x144xf32, #tpu.memory_space<vmem_shared>>
      %dma_wait3A_404 = arith.constant 0 : i32
      %dma_wait3A_405 = arith.constant 0 : i32
      %dma_wait3A_406 = tpu.memref_slice %arg19[%dma_wait3A_404, %dma_wait3A_405] : memref<16x144xf32, #tpu.memory_space<vmem>> -> memref<16x144xf32, #tpu.memory_space<vmem>>
      tpu.wait_dma2 semaphore(%run_scoped3A : memref<!tpu.dma_semaphore, #tpu.memory_space<semaphore_mem>>) src(%dma_wait3A_406 : memref<16x144xf32, #tpu.memory_space<vmem>>) dst(%dma_wait3A_403 : memref<16x144xf32, #tpu.memory_space<vmem_shared>>)
      tpu.yield
    }) : () -> ()
    %add3A_46 = arith.constant 208 : i32
    %add3A_47 = arith.addi %mul3A_0, %add3A_46 : i32
    "tpu.region"() ({
      %run_scoped3A = tpu.sem_alloc : memref<!tpu.dma_semaphore, #tpu.memory_space<semaphore_mem>>
      %dma_start3A_387 = arith.constant 0 : i32
      %dma_start3A_388 = arith.constant 0 : i32
      %dma_start3A_389 = tpu.memref_slice %arg19[%dma_start3A_387, %dma_start3A_388] : memref<16x144xf32, #tpu.memory_space<vmem>> -> memref<16x144xf32, #tpu.memory_space<vmem>>
      %dma_start3A_390 = arith.constant 0 : i32
      %dma_start3A_391 = tpu.memref_slice %arg21[%add3A_47, %dma_start3A_390] : memref<10112x144xf32, #tpu.memory_space<vmem_shared>> -> memref<16x144xf32, #tpu.memory_space<vmem_shared>>
      %dma_start3A_392 = arith.constant 0 : i32
      %dma_start3A_393 = tpu.memref_slice %arg21[%add3A_47, %dma_start3A_392] : memref<10112x144xf32, #tpu.memory_space<vmem_shared>> -> memref<16x144xf32, #tpu.memory_space<vmem_shared>>
      %dma_start3A_394 = arith.constant 0 : i32
      %dma_start3A_395 = arith.constant 0 : i32
      %dma_start3A_396 = tpu.memref_slice %arg19[%dma_start3A_394, %dma_start3A_395] : memref<16x144xf32, #tpu.memory_space<vmem>> -> memref<16x144xf32, #tpu.memory_space<vmem>>
      tpu.enqueue_dma source(%dma_start3A_396 : memref<16x144xf32, #tpu.memory_space<vmem>>) target(%dma_start3A_393 : memref<16x144xf32, #tpu.memory_space<vmem_shared>>) target_semaphore(%run_scoped3A : memref<!tpu.dma_semaphore, #tpu.memory_space<semaphore_mem>>)
      %dma_wait3A_397 = arith.constant 0 : i32
      %dma_wait3A_398 = arith.constant 0 : i32
      %dma_wait3A_399 = tpu.memref_slice %arg19[%dma_wait3A_397, %dma_wait3A_398] : memref<16x144xf32, #tpu.memory_space<vmem>> -> memref<16x144xf32, #tpu.memory_space<vmem>>
      %dma_wait3A_400 = arith.constant 0 : i32
      %dma_wait3A_401 = tpu.memref_slice %arg21[%add3A_47, %dma_wait3A_400] : memref<10112x144xf32, #tpu.memory_space<vmem_shared>> -> memref<16x144xf32, #tpu.memory_space<vmem_shared>>
      %dma_wait3A_402 = arith.constant 0 : i32
      %dma_wait3A_403 = tpu.memref_slice %arg21[%add3A_47, %dma_wait3A_402] : memref<10112x144xf32, #tpu.memory_space<vmem_shared>> -> memref<16x144xf32, #tpu.memory_space<vmem_shared>>
      %dma_wait3A_404 = arith.constant 0 : i32
      %dma_wait3A_405 = arith.constant 0 : i32
      %dma_wait3A_406 = tpu.memref_slice %arg19[%dma_wait3A_404, %dma_wait3A_405] : memref<16x144xf32, #tpu.memory_space<vmem>> -> memref<16x144xf32, #tpu.memory_space<vmem>>
      tpu.wait_dma2 semaphore(%run_scoped3A : memref<!tpu.dma_semaphore, #tpu.memory_space<semaphore_mem>>) src(%dma_wait3A_406 : memref<16x144xf32, #tpu.memory_space<vmem>>) dst(%dma_wait3A_403 : memref<16x144xf32, #tpu.memory_space<vmem_shared>>)
      tpu.yield
    }) : () -> ()
    %add3A_48 = arith.constant 224 : i32
    %add3A_49 = arith.addi %mul3A_0, %add3A_48 : i32
    "tpu.region"() ({
      %run_scoped3A = tpu.sem_alloc : memref<!tpu.dma_semaphore, #tpu.memory_space<semaphore_mem>>
      %dma_start3A_387 = arith.constant 0 : i32
      %dma_start3A_388 = arith.constant 0 : i32
      %dma_start3A_389 = tpu.memref_slice %arg19[%dma_start3A_387, %dma_start3A_388] : memref<16x144xf32, #tpu.memory_space<vmem>> -> memref<16x144xf32, #tpu.memory_space<vmem>>
      %dma_start3A_390 = arith.constant 0 : i32
      %dma_start3A_391 = tpu.memref_slice %arg21[%add3A_49, %dma_start3A_390] : memref<10112x144xf32, #tpu.memory_space<vmem_shared>> -> memref<16x144xf32, #tpu.memory_space<vmem_shared>>
      %dma_start3A_392 = arith.constant 0 : i32
      %dma_start3A_393 = tpu.memref_slice %arg21[%add3A_49, %dma_start3A_392] : memref<10112x144xf32, #tpu.memory_space<vmem_shared>> -> memref<16x144xf32, #tpu.memory_space<vmem_shared>>
      %dma_start3A_394 = arith.constant 0 : i32
      %dma_start3A_395 = arith.constant 0 : i32
      %dma_start3A_396 = tpu.memref_slice %arg19[%dma_start3A_394, %dma_start3A_395] : memref<16x144xf32, #tpu.memory_space<vmem>> -> memref<16x144xf32, #tpu.memory_space<vmem>>
      tpu.enqueue_dma source(%dma_start3A_396 : memref<16x144xf32, #tpu.memory_space<vmem>>) target(%dma_start3A_393 : memref<16x144xf32, #tpu.memory_space<vmem_shared>>) target_semaphore(%run_scoped3A : memref<!tpu.dma_semaphore, #tpu.memory_space<semaphore_mem>>)
      %dma_wait3A_397 = arith.constant 0 : i32
      %dma_wait3A_398 = arith.constant 0 : i32
      %dma_wait3A_399 = tpu.memref_slice %arg19[%dma_wait3A_397, %dma_wait3A_398] : memref<16x144xf32, #tpu.memory_space<vmem>> -> memref<16x144xf32, #tpu.memory_space<vmem>>
      %dma_wait3A_400 = arith.constant 0 : i32
      %dma_wait3A_401 = tpu.memref_slice %arg21[%add3A_49, %dma_wait3A_400] : memref<10112x144xf32, #tpu.memory_space<vmem_shared>> -> memref<16x144xf32, #tpu.memory_space<vmem_shared>>
      %dma_wait3A_402 = arith.constant 0 : i32
      %dma_wait3A_403 = tpu.memref_slice %arg21[%add3A_49, %dma_wait3A_402] : memref<10112x144xf32, #tpu.memory_space<vmem_shared>> -> memref<16x144xf32, #tpu.memory_space<vmem_shared>>
      %dma_wait3A_404 = arith.constant 0 : i32
      %dma_wait3A_405 = arith.constant 0 : i32
      %dma_wait3A_406 = tpu.memref_slice %arg19[%dma_wait3A_404, %dma_wait3A_405] : memref<16x144xf32, #tpu.memory_space<vmem>> -> memref<16x144xf32, #tpu.memory_space<vmem>>
      tpu.wait_dma2 semaphore(%run_scoped3A : memref<!tpu.dma_semaphore, #tpu.memory_space<semaphore_mem>>) src(%dma_wait3A_406 : memref<16x144xf32, #tpu.memory_space<vmem>>) dst(%dma_wait3A_403 : memref<16x144xf32, #tpu.memory_space<vmem_shared>>)
      tpu.yield
    }) : () -> ()
    %add3A_50 = arith.constant 240 : i32
    %add3A_51 = arith.addi %mul3A_0, %add3A_50 : i32
    "tpu.region"() ({
      %run_scoped3A = tpu.sem_alloc : memref<!tpu.dma_semaphore, #tpu.memory_space<semaphore_mem>>
      %dma_start3A_387 = arith.constant 0 : i32
      %dma_start3A_388 = arith.constant 0 : i32
      %dma_start3A_389 = tpu.memref_slice %arg19[%dma_start3A_387, %dma_start3A_388] : memref<16x144xf32, #tpu.memory_space<vmem>> -> memref<16x144xf32, #tpu.memory_space<vmem>>
      %dma_start3A_390 = arith.constant 0 : i32
      %dma_start3A_391 = tpu.memref_slice %arg21[%add3A_51, %dma_start3A_390] : memref<10112x144xf32, #tpu.memory_space<vmem_shared>> -> memref<16x144xf32, #tpu.memory_space<vmem_shared>>
      %dma_start3A_392 = arith.constant 0 : i32
      %dma_start3A_393 = tpu.memref_slice %arg21[%add3A_51, %dma_start3A_392] : memref<10112x144xf32, #tpu.memory_space<vmem_shared>> -> memref<16x144xf32, #tpu.memory_space<vmem_shared>>
      %dma_start3A_394 = arith.constant 0 : i32
      %dma_start3A_395 = arith.constant 0 : i32
      %dma_start3A_396 = tpu.memref_slice %arg19[%dma_start3A_394, %dma_start3A_395] : memref<16x144xf32, #tpu.memory_space<vmem>> -> memref<16x144xf32, #tpu.memory_space<vmem>>
      tpu.enqueue_dma source(%dma_start3A_396 : memref<16x144xf32, #tpu.memory_space<vmem>>) target(%dma_start3A_393 : memref<16x144xf32, #tpu.memory_space<vmem_shared>>) target_semaphore(%run_scoped3A : memref<!tpu.dma_semaphore, #tpu.memory_space<semaphore_mem>>)
      %dma_wait3A_397 = arith.constant 0 : i32
      %dma_wait3A_398 = arith.constant 0 : i32
      %dma_wait3A_399 = tpu.memref_slice %arg19[%dma_wait3A_397, %dma_wait3A_398] : memref<16x144xf32, #tpu.memory_space<vmem>> -> memref<16x144xf32, #tpu.memory_space<vmem>>
      %dma_wait3A_400 = arith.constant 0 : i32
      %dma_wait3A_401 = tpu.memref_slice %arg21[%add3A_51, %dma_wait3A_400] : memref<10112x144xf32, #tpu.memory_space<vmem_shared>> -> memref<16x144xf32, #tpu.memory_space<vmem_shared>>
      %dma_wait3A_402 = arith.constant 0 : i32
      %dma_wait3A_403 = tpu.memref_slice %arg21[%add3A_51, %dma_wait3A_402] : memref<10112x144xf32, #tpu.memory_space<vmem_shared>> -> memref<16x144xf32, #tpu.memory_space<vmem_shared>>
      %dma_wait3A_404 = arith.constant 0 : i32
      %dma_wait3A_405 = arith.constant 0 : i32
      %dma_wait3A_406 = tpu.memref_slice %arg19[%dma_wait3A_404, %dma_wait3A_405] : memref<16x144xf32, #tpu.memory_space<vmem>> -> memref<16x144xf32, #tpu.memory_space<vmem>>
      tpu.wait_dma2 semaphore(%run_scoped3A : memref<!tpu.dma_semaphore, #tpu.memory_space<semaphore_mem>>) src(%dma_wait3A_406 : memref<16x144xf32, #tpu.memory_space<vmem>>) dst(%dma_wait3A_403 : memref<16x144xf32, #tpu.memory_space<vmem_shared>>)
      tpu.yield
    }) : () -> ()
    %add3A_52 = arith.constant 256 : i32
    %add3A_53 = arith.addi %mul3A_0, %add3A_52 : i32
    "tpu.region"() ({
      %run_scoped3A = tpu.sem_alloc : memref<!tpu.dma_semaphore, #tpu.memory_space<semaphore_mem>>
      %dma_start3A_387 = arith.constant 0 : i32
      %dma_start3A_388 = arith.constant 0 : i32
      %dma_start3A_389 = tpu.memref_slice %arg19[%dma_start3A_387, %dma_start3A_388] : memref<16x144xf32, #tpu.memory_space<vmem>> -> memref<16x144xf32, #tpu.memory_space<vmem>>
      %dma_start3A_390 = arith.constant 0 : i32
      %dma_start3A_391 = tpu.memref_slice %arg21[%add3A_53, %dma_start3A_390] : memref<10112x144xf32, #tpu.memory_space<vmem_shared>> -> memref<16x144xf32, #tpu.memory_space<vmem_shared>>
      %dma_start3A_392 = arith.constant 0 : i32
      %dma_start3A_393 = tpu.memref_slice %arg21[%add3A_53, %dma_start3A_392] : memref<10112x144xf32, #tpu.memory_space<vmem_shared>> -> memref<16x144xf32, #tpu.memory_space<vmem_shared>>
      %dma_start3A_394 = arith.constant 0 : i32
      %dma_start3A_395 = arith.constant 0 : i32
      %dma_start3A_396 = tpu.memref_slice %arg19[%dma_start3A_394, %dma_start3A_395] : memref<16x144xf32, #tpu.memory_space<vmem>> -> memref<16x144xf32, #tpu.memory_space<vmem>>
      tpu.enqueue_dma source(%dma_start3A_396 : memref<16x144xf32, #tpu.memory_space<vmem>>) target(%dma_start3A_393 : memref<16x144xf32, #tpu.memory_space<vmem_shared>>) target_semaphore(%run_scoped3A : memref<!tpu.dma_semaphore, #tpu.memory_space<semaphore_mem>>)
      %dma_wait3A_397 = arith.constant 0 : i32
      %dma_wait3A_398 = arith.constant 0 : i32
      %dma_wait3A_399 = tpu.memref_slice %arg19[%dma_wait3A_397, %dma_wait3A_398] : memref<16x144xf32, #tpu.memory_space<vmem>> -> memref<16x144xf32, #tpu.memory_space<vmem>>
      %dma_wait3A_400 = arith.constant 0 : i32
      %dma_wait3A_401 = tpu.memref_slice %arg21[%add3A_53, %dma_wait3A_400] : memref<10112x144xf32, #tpu.memory_space<vmem_shared>> -> memref<16x144xf32, #tpu.memory_space<vmem_shared>>
      %dma_wait3A_402 = arith.constant 0 : i32
      %dma_wait3A_403 = tpu.memref_slice %arg21[%add3A_53, %dma_wait3A_402] : memref<10112x144xf32, #tpu.memory_space<vmem_shared>> -> memref<16x144xf32, #tpu.memory_space<vmem_shared>>
      %dma_wait3A_404 = arith.constant 0 : i32
      %dma_wait3A_405 = arith.constant 0 : i32
      %dma_wait3A_406 = tpu.memref_slice %arg19[%dma_wait3A_404, %dma_wait3A_405] : memref<16x144xf32, #tpu.memory_space<vmem>> -> memref<16x144xf32, #tpu.memory_space<vmem>>
      tpu.wait_dma2 semaphore(%run_scoped3A : memref<!tpu.dma_semaphore, #tpu.memory_space<semaphore_mem>>) src(%dma_wait3A_406 : memref<16x144xf32, #tpu.memory_space<vmem>>) dst(%dma_wait3A_403 : memref<16x144xf32, #tpu.memory_space<vmem_shared>>)
      tpu.yield
    }) : () -> ()
    %add3A_54 = arith.constant 272 : i32
    %add3A_55 = arith.addi %mul3A_0, %add3A_54 : i32
    "tpu.region"() ({
      %run_scoped3A = tpu.sem_alloc : memref<!tpu.dma_semaphore, #tpu.memory_space<semaphore_mem>>
      %dma_start3A_387 = arith.constant 0 : i32
      %dma_start3A_388 = arith.constant 0 : i32
      %dma_start3A_389 = tpu.memref_slice %arg19[%dma_start3A_387, %dma_start3A_388] : memref<16x144xf32, #tpu.memory_space<vmem>> -> memref<16x144xf32, #tpu.memory_space<vmem>>
      %dma_start3A_390 = arith.constant 0 : i32
      %dma_start3A_391 = tpu.memref_slice %arg21[%add3A_55, %dma_start3A_390] : memref<10112x144xf32, #tpu.memory_space<vmem_shared>> -> memref<16x144xf32, #tpu.memory_space<vmem_shared>>
      %dma_start3A_392 = arith.constant 0 : i32
      %dma_start3A_393 = tpu.memref_slice %arg21[%add3A_55, %dma_start3A_392] : memref<10112x144xf32, #tpu.memory_space<vmem_shared>> -> memref<16x144xf32, #tpu.memory_space<vmem_shared>>
      %dma_start3A_394 = arith.constant 0 : i32
      %dma_start3A_395 = arith.constant 0 : i32
      %dma_start3A_396 = tpu.memref_slice %arg19[%dma_start3A_394, %dma_start3A_395] : memref<16x144xf32, #tpu.memory_space<vmem>> -> memref<16x144xf32, #tpu.memory_space<vmem>>
      tpu.enqueue_dma source(%dma_start3A_396 : memref<16x144xf32, #tpu.memory_space<vmem>>) target(%dma_start3A_393 : memref<16x144xf32, #tpu.memory_space<vmem_shared>>) target_semaphore(%run_scoped3A : memref<!tpu.dma_semaphore, #tpu.memory_space<semaphore_mem>>)
      %dma_wait3A_397 = arith.constant 0 : i32
      %dma_wait3A_398 = arith.constant 0 : i32
      %dma_wait3A_399 = tpu.memref_slice %arg19[%dma_wait3A_397, %dma_wait3A_398] : memref<16x144xf32, #tpu.memory_space<vmem>> -> memref<16x144xf32, #tpu.memory_space<vmem>>
      %dma_wait3A_400 = arith.constant 0 : i32
      %dma_wait3A_401 = tpu.memref_slice %arg21[%add3A_55, %dma_wait3A_400] : memref<10112x144xf32, #tpu.memory_space<vmem_shared>> -> memref<16x144xf32, #tpu.memory_space<vmem_shared>>
      %dma_wait3A_402 = arith.constant 0 : i32
      %dma_wait3A_403 = tpu.memref_slice %arg21[%add3A_55, %dma_wait3A_402] : memref<10112x144xf32, #tpu.memory_space<vmem_shared>> -> memref<16x144xf32, #tpu.memory_space<vmem_shared>>
      %dma_wait3A_404 = arith.constant 0 : i32
      %dma_wait3A_405 = arith.constant 0 : i32
      %dma_wait3A_406 = tpu.memref_slice %arg19[%dma_wait3A_404, %dma_wait3A_405] : memref<16x144xf32, #tpu.memory_space<vmem>> -> memref<16x144xf32, #tpu.memory_space<vmem>>
      tpu.wait_dma2 semaphore(%run_scoped3A : memref<!tpu.dma_semaphore, #tpu.memory_space<semaphore_mem>>) src(%dma_wait3A_406 : memref<16x144xf32, #tpu.memory_space<vmem>>) dst(%dma_wait3A_403 : memref<16x144xf32, #tpu.memory_space<vmem_shared>>)
      tpu.yield
    }) : () -> ()
    %add3A_56 = arith.constant 288 : i32
    %add3A_57 = arith.addi %mul3A_0, %add3A_56 : i32
    "tpu.region"() ({
      %run_scoped3A = tpu.sem_alloc : memref<!tpu.dma_semaphore, #tpu.memory_space<semaphore_mem>>
      %dma_start3A_387 = arith.constant 0 : i32
      %dma_start3A_388 = arith.constant 0 : i32
      %dma_start3A_389 = tpu.memref_slice %arg19[%dma_start3A_387, %dma_start3A_388] : memref<16x144xf32, #tpu.memory_space<vmem>> -> memref<16x144xf32, #tpu.memory_space<vmem>>
      %dma_start3A_390 = arith.constant 0 : i32
      %dma_start3A_391 = tpu.memref_slice %arg21[%add3A_57, %dma_start3A_390] : memref<10112x144xf32, #tpu.memory_space<vmem_shared>> -> memref<16x144xf32, #tpu.memory_space<vmem_shared>>
      %dma_start3A_392 = arith.constant 0 : i32
      %dma_start3A_393 = tpu.memref_slice %arg21[%add3A_57, %dma_start3A_392] : memref<10112x144xf32, #tpu.memory_space<vmem_shared>> -> memref<16x144xf32, #tpu.memory_space<vmem_shared>>
      %dma_start3A_394 = arith.constant 0 : i32
      %dma_start3A_395 = arith.constant 0 : i32
      %dma_start3A_396 = tpu.memref_slice %arg19[%dma_start3A_394, %dma_start3A_395] : memref<16x144xf32, #tpu.memory_space<vmem>> -> memref<16x144xf32, #tpu.memory_space<vmem>>
      tpu.enqueue_dma source(%dma_start3A_396 : memref<16x144xf32, #tpu.memory_space<vmem>>) target(%dma_start3A_393 : memref<16x144xf32, #tpu.memory_space<vmem_shared>>) target_semaphore(%run_scoped3A : memref<!tpu.dma_semaphore, #tpu.memory_space<semaphore_mem>>)
      %dma_wait3A_397 = arith.constant 0 : i32
      %dma_wait3A_398 = arith.constant 0 : i32
      %dma_wait3A_399 = tpu.memref_slice %arg19[%dma_wait3A_397, %dma_wait3A_398] : memref<16x144xf32, #tpu.memory_space<vmem>> -> memref<16x144xf32, #tpu.memory_space<vmem>>
      %dma_wait3A_400 = arith.constant 0 : i32
      %dma_wait3A_401 = tpu.memref_slice %arg21[%add3A_57, %dma_wait3A_400] : memref<10112x144xf32, #tpu.memory_space<vmem_shared>> -> memref<16x144xf32, #tpu.memory_space<vmem_shared>>
      %dma_wait3A_402 = arith.constant 0 : i32
      %dma_wait3A_403 = tpu.memref_slice %arg21[%add3A_57, %dma_wait3A_402] : memref<10112x144xf32, #tpu.memory_space<vmem_shared>> -> memref<16x144xf32, #tpu.memory_space<vmem_shared>>
      %dma_wait3A_404 = arith.constant 0 : i32
      %dma_wait3A_405 = arith.constant 0 : i32
      %dma_wait3A_406 = tpu.memref_slice %arg19[%dma_wait3A_404, %dma_wait3A_405] : memref<16x144xf32, #tpu.memory_space<vmem>> -> memref<16x144xf32, #tpu.memory_space<vmem>>
      tpu.wait_dma2 semaphore(%run_scoped3A : memref<!tpu.dma_semaphore, #tpu.memory_space<semaphore_mem>>) src(%dma_wait3A_406 : memref<16x144xf32, #tpu.memory_space<vmem>>) dst(%dma_wait3A_403 : memref<16x144xf32, #tpu.memory_space<vmem_shared>>)
      tpu.yield
    }) : () -> ()
    %add3A_58 = arith.constant 304 : i32
    %add3A_59 = arith.addi %mul3A_0, %add3A_58 : i32
    "tpu.region"() ({
      %run_scoped3A = tpu.sem_alloc : memref<!tpu.dma_semaphore, #tpu.memory_space<semaphore_mem>>
      %dma_start3A_387 = arith.constant 0 : i32
      %dma_start3A_388 = arith.constant 0 : i32
      %dma_start3A_389 = tpu.memref_slice %arg19[%dma_start3A_387, %dma_start3A_388] : memref<16x144xf32, #tpu.memory_space<vmem>> -> memref<16x144xf32, #tpu.memory_space<vmem>>
      %dma_start3A_390 = arith.constant 0 : i32
      %dma_start3A_391 = tpu.memref_slice %arg21[%add3A_59, %dma_start3A_390] : memref<10112x144xf32, #tpu.memory_space<vmem_shared>> -> memref<16x144xf32, #tpu.memory_space<vmem_shared>>
      %dma_start3A_392 = arith.constant 0 : i32
      %dma_start3A_393 = tpu.memref_slice %arg21[%add3A_59, %dma_start3A_392] : memref<10112x144xf32, #tpu.memory_space<vmem_shared>> -> memref<16x144xf32, #tpu.memory_space<vmem_shared>>
      %dma_start3A_394 = arith.constant 0 : i32
      %dma_start3A_395 = arith.constant 0 : i32
      %dma_start3A_396 = tpu.memref_slice %arg19[%dma_start3A_394, %dma_start3A_395] : memref<16x144xf32, #tpu.memory_space<vmem>> -> memref<16x144xf32, #tpu.memory_space<vmem>>
      tpu.enqueue_dma source(%dma_start3A_396 : memref<16x144xf32, #tpu.memory_space<vmem>>) target(%dma_start3A_393 : memref<16x144xf32, #tpu.memory_space<vmem_shared>>) target_semaphore(%run_scoped3A : memref<!tpu.dma_semaphore, #tpu.memory_space<semaphore_mem>>)
      %dma_wait3A_397 = arith.constant 0 : i32
      %dma_wait3A_398 = arith.constant 0 : i32
      %dma_wait3A_399 = tpu.memref_slice %arg19[%dma_wait3A_397, %dma_wait3A_398] : memref<16x144xf32, #tpu.memory_space<vmem>> -> memref<16x144xf32, #tpu.memory_space<vmem>>
      %dma_wait3A_400 = arith.constant 0 : i32
      %dma_wait3A_401 = tpu.memref_slice %arg21[%add3A_59, %dma_wait3A_400] : memref<10112x144xf32, #tpu.memory_space<vmem_shared>> -> memref<16x144xf32, #tpu.memory_space<vmem_shared>>
      %dma_wait3A_402 = arith.constant 0 : i32
      %dma_wait3A_403 = tpu.memref_slice %arg21[%add3A_59, %dma_wait3A_402] : memref<10112x144xf32, #tpu.memory_space<vmem_shared>> -> memref<16x144xf32, #tpu.memory_space<vmem_shared>>
      %dma_wait3A_404 = arith.constant 0 : i32
      %dma_wait3A_405 = arith.constant 0 : i32
      %dma_wait3A_406 = tpu.memref_slice %arg19[%dma_wait3A_404, %dma_wait3A_405] : memref<16x144xf32, #tpu.memory_space<vmem>> -> memref<16x144xf32, #tpu.memory_space<vmem>>
      tpu.wait_dma2 semaphore(%run_scoped3A : memref<!tpu.dma_semaphore, #tpu.memory_space<semaphore_mem>>) src(%dma_wait3A_406 : memref<16x144xf32, #tpu.memory_space<vmem>>) dst(%dma_wait3A_403 : memref<16x144xf32, #tpu.memory_space<vmem_shared>>)
      tpu.yield
    }) : () -> ()
    %add3A_60 = arith.constant 320 : i32
    %add3A_61 = arith.addi %mul3A_0, %add3A_60 : i32
    "tpu.region"() ({
      %run_scoped3A = tpu.sem_alloc : memref<!tpu.dma_semaphore, #tpu.memory_space<semaphore_mem>>
      %dma_start3A_387 = arith.constant 0 : i32
      %dma_start3A_388 = arith.constant 0 : i32
      %dma_start3A_389 = tpu.memref_slice %arg19[%dma_start3A_387, %dma_start3A_388] : memref<16x144xf32, #tpu.memory_space<vmem>> -> memref<16x144xf32, #tpu.memory_space<vmem>>
      %dma_start3A_390 = arith.constant 0 : i32
      %dma_start3A_391 = tpu.memref_slice %arg21[%add3A_61, %dma_start3A_390] : memref<10112x144xf32, #tpu.memory_space<vmem_shared>> -> memref<16x144xf32, #tpu.memory_space<vmem_shared>>
      %dma_start3A_392 = arith.constant 0 : i32
      %dma_start3A_393 = tpu.memref_slice %arg21[%add3A_61, %dma_start3A_392] : memref<10112x144xf32, #tpu.memory_space<vmem_shared>> -> memref<16x144xf32, #tpu.memory_space<vmem_shared>>
      %dma_start3A_394 = arith.constant 0 : i32
      %dma_start3A_395 = arith.constant 0 : i32
      %dma_start3A_396 = tpu.memref_slice %arg19[%dma_start3A_394, %dma_start3A_395] : memref<16x144xf32, #tpu.memory_space<vmem>> -> memref<16x144xf32, #tpu.memory_space<vmem>>
      tpu.enqueue_dma source(%dma_start3A_396 : memref<16x144xf32, #tpu.memory_space<vmem>>) target(%dma_start3A_393 : memref<16x144xf32, #tpu.memory_space<vmem_shared>>) target_semaphore(%run_scoped3A : memref<!tpu.dma_semaphore, #tpu.memory_space<semaphore_mem>>)
      %dma_wait3A_397 = arith.constant 0 : i32
      %dma_wait3A_398 = arith.constant 0 : i32
      %dma_wait3A_399 = tpu.memref_slice %arg19[%dma_wait3A_397, %dma_wait3A_398] : memref<16x144xf32, #tpu.memory_space<vmem>> -> memref<16x144xf32, #tpu.memory_space<vmem>>
      %dma_wait3A_400 = arith.constant 0 : i32
      %dma_wait3A_401 = tpu.memref_slice %arg21[%add3A_61, %dma_wait3A_400] : memref<10112x144xf32, #tpu.memory_space<vmem_shared>> -> memref<16x144xf32, #tpu.memory_space<vmem_shared>>
      %dma_wait3A_402 = arith.constant 0 : i32
      %dma_wait3A_403 = tpu.memref_slice %arg21[%add3A_61, %dma_wait3A_402] : memref<10112x144xf32, #tpu.memory_space<vmem_shared>> -> memref<16x144xf32, #tpu.memory_space<vmem_shared>>
      %dma_wait3A_404 = arith.constant 0 : i32
      %dma_wait3A_405 = arith.constant 0 : i32
      %dma_wait3A_406 = tpu.memref_slice %arg19[%dma_wait3A_404, %dma_wait3A_405] : memref<16x144xf32, #tpu.memory_space<vmem>> -> memref<16x144xf32, #tpu.memory_space<vmem>>
      tpu.wait_dma2 semaphore(%run_scoped3A : memref<!tpu.dma_semaphore, #tpu.memory_space<semaphore_mem>>) src(%dma_wait3A_406 : memref<16x144xf32, #tpu.memory_space<vmem>>) dst(%dma_wait3A_403 : memref<16x144xf32, #tpu.memory_space<vmem_shared>>)
      tpu.yield
    }) : () -> ()
    %add3A_62 = arith.constant 336 : i32
    %add3A_63 = arith.addi %mul3A_0, %add3A_62 : i32
    "tpu.region"() ({
      %run_scoped3A = tpu.sem_alloc : memref<!tpu.dma_semaphore, #tpu.memory_space<semaphore_mem>>
      %dma_start3A_387 = arith.constant 0 : i32
      %dma_start3A_388 = arith.constant 0 : i32
      %dma_start3A_389 = tpu.memref_slice %arg19[%dma_start3A_387, %dma_start3A_388] : memref<16x144xf32, #tpu.memory_space<vmem>> -> memref<16x144xf32, #tpu.memory_space<vmem>>
      %dma_start3A_390 = arith.constant 0 : i32
      %dma_start3A_391 = tpu.memref_slice %arg21[%add3A_63, %dma_start3A_390] : memref<10112x144xf32, #tpu.memory_space<vmem_shared>> -> memref<16x144xf32, #tpu.memory_space<vmem_shared>>
      %dma_start3A_392 = arith.constant 0 : i32
      %dma_start3A_393 = tpu.memref_slice %arg21[%add3A_63, %dma_start3A_392] : memref<10112x144xf32, #tpu.memory_space<vmem_shared>> -> memref<16x144xf32, #tpu.memory_space<vmem_shared>>
      %dma_start3A_394 = arith.constant 0 : i32
      %dma_start3A_395 = arith.constant 0 : i32
      %dma_start3A_396 = tpu.memref_slice %arg19[%dma_start3A_394, %dma_start3A_395] : memref<16x144xf32, #tpu.memory_space<vmem>> -> memref<16x144xf32, #tpu.memory_space<vmem>>
      tpu.enqueue_dma source(%dma_start3A_396 : memref<16x144xf32, #tpu.memory_space<vmem>>) target(%dma_start3A_393 : memref<16x144xf32, #tpu.memory_space<vmem_shared>>) target_semaphore(%run_scoped3A : memref<!tpu.dma_semaphore, #tpu.memory_space<semaphore_mem>>)
      %dma_wait3A_397 = arith.constant 0 : i32
      %dma_wait3A_398 = arith.constant 0 : i32
      %dma_wait3A_399 = tpu.memref_slice %arg19[%dma_wait3A_397, %dma_wait3A_398] : memref<16x144xf32, #tpu.memory_space<vmem>> -> memref<16x144xf32, #tpu.memory_space<vmem>>
      %dma_wait3A_400 = arith.constant 0 : i32
      %dma_wait3A_401 = tpu.memref_slice %arg21[%add3A_63, %dma_wait3A_400] : memref<10112x144xf32, #tpu.memory_space<vmem_shared>> -> memref<16x144xf32, #tpu.memory_space<vmem_shared>>
      %dma_wait3A_402 = arith.constant 0 : i32
      %dma_wait3A_403 = tpu.memref_slice %arg21[%add3A_63, %dma_wait3A_402] : memref<10112x144xf32, #tpu.memory_space<vmem_shared>> -> memref<16x144xf32, #tpu.memory_space<vmem_shared>>
      %dma_wait3A_404 = arith.constant 0 : i32
      %dma_wait3A_405 = arith.constant 0 : i32
      %dma_wait3A_406 = tpu.memref_slice %arg19[%dma_wait3A_404, %dma_wait3A_405] : memref<16x144xf32, #tpu.memory_space<vmem>> -> memref<16x144xf32, #tpu.memory_space<vmem>>
      tpu.wait_dma2 semaphore(%run_scoped3A : memref<!tpu.dma_semaphore, #tpu.memory_space<semaphore_mem>>) src(%dma_wait3A_406 : memref<16x144xf32, #tpu.memory_space<vmem>>) dst(%dma_wait3A_403 : memref<16x144xf32, #tpu.memory_space<vmem_shared>>)
      tpu.yield
    }) : () -> ()
    %add3A_64 = arith.constant 352 : i32
    %add3A_65 = arith.addi %mul3A_0, %add3A_64 : i32
    "tpu.region"() ({
      %run_scoped3A = tpu.sem_alloc : memref<!tpu.dma_semaphore, #tpu.memory_space<semaphore_mem>>
      %dma_start3A_387 = arith.constant 0 : i32
      %dma_start3A_388 = arith.constant 0 : i32
      %dma_start3A_389 = tpu.memref_slice %arg19[%dma_start3A_387, %dma_start3A_388] : memref<16x144xf32, #tpu.memory_space<vmem>> -> memref<16x144xf32, #tpu.memory_space<vmem>>
      %dma_start3A_390 = arith.constant 0 : i32
      %dma_start3A_391 = tpu.memref_slice %arg21[%add3A_65, %dma_start3A_390] : memref<10112x144xf32, #tpu.memory_space<vmem_shared>> -> memref<16x144xf32, #tpu.memory_space<vmem_shared>>
      %dma_start3A_392 = arith.constant 0 : i32
      %dma_start3A_393 = tpu.memref_slice %arg21[%add3A_65, %dma_start3A_392] : memref<10112x144xf32, #tpu.memory_space<vmem_shared>> -> memref<16x144xf32, #tpu.memory_space<vmem_shared>>
      %dma_start3A_394 = arith.constant 0 : i32
      %dma_start3A_395 = arith.constant 0 : i32
      %dma_start3A_396 = tpu.memref_slice %arg19[%dma_start3A_394, %dma_start3A_395] : memref<16x144xf32, #tpu.memory_space<vmem>> -> memref<16x144xf32, #tpu.memory_space<vmem>>
      tpu.enqueue_dma source(%dma_start3A_396 : memref<16x144xf32, #tpu.memory_space<vmem>>) target(%dma_start3A_393 : memref<16x144xf32, #tpu.memory_space<vmem_shared>>) target_semaphore(%run_scoped3A : memref<!tpu.dma_semaphore, #tpu.memory_space<semaphore_mem>>)
      %dma_wait3A_397 = arith.constant 0 : i32
      %dma_wait3A_398 = arith.constant 0 : i32
      %dma_wait3A_399 = tpu.memref_slice %arg19[%dma_wait3A_397, %dma_wait3A_398] : memref<16x144xf32, #tpu.memory_space<vmem>> -> memref<16x144xf32, #tpu.memory_space<vmem>>
      %dma_wait3A_400 = arith.constant 0 : i32
      %dma_wait3A_401 = tpu.memref_slice %arg21[%add3A_65, %dma_wait3A_400] : memref<10112x144xf32, #tpu.memory_space<vmem_shared>> -> memref<16x144xf32, #tpu.memory_space<vmem_shared>>
      %dma_wait3A_402 = arith.constant 0 : i32
      %dma_wait3A_403 = tpu.memref_slice %arg21[%add3A_65, %dma_wait3A_402] : memref<10112x144xf32, #tpu.memory_space<vmem_shared>> -> memref<16x144xf32, #tpu.memory_space<vmem_shared>>
      %dma_wait3A_404 = arith.constant 0 : i32
      %dma_wait3A_405 = arith.constant 0 : i32
      %dma_wait3A_406 = tpu.memref_slice %arg19[%dma_wait3A_404, %dma_wait3A_405] : memref<16x144xf32, #tpu.memory_space<vmem>> -> memref<16x144xf32, #tpu.memory_space<vmem>>
      tpu.wait_dma2 semaphore(%run_scoped3A : memref<!tpu.dma_semaphore, #tpu.memory_space<semaphore_mem>>) src(%dma_wait3A_406 : memref<16x144xf32, #tpu.memory_space<vmem>>) dst(%dma_wait3A_403 : memref<16x144xf32, #tpu.memory_space<vmem_shared>>)
      tpu.yield
    }) : () -> ()
    %add3A_66 = arith.constant 368 : i32
    %add3A_67 = arith.addi %mul3A_0, %add3A_66 : i32
    "tpu.region"() ({
      %run_scoped3A = tpu.sem_alloc : memref<!tpu.dma_semaphore, #tpu.memory_space<semaphore_mem>>
      %dma_start3A_387 = arith.constant 0 : i32
      %dma_start3A_388 = arith.constant 0 : i32
      %dma_start3A_389 = tpu.memref_slice %arg19[%dma_start3A_387, %dma_start3A_388] : memref<16x144xf32, #tpu.memory_space<vmem>> -> memref<16x144xf32, #tpu.memory_space<vmem>>
      %dma_start3A_390 = arith.constant 0 : i32
      %dma_start3A_391 = tpu.memref_slice %arg21[%add3A_67, %dma_start3A_390] : memref<10112x144xf32, #tpu.memory_space<vmem_shared>> -> memref<16x144xf32, #tpu.memory_space<vmem_shared>>
      %dma_start3A_392 = arith.constant 0 : i32
      %dma_start3A_393 = tpu.memref_slice %arg21[%add3A_67, %dma_start3A_392] : memref<10112x144xf32, #tpu.memory_space<vmem_shared>> -> memref<16x144xf32, #tpu.memory_space<vmem_shared>>
      %dma_start3A_394 = arith.constant 0 : i32
      %dma_start3A_395 = arith.constant 0 : i32
      %dma_start3A_396 = tpu.memref_slice %arg19[%dma_start3A_394, %dma_start3A_395] : memref<16x144xf32, #tpu.memory_space<vmem>> -> memref<16x144xf32, #tpu.memory_space<vmem>>
      tpu.enqueue_dma source(%dma_start3A_396 : memref<16x144xf32, #tpu.memory_space<vmem>>) target(%dma_start3A_393 : memref<16x144xf32, #tpu.memory_space<vmem_shared>>) target_semaphore(%run_scoped3A : memref<!tpu.dma_semaphore, #tpu.memory_space<semaphore_mem>>)
      %dma_wait3A_397 = arith.constant 0 : i32
      %dma_wait3A_398 = arith.constant 0 : i32
      %dma_wait3A_399 = tpu.memref_slice %arg19[%dma_wait3A_397, %dma_wait3A_398] : memref<16x144xf32, #tpu.memory_space<vmem>> -> memref<16x144xf32, #tpu.memory_space<vmem>>
      %dma_wait3A_400 = arith.constant 0 : i32
      %dma_wait3A_401 = tpu.memref_slice %arg21[%add3A_67, %dma_wait3A_400] : memref<10112x144xf32, #tpu.memory_space<vmem_shared>> -> memref<16x144xf32, #tpu.memory_space<vmem_shared>>
      %dma_wait3A_402 = arith.constant 0 : i32
      %dma_wait3A_403 = tpu.memref_slice %arg21[%add3A_67, %dma_wait3A_402] : memref<10112x144xf32, #tpu.memory_space<vmem_shared>> -> memref<16x144xf32, #tpu.memory_space<vmem_shared>>
      %dma_wait3A_404 = arith.constant 0 : i32
      %dma_wait3A_405 = arith.constant 0 : i32
      %dma_wait3A_406 = tpu.memref_slice %arg19[%dma_wait3A_404, %dma_wait3A_405] : memref<16x144xf32, #tpu.memory_space<vmem>> -> memref<16x144xf32, #tpu.memory_space<vmem>>
      tpu.wait_dma2 semaphore(%run_scoped3A : memref<!tpu.dma_semaphore, #tpu.memory_space<semaphore_mem>>) src(%dma_wait3A_406 : memref<16x144xf32, #tpu.memory_space<vmem>>) dst(%dma_wait3A_403 : memref<16x144xf32, #tpu.memory_space<vmem_shared>>)
      tpu.yield
    }) : () -> ()
    %add3A_68 = arith.constant 384 : i32
    %add3A_69 = arith.addi %mul3A_0, %add3A_68 : i32
    "tpu.region"() ({
      %run_scoped3A = tpu.sem_alloc : memref<!tpu.dma_semaphore, #tpu.memory_space<semaphore_mem>>
      %dma_start3A_387 = arith.constant 0 : i32
      %dma_start3A_388 = arith.constant 0 : i32
      %dma_start3A_389 = tpu.memref_slice %arg19[%dma_start3A_387, %dma_start3A_388] : memref<16x144xf32, #tpu.memory_space<vmem>> -> memref<16x144xf32, #tpu.memory_space<vmem>>
      %dma_start3A_390 = arith.constant 0 : i32
      %dma_start3A_391 = tpu.memref_slice %arg21[%add3A_69, %dma_start3A_390] : memref<10112x144xf32, #tpu.memory_space<vmem_shared>> -> memref<16x144xf32, #tpu.memory_space<vmem_shared>>
      %dma_start3A_392 = arith.constant 0 : i32
      %dma_start3A_393 = tpu.memref_slice %arg21[%add3A_69, %dma_start3A_392] : memref<10112x144xf32, #tpu.memory_space<vmem_shared>> -> memref<16x144xf32, #tpu.memory_space<vmem_shared>>
      %dma_start3A_394 = arith.constant 0 : i32
      %dma_start3A_395 = arith.constant 0 : i32
      %dma_start3A_396 = tpu.memref_slice %arg19[%dma_start3A_394, %dma_start3A_395] : memref<16x144xf32, #tpu.memory_space<vmem>> -> memref<16x144xf32, #tpu.memory_space<vmem>>
      tpu.enqueue_dma source(%dma_start3A_396 : memref<16x144xf32, #tpu.memory_space<vmem>>) target(%dma_start3A_393 : memref<16x144xf32, #tpu.memory_space<vmem_shared>>) target_semaphore(%run_scoped3A : memref<!tpu.dma_semaphore, #tpu.memory_space<semaphore_mem>>)
      %dma_wait3A_397 = arith.constant 0 : i32
      %dma_wait3A_398 = arith.constant 0 : i32
      %dma_wait3A_399 = tpu.memref_slice %arg19[%dma_wait3A_397, %dma_wait3A_398] : memref<16x144xf32, #tpu.memory_space<vmem>> -> memref<16x144xf32, #tpu.memory_space<vmem>>
      %dma_wait3A_400 = arith.constant 0 : i32
      %dma_wait3A_401 = tpu.memref_slice %arg21[%add3A_69, %dma_wait3A_400] : memref<10112x144xf32, #tpu.memory_space<vmem_shared>> -> memref<16x144xf32, #tpu.memory_space<vmem_shared>>
      %dma_wait3A_402 = arith.constant 0 : i32
      %dma_wait3A_403 = tpu.memref_slice %arg21[%add3A_69, %dma_wait3A_402] : memref<10112x144xf32, #tpu.memory_space<vmem_shared>> -> memref<16x144xf32, #tpu.memory_space<vmem_shared>>
      %dma_wait3A_404 = arith.constant 0 : i32
      %dma_wait3A_405 = arith.constant 0 : i32
      %dma_wait3A_406 = tpu.memref_slice %arg19[%dma_wait3A_404, %dma_wait3A_405] : memref<16x144xf32, #tpu.memory_space<vmem>> -> memref<16x144xf32, #tpu.memory_space<vmem>>
      tpu.wait_dma2 semaphore(%run_scoped3A : memref<!tpu.dma_semaphore, #tpu.memory_space<semaphore_mem>>) src(%dma_wait3A_406 : memref<16x144xf32, #tpu.memory_space<vmem>>) dst(%dma_wait3A_403 : memref<16x144xf32, #tpu.memory_space<vmem_shared>>)
      tpu.yield
    }) : () -> ()
    %add3A_70 = arith.constant 400 : i32
    %add3A_71 = arith.addi %mul3A_0, %add3A_70 : i32
    "tpu.region"() ({
      %run_scoped3A = tpu.sem_alloc : memref<!tpu.dma_semaphore, #tpu.memory_space<semaphore_mem>>
      %dma_start3A_387 = arith.constant 0 : i32
      %dma_start3A_388 = arith.constant 0 : i32
      %dma_start3A_389 = tpu.memref_slice %arg19[%dma_start3A_387, %dma_start3A_388] : memref<16x144xf32, #tpu.memory_space<vmem>> -> memref<16x144xf32, #tpu.memory_space<vmem>>
      %dma_start3A_390 = arith.constant 0 : i32
      %dma_start3A_391 = tpu.memref_slice %arg21[%add3A_71, %dma_start3A_390] : memref<10112x144xf32, #tpu.memory_space<vmem_shared>> -> memref<16x144xf32, #tpu.memory_space<vmem_shared>>
      %dma_start3A_392 = arith.constant 0 : i32
      %dma_start3A_393 = tpu.memref_slice %arg21[%add3A_71, %dma_start3A_392] : memref<10112x144xf32, #tpu.memory_space<vmem_shared>> -> memref<16x144xf32, #tpu.memory_space<vmem_shared>>
      %dma_start3A_394 = arith.constant 0 : i32
      %dma_start3A_395 = arith.constant 0 : i32
      %dma_start3A_396 = tpu.memref_slice %arg19[%dma_start3A_394, %dma_start3A_395] : memref<16x144xf32, #tpu.memory_space<vmem>> -> memref<16x144xf32, #tpu.memory_space<vmem>>
      tpu.enqueue_dma source(%dma_start3A_396 : memref<16x144xf32, #tpu.memory_space<vmem>>) target(%dma_start3A_393 : memref<16x144xf32, #tpu.memory_space<vmem_shared>>) target_semaphore(%run_scoped3A : memref<!tpu.dma_semaphore, #tpu.memory_space<semaphore_mem>>)
      %dma_wait3A_397 = arith.constant 0 : i32
      %dma_wait3A_398 = arith.constant 0 : i32
      %dma_wait3A_399 = tpu.memref_slice %arg19[%dma_wait3A_397, %dma_wait3A_398] : memref<16x144xf32, #tpu.memory_space<vmem>> -> memref<16x144xf32, #tpu.memory_space<vmem>>
      %dma_wait3A_400 = arith.constant 0 : i32
      %dma_wait3A_401 = tpu.memref_slice %arg21[%add3A_71, %dma_wait3A_400] : memref<10112x144xf32, #tpu.memory_space<vmem_shared>> -> memref<16x144xf32, #tpu.memory_space<vmem_shared>>
      %dma_wait3A_402 = arith.constant 0 : i32
      %dma_wait3A_403 = tpu.memref_slice %arg21[%add3A_71, %dma_wait3A_402] : memref<10112x144xf32, #tpu.memory_space<vmem_shared>> -> memref<16x144xf32, #tpu.memory_space<vmem_shared>>
      %dma_wait3A_404 = arith.constant 0 : i32
      %dma_wait3A_405 = arith.constant 0 : i32
      %dma_wait3A_406 = tpu.memref_slice %arg19[%dma_wait3A_404, %dma_wait3A_405] : memref<16x144xf32, #tpu.memory_space<vmem>> -> memref<16x144xf32, #tpu.memory_space<vmem>>
      tpu.wait_dma2 semaphore(%run_scoped3A : memref<!tpu.dma_semaphore, #tpu.memory_space<semaphore_mem>>) src(%dma_wait3A_406 : memref<16x144xf32, #tpu.memory_space<vmem>>) dst(%dma_wait3A_403 : memref<16x144xf32, #tpu.memory_space<vmem_shared>>)
      tpu.yield
    }) : () -> ()
    %add3A_72 = arith.constant 416 : i32
    %add3A_73 = arith.addi %mul3A_0, %add3A_72 : i32
    "tpu.region"() ({
      %run_scoped3A = tpu.sem_alloc : memref<!tpu.dma_semaphore, #tpu.memory_space<semaphore_mem>>
      %dma_start3A_387 = arith.constant 0 : i32
      %dma_start3A_388 = arith.constant 0 : i32
      %dma_start3A_389 = tpu.memref_slice %arg19[%dma_start3A_387, %dma_start3A_388] : memref<16x144xf32, #tpu.memory_space<vmem>> -> memref<16x144xf32, #tpu.memory_space<vmem>>
      %dma_start3A_390 = arith.constant 0 : i32
      %dma_start3A_391 = tpu.memref_slice %arg21[%add3A_73, %dma_start3A_390] : memref<10112x144xf32, #tpu.memory_space<vmem_shared>> -> memref<16x144xf32, #tpu.memory_space<vmem_shared>>
      %dma_start3A_392 = arith.constant 0 : i32
      %dma_start3A_393 = tpu.memref_slice %arg21[%add3A_73, %dma_start3A_392] : memref<10112x144xf32, #tpu.memory_space<vmem_shared>> -> memref<16x144xf32, #tpu.memory_space<vmem_shared>>
      %dma_start3A_394 = arith.constant 0 : i32
      %dma_start3A_395 = arith.constant 0 : i32
      %dma_start3A_396 = tpu.memref_slice %arg19[%dma_start3A_394, %dma_start3A_395] : memref<16x144xf32, #tpu.memory_space<vmem>> -> memref<16x144xf32, #tpu.memory_space<vmem>>
      tpu.enqueue_dma source(%dma_start3A_396 : memref<16x144xf32, #tpu.memory_space<vmem>>) target(%dma_start3A_393 : memref<16x144xf32, #tpu.memory_space<vmem_shared>>) target_semaphore(%run_scoped3A : memref<!tpu.dma_semaphore, #tpu.memory_space<semaphore_mem>>)
      %dma_wait3A_397 = arith.constant 0 : i32
      %dma_wait3A_398 = arith.constant 0 : i32
      %dma_wait3A_399 = tpu.memref_slice %arg19[%dma_wait3A_397, %dma_wait3A_398] : memref<16x144xf32, #tpu.memory_space<vmem>> -> memref<16x144xf32, #tpu.memory_space<vmem>>
      %dma_wait3A_400 = arith.constant 0 : i32
      %dma_wait3A_401 = tpu.memref_slice %arg21[%add3A_73, %dma_wait3A_400] : memref<10112x144xf32, #tpu.memory_space<vmem_shared>> -> memref<16x144xf32, #tpu.memory_space<vmem_shared>>
      %dma_wait3A_402 = arith.constant 0 : i32
      %dma_wait3A_403 = tpu.memref_slice %arg21[%add3A_73, %dma_wait3A_402] : memref<10112x144xf32, #tpu.memory_space<vmem_shared>> -> memref<16x144xf32, #tpu.memory_space<vmem_shared>>
      %dma_wait3A_404 = arith.constant 0 : i32
      %dma_wait3A_405 = arith.constant 0 : i32
      %dma_wait3A_406 = tpu.memref_slice %arg19[%dma_wait3A_404, %dma_wait3A_405] : memref<16x144xf32, #tpu.memory_space<vmem>> -> memref<16x144xf32, #tpu.memory_space<vmem>>
      tpu.wait_dma2 semaphore(%run_scoped3A : memref<!tpu.dma_semaphore, #tpu.memory_space<semaphore_mem>>) src(%dma_wait3A_406 : memref<16x144xf32, #tpu.memory_space<vmem>>) dst(%dma_wait3A_403 : memref<16x144xf32, #tpu.memory_space<vmem_shared>>)
      tpu.yield
    }) : () -> ()
    %add3A_74 = arith.constant 432 : i32
    %add3A_75 = arith.addi %mul3A_0, %add3A_74 : i32
    "tpu.region"() ({
      %run_scoped3A = tpu.sem_alloc : memref<!tpu.dma_semaphore, #tpu.memory_space<semaphore_mem>>
      %dma_start3A_387 = arith.constant 0 : i32
      %dma_start3A_388 = arith.constant 0 : i32
      %dma_start3A_389 = tpu.memref_slice %arg19[%dma_start3A_387, %dma_start3A_388] : memref<16x144xf32, #tpu.memory_space<vmem>> -> memref<16x144xf32, #tpu.memory_space<vmem>>
      %dma_start3A_390 = arith.constant 0 : i32
      %dma_start3A_391 = tpu.memref_slice %arg21[%add3A_75, %dma_start3A_390] : memref<10112x144xf32, #tpu.memory_space<vmem_shared>> -> memref<16x144xf32, #tpu.memory_space<vmem_shared>>
      %dma_start3A_392 = arith.constant 0 : i32
      %dma_start3A_393 = tpu.memref_slice %arg21[%add3A_75, %dma_start3A_392] : memref<10112x144xf32, #tpu.memory_space<vmem_shared>> -> memref<16x144xf32, #tpu.memory_space<vmem_shared>>
      %dma_start3A_394 = arith.constant 0 : i32
      %dma_start3A_395 = arith.constant 0 : i32
      %dma_start3A_396 = tpu.memref_slice %arg19[%dma_start3A_394, %dma_start3A_395] : memref<16x144xf32, #tpu.memory_space<vmem>> -> memref<16x144xf32, #tpu.memory_space<vmem>>
      tpu.enqueue_dma source(%dma_start3A_396 : memref<16x144xf32, #tpu.memory_space<vmem>>) target(%dma_start3A_393 : memref<16x144xf32, #tpu.memory_space<vmem_shared>>) target_semaphore(%run_scoped3A : memref<!tpu.dma_semaphore, #tpu.memory_space<semaphore_mem>>)
      %dma_wait3A_397 = arith.constant 0 : i32
      %dma_wait3A_398 = arith.constant 0 : i32
      %dma_wait3A_399 = tpu.memref_slice %arg19[%dma_wait3A_397, %dma_wait3A_398] : memref<16x144xf32, #tpu.memory_space<vmem>> -> memref<16x144xf32, #tpu.memory_space<vmem>>
      %dma_wait3A_400 = arith.constant 0 : i32
      %dma_wait3A_401 = tpu.memref_slice %arg21[%add3A_75, %dma_wait3A_400] : memref<10112x144xf32, #tpu.memory_space<vmem_shared>> -> memref<16x144xf32, #tpu.memory_space<vmem_shared>>
      %dma_wait3A_402 = arith.constant 0 : i32
      %dma_wait3A_403 = tpu.memref_slice %arg21[%add3A_75, %dma_wait3A_402] : memref<10112x144xf32, #tpu.memory_space<vmem_shared>> -> memref<16x144xf32, #tpu.memory_space<vmem_shared>>
      %dma_wait3A_404 = arith.constant 0 : i32
      %dma_wait3A_405 = arith.constant 0 : i32
      %dma_wait3A_406 = tpu.memref_slice %arg19[%dma_wait3A_404, %dma_wait3A_405] : memref<16x144xf32, #tpu.memory_space<vmem>> -> memref<16x144xf32, #tpu.memory_space<vmem>>
      tpu.wait_dma2 semaphore(%run_scoped3A : memref<!tpu.dma_semaphore, #tpu.memory_space<semaphore_mem>>) src(%dma_wait3A_406 : memref<16x144xf32, #tpu.memory_space<vmem>>) dst(%dma_wait3A_403 : memref<16x144xf32, #tpu.memory_space<vmem_shared>>)
      tpu.yield
    }) : () -> ()
    %add3A_76 = arith.constant 448 : i32
    %add3A_77 = arith.addi %mul3A_0, %add3A_76 : i32
    "tpu.region"() ({
      %run_scoped3A = tpu.sem_alloc : memref<!tpu.dma_semaphore, #tpu.memory_space<semaphore_mem>>
      %dma_start3A_387 = arith.constant 0 : i32
      %dma_start3A_388 = arith.constant 0 : i32
      %dma_start3A_389 = tpu.memref_slice %arg19[%dma_start3A_387, %dma_start3A_388] : memref<16x144xf32, #tpu.memory_space<vmem>> -> memref<16x144xf32, #tpu.memory_space<vmem>>
      %dma_start3A_390 = arith.constant 0 : i32
      %dma_start3A_391 = tpu.memref_slice %arg21[%add3A_77, %dma_start3A_390] : memref<10112x144xf32, #tpu.memory_space<vmem_shared>> -> memref<16x144xf32, #tpu.memory_space<vmem_shared>>
      %dma_start3A_392 = arith.constant 0 : i32
      %dma_start3A_393 = tpu.memref_slice %arg21[%add3A_77, %dma_start3A_392] : memref<10112x144xf32, #tpu.memory_space<vmem_shared>> -> memref<16x144xf32, #tpu.memory_space<vmem_shared>>
      %dma_start3A_394 = arith.constant 0 : i32
      %dma_start3A_395 = arith.constant 0 : i32
      %dma_start3A_396 = tpu.memref_slice %arg19[%dma_start3A_394, %dma_start3A_395] : memref<16x144xf32, #tpu.memory_space<vmem>> -> memref<16x144xf32, #tpu.memory_space<vmem>>
      tpu.enqueue_dma source(%dma_start3A_396 : memref<16x144xf32, #tpu.memory_space<vmem>>) target(%dma_start3A_393 : memref<16x144xf32, #tpu.memory_space<vmem_shared>>) target_semaphore(%run_scoped3A : memref<!tpu.dma_semaphore, #tpu.memory_space<semaphore_mem>>)
      %dma_wait3A_397 = arith.constant 0 : i32
      %dma_wait3A_398 = arith.constant 0 : i32
      %dma_wait3A_399 = tpu.memref_slice %arg19[%dma_wait3A_397, %dma_wait3A_398] : memref<16x144xf32, #tpu.memory_space<vmem>> -> memref<16x144xf32, #tpu.memory_space<vmem>>
      %dma_wait3A_400 = arith.constant 0 : i32
      %dma_wait3A_401 = tpu.memref_slice %arg21[%add3A_77, %dma_wait3A_400] : memref<10112x144xf32, #tpu.memory_space<vmem_shared>> -> memref<16x144xf32, #tpu.memory_space<vmem_shared>>
      %dma_wait3A_402 = arith.constant 0 : i32
      %dma_wait3A_403 = tpu.memref_slice %arg21[%add3A_77, %dma_wait3A_402] : memref<10112x144xf32, #tpu.memory_space<vmem_shared>> -> memref<16x144xf32, #tpu.memory_space<vmem_shared>>
      %dma_wait3A_404 = arith.constant 0 : i32
      %dma_wait3A_405 = arith.constant 0 : i32
      %dma_wait3A_406 = tpu.memref_slice %arg19[%dma_wait3A_404, %dma_wait3A_405] : memref<16x144xf32, #tpu.memory_space<vmem>> -> memref<16x144xf32, #tpu.memory_space<vmem>>
      tpu.wait_dma2 semaphore(%run_scoped3A : memref<!tpu.dma_semaphore, #tpu.memory_space<semaphore_mem>>) src(%dma_wait3A_406 : memref<16x144xf32, #tpu.memory_space<vmem>>) dst(%dma_wait3A_403 : memref<16x144xf32, #tpu.memory_space<vmem_shared>>)
      tpu.yield
    }) : () -> ()
    %add3A_78 = arith.constant 464 : i32
    %add3A_79 = arith.addi %mul3A_0, %add3A_78 : i32
    "tpu.region"() ({
      %run_scoped3A = tpu.sem_alloc : memref<!tpu.dma_semaphore, #tpu.memory_space<semaphore_mem>>
      %dma_start3A_387 = arith.constant 0 : i32
      %dma_start3A_388 = arith.constant 0 : i32
      %dma_start3A_389 = tpu.memref_slice %arg19[%dma_start3A_387, %dma_start3A_388] : memref<16x144xf32, #tpu.memory_space<vmem>> -> memref<16x144xf32, #tpu.memory_space<vmem>>
      %dma_start3A_390 = arith.constant 0 : i32
      %dma_start3A_391 = tpu.memref_slice %arg21[%add3A_79, %dma_start3A_390] : memref<10112x144xf32, #tpu.memory_space<vmem_shared>> -> memref<16x144xf32, #tpu.memory_space<vmem_shared>>
      %dma_start3A_392 = arith.constant 0 : i32
      %dma_start3A_393 = tpu.memref_slice %arg21[%add3A_79, %dma_start3A_392] : memref<10112x144xf32, #tpu.memory_space<vmem_shared>> -> memref<16x144xf32, #tpu.memory_space<vmem_shared>>
      %dma_start3A_394 = arith.constant 0 : i32
      %dma_start3A_395 = arith.constant 0 : i32
      %dma_start3A_396 = tpu.memref_slice %arg19[%dma_start3A_394, %dma_start3A_395] : memref<16x144xf32, #tpu.memory_space<vmem>> -> memref<16x144xf32, #tpu.memory_space<vmem>>
      tpu.enqueue_dma source(%dma_start3A_396 : memref<16x144xf32, #tpu.memory_space<vmem>>) target(%dma_start3A_393 : memref<16x144xf32, #tpu.memory_space<vmem_shared>>) target_semaphore(%run_scoped3A : memref<!tpu.dma_semaphore, #tpu.memory_space<semaphore_mem>>)
      %dma_wait3A_397 = arith.constant 0 : i32
      %dma_wait3A_398 = arith.constant 0 : i32
      %dma_wait3A_399 = tpu.memref_slice %arg19[%dma_wait3A_397, %dma_wait3A_398] : memref<16x144xf32, #tpu.memory_space<vmem>> -> memref<16x144xf32, #tpu.memory_space<vmem>>
      %dma_wait3A_400 = arith.constant 0 : i32
      %dma_wait3A_401 = tpu.memref_slice %arg21[%add3A_79, %dma_wait3A_400] : memref<10112x144xf32, #tpu.memory_space<vmem_shared>> -> memref<16x144xf32, #tpu.memory_space<vmem_shared>>
      %dma_wait3A_402 = arith.constant 0 : i32
      %dma_wait3A_403 = tpu.memref_slice %arg21[%add3A_79, %dma_wait3A_402] : memref<10112x144xf32, #tpu.memory_space<vmem_shared>> -> memref<16x144xf32, #tpu.memory_space<vmem_shared>>
      %dma_wait3A_404 = arith.constant 0 : i32
      %dma_wait3A_405 = arith.constant 0 : i32
      %dma_wait3A_406 = tpu.memref_slice %arg19[%dma_wait3A_404, %dma_wait3A_405] : memref<16x144xf32, #tpu.memory_space<vmem>> -> memref<16x144xf32, #tpu.memory_space<vmem>>
      tpu.wait_dma2 semaphore(%run_scoped3A : memref<!tpu.dma_semaphore, #tpu.memory_space<semaphore_mem>>) src(%dma_wait3A_406 : memref<16x144xf32, #tpu.memory_space<vmem>>) dst(%dma_wait3A_403 : memref<16x144xf32, #tpu.memory_space<vmem_shared>>)
      tpu.yield
    }) : () -> ()
    %add3A_80 = arith.constant 480 : i32
    %add3A_81 = arith.addi %mul3A_0, %add3A_80 : i32
    "tpu.region"() ({
      %run_scoped3A = tpu.sem_alloc : memref<!tpu.dma_semaphore, #tpu.memory_space<semaphore_mem>>
      %dma_start3A_387 = arith.constant 0 : i32
      %dma_start3A_388 = arith.constant 0 : i32
      %dma_start3A_389 = tpu.memref_slice %arg19[%dma_start3A_387, %dma_start3A_388] : memref<16x144xf32, #tpu.memory_space<vmem>> -> memref<16x144xf32, #tpu.memory_space<vmem>>
      %dma_start3A_390 = arith.constant 0 : i32
      %dma_start3A_391 = tpu.memref_slice %arg21[%add3A_81, %dma_start3A_390] : memref<10112x144xf32, #tpu.memory_space<vmem_shared>> -> memref<16x144xf32, #tpu.memory_space<vmem_shared>>
      %dma_start3A_392 = arith.constant 0 : i32
      %dma_start3A_393 = tpu.memref_slice %arg21[%add3A_81, %dma_start3A_392] : memref<10112x144xf32, #tpu.memory_space<vmem_shared>> -> memref<16x144xf32, #tpu.memory_space<vmem_shared>>
      %dma_start3A_394 = arith.constant 0 : i32
      %dma_start3A_395 = arith.constant 0 : i32
      %dma_start3A_396 = tpu.memref_slice %arg19[%dma_start3A_394, %dma_start3A_395] : memref<16x144xf32, #tpu.memory_space<vmem>> -> memref<16x144xf32, #tpu.memory_space<vmem>>
      tpu.enqueue_dma source(%dma_start3A_396 : memref<16x144xf32, #tpu.memory_space<vmem>>) target(%dma_start3A_393 : memref<16x144xf32, #tpu.memory_space<vmem_shared>>) target_semaphore(%run_scoped3A : memref<!tpu.dma_semaphore, #tpu.memory_space<semaphore_mem>>)
      %dma_wait3A_397 = arith.constant 0 : i32
      %dma_wait3A_398 = arith.constant 0 : i32
      %dma_wait3A_399 = tpu.memref_slice %arg19[%dma_wait3A_397, %dma_wait3A_398] : memref<16x144xf32, #tpu.memory_space<vmem>> -> memref<16x144xf32, #tpu.memory_space<vmem>>
      %dma_wait3A_400 = arith.constant 0 : i32
      %dma_wait3A_401 = tpu.memref_slice %arg21[%add3A_81, %dma_wait3A_400] : memref<10112x144xf32, #tpu.memory_space<vmem_shared>> -> memref<16x144xf32, #tpu.memory_space<vmem_shared>>
      %dma_wait3A_402 = arith.constant 0 : i32
      %dma_wait3A_403 = tpu.memref_slice %arg21[%add3A_81, %dma_wait3A_402] : memref<10112x144xf32, #tpu.memory_space<vmem_shared>> -> memref<16x144xf32, #tpu.memory_space<vmem_shared>>
      %dma_wait3A_404 = arith.constant 0 : i32
      %dma_wait3A_405 = arith.constant 0 : i32
      %dma_wait3A_406 = tpu.memref_slice %arg19[%dma_wait3A_404, %dma_wait3A_405] : memref<16x144xf32, #tpu.memory_space<vmem>> -> memref<16x144xf32, #tpu.memory_space<vmem>>
      tpu.wait_dma2 semaphore(%run_scoped3A : memref<!tpu.dma_semaphore, #tpu.memory_space<semaphore_mem>>) src(%dma_wait3A_406 : memref<16x144xf32, #tpu.memory_space<vmem>>) dst(%dma_wait3A_403 : memref<16x144xf32, #tpu.memory_space<vmem_shared>>)
      tpu.yield
    }) : () -> ()
    %add3A_82 = arith.constant 496 : i32
    %add3A_83 = arith.addi %mul3A_0, %add3A_82 : i32
    "tpu.region"() ({
      %run_scoped3A = tpu.sem_alloc : memref<!tpu.dma_semaphore, #tpu.memory_space<semaphore_mem>>
      %dma_start3A_387 = arith.constant 0 : i32
      %dma_start3A_388 = arith.constant 0 : i32
      %dma_start3A_389 = tpu.memref_slice %arg19[%dma_start3A_387, %dma_start3A_388] : memref<16x144xf32, #tpu.memory_space<vmem>> -> memref<16x144xf32, #tpu.memory_space<vmem>>
      %dma_start3A_390 = arith.constant 0 : i32
      %dma_start3A_391 = tpu.memref_slice %arg21[%add3A_83, %dma_start3A_390] : memref<10112x144xf32, #tpu.memory_space<vmem_shared>> -> memref<16x144xf32, #tpu.memory_space<vmem_shared>>
      %dma_start3A_392 = arith.constant 0 : i32
      %dma_start3A_393 = tpu.memref_slice %arg21[%add3A_83, %dma_start3A_392] : memref<10112x144xf32, #tpu.memory_space<vmem_shared>> -> memref<16x144xf32, #tpu.memory_space<vmem_shared>>
      %dma_start3A_394 = arith.constant 0 : i32
      %dma_start3A_395 = arith.constant 0 : i32
      %dma_start3A_396 = tpu.memref_slice %arg19[%dma_start3A_394, %dma_start3A_395] : memref<16x144xf32, #tpu.memory_space<vmem>> -> memref<16x144xf32, #tpu.memory_space<vmem>>
      tpu.enqueue_dma source(%dma_start3A_396 : memref<16x144xf32, #tpu.memory_space<vmem>>) target(%dma_start3A_393 : memref<16x144xf32, #tpu.memory_space<vmem_shared>>) target_semaphore(%run_scoped3A : memref<!tpu.dma_semaphore, #tpu.memory_space<semaphore_mem>>)
      %dma_wait3A_397 = arith.constant 0 : i32
      %dma_wait3A_398 = arith.constant 0 : i32
      %dma_wait3A_399 = tpu.memref_slice %arg19[%dma_wait3A_397, %dma_wait3A_398] : memref<16x144xf32, #tpu.memory_space<vmem>> -> memref<16x144xf32, #tpu.memory_space<vmem>>
      %dma_wait3A_400 = arith.constant 0 : i32
      %dma_wait3A_401 = tpu.memref_slice %arg21[%add3A_83, %dma_wait3A_400] : memref<10112x144xf32, #tpu.memory_space<vmem_shared>> -> memref<16x144xf32, #tpu.memory_space<vmem_shared>>
      %dma_wait3A_402 = arith.constant 0 : i32
      %dma_wait3A_403 = tpu.memref_slice %arg21[%add3A_83, %dma_wait3A_402] : memref<10112x144xf32, #tpu.memory_space<vmem_shared>> -> memref<16x144xf32, #tpu.memory_space<vmem_shared>>
      %dma_wait3A_404 = arith.constant 0 : i32
      %dma_wait3A_405 = arith.constant 0 : i32
      %dma_wait3A_406 = tpu.memref_slice %arg19[%dma_wait3A_404, %dma_wait3A_405] : memref<16x144xf32, #tpu.memory_space<vmem>> -> memref<16x144xf32, #tpu.memory_space<vmem>>
      tpu.wait_dma2 semaphore(%run_scoped3A : memref<!tpu.dma_semaphore, #tpu.memory_space<semaphore_mem>>) src(%dma_wait3A_406 : memref<16x144xf32, #tpu.memory_space<vmem>>) dst(%dma_wait3A_403 : memref<16x144xf32, #tpu.memory_space<vmem_shared>>)
      tpu.yield
    }) : () -> ()
    %add3A_84 = arith.constant 512 : i32
    %add3A_85 = arith.addi %mul3A_0, %add3A_84 : i32
    "tpu.region"() ({
      %run_scoped3A = tpu.sem_alloc : memref<!tpu.dma_semaphore, #tpu.memory_space<semaphore_mem>>
      %dma_start3A_387 = arith.constant 0 : i32
      %dma_start3A_388 = arith.constant 0 : i32
      %dma_start3A_389 = tpu.memref_slice %arg19[%dma_start3A_387, %dma_start3A_388] : memref<16x144xf32, #tpu.memory_space<vmem>> -> memref<16x144xf32, #tpu.memory_space<vmem>>
      %dma_start3A_390 = arith.constant 0 : i32
      %dma_start3A_391 = tpu.memref_slice %arg21[%add3A_85, %dma_start3A_390] : memref<10112x144xf32, #tpu.memory_space<vmem_shared>> -> memref<16x144xf32, #tpu.memory_space<vmem_shared>>
      %dma_start3A_392 = arith.constant 0 : i32
      %dma_start3A_393 = tpu.memref_slice %arg21[%add3A_85, %dma_start3A_392] : memref<10112x144xf32, #tpu.memory_space<vmem_shared>> -> memref<16x144xf32, #tpu.memory_space<vmem_shared>>
      %dma_start3A_394 = arith.constant 0 : i32
      %dma_start3A_395 = arith.constant 0 : i32
      %dma_start3A_396 = tpu.memref_slice %arg19[%dma_start3A_394, %dma_start3A_395] : memref<16x144xf32, #tpu.memory_space<vmem>> -> memref<16x144xf32, #tpu.memory_space<vmem>>
      tpu.enqueue_dma source(%dma_start3A_396 : memref<16x144xf32, #tpu.memory_space<vmem>>) target(%dma_start3A_393 : memref<16x144xf32, #tpu.memory_space<vmem_shared>>) target_semaphore(%run_scoped3A : memref<!tpu.dma_semaphore, #tpu.memory_space<semaphore_mem>>)
      %dma_wait3A_397 = arith.constant 0 : i32
      %dma_wait3A_398 = arith.constant 0 : i32
      %dma_wait3A_399 = tpu.memref_slice %arg19[%dma_wait3A_397, %dma_wait3A_398] : memref<16x144xf32, #tpu.memory_space<vmem>> -> memref<16x144xf32, #tpu.memory_space<vmem>>
      %dma_wait3A_400 = arith.constant 0 : i32
      %dma_wait3A_401 = tpu.memref_slice %arg21[%add3A_85, %dma_wait3A_400] : memref<10112x144xf32, #tpu.memory_space<vmem_shared>> -> memref<16x144xf32, #tpu.memory_space<vmem_shared>>
      %dma_wait3A_402 = arith.constant 0 : i32
      %dma_wait3A_403 = tpu.memref_slice %arg21[%add3A_85, %dma_wait3A_402] : memref<10112x144xf32, #tpu.memory_space<vmem_shared>> -> memref<16x144xf32, #tpu.memory_space<vmem_shared>>
      %dma_wait3A_404 = arith.constant 0 : i32
      %dma_wait3A_405 = arith.constant 0 : i32
      %dma_wait3A_406 = tpu.memref_slice %arg19[%dma_wait3A_404, %dma_wait3A_405] : memref<16x144xf32, #tpu.memory_space<vmem>> -> memref<16x144xf32, #tpu.memory_space<vmem>>
      tpu.wait_dma2 semaphore(%run_scoped3A : memref<!tpu.dma_semaphore, #tpu.memory_space<semaphore_mem>>) src(%dma_wait3A_406 : memref<16x144xf32, #tpu.memory_space<vmem>>) dst(%dma_wait3A_403 : memref<16x144xf32, #tpu.memory_space<vmem_shared>>)
      tpu.yield
    }) : () -> ()
    %add3A_86 = arith.constant 528 : i32
    %add3A_87 = arith.addi %mul3A_0, %add3A_86 : i32
    "tpu.region"() ({
      %run_scoped3A = tpu.sem_alloc : memref<!tpu.dma_semaphore, #tpu.memory_space<semaphore_mem>>
      %dma_start3A_387 = arith.constant 0 : i32
      %dma_start3A_388 = arith.constant 0 : i32
      %dma_start3A_389 = tpu.memref_slice %arg19[%dma_start3A_387, %dma_start3A_388] : memref<16x144xf32, #tpu.memory_space<vmem>> -> memref<16x144xf32, #tpu.memory_space<vmem>>
      %dma_start3A_390 = arith.constant 0 : i32
      %dma_start3A_391 = tpu.memref_slice %arg21[%add3A_87, %dma_start3A_390] : memref<10112x144xf32, #tpu.memory_space<vmem_shared>> -> memref<16x144xf32, #tpu.memory_space<vmem_shared>>
      %dma_start3A_392 = arith.constant 0 : i32
      %dma_start3A_393 = tpu.memref_slice %arg21[%add3A_87, %dma_start3A_392] : memref<10112x144xf32, #tpu.memory_space<vmem_shared>> -> memref<16x144xf32, #tpu.memory_space<vmem_shared>>
      %dma_start3A_394 = arith.constant 0 : i32
      %dma_start3A_395 = arith.constant 0 : i32
      %dma_start3A_396 = tpu.memref_slice %arg19[%dma_start3A_394, %dma_start3A_395] : memref<16x144xf32, #tpu.memory_space<vmem>> -> memref<16x144xf32, #tpu.memory_space<vmem>>
      tpu.enqueue_dma source(%dma_start3A_396 : memref<16x144xf32, #tpu.memory_space<vmem>>) target(%dma_start3A_393 : memref<16x144xf32, #tpu.memory_space<vmem_shared>>) target_semaphore(%run_scoped3A : memref<!tpu.dma_semaphore, #tpu.memory_space<semaphore_mem>>)
      %dma_wait3A_397 = arith.constant 0 : i32
      %dma_wait3A_398 = arith.constant 0 : i32
      %dma_wait3A_399 = tpu.memref_slice %arg19[%dma_wait3A_397, %dma_wait3A_398] : memref<16x144xf32, #tpu.memory_space<vmem>> -> memref<16x144xf32, #tpu.memory_space<vmem>>
      %dma_wait3A_400 = arith.constant 0 : i32
      %dma_wait3A_401 = tpu.memref_slice %arg21[%add3A_87, %dma_wait3A_400] : memref<10112x144xf32, #tpu.memory_space<vmem_shared>> -> memref<16x144xf32, #tpu.memory_space<vmem_shared>>
      %dma_wait3A_402 = arith.constant 0 : i32
      %dma_wait3A_403 = tpu.memref_slice %arg21[%add3A_87, %dma_wait3A_402] : memref<10112x144xf32, #tpu.memory_space<vmem_shared>> -> memref<16x144xf32, #tpu.memory_space<vmem_shared>>
      %dma_wait3A_404 = arith.constant 0 : i32
      %dma_wait3A_405 = arith.constant 0 : i32
      %dma_wait3A_406 = tpu.memref_slice %arg19[%dma_wait3A_404, %dma_wait3A_405] : memref<16x144xf32, #tpu.memory_space<vmem>> -> memref<16x144xf32, #tpu.memory_space<vmem>>
      tpu.wait_dma2 semaphore(%run_scoped3A : memref<!tpu.dma_semaphore, #tpu.memory_space<semaphore_mem>>) src(%dma_wait3A_406 : memref<16x144xf32, #tpu.memory_space<vmem>>) dst(%dma_wait3A_403 : memref<16x144xf32, #tpu.memory_space<vmem_shared>>)
      tpu.yield
    }) : () -> ()
    %add3A_88 = arith.constant 544 : i32
    %add3A_89 = arith.addi %mul3A_0, %add3A_88 : i32
    "tpu.region"() ({
      %run_scoped3A = tpu.sem_alloc : memref<!tpu.dma_semaphore, #tpu.memory_space<semaphore_mem>>
      %dma_start3A_387 = arith.constant 0 : i32
      %dma_start3A_388 = arith.constant 0 : i32
      %dma_start3A_389 = tpu.memref_slice %arg19[%dma_start3A_387, %dma_start3A_388] : memref<16x144xf32, #tpu.memory_space<vmem>> -> memref<16x144xf32, #tpu.memory_space<vmem>>
      %dma_start3A_390 = arith.constant 0 : i32
      %dma_start3A_391 = tpu.memref_slice %arg21[%add3A_89, %dma_start3A_390] : memref<10112x144xf32, #tpu.memory_space<vmem_shared>> -> memref<16x144xf32, #tpu.memory_space<vmem_shared>>
      %dma_start3A_392 = arith.constant 0 : i32
      %dma_start3A_393 = tpu.memref_slice %arg21[%add3A_89, %dma_start3A_392] : memref<10112x144xf32, #tpu.memory_space<vmem_shared>> -> memref<16x144xf32, #tpu.memory_space<vmem_shared>>
      %dma_start3A_394 = arith.constant 0 : i32
      %dma_start3A_395 = arith.constant 0 : i32
      %dma_start3A_396 = tpu.memref_slice %arg19[%dma_start3A_394, %dma_start3A_395] : memref<16x144xf32, #tpu.memory_space<vmem>> -> memref<16x144xf32, #tpu.memory_space<vmem>>
      tpu.enqueue_dma source(%dma_start3A_396 : memref<16x144xf32, #tpu.memory_space<vmem>>) target(%dma_start3A_393 : memref<16x144xf32, #tpu.memory_space<vmem_shared>>) target_semaphore(%run_scoped3A : memref<!tpu.dma_semaphore, #tpu.memory_space<semaphore_mem>>)
      %dma_wait3A_397 = arith.constant 0 : i32
      %dma_wait3A_398 = arith.constant 0 : i32
      %dma_wait3A_399 = tpu.memref_slice %arg19[%dma_wait3A_397, %dma_wait3A_398] : memref<16x144xf32, #tpu.memory_space<vmem>> -> memref<16x144xf32, #tpu.memory_space<vmem>>
      %dma_wait3A_400 = arith.constant 0 : i32
      %dma_wait3A_401 = tpu.memref_slice %arg21[%add3A_89, %dma_wait3A_400] : memref<10112x144xf32, #tpu.memory_space<vmem_shared>> -> memref<16x144xf32, #tpu.memory_space<vmem_shared>>
      %dma_wait3A_402 = arith.constant 0 : i32
      %dma_wait3A_403 = tpu.memref_slice %arg21[%add3A_89, %dma_wait3A_402] : memref<10112x144xf32, #tpu.memory_space<vmem_shared>> -> memref<16x144xf32, #tpu.memory_space<vmem_shared>>
      %dma_wait3A_404 = arith.constant 0 : i32
      %dma_wait3A_405 = arith.constant 0 : i32
      %dma_wait3A_406 = tpu.memref_slice %arg19[%dma_wait3A_404, %dma_wait3A_405] : memref<16x144xf32, #tpu.memory_space<vmem>> -> memref<16x144xf32, #tpu.memory_space<vmem>>
      tpu.wait_dma2 semaphore(%run_scoped3A : memref<!tpu.dma_semaphore, #tpu.memory_space<semaphore_mem>>) src(%dma_wait3A_406 : memref<16x144xf32, #tpu.memory_space<vmem>>) dst(%dma_wait3A_403 : memref<16x144xf32, #tpu.memory_space<vmem_shared>>)
      tpu.yield
    }) : () -> ()
    %add3A_90 = arith.constant 560 : i32
    %add3A_91 = arith.addi %mul3A_0, %add3A_90 : i32
    "tpu.region"() ({
      %run_scoped3A = tpu.sem_alloc : memref<!tpu.dma_semaphore, #tpu.memory_space<semaphore_mem>>
      %dma_start3A_387 = arith.constant 0 : i32
      %dma_start3A_388 = arith.constant 0 : i32
      %dma_start3A_389 = tpu.memref_slice %arg19[%dma_start3A_387, %dma_start3A_388] : memref<16x144xf32, #tpu.memory_space<vmem>> -> memref<16x144xf32, #tpu.memory_space<vmem>>
      %dma_start3A_390 = arith.constant 0 : i32
      %dma_start3A_391 = tpu.memref_slice %arg21[%add3A_91, %dma_start3A_390] : memref<10112x144xf32, #tpu.memory_space<vmem_shared>> -> memref<16x144xf32, #tpu.memory_space<vmem_shared>>
      %dma_start3A_392 = arith.constant 0 : i32
      %dma_start3A_393 = tpu.memref_slice %arg21[%add3A_91, %dma_start3A_392] : memref<10112x144xf32, #tpu.memory_space<vmem_shared>> -> memref<16x144xf32, #tpu.memory_space<vmem_shared>>
      %dma_start3A_394 = arith.constant 0 : i32
      %dma_start3A_395 = arith.constant 0 : i32
      %dma_start3A_396 = tpu.memref_slice %arg19[%dma_start3A_394, %dma_start3A_395] : memref<16x144xf32, #tpu.memory_space<vmem>> -> memref<16x144xf32, #tpu.memory_space<vmem>>
      tpu.enqueue_dma source(%dma_start3A_396 : memref<16x144xf32, #tpu.memory_space<vmem>>) target(%dma_start3A_393 : memref<16x144xf32, #tpu.memory_space<vmem_shared>>) target_semaphore(%run_scoped3A : memref<!tpu.dma_semaphore, #tpu.memory_space<semaphore_mem>>)
      %dma_wait3A_397 = arith.constant 0 : i32
      %dma_wait3A_398 = arith.constant 0 : i32
      %dma_wait3A_399 = tpu.memref_slice %arg19[%dma_wait3A_397, %dma_wait3A_398] : memref<16x144xf32, #tpu.memory_space<vmem>> -> memref<16x144xf32, #tpu.memory_space<vmem>>
      %dma_wait3A_400 = arith.constant 0 : i32
      %dma_wait3A_401 = tpu.memref_slice %arg21[%add3A_91, %dma_wait3A_400] : memref<10112x144xf32, #tpu.memory_space<vmem_shared>> -> memref<16x144xf32, #tpu.memory_space<vmem_shared>>
      %dma_wait3A_402 = arith.constant 0 : i32
      %dma_wait3A_403 = tpu.memref_slice %arg21[%add3A_91, %dma_wait3A_402] : memref<10112x144xf32, #tpu.memory_space<vmem_shared>> -> memref<16x144xf32, #tpu.memory_space<vmem_shared>>
      %dma_wait3A_404 = arith.constant 0 : i32
      %dma_wait3A_405 = arith.constant 0 : i32
      %dma_wait3A_406 = tpu.memref_slice %arg19[%dma_wait3A_404, %dma_wait3A_405] : memref<16x144xf32, #tpu.memory_space<vmem>> -> memref<16x144xf32, #tpu.memory_space<vmem>>
      tpu.wait_dma2 semaphore(%run_scoped3A : memref<!tpu.dma_semaphore, #tpu.memory_space<semaphore_mem>>) src(%dma_wait3A_406 : memref<16x144xf32, #tpu.memory_space<vmem>>) dst(%dma_wait3A_403 : memref<16x144xf32, #tpu.memory_space<vmem_shared>>)
      tpu.yield
    }) : () -> ()
    %add3A_92 = arith.constant 576 : i32
    %add3A_93 = arith.addi %mul3A_0, %add3A_92 : i32
    "tpu.region"() ({
      %run_scoped3A = tpu.sem_alloc : memref<!tpu.dma_semaphore, #tpu.memory_space<semaphore_mem>>
      %dma_start3A_387 = arith.constant 0 : i32
      %dma_start3A_388 = arith.constant 0 : i32
      %dma_start3A_389 = tpu.memref_slice %arg19[%dma_start3A_387, %dma_start3A_388] : memref<16x144xf32, #tpu.memory_space<vmem>> -> memref<16x144xf32, #tpu.memory_space<vmem>>
      %dma_start3A_390 = arith.constant 0 : i32
      %dma_start3A_391 = tpu.memref_slice %arg21[%add3A_93, %dma_start3A_390] : memref<10112x144xf32, #tpu.memory_space<vmem_shared>> -> memref<16x144xf32, #tpu.memory_space<vmem_shared>>
      %dma_start3A_392 = arith.constant 0 : i32
      %dma_start3A_393 = tpu.memref_slice %arg21[%add3A_93, %dma_start3A_392] : memref<10112x144xf32, #tpu.memory_space<vmem_shared>> -> memref<16x144xf32, #tpu.memory_space<vmem_shared>>
      %dma_start3A_394 = arith.constant 0 : i32
      %dma_start3A_395 = arith.constant 0 : i32
      %dma_start3A_396 = tpu.memref_slice %arg19[%dma_start3A_394, %dma_start3A_395] : memref<16x144xf32, #tpu.memory_space<vmem>> -> memref<16x144xf32, #tpu.memory_space<vmem>>
      tpu.enqueue_dma source(%dma_start3A_396 : memref<16x144xf32, #tpu.memory_space<vmem>>) target(%dma_start3A_393 : memref<16x144xf32, #tpu.memory_space<vmem_shared>>) target_semaphore(%run_scoped3A : memref<!tpu.dma_semaphore, #tpu.memory_space<semaphore_mem>>)
      %dma_wait3A_397 = arith.constant 0 : i32
      %dma_wait3A_398 = arith.constant 0 : i32
      %dma_wait3A_399 = tpu.memref_slice %arg19[%dma_wait3A_397, %dma_wait3A_398] : memref<16x144xf32, #tpu.memory_space<vmem>> -> memref<16x144xf32, #tpu.memory_space<vmem>>
      %dma_wait3A_400 = arith.constant 0 : i32
      %dma_wait3A_401 = tpu.memref_slice %arg21[%add3A_93, %dma_wait3A_400] : memref<10112x144xf32, #tpu.memory_space<vmem_shared>> -> memref<16x144xf32, #tpu.memory_space<vmem_shared>>
      %dma_wait3A_402 = arith.constant 0 : i32
      %dma_wait3A_403 = tpu.memref_slice %arg21[%add3A_93, %dma_wait3A_402] : memref<10112x144xf32, #tpu.memory_space<vmem_shared>> -> memref<16x144xf32, #tpu.memory_space<vmem_shared>>
      %dma_wait3A_404 = arith.constant 0 : i32
      %dma_wait3A_405 = arith.constant 0 : i32
      %dma_wait3A_406 = tpu.memref_slice %arg19[%dma_wait3A_404, %dma_wait3A_405] : memref<16x144xf32, #tpu.memory_space<vmem>> -> memref<16x144xf32, #tpu.memory_space<vmem>>
      tpu.wait_dma2 semaphore(%run_scoped3A : memref<!tpu.dma_semaphore, #tpu.memory_space<semaphore_mem>>) src(%dma_wait3A_406 : memref<16x144xf32, #tpu.memory_space<vmem>>) dst(%dma_wait3A_403 : memref<16x144xf32, #tpu.memory_space<vmem_shared>>)
      tpu.yield
    }) : () -> ()
    %add3A_94 = arith.constant 592 : i32
    %add3A_95 = arith.addi %mul3A_0, %add3A_94 : i32
    "tpu.region"() ({
      %run_scoped3A = tpu.sem_alloc : memref<!tpu.dma_semaphore, #tpu.memory_space<semaphore_mem>>
      %dma_start3A_387 = arith.constant 0 : i32
      %dma_start3A_388 = arith.constant 0 : i32
      %dma_start3A_389 = tpu.memref_slice %arg19[%dma_start3A_387, %dma_start3A_388] : memref<16x144xf32, #tpu.memory_space<vmem>> -> memref<16x144xf32, #tpu.memory_space<vmem>>
      %dma_start3A_390 = arith.constant 0 : i32
      %dma_start3A_391 = tpu.memref_slice %arg21[%add3A_95, %dma_start3A_390] : memref<10112x144xf32, #tpu.memory_space<vmem_shared>> -> memref<16x144xf32, #tpu.memory_space<vmem_shared>>
      %dma_start3A_392 = arith.constant 0 : i32
      %dma_start3A_393 = tpu.memref_slice %arg21[%add3A_95, %dma_start3A_392] : memref<10112x144xf32, #tpu.memory_space<vmem_shared>> -> memref<16x144xf32, #tpu.memory_space<vmem_shared>>
      %dma_start3A_394 = arith.constant 0 : i32
      %dma_start3A_395 = arith.constant 0 : i32
      %dma_start3A_396 = tpu.memref_slice %arg19[%dma_start3A_394, %dma_start3A_395] : memref<16x144xf32, #tpu.memory_space<vmem>> -> memref<16x144xf32, #tpu.memory_space<vmem>>
      tpu.enqueue_dma source(%dma_start3A_396 : memref<16x144xf32, #tpu.memory_space<vmem>>) target(%dma_start3A_393 : memref<16x144xf32, #tpu.memory_space<vmem_shared>>) target_semaphore(%run_scoped3A : memref<!tpu.dma_semaphore, #tpu.memory_space<semaphore_mem>>)
      %dma_wait3A_397 = arith.constant 0 : i32
      %dma_wait3A_398 = arith.constant 0 : i32
      %dma_wait3A_399 = tpu.memref_slice %arg19[%dma_wait3A_397, %dma_wait3A_398] : memref<16x144xf32, #tpu.memory_space<vmem>> -> memref<16x144xf32, #tpu.memory_space<vmem>>
      %dma_wait3A_400 = arith.constant 0 : i32
      %dma_wait3A_401 = tpu.memref_slice %arg21[%add3A_95, %dma_wait3A_400] : memref<10112x144xf32, #tpu.memory_space<vmem_shared>> -> memref<16x144xf32, #tpu.memory_space<vmem_shared>>
      %dma_wait3A_402 = arith.constant 0 : i32
      %dma_wait3A_403 = tpu.memref_slice %arg21[%add3A_95, %dma_wait3A_402] : memref<10112x144xf32, #tpu.memory_space<vmem_shared>> -> memref<16x144xf32, #tpu.memory_space<vmem_shared>>
      %dma_wait3A_404 = arith.constant 0 : i32
      %dma_wait3A_405 = arith.constant 0 : i32
      %dma_wait3A_406 = tpu.memref_slice %arg19[%dma_wait3A_404, %dma_wait3A_405] : memref<16x144xf32, #tpu.memory_space<vmem>> -> memref<16x144xf32, #tpu.memory_space<vmem>>
      tpu.wait_dma2 semaphore(%run_scoped3A : memref<!tpu.dma_semaphore, #tpu.memory_space<semaphore_mem>>) src(%dma_wait3A_406 : memref<16x144xf32, #tpu.memory_space<vmem>>) dst(%dma_wait3A_403 : memref<16x144xf32, #tpu.memory_space<vmem_shared>>)
      tpu.yield
    }) : () -> ()
    %add3A_96 = arith.constant 608 : i32
    %add3A_97 = arith.addi %mul3A_0, %add3A_96 : i32
    "tpu.region"() ({
      %run_scoped3A = tpu.sem_alloc : memref<!tpu.dma_semaphore, #tpu.memory_space<semaphore_mem>>
      %dma_start3A_387 = arith.constant 0 : i32
      %dma_start3A_388 = arith.constant 0 : i32
      %dma_start3A_389 = tpu.memref_slice %arg19[%dma_start3A_387, %dma_start3A_388] : memref<16x144xf32, #tpu.memory_space<vmem>> -> memref<16x144xf32, #tpu.memory_space<vmem>>
      %dma_start3A_390 = arith.constant 0 : i32
      %dma_start3A_391 = tpu.memref_slice %arg21[%add3A_97, %dma_start3A_390] : memref<10112x144xf32, #tpu.memory_space<vmem_shared>> -> memref<16x144xf32, #tpu.memory_space<vmem_shared>>
      %dma_start3A_392 = arith.constant 0 : i32
      %dma_start3A_393 = tpu.memref_slice %arg21[%add3A_97, %dma_start3A_392] : memref<10112x144xf32, #tpu.memory_space<vmem_shared>> -> memref<16x144xf32, #tpu.memory_space<vmem_shared>>
      %dma_start3A_394 = arith.constant 0 : i32
      %dma_start3A_395 = arith.constant 0 : i32
      %dma_start3A_396 = tpu.memref_slice %arg19[%dma_start3A_394, %dma_start3A_395] : memref<16x144xf32, #tpu.memory_space<vmem>> -> memref<16x144xf32, #tpu.memory_space<vmem>>
      tpu.enqueue_dma source(%dma_start3A_396 : memref<16x144xf32, #tpu.memory_space<vmem>>) target(%dma_start3A_393 : memref<16x144xf32, #tpu.memory_space<vmem_shared>>) target_semaphore(%run_scoped3A : memref<!tpu.dma_semaphore, #tpu.memory_space<semaphore_mem>>)
      %dma_wait3A_397 = arith.constant 0 : i32
      %dma_wait3A_398 = arith.constant 0 : i32
      %dma_wait3A_399 = tpu.memref_slice %arg19[%dma_wait3A_397, %dma_wait3A_398] : memref<16x144xf32, #tpu.memory_space<vmem>> -> memref<16x144xf32, #tpu.memory_space<vmem>>
      %dma_wait3A_400 = arith.constant 0 : i32
      %dma_wait3A_401 = tpu.memref_slice %arg21[%add3A_97, %dma_wait3A_400] : memref<10112x144xf32, #tpu.memory_space<vmem_shared>> -> memref<16x144xf32, #tpu.memory_space<vmem_shared>>
      %dma_wait3A_402 = arith.constant 0 : i32
      %dma_wait3A_403 = tpu.memref_slice %arg21[%add3A_97, %dma_wait3A_402] : memref<10112x144xf32, #tpu.memory_space<vmem_shared>> -> memref<16x144xf32, #tpu.memory_space<vmem_shared>>
      %dma_wait3A_404 = arith.constant 0 : i32
      %dma_wait3A_405 = arith.constant 0 : i32
      %dma_wait3A_406 = tpu.memref_slice %arg19[%dma_wait3A_404, %dma_wait3A_405] : memref<16x144xf32, #tpu.memory_space<vmem>> -> memref<16x144xf32, #tpu.memory_space<vmem>>
      tpu.wait_dma2 semaphore(%run_scoped3A : memref<!tpu.dma_semaphore, #tpu.memory_space<semaphore_mem>>) src(%dma_wait3A_406 : memref<16x144xf32, #tpu.memory_space<vmem>>) dst(%dma_wait3A_403 : memref<16x144xf32, #tpu.memory_space<vmem_shared>>)
      tpu.yield
    }) : () -> ()
    %add3A_98 = arith.constant 624 : i32
    %add3A_99 = arith.addi %mul3A_0, %add3A_98 : i32
    "tpu.region"() ({
      %run_scoped3A = tpu.sem_alloc : memref<!tpu.dma_semaphore, #tpu.memory_space<semaphore_mem>>
      %dma_start3A_387 = arith.constant 0 : i32
      %dma_start3A_388 = arith.constant 0 : i32
      %dma_start3A_389 = tpu.memref_slice %arg19[%dma_start3A_387, %dma_start3A_388] : memref<16x144xf32, #tpu.memory_space<vmem>> -> memref<8x144xf32, #tpu.memory_space<vmem>>
      %dma_start3A_390 = arith.constant 0 : i32
      %dma_start3A_391 = tpu.memref_slice %arg21[%add3A_99, %dma_start3A_390] : memref<10112x144xf32, #tpu.memory_space<vmem_shared>> -> memref<8x144xf32, #tpu.memory_space<vmem_shared>>
      %dma_start3A_392 = arith.constant 0 : i32
      %dma_start3A_393 = tpu.memref_slice %arg21[%add3A_99, %dma_start3A_392] : memref<10112x144xf32, #tpu.memory_space<vmem_shared>> -> memref<8x144xf32, #tpu.memory_space<vmem_shared>>
      %dma_start3A_394 = arith.constant 0 : i32
      %dma_start3A_395 = arith.constant 0 : i32
      %dma_start3A_396 = tpu.memref_slice %arg19[%dma_start3A_394, %dma_start3A_395] : memref<16x144xf32, #tpu.memory_space<vmem>> -> memref<8x144xf32, #tpu.memory_space<vmem>>
      tpu.enqueue_dma source(%dma_start3A_396 : memref<8x144xf32, #tpu.memory_space<vmem>>) target(%dma_start3A_393 : memref<8x144xf32, #tpu.memory_space<vmem_shared>>) target_semaphore(%run_scoped3A : memref<!tpu.dma_semaphore, #tpu.memory_space<semaphore_mem>>)
      %dma_wait3A_397 = arith.constant 0 : i32
      %dma_wait3A_398 = arith.constant 0 : i32
      %dma_wait3A_399 = tpu.memref_slice %arg19[%dma_wait3A_397, %dma_wait3A_398] : memref<16x144xf32, #tpu.memory_space<vmem>> -> memref<8x144xf32, #tpu.memory_space<vmem>>
      %dma_wait3A_400 = arith.constant 0 : i32
      %dma_wait3A_401 = tpu.memref_slice %arg21[%add3A_99, %dma_wait3A_400] : memref<10112x144xf32, #tpu.memory_space<vmem_shared>> -> memref<8x144xf32, #tpu.memory_space<vmem_shared>>
      %dma_wait3A_402 = arith.constant 0 : i32
      %dma_wait3A_403 = tpu.memref_slice %arg21[%add3A_99, %dma_wait3A_402] : memref<10112x144xf32, #tpu.memory_space<vmem_shared>> -> memref<8x144xf32, #tpu.memory_space<vmem_shared>>
      %dma_wait3A_404 = arith.constant 0 : i32
      %dma_wait3A_405 = arith.constant 0 : i32
      %dma_wait3A_406 = tpu.memref_slice %arg19[%dma_wait3A_404, %dma_wait3A_405] : memref<16x144xf32, #tpu.memory_space<vmem>> -> memref<8x144xf32, #tpu.memory_space<vmem>>
      tpu.wait_dma2 semaphore(%run_scoped3A : memref<!tpu.dma_semaphore, #tpu.memory_space<semaphore_mem>>) src(%dma_wait3A_406 : memref<8x144xf32, #tpu.memory_space<vmem>>) dst(%dma_wait3A_403 : memref<8x144xf32, #tpu.memory_space<vmem_shared>>)
      tpu.yield
    }) : () -> ()
    %add3A_100 = arith.addi %mul3A_13, %mul3A_0 : i32
    "tpu.region"() ({
      %run_scoped3A = tpu.sem_alloc : memref<!tpu.dma_semaphore, #tpu.memory_space<semaphore_mem>>
      %dma_start3A_387 = arith.constant 0 : i32
      %dma_start3A_388 = tpu.memref_slice %arg22[%mul3A_0, %dma_start3A_387] : memref<10112x16xf32, #tpu.memory_space<vmem_shared>> -> memref<632x16xf32, #tpu.memory_space<vmem_shared>>
      %dma_start3A_389 = arith.constant 0 : i32
      %dma_start3A_390 = tpu.memref_slice %arg2[%add3A_100, %dma_start3A_389] : memref<40448x16xf32, #tpu.memory_space<hbm>> -> memref<632x16xf32, #tpu.memory_space<hbm>>
      tpu.enqueue_dma source(%dma_start3A_390 : memref<632x16xf32, #tpu.memory_space<hbm>>) target(%dma_start3A_388 : memref<632x16xf32, #tpu.memory_space<vmem_shared>>) target_semaphore(%run_scoped3A : memref<!tpu.dma_semaphore, #tpu.memory_space<semaphore_mem>>)
      %dma_wait3A_391 = arith.constant 0 : i32
      %dma_wait3A_392 = tpu.memref_slice %arg22[%mul3A_0, %dma_wait3A_391] : memref<10112x16xf32, #tpu.memory_space<vmem_shared>> -> memref<632x16xf32, #tpu.memory_space<vmem_shared>>
      %dma_wait3A_393 = arith.constant 0 : i32
      %dma_wait3A_394 = tpu.memref_slice %arg2[%add3A_100, %dma_wait3A_393] : memref<40448x16xf32, #tpu.memory_space<hbm>> -> memref<632x16xf32, #tpu.memory_space<hbm>>
      tpu.wait_dma2 semaphore(%run_scoped3A : memref<!tpu.dma_semaphore, #tpu.memory_space<semaphore_mem>>) src(%dma_wait3A_394 : memref<632x16xf32, #tpu.memory_space<hbm>>) dst(%dma_wait3A_392 : memref<632x16xf32, #tpu.memory_space<vmem_shared>>)
      tpu.yield
    }) : () -> ()
    %barrier3A = arith.constant 0 : index
    tpu.barrier barrier_id(%barrier3A)
    %add3A_101 = arith.addi %mul3A_13, %mul3A_0 : i32
    %dma_start3A = arith.constant 0 : i32
    %dma_start3A_102 = tpu.memref_slice %arg6[%add3A_101, %dma_start3A] : memref<40448x144xf32, #tpu.memory_space<hbm>> -> memref<16x144xf32, #tpu.memory_space<hbm>>
    %dma_start3A_103 = arith.constant 0 : i32
    %dma_start3A_104 = tpu.memref_slice %arg6[%add3A_101, %dma_start3A_103] : memref<40448x144xf32, #tpu.memory_space<hbm>> -> memref<16x144xf32, #tpu.memory_space<hbm>>
    tpu.enqueue_dma source(%arg19 : memref<16x144xf32, #tpu.memory_space<vmem>>) target(%dma_start3A_104 : memref<16x144xf32, #tpu.memory_space<hbm>>) target_semaphore(%arg27 : memref<!tpu.dma_semaphore, #tpu.memory_space<semaphore_mem>>)
    %add3A_105 = arith.addi %mul3A_13, %mul3A_0 : i32
    %dma_start3A_106 = arith.constant 0 : i32
    %dma_start3A_107 = tpu.memref_slice %arg6[%add3A_105, %dma_start3A_106] : memref<40448x144xf32, #tpu.memory_space<hbm>> -> memref<16x144xf32, #tpu.memory_space<hbm>>
    %dma_start3A_108 = arith.constant 0 : i32
    %dma_start3A_109 = tpu.memref_slice %arg6[%add3A_105, %dma_start3A_108] : memref<40448x144xf32, #tpu.memory_space<hbm>> -> memref<16x144xf32, #tpu.memory_space<hbm>>
    tpu.enqueue_dma source(%arg20 : memref<16x144xf32, #tpu.memory_space<vmem>>) target(%dma_start3A_109 : memref<16x144xf32, #tpu.memory_space<hbm>>) target_semaphore(%arg28 : memref<!tpu.dma_semaphore, #tpu.memory_space<semaphore_mem>>)
    %get3A = arith.constant 0 : index
    %get3A_110 = tpu.vector_load %arg7[%get3A] {strides = array<i32>} : memref<10752xi32, #tpu.memory_space<vmem>>, vector<16xi32>,
    %get3A_111 = vector.shape_cast %get3A_110 : vector<16xi32> to vector<16xi32>
    %swap3A = arith.constant 0 : index
    %swap3A_112 = tpu.vector_load %arg13[%swap3A] {strides = array<i32>} : memref<16xi32, #tpu.memory_space<vmem>>, vector<16xi32>,
    %swap3A_113 = vector.shape_cast %swap3A_112 : vector<16xi32> to vector<16xi32>
    %swap3A_114 = vector.shape_cast %get3A_111 : vector<16xi32> to vector<16xi32>
    tpu.vector_store %arg13[%swap3A], %swap3A_114 {strides = array<i32>} : memref<16xi32, #tpu.memory_space<vmem>>, vector<16xi32>,
    %add3A_115 = vector.broadcast %mul3A_13 : i32 to vector<16xi32>
    %add3A_116 = arith.addi %get3A_111, %add3A_115 : vector<16xi32>
    %swap3A_117 = arith.constant 0 : index
    %swap3A_118 = tpu.vector_load %arg9[%swap3A_117] {strides = array<i32>} : memref<16xi32, #tpu.memory_space<vmem>>, vector<16xi32>,
    %swap3A_119 = vector.shape_cast %swap3A_118 : vector<16xi32> to vector<16xi32>
    %swap3A_120 = vector.shape_cast %add3A_116 : vector<16xi32> to vector<16xi32>
    tpu.vector_store %arg9[%swap3A_117], %swap3A_120 {strides = array<i32>} : memref<16xi32, #tpu.memory_space<vmem>>, vector<16xi32>,
    %dma_start3A_121 = arith.constant 0 : i32
    %dma_start3A_122 = arith.constant 0 : i32
    %dma_start3A_123 = tpu.memref_slice %arg22[%dma_start3A_121, %dma_start3A_122] : memref<10112x16xf32, #tpu.memory_space<vmem_shared>> -> memref<10112x16xf32, #tpu.memory_space<vmem_shared>>
    tpu.enqueue_indirect_dma source(%dma_start3A_123 : memref<10112x16xf32, #tpu.memory_space<vmem_shared>>) target(%arg15 : memref<16x16xf32, #tpu.memory_space<vmem>>) offsets(%arg13 : memref<16xi32, #tpu.memory_space<vmem>>) semaphore(%arg23 : memref<!tpu.dma_semaphore, #tpu.memory_space<semaphore_mem>>)
    %dma_start3A_124 = arith.constant 0 : i32
    %dma_start3A_125 = arith.constant 0 : i32
    %dma_start3A_126 = tpu.memref_slice %arg3[%dma_start3A_124, %dma_start3A_125] : memref<40448x64xi32, #tpu.memory_space<hbm>> -> memref<40448x64xi32, #tpu.memory_space<hbm>>
    tpu.enqueue_indirect_dma source(%dma_start3A_126 : memref<40448x64xi32, #tpu.memory_space<hbm>>) target(%arg17 : memref<16x64xi32, #tpu.memory_space<vmem>>) offsets(%arg9 : memref<16xi32, #tpu.memory_space<vmem>>) semaphore(%arg25 : memref<!tpu.dma_semaphore, #tpu.memory_space<semaphore_mem>>)
    %get3A_127 = arith.constant 16 : index
    %get3A_128 = tpu.vector_load %arg7[%get3A_127] {strides = array<i32>} : memref<10752xi32, #tpu.memory_space<vmem>>, vector<16xi32>,
    %get3A_129 = vector.shape_cast %get3A_128 : vector<16xi32> to vector<16xi32>
    %swap3A_130 = arith.constant 0 : index
    %swap3A_131 = tpu.vector_load %arg14[%swap3A_130] {strides = array<i32>} : memref<16xi32, #tpu.memory_space<vmem>>, vector<16xi32>,
    %swap3A_132 = vector.shape_cast %swap3A_131 : vector<16xi32> to vector<16xi32>
    %swap3A_133 = vector.shape_cast %get3A_129 : vector<16xi32> to vector<16xi32>
    tpu.vector_store %arg14[%swap3A_130], %swap3A_133 {strides = array<i32>} : memref<16xi32, #tpu.memory_space<vmem>>, vector<16xi32>,
    %add3A_134 = vector.broadcast %mul3A_13 : i32 to vector<16xi32>
    %add3A_135 = arith.addi %get3A_129, %add3A_134 : vector<16xi32>
    %swap3A_136 = arith.constant 0 : index
    %swap3A_137 = tpu.vector_load %arg10[%swap3A_136] {strides = array<i32>} : memref<16xi32, #tpu.memory_space<vmem>>, vector<16xi32>,
    %swap3A_138 = vector.shape_cast %swap3A_137 : vector<16xi32> to vector<16xi32>
    %swap3A_139 = vector.shape_cast %add3A_135 : vector<16xi32> to vector<16xi32>
    tpu.vector_store %arg10[%swap3A_136], %swap3A_139 {strides = array<i32>} : memref<16xi32, #tpu.memory_space<vmem>>, vector<16xi32>,
    %dma_start3A_140 = arith.constant 0 : i32
    %dma_start3A_141 = arith.constant 0 : i32
    %dma_start3A_142 = tpu.memref_slice %arg22[%dma_start3A_140, %dma_start3A_141] : memref<10112x16xf32, #tpu.memory_space<vmem_shared>> -> memref<10112x16xf32, #tpu.memory_space<vmem_shared>>
    tpu.enqueue_indirect_dma source(%dma_start3A_142 : memref<10112x16xf32, #tpu.memory_space<vmem_shared>>) target(%arg16 : memref<16x16xf32, #tpu.memory_space<vmem>>) offsets(%arg14 : memref<16xi32, #tpu.memory_space<vmem>>) semaphore(%arg24 : memref<!tpu.dma_semaphore, #tpu.memory_space<semaphore_mem>>)
    %dma_start3A_143 = arith.constant 0 : i32
    %dma_start3A_144 = arith.constant 0 : i32
    %dma_start3A_145 = tpu.memref_slice %arg3[%dma_start3A_143, %dma_start3A_144] : memref<40448x64xi32, #tpu.memory_space<hbm>> -> memref<40448x64xi32, #tpu.memory_space<hbm>>
    tpu.enqueue_indirect_dma source(%dma_start3A_145 : memref<40448x64xi32, #tpu.memory_space<hbm>>) target(%arg18 : memref<16x64xi32, #tpu.memory_space<vmem>>) offsets(%arg10 : memref<16xi32, #tpu.memory_space<vmem>>) semaphore(%arg26 : memref<!tpu.dma_semaphore, #tpu.memory_space<semaphore_mem>>)
    %scan3A_146 = arith.constant 0 : i32
    %scan3A_147 = arith.constant 0 : i32
    %scan3A_148 = arith.constant 336 : i32
    %scan3A_149 = arith.addi %scan3A_147, %scan3A_148 : i32
    %scan3A_150 = arith.constant 1 : i32
    scf.for %scan3A_387 = %scan3A_147 to %scan3A_149 step %scan3A_150  : i32 {
      %mul3A_388 = arith.constant 2 : i32
      %mul3A_389 = arith.muli %mul3A_388, %scan3A_387 : i32
      %add3A_390 = arith.constant 0 : i32
      %add3A_391 = arith.addi %mul3A_389, %add3A_390 : i32
      %dma_wait3A_392 = arith.constant 0 : i32
      %dma_wait3A_393 = arith.constant 0 : i32
      %dma_wait3A_394 = tpu.memref_slice %arg22[%dma_wait3A_392, %dma_wait3A_393] : memref<10112x16xf32, #tpu.memory_space<vmem_shared>> -> memref<10112x16xf32, #tpu.memory_space<vmem_shared>>
      tpu.wait_indirect_dma semaphore(%arg23 : memref<!tpu.dma_semaphore, #tpu.memory_space<semaphore_mem>>) src(%dma_wait3A_394 : memref<10112x16xf32, #tpu.memory_space<vmem_shared>>) dst(%arg15 : memref<16x16xf32, #tpu.memory_space<vmem>>)
      %dma_wait3A_395 = arith.constant 0 : i32
      %dma_wait3A_396 = arith.constant 0 : i32
      %dma_wait3A_397 = tpu.memref_slice %arg3[%dma_wait3A_395, %dma_wait3A_396] : memref<40448x64xi32, #tpu.memory_space<hbm>> -> memref<40448x64xi32, #tpu.memory_space<hbm>>
      tpu.wait_indirect_dma semaphore(%arg25 : memref<!tpu.dma_semaphore, #tpu.memory_space<semaphore_mem>>) src(%dma_wait3A_397 : memref<40448x64xi32, #tpu.memory_space<hbm>>) dst(%arg17 : memref<16x64xi32, #tpu.memory_space<vmem>>)
      %dma_wait3A_398 = arith.constant 0 : i32
      %dma_wait3A_399 = arith.constant 0 : i32
      %dma_wait3A_400 = tpu.memref_slice %arg21[%dma_wait3A_398, %dma_wait3A_399] : memref<10112x144xf32, #tpu.memory_space<vmem_shared>> -> memref<10112x144xf32, #tpu.memory_space<vmem_shared>>
      tpu.wait_indirect_dma semaphore(%arg27 : memref<!tpu.dma_semaphore, #tpu.memory_space<semaphore_mem>>) src(%arg19 : memref<16x144xf32, #tpu.memory_space<vmem>>) dst(%dma_wait3A_400 : memref<10112x144xf32, #tpu.memory_space<vmem_shared>>)
      %mul3A_401 = arith.constant 16 : i32
      %mul3A_402 = arith.muli %add3A_391, %mul3A_401 : i32
      %add3A_403 = arith.constant 0 : i32
      %add3A_404 = arith.addi %mul3A_402, %add3A_403 : i32
      %get3A_405 = arith.index_cast %add3A_404 : i32 to index
      %get3A_406 = tpu.vector_load %arg8[%get3A_405] {strides = array<i32>} : memref<10752xi32, #tpu.memory_space<vmem>>, vector<16xi32>,
      %get3A_407 = vector.shape_cast %get3A_406 : vector<16xi32> to vector<16xi32>
      %swap3A_408 = arith.constant 0 : index
      %swap3A_409 = tpu.vector_load %arg11[%swap3A_408] {strides = array<i32>} : memref<16xi32, #tpu.memory_space<vmem>>, vector<16xi32>,
      %swap3A_410 = vector.shape_cast %swap3A_409 : vector<16xi32> to vector<16xi32>
      %swap3A_411 = vector.shape_cast %get3A_407 : vector<16xi32> to vector<16xi32>
      tpu.vector_store %arg11[%swap3A_408], %swap3A_411 {strides = array<i32>} : memref<16xi32, #tpu.memory_space<vmem>>, vector<16xi32>,
      %scan3A_412 = arith.constant 0 : i32
      %scan3A_413 = arith.constant -65536 : i32
      %scan3A_414 = arith.constant 0 : i32
      %scan3A_415 = arith.constant 16 : i32
      %scan3A_416 = arith.addi %scan3A_414, %scan3A_415 : i32
      %scan3A_417 = arith.constant 2 : i32
      scf.for %scan3A_509 = %scan3A_414 to %scan3A_416 step %scan3A_417  : i32 {
        %get3A_510 = arith.index_cast %scan3A_509 : i32 to index
        %get3A_511 = arith.constant 0 : index
        %get3A_512 = tpu.vector_load %arg15[%get3A_510, %get3A_511] {strides = array<i32>} : memref<16x16xf32, #tpu.memory_space<vmem>>, vector<1x16xf32>,
        %get3A_513 = vector.shape_cast %get3A_512 : vector<1x16xf32> to vector<16xf32>
        %exp3A = math.exp %get3A_513 : vector<16xf32>
        %swap3A_514 = arith.index_cast %scan3A_509 : i32 to index
        %swap3A_515 = arith.constant 128 : index
        %swap3A_516 = tpu.vector_load %arg19[%swap3A_514, %swap3A_515] {strides = array<i32>} : memref<16x144xf32, #tpu.memory_space<vmem>>, vector<1x16xf32>,
        %swap3A_517 = vector.shape_cast %swap3A_516 : vector<1x16xf32> to vector<16xf32>
        %swap3A_518 = vector.shape_cast %exp3A : vector<16xf32> to vector<1x16xf32>
        tpu.vector_store %arg19[%swap3A_514, %swap3A_515], %swap3A_518 {strides = array<i32>} : memref<16x144xf32, #tpu.memory_space<vmem>>, vector<1x16xf32>,
        %slice3A = vector.extract_strided_slice %exp3A {offsets = [0], sizes = [1], strides = [1]} : vector<16xf32> to vector<1xf32>
        %squeeze3A = vector.extract %slice3A[0] : f32 from vector<1xf32>
        %get3A_519 = arith.index_cast %scan3A_509 : i32 to index
        %get3A_520 = arith.constant 0 : index
        %get3A_521 = tpu.vector_load %arg17[%get3A_519, %get3A_520] {strides = array<i32>} : memref<16x64xi32, #tpu.memory_space<vmem>>, vector<1x16xi32>,
        %get3A_522 = vector.shape_cast %get3A_521 : vector<1x16xi32> to vector<16xi32>
        %shift_left3A = arith.constant 16 : i32
        %shift_left3A_523 = vector.broadcast %shift_left3A : i32 to vector<16xi32>
        %shift_left3A_524 = arith.shli %get3A_522, %shift_left3A_523 : vector<16xi32>
        %bitcast_convert_type3A = tpu.bitcast %shift_left3A_524 : vector<16xi32> -> vector<16xf32>
        %and3A = vector.broadcast %scan3A_413 : i32 to vector<16xi32>
        %and3A_525 = arith.andi %get3A_522, %and3A : vector<16xi32>
        %bitcast_convert_type3A_526 = tpu.bitcast %and3A_525 : vector<16xi32> -> vector<16xf32>
        %mul3A_527 = vector.broadcast %squeeze3A : f32 to vector<16xf32>
        %mul3A_528 = arith.mulf %bitcast_convert_type3A, %mul3A_527 : vector<16xf32>
        %swap3A_529 = arith.index_cast %scan3A_509 : i32 to index
        %swap3A_530 = arith.constant 0 : index
        %swap3A_531 = tpu.vector_load %arg19[%swap3A_529, %swap3A_530] {strides = array<i32>} : memref<16x144xf32, #tpu.memory_space<vmem>>, vector<1x16xf32>,
        %swap3A_532 = vector.shape_cast %swap3A_531 : vector<1x16xf32> to vector<16xf32>
        %swap3A_533 = vector.shape_cast %mul3A_528 : vector<16xf32> to vector<1x16xf32>
        tpu.vector_store %arg19[%swap3A_529, %swap3A_530], %swap3A_533 {strides = array<i32>} : memref<16x144xf32, #tpu.memory_space<vmem>>, vector<1x16xf32>,
        %mul3A_534 = vector.broadcast %squeeze3A : f32 to vector<16xf32>
        %mul3A_535 = arith.mulf %bitcast_convert_type3A_526, %mul3A_534 : vector<16xf32>
        %swap3A_536 = arith.index_cast %scan3A_509 : i32 to index
        %swap3A_537 = arith.constant 16 : index
        %swap3A_538 = tpu.vector_load %arg19[%swap3A_536, %swap3A_537] {strides = array<i32>} : memref<16x144xf32, #tpu.memory_space<vmem>>, vector<1x16xf32>,
        %swap3A_539 = vector.shape_cast %swap3A_538 : vector<1x16xf32> to vector<16xf32>
        %swap3A_540 = vector.shape_cast %mul3A_535 : vector<16xf32> to vector<1x16xf32>
        tpu.vector_store %arg19[%swap3A_536, %swap3A_537], %swap3A_540 {strides = array<i32>} : memref<16x144xf32, #tpu.memory_space<vmem>>, vector<1x16xf32>,
        %slice3A_541 = vector.extract_strided_slice %exp3A {offsets = [1], sizes = [1], strides = [1]} : vector<16xf32> to vector<1xf32>
        %squeeze3A_542 = vector.extract %slice3A_541[0] : f32 from vector<1xf32>
        %get3A_543 = arith.index_cast %scan3A_509 : i32 to index
        %get3A_544 = arith.constant 16 : index
        %get3A_545 = tpu.vector_load %arg17[%get3A_543, %get3A_544] {strides = array<i32>} : memref<16x64xi32, #tpu.memory_space<vmem>>, vector<1x16xi32>,
        %get3A_546 = vector.shape_cast %get3A_545 : vector<1x16xi32> to vector<16xi32>
        %shift_left3A_547 = arith.constant 16 : i32
        %shift_left3A_548 = vector.broadcast %shift_left3A_547 : i32 to vector<16xi32>
        %shift_left3A_549 = arith.shli %get3A_546, %shift_left3A_548 : vector<16xi32>
        %bitcast_convert_type3A_550 = tpu.bitcast %shift_left3A_549 : vector<16xi32> -> vector<16xf32>
        %and3A_551 = vector.broadcast %scan3A_413 : i32 to vector<16xi32>
        %and3A_552 = arith.andi %get3A_546, %and3A_551 : vector<16xi32>
        %bitcast_convert_type3A_553 = tpu.bitcast %and3A_552 : vector<16xi32> -> vector<16xf32>
        %mul3A_554 = vector.broadcast %squeeze3A_542 : f32 to vector<16xf32>
        %mul3A_555 = arith.mulf %bitcast_convert_type3A_550, %mul3A_554 : vector<16xf32>
        %swap3A_556 = arith.index_cast %scan3A_509 : i32 to index
        %swap3A_557 = arith.constant 32 : index
        %swap3A_558 = tpu.vector_load %arg19[%swap3A_556, %swap3A_557] {strides = array<i32>} : memref<16x144xf32, #tpu.memory_space<vmem>>, vector<1x16xf32>,
        %swap3A_559 = vector.shape_cast %swap3A_558 : vector<1x16xf32> to vector<16xf32>
        %swap3A_560 = vector.shape_cast %mul3A_555 : vector<16xf32> to vector<1x16xf32>
        tpu.vector_store %arg19[%swap3A_556, %swap3A_557], %swap3A_560 {strides = array<i32>} : memref<16x144xf32, #tpu.memory_space<vmem>>, vector<1x16xf32>,
        %mul3A_561 = vector.broadcast %squeeze3A_542 : f32 to vector<16xf32>
        %mul3A_562 = arith.mulf %bitcast_convert_type3A_553, %mul3A_561 : vector<16xf32>
        %swap3A_563 = arith.index_cast %scan3A_509 : i32 to index
        %swap3A_564 = arith.constant 48 : index
        %swap3A_565 = tpu.vector_load %arg19[%swap3A_563, %swap3A_564] {strides = array<i32>} : memref<16x144xf32, #tpu.memory_space<vmem>>, vector<1x16xf32>,
        %swap3A_566 = vector.shape_cast %swap3A_565 : vector<1x16xf32> to vector<16xf32>
        %swap3A_567 = vector.shape_cast %mul3A_562 : vector<16xf32> to vector<1x16xf32>
        tpu.vector_store %arg19[%swap3A_563, %swap3A_564], %swap3A_567 {strides = array<i32>} : memref<16x144xf32, #tpu.memory_space<vmem>>, vector<1x16xf32>,
        %slice3A_568 = vector.extract_strided_slice %exp3A {offsets = [2], sizes = [1], strides = [1]} : vector<16xf32> to vector<1xf32>
        %squeeze3A_569 = vector.extract %slice3A_568[0] : f32 from vector<1xf32>
        %get3A_570 = arith.index_cast %scan3A_509 : i32 to index
        %get3A_571 = arith.constant 32 : index
        %get3A_572 = tpu.vector_load %arg17[%get3A_570, %get3A_571] {strides = array<i32>} : memref<16x64xi32, #tpu.memory_space<vmem>>, vector<1x16xi32>,
        %get3A_573 = vector.shape_cast %get3A_572 : vector<1x16xi32> to vector<16xi32>
        %shift_left3A_574 = arith.constant 16 : i32
        %shift_left3A_575 = vector.broadcast %shift_left3A_574 : i32 to vector<16xi32>
        %shift_left3A_576 = arith.shli %get3A_573, %shift_left3A_575 : vector<16xi32>
        %bitcast_convert_type3A_577 = tpu.bitcast %shift_left3A_576 : vector<16xi32> -> vector<16xf32>
        %and3A_578 = vector.broadcast %scan3A_413 : i32 to vector<16xi32>
        %and3A_579 = arith.andi %get3A_573, %and3A_578 : vector<16xi32>
        %bitcast_convert_type3A_580 = tpu.bitcast %and3A_579 : vector<16xi32> -> vector<16xf32>
        %mul3A_581 = vector.broadcast %squeeze3A_569 : f32 to vector<16xf32>
        %mul3A_582 = arith.mulf %bitcast_convert_type3A_577, %mul3A_581 : vector<16xf32>
        %swap3A_583 = arith.index_cast %scan3A_509 : i32 to index
        %swap3A_584 = arith.constant 64 : index
        %swap3A_585 = tpu.vector_load %arg19[%swap3A_583, %swap3A_584] {strides = array<i32>} : memref<16x144xf32, #tpu.memory_space<vmem>>, vector<1x16xf32>,
        %swap3A_586 = vector.shape_cast %swap3A_585 : vector<1x16xf32> to vector<16xf32>
        %swap3A_587 = vector.shape_cast %mul3A_582 : vector<16xf32> to vector<1x16xf32>
        tpu.vector_store %arg19[%swap3A_583, %swap3A_584], %swap3A_587 {strides = array<i32>} : memref<16x144xf32, #tpu.memory_space<vmem>>, vector<1x16xf32>,
        %mul3A_588 = vector.broadcast %squeeze3A_569 : f32 to vector<16xf32>
        %mul3A_589 = arith.mulf %bitcast_convert_type3A_580, %mul3A_588 : vector<16xf32>
        %swap3A_590 = arith.index_cast %scan3A_509 : i32 to index
        %swap3A_591 = arith.constant 80 : index
        %swap3A_592 = tpu.vector_load %arg19[%swap3A_590, %swap3A_591] {strides = array<i32>} : memref<16x144xf32, #tpu.memory_space<vmem>>, vector<1x16xf32>,
        %swap3A_593 = vector.shape_cast %swap3A_592 : vector<1x16xf32> to vector<16xf32>
        %swap3A_594 = vector.shape_cast %mul3A_589 : vector<16xf32> to vector<1x16xf32>
        tpu.vector_store %arg19[%swap3A_590, %swap3A_591], %swap3A_594 {strides = array<i32>} : memref<16x144xf32, #tpu.memory_space<vmem>>, vector<1x16xf32>,
        %slice3A_595 = vector.extract_strided_slice %exp3A {offsets = [3], sizes = [1], strides = [1]} : vector<16xf32> to vector<1xf32>
        %squeeze3A_596 = vector.extract %slice3A_595[0] : f32 from vector<1xf32>
        %get3A_597 = arith.index_cast %scan3A_509 : i32 to index
        %get3A_598 = arith.constant 48 : index
        %get3A_599 = tpu.vector_load %arg17[%get3A_597, %get3A_598] {strides = array<i32>} : memref<16x64xi32, #tpu.memory_space<vmem>>, vector<1x16xi32>,
        %get3A_600 = vector.shape_cast %get3A_599 : vector<1x16xi32> to vector<16xi32>
        %shift_left3A_601 = arith.constant 16 : i32
        %shift_left3A_602 = vector.broadcast %shift_left3A_601 : i32 to vector<16xi32>
        %shift_left3A_603 = arith.shli %get3A_600, %shift_left3A_602 : vector<16xi32>
        %bitcast_convert_type3A_604 = tpu.bitcast %shift_left3A_603 : vector<16xi32> -> vector<16xf32>
        %and3A_605 = vector.broadcast %scan3A_413 : i32 to vector<16xi32>
        %and3A_606 = arith.andi %get3A_600, %and3A_605 : vector<16xi32>
        %bitcast_convert_type3A_607 = tpu.bitcast %and3A_606 : vector<16xi32> -> vector<16xf32>
        %mul3A_608 = vector.broadcast %squeeze3A_596 : f32 to vector<16xf32>
        %mul3A_609 = arith.mulf %bitcast_convert_type3A_604, %mul3A_608 : vector<16xf32>
        %swap3A_610 = arith.index_cast %scan3A_509 : i32 to index
        %swap3A_611 = arith.constant 96 : index
        %swap3A_612 = tpu.vector_load %arg19[%swap3A_610, %swap3A_611] {strides = array<i32>} : memref<16x144xf32, #tpu.memory_space<vmem>>, vector<1x16xf32>,
        %swap3A_613 = vector.shape_cast %swap3A_612 : vector<1x16xf32> to vector<16xf32>
        %swap3A_614 = vector.shape_cast %mul3A_609 : vector<16xf32> to vector<1x16xf32>
        tpu.vector_store %arg19[%swap3A_610, %swap3A_611], %swap3A_614 {strides = array<i32>} : memref<16x144xf32, #tpu.memory_space<vmem>>, vector<1x16xf32>,
        %mul3A_615 = vector.broadcast %squeeze3A_596 : f32 to vector<16xf32>
        %mul3A_616 = arith.mulf %bitcast_convert_type3A_607, %mul3A_615 : vector<16xf32>
        %swap3A_617 = arith.index_cast %scan3A_509 : i32 to index
        %swap3A_618 = arith.constant 112 : index
        %swap3A_619 = tpu.vector_load %arg19[%swap3A_617, %swap3A_618] {strides = array<i32>} : memref<16x144xf32, #tpu.memory_space<vmem>>, vector<1x16xf32>,
        %swap3A_620 = vector.shape_cast %swap3A_619 : vector<1x16xf32> to vector<16xf32>
        %swap3A_621 = vector.shape_cast %mul3A_616 : vector<16xf32> to vector<1x16xf32>
        tpu.vector_store %arg19[%swap3A_617, %swap3A_618], %swap3A_621 {strides = array<i32>} : memref<16x144xf32, #tpu.memory_space<vmem>>, vector<1x16xf32>,
        %scan3A_622 = arith.constant 1 : i32
        %scan3A_623 = arith.addi %scan3A_509, %scan3A_622 : i32
        %get3A_624 = arith.index_cast %scan3A_623 : i32 to index
        %get3A_625 = arith.constant 0 : index
        %get3A_626 = tpu.vector_load %arg15[%get3A_624, %get3A_625] {strides = array<i32>} : memref<16x16xf32, #tpu.memory_space<vmem>>, vector<1x16xf32>,
        %get3A_627 = vector.shape_cast %get3A_626 : vector<1x16xf32> to vector<16xf32>
        %exp3A_628 = math.exp %get3A_627 : vector<16xf32>
        %swap3A_629 = arith.index_cast %scan3A_623 : i32 to index
        %swap3A_630 = arith.constant 128 : index
        %swap3A_631 = tpu.vector_load %arg19[%swap3A_629, %swap3A_630] {strides = array<i32>} : memref<16x144xf32, #tpu.memory_space<vmem>>, vector<1x16xf32>,
        %swap3A_632 = vector.shape_cast %swap3A_631 : vector<1x16xf32> to vector<16xf32>
        %swap3A_633 = vector.shape_cast %exp3A_628 : vector<16xf32> to vector<1x16xf32>
        tpu.vector_store %arg19[%swap3A_629, %swap3A_630], %swap3A_633 {strides = array<i32>} : memref<16x144xf32, #tpu.memory_space<vmem>>, vector<1x16xf32>,
        %slice3A_634 = vector.extract_strided_slice %exp3A_628 {offsets = [0], sizes = [1], strides = [1]} : vector<16xf32> to vector<1xf32>
        %squeeze3A_635 = vector.extract %slice3A_634[0] : f32 from vector<1xf32>
        %get3A_636 = arith.index_cast %scan3A_623 : i32 to index
        %get3A_637 = arith.constant 0 : index
        %get3A_638 = tpu.vector_load %arg17[%get3A_636, %get3A_637] {strides = array<i32>} : memref<16x64xi32, #tpu.memory_space<vmem>>, vector<1x16xi32>,
        %get3A_639 = vector.shape_cast %get3A_638 : vector<1x16xi32> to vector<16xi32>
        %shift_left3A_640 = arith.constant 16 : i32
        %shift_left3A_641 = vector.broadcast %shift_left3A_640 : i32 to vector<16xi32>
        %shift_left3A_642 = arith.shli %get3A_639, %shift_left3A_641 : vector<16xi32>
        %bitcast_convert_type3A_643 = tpu.bitcast %shift_left3A_642 : vector<16xi32> -> vector<16xf32>
        %and3A_644 = vector.broadcast %scan3A_413 : i32 to vector<16xi32>
        %and3A_645 = arith.andi %get3A_639, %and3A_644 : vector<16xi32>
        %bitcast_convert_type3A_646 = tpu.bitcast %and3A_645 : vector<16xi32> -> vector<16xf32>
        %mul3A_647 = vector.broadcast %squeeze3A_635 : f32 to vector<16xf32>
        %mul3A_648 = arith.mulf %bitcast_convert_type3A_643, %mul3A_647 : vector<16xf32>
        %swap3A_649 = arith.index_cast %scan3A_623 : i32 to index
        %swap3A_650 = arith.constant 0 : index
        %swap3A_651 = tpu.vector_load %arg19[%swap3A_649, %swap3A_650] {strides = array<i32>} : memref<16x144xf32, #tpu.memory_space<vmem>>, vector<1x16xf32>,
        %swap3A_652 = vector.shape_cast %swap3A_651 : vector<1x16xf32> to vector<16xf32>
        %swap3A_653 = vector.shape_cast %mul3A_648 : vector<16xf32> to vector<1x16xf32>
        tpu.vector_store %arg19[%swap3A_649, %swap3A_650], %swap3A_653 {strides = array<i32>} : memref<16x144xf32, #tpu.memory_space<vmem>>, vector<1x16xf32>,
        %mul3A_654 = vector.broadcast %squeeze3A_635 : f32 to vector<16xf32>
        %mul3A_655 = arith.mulf %bitcast_convert_type3A_646, %mul3A_654 : vector<16xf32>
        %swap3A_656 = arith.index_cast %scan3A_623 : i32 to index
        %swap3A_657 = arith.constant 16 : index
        %swap3A_658 = tpu.vector_load %arg19[%swap3A_656, %swap3A_657] {strides = array<i32>} : memref<16x144xf32, #tpu.memory_space<vmem>>, vector<1x16xf32>,
        %swap3A_659 = vector.shape_cast %swap3A_658 : vector<1x16xf32> to vector<16xf32>
        %swap3A_660 = vector.shape_cast %mul3A_655 : vector<16xf32> to vector<1x16xf32>
        tpu.vector_store %arg19[%swap3A_656, %swap3A_657], %swap3A_660 {strides = array<i32>} : memref<16x144xf32, #tpu.memory_space<vmem>>, vector<1x16xf32>,
        %slice3A_661 = vector.extract_strided_slice %exp3A_628 {offsets = [1], sizes = [1], strides = [1]} : vector<16xf32> to vector<1xf32>
        %squeeze3A_662 = vector.extract %slice3A_661[0] : f32 from vector<1xf32>
        %get3A_663 = arith.index_cast %scan3A_623 : i32 to index
        %get3A_664 = arith.constant 16 : index
        %get3A_665 = tpu.vector_load %arg17[%get3A_663, %get3A_664] {strides = array<i32>} : memref<16x64xi32, #tpu.memory_space<vmem>>, vector<1x16xi32>,
        %get3A_666 = vector.shape_cast %get3A_665 : vector<1x16xi32> to vector<16xi32>
        %shift_left3A_667 = arith.constant 16 : i32
        %shift_left3A_668 = vector.broadcast %shift_left3A_667 : i32 to vector<16xi32>
        %shift_left3A_669 = arith.shli %get3A_666, %shift_left3A_668 : vector<16xi32>
        %bitcast_convert_type3A_670 = tpu.bitcast %shift_left3A_669 : vector<16xi32> -> vector<16xf32>
        %and3A_671 = vector.broadcast %scan3A_413 : i32 to vector<16xi32>
        %and3A_672 = arith.andi %get3A_666, %and3A_671 : vector<16xi32>
        %bitcast_convert_type3A_673 = tpu.bitcast %and3A_672 : vector<16xi32> -> vector<16xf32>
        %mul3A_674 = vector.broadcast %squeeze3A_662 : f32 to vector<16xf32>
        %mul3A_675 = arith.mulf %bitcast_convert_type3A_670, %mul3A_674 : vector<16xf32>
        %swap3A_676 = arith.index_cast %scan3A_623 : i32 to index
        %swap3A_677 = arith.constant 32 : index
        %swap3A_678 = tpu.vector_load %arg19[%swap3A_676, %swap3A_677] {strides = array<i32>} : memref<16x144xf32, #tpu.memory_space<vmem>>, vector<1x16xf32>,
        %swap3A_679 = vector.shape_cast %swap3A_678 : vector<1x16xf32> to vector<16xf32>
        %swap3A_680 = vector.shape_cast %mul3A_675 : vector<16xf32> to vector<1x16xf32>
        tpu.vector_store %arg19[%swap3A_676, %swap3A_677], %swap3A_680 {strides = array<i32>} : memref<16x144xf32, #tpu.memory_space<vmem>>, vector<1x16xf32>,
        %mul3A_681 = vector.broadcast %squeeze3A_662 : f32 to vector<16xf32>
        %mul3A_682 = arith.mulf %bitcast_convert_type3A_673, %mul3A_681 : vector<16xf32>
        %swap3A_683 = arith.index_cast %scan3A_623 : i32 to index
        %swap3A_684 = arith.constant 48 : index
        %swap3A_685 = tpu.vector_load %arg19[%swap3A_683, %swap3A_684] {strides = array<i32>} : memref<16x144xf32, #tpu.memory_space<vmem>>, vector<1x16xf32>,
        %swap3A_686 = vector.shape_cast %swap3A_685 : vector<1x16xf32> to vector<16xf32>
        %swap3A_687 = vector.shape_cast %mul3A_682 : vector<16xf32> to vector<1x16xf32>
        tpu.vector_store %arg19[%swap3A_683, %swap3A_684], %swap3A_687 {strides = array<i32>} : memref<16x144xf32, #tpu.memory_space<vmem>>, vector<1x16xf32>,
        %slice3A_688 = vector.extract_strided_slice %exp3A_628 {offsets = [2], sizes = [1], strides = [1]} : vector<16xf32> to vector<1xf32>
        %squeeze3A_689 = vector.extract %slice3A_688[0] : f32 from vector<1xf32>
        %get3A_690 = arith.index_cast %scan3A_623 : i32 to index
        %get3A_691 = arith.constant 32 : index
        %get3A_692 = tpu.vector_load %arg17[%get3A_690, %get3A_691] {strides = array<i32>} : memref<16x64xi32, #tpu.memory_space<vmem>>, vector<1x16xi32>,
        %get3A_693 = vector.shape_cast %get3A_692 : vector<1x16xi32> to vector<16xi32>
        %shift_left3A_694 = arith.constant 16 : i32
        %shift_left3A_695 = vector.broadcast %shift_left3A_694 : i32 to vector<16xi32>
        %shift_left3A_696 = arith.shli %get3A_693, %shift_left3A_695 : vector<16xi32>
        %bitcast_convert_type3A_697 = tpu.bitcast %shift_left3A_696 : vector<16xi32> -> vector<16xf32>
        %and3A_698 = vector.broadcast %scan3A_413 : i32 to vector<16xi32>
        %and3A_699 = arith.andi %get3A_693, %and3A_698 : vector<16xi32>
        %bitcast_convert_type3A_700 = tpu.bitcast %and3A_699 : vector<16xi32> -> vector<16xf32>
        %mul3A_701 = vector.broadcast %squeeze3A_689 : f32 to vector<16xf32>
        %mul3A_702 = arith.mulf %bitcast_convert_type3A_697, %mul3A_701 : vector<16xf32>
        %swap3A_703 = arith.index_cast %scan3A_623 : i32 to index
        %swap3A_704 = arith.constant 64 : index
        %swap3A_705 = tpu.vector_load %arg19[%swap3A_703, %swap3A_704] {strides = array<i32>} : memref<16x144xf32, #tpu.memory_space<vmem>>, vector<1x16xf32>,
        %swap3A_706 = vector.shape_cast %swap3A_705 : vector<1x16xf32> to vector<16xf32>
        %swap3A_707 = vector.shape_cast %mul3A_702 : vector<16xf32> to vector<1x16xf32>
        tpu.vector_store %arg19[%swap3A_703, %swap3A_704], %swap3A_707 {strides = array<i32>} : memref<16x144xf32, #tpu.memory_space<vmem>>, vector<1x16xf32>,
        %mul3A_708 = vector.broadcast %squeeze3A_689 : f32 to vector<16xf32>
        %mul3A_709 = arith.mulf %bitcast_convert_type3A_700, %mul3A_708 : vector<16xf32>
        %swap3A_710 = arith.index_cast %scan3A_623 : i32 to index
        %swap3A_711 = arith.constant 80 : index
        %swap3A_712 = tpu.vector_load %arg19[%swap3A_710, %swap3A_711] {strides = array<i32>} : memref<16x144xf32, #tpu.memory_space<vmem>>, vector<1x16xf32>,
        %swap3A_713 = vector.shape_cast %swap3A_712 : vector<1x16xf32> to vector<16xf32>
        %swap3A_714 = vector.shape_cast %mul3A_709 : vector<16xf32> to vector<1x16xf32>
        tpu.vector_store %arg19[%swap3A_710, %swap3A_711], %swap3A_714 {strides = array<i32>} : memref<16x144xf32, #tpu.memory_space<vmem>>, vector<1x16xf32>,
        %slice3A_715 = vector.extract_strided_slice %exp3A_628 {offsets = [3], sizes = [1], strides = [1]} : vector<16xf32> to vector<1xf32>
        %squeeze3A_716 = vector.extract %slice3A_715[0] : f32 from vector<1xf32>
        %get3A_717 = arith.index_cast %scan3A_623 : i32 to index
        %get3A_718 = arith.constant 48 : index
        %get3A_719 = tpu.vector_load %arg17[%get3A_717, %get3A_718] {strides = array<i32>} : memref<16x64xi32, #tpu.memory_space<vmem>>, vector<1x16xi32>,
        %get3A_720 = vector.shape_cast %get3A_719 : vector<1x16xi32> to vector<16xi32>
        %shift_left3A_721 = arith.constant 16 : i32
        %shift_left3A_722 = vector.broadcast %shift_left3A_721 : i32 to vector<16xi32>
        %shift_left3A_723 = arith.shli %get3A_720, %shift_left3A_722 : vector<16xi32>
        %bitcast_convert_type3A_724 = tpu.bitcast %shift_left3A_723 : vector<16xi32> -> vector<16xf32>
        %and3A_725 = vector.broadcast %scan3A_413 : i32 to vector<16xi32>
        %and3A_726 = arith.andi %get3A_720, %and3A_725 : vector<16xi32>
        %bitcast_convert_type3A_727 = tpu.bitcast %and3A_726 : vector<16xi32> -> vector<16xf32>
        %mul3A_728 = vector.broadcast %squeeze3A_716 : f32 to vector<16xf32>
        %mul3A_729 = arith.mulf %bitcast_convert_type3A_724, %mul3A_728 : vector<16xf32>
        %swap3A_730 = arith.index_cast %scan3A_623 : i32 to index
        %swap3A_731 = arith.constant 96 : index
        %swap3A_732 = tpu.vector_load %arg19[%swap3A_730, %swap3A_731] {strides = array<i32>} : memref<16x144xf32, #tpu.memory_space<vmem>>, vector<1x16xf32>,
        %swap3A_733 = vector.shape_cast %swap3A_732 : vector<1x16xf32> to vector<16xf32>
        %swap3A_734 = vector.shape_cast %mul3A_729 : vector<16xf32> to vector<1x16xf32>
        tpu.vector_store %arg19[%swap3A_730, %swap3A_731], %swap3A_734 {strides = array<i32>} : memref<16x144xf32, #tpu.memory_space<vmem>>, vector<1x16xf32>,
        %mul3A_735 = vector.broadcast %squeeze3A_716 : f32 to vector<16xf32>
        %mul3A_736 = arith.mulf %bitcast_convert_type3A_727, %mul3A_735 : vector<16xf32>
        %swap3A_737 = arith.index_cast %scan3A_623 : i32 to index
        %swap3A_738 = arith.constant 112 : index
        %swap3A_739 = tpu.vector_load %arg19[%swap3A_737, %swap3A_738] {strides = array<i32>} : memref<16x144xf32, #tpu.memory_space<vmem>>, vector<1x16xf32>,
        %swap3A_740 = vector.shape_cast %swap3A_739 : vector<1x16xf32> to vector<16xf32>
        %swap3A_741 = vector.shape_cast %mul3A_736 : vector<16xf32> to vector<1x16xf32>
        tpu.vector_store %arg19[%swap3A_737, %swap3A_738], %swap3A_741 {strides = array<i32>} : memref<16x144xf32, #tpu.memory_space<vmem>>, vector<1x16xf32>,
      }
      %scan3A_418 = arith.constant 16 : i32
      %dma_start3A_419 = arith.constant 0 : i32
      %dma_start3A_420 = arith.constant 0 : i32
      %dma_start3A_421 = tpu.memref_slice %arg21[%dma_start3A_419, %dma_start3A_420] : memref<10112x144xf32, #tpu.memory_space<vmem_shared>> -> memref<10112x144xf32, #tpu.memory_space<vmem_shared>>
      tpu.enqueue_indirect_dma source(%arg19 : memref<16x144xf32, #tpu.memory_space<vmem>>) target(%dma_start3A_421 : memref<10112x144xf32, #tpu.memory_space<vmem_shared>>) offsets(%arg11 : memref<16xi32, #tpu.memory_space<vmem>>) semaphore(%arg27 : memref<!tpu.dma_semaphore, #tpu.memory_space<semaphore_mem>>) {add = true}
      %add3A_422 = arith.constant 2 : i32
      %add3A_423 = arith.addi %add3A_391, %add3A_422 : i32
      %min3A = arith.constant 671 : i32
      %min3A_424 = arith.minsi %add3A_423, %min3A : i32
      %mul3A_425 = arith.constant 16 : i32
      %mul3A_426 = arith.muli %min3A_424, %mul3A_425 : i32
      %add3A_427 = arith.constant 0 : i32
      %add3A_428 = arith.addi %mul3A_426, %add3A_427 : i32
      %get3A_429 = arith.index_cast %add3A_428 : i32 to index
      %get3A_430 = tpu.vector_load %arg7[%get3A_429] {strides = array<i32>} : memref<10752xi32, #tpu.memory_space<vmem>>, vector<16xi32>,
      %get3A_431 = vector.shape_cast %get3A_430 : vector<16xi32> to vector<16xi32>
      %swap3A_432 = arith.constant 0 : index
      %swap3A_433 = tpu.vector_load %arg13[%swap3A_432] {strides = array<i32>} : memref<16xi32, #tpu.memory_space<vmem>>, vector<16xi32>,
      %swap3A_434 = vector.shape_cast %swap3A_433 : vector<16xi32> to vector<16xi32>
      %swap3A_435 = vector.shape_cast %get3A_431 : vector<16xi32> to vector<16xi32>
      tpu.vector_store %arg13[%swap3A_432], %swap3A_435 {strides = array<i32>} : memref<16xi32, #tpu.memory_space<vmem>>, vector<16xi32>,
      %add3A_436 = vector.broadcast %mul3A_13 : i32 to vector<16xi32>
      %add3A_437 = arith.addi %get3A_431, %add3A_436 : vector<16xi32>
      %swap3A_438 = arith.constant 0 : index
      %swap3A_439 = tpu.vector_load %arg9[%swap3A_438] {strides = array<i32>} : memref<16xi32, #tpu.memory_space<vmem>>, vector<16xi32>,
      %swap3A_440 = vector.shape_cast %swap3A_439 : vector<16xi32> to vector<16xi32>
      %swap3A_441 = vector.shape_cast %add3A_437 : vector<16xi32> to vector<16xi32>
      tpu.vector_store %arg9[%swap3A_438], %swap3A_441 {strides = array<i32>} : memref<16xi32, #tpu.memory_space<vmem>>, vector<16xi32>,
      %dma_start3A_442 = arith.constant 0 : i32
      %dma_start3A_443 = arith.constant 0 : i32
      %dma_start3A_444 = tpu.memref_slice %arg22[%dma_start3A_442, %dma_start3A_443] : memref<10112x16xf32, #tpu.memory_space<vmem_shared>> -> memref<10112x16xf32, #tpu.memory_space<vmem_shared>>
      tpu.enqueue_indirect_dma source(%dma_start3A_444 : memref<10112x16xf32, #tpu.memory_space<vmem_shared>>) target(%arg15 : memref<16x16xf32, #tpu.memory_space<vmem>>) offsets(%arg13 : memref<16xi32, #tpu.memory_space<vmem>>) semaphore(%arg23 : memref<!tpu.dma_semaphore, #tpu.memory_space<semaphore_mem>>)
      %dma_start3A_445 = arith.constant 0 : i32
      %dma_start3A_446 = arith.constant 0 : i32
      %dma_start3A_447 = tpu.memref_slice %arg3[%dma_start3A_445, %dma_start3A_446] : memref<40448x64xi32, #tpu.memory_space<hbm>> -> memref<40448x64xi32, #tpu.memory_space<hbm>>
      tpu.enqueue_indirect_dma source(%dma_start3A_447 : memref<40448x64xi32, #tpu.memory_space<hbm>>) target(%arg17 : memref<16x64xi32, #tpu.memory_space<vmem>>) offsets(%arg9 : memref<16xi32, #tpu.memory_space<vmem>>) semaphore(%arg25 : memref<!tpu.dma_semaphore, #tpu.memory_space<semaphore_mem>>)
      %mul3A_448 = arith.constant 2 : i32
      %mul3A_449 = arith.muli %mul3A_448, %scan3A_387 : i32
      %add3A_450 = arith.constant 1 : i32
      %add3A_451 = arith.addi %mul3A_449, %add3A_450 : i32
      %dma_wait3A_452 = arith.constant 0 : i32
      %dma_wait3A_453 = arith.constant 0 : i32
      %dma_wait3A_454 = tpu.memref_slice %arg22[%dma_wait3A_452, %dma_wait3A_453] : memref<10112x16xf32, #tpu.memory_space<vmem_shared>> -> memref<10112x16xf32, #tpu.memory_space<vmem_shared>>
      tpu.wait_indirect_dma semaphore(%arg24 : memref<!tpu.dma_semaphore, #tpu.memory_space<semaphore_mem>>) src(%dma_wait3A_454 : memref<10112x16xf32, #tpu.memory_space<vmem_shared>>) dst(%arg16 : memref<16x16xf32, #tpu.memory_space<vmem>>)
      %dma_wait3A_455 = arith.constant 0 : i32
      %dma_wait3A_456 = arith.constant 0 : i32
      %dma_wait3A_457 = tpu.memref_slice %arg3[%dma_wait3A_455, %dma_wait3A_456] : memref<40448x64xi32, #tpu.memory_space<hbm>> -> memref<40448x64xi32, #tpu.memory_space<hbm>>
      tpu.wait_indirect_dma semaphore(%arg26 : memref<!tpu.dma_semaphore, #tpu.memory_space<semaphore_mem>>) src(%dma_wait3A_457 : memref<40448x64xi32, #tpu.memory_space<hbm>>) dst(%arg18 : memref<16x64xi32, #tpu.memory_space<vmem>>)
      %dma_wait3A_458 = arith.constant 0 : i32
      %dma_wait3A_459 = arith.constant 0 : i32
      %dma_wait3A_460 = tpu.memref_slice %arg21[%dma_wait3A_458, %dma_wait3A_459] : memref<10112x144xf32, #tpu.memory_space<vmem_shared>> -> memref<10112x144xf32, #tpu.memory_space<vmem_shared>>
      tpu.wait_indirect_dma semaphore(%arg28 : memref<!tpu.dma_semaphore, #tpu.memory_space<semaphore_mem>>) src(%arg20 : memref<16x144xf32, #tpu.memory_space<vmem>>) dst(%dma_wait3A_460 : memref<10112x144xf32, #tpu.memory_space<vmem_shared>>)
      %mul3A_461 = arith.constant 16 : i32
      %mul3A_462 = arith.muli %add3A_451, %mul3A_461 : i32
      %add3A_463 = arith.constant 0 : i32
      %add3A_464 = arith.addi %mul3A_462, %add3A_463 : i32
      %get3A_465 = arith.index_cast %add3A_464 : i32 to index
      %get3A_466 = tpu.vector_load %arg8[%get3A_465] {strides = array<i32>} : memref<10752xi32, #tpu.memory_space<vmem>>, vector<16xi32>,
      %get3A_467 = vector.shape_cast %get3A_466 : vector<16xi32> to vector<16xi32>
      %swap3A_468 = arith.constant 0 : index
      %swap3A_469 = tpu.vector_load %arg12[%swap3A_468] {strides = array<i32>} : memref<16xi32, #tpu.memory_space<vmem>>, vector<16xi32>,
      %swap3A_470 = vector.shape_cast %swap3A_469 : vector<16xi32> to vector<16xi32>
      %swap3A_471 = vector.shape_cast %get3A_467 : vector<16xi32> to vector<16xi32>
      tpu.vector_store %arg12[%swap3A_468], %swap3A_471 {strides = array<i32>} : memref<16xi32, #tpu.memory_space<vmem>>, vector<16xi32>,
      %scan3A_472 = arith.constant 0 : i32
      %scan3A_473 = arith.constant -65536 : i32
      %scan3A_474 = arith.constant 0 : i32
      %scan3A_475 = arith.constant 16 : i32
      %scan3A_476 = arith.addi %scan3A_474, %scan3A_475 : i32
      %scan3A_477 = arith.constant 2 : i32
      scf.for %scan3A_509 = %scan3A_474 to %scan3A_476 step %scan3A_477  : i32 {
        %get3A_510 = arith.index_cast %scan3A_509 : i32 to index
        %get3A_511 = arith.constant 0 : index
        %get3A_512 = tpu.vector_load %arg16[%get3A_510, %get3A_511] {strides = array<i32>} : memref<16x16xf32, #tpu.memory_space<vmem>>, vector<1x16xf32>,
        %get3A_513 = vector.shape_cast %get3A_512 : vector<1x16xf32> to vector<16xf32>
        %exp3A = math.exp %get3A_513 : vector<16xf32>
        %swap3A_514 = arith.index_cast %scan3A_509 : i32 to index
        %swap3A_515 = arith.constant 128 : index
        %swap3A_516 = tpu.vector_load %arg20[%swap3A_514, %swap3A_515] {strides = array<i32>} : memref<16x144xf32, #tpu.memory_space<vmem>>, vector<1x16xf32>,
        %swap3A_517 = vector.shape_cast %swap3A_516 : vector<1x16xf32> to vector<16xf32>
        %swap3A_518 = vector.shape_cast %exp3A : vector<16xf32> to vector<1x16xf32>
        tpu.vector_store %arg20[%swap3A_514, %swap3A_515], %swap3A_518 {strides = array<i32>} : memref<16x144xf32, #tpu.memory_space<vmem>>, vector<1x16xf32>,
        %slice3A = vector.extract_strided_slice %exp3A {offsets = [0], sizes = [1], strides = [1]} : vector<16xf32> to vector<1xf32>
        %squeeze3A = vector.extract %slice3A[0] : f32 from vector<1xf32>
        %get3A_519 = arith.index_cast %scan3A_509 : i32 to index
        %get3A_520 = arith.constant 0 : index
        %get3A_521 = tpu.vector_load %arg18[%get3A_519, %get3A_520] {strides = array<i32>} : memref<16x64xi32, #tpu.memory_space<vmem>>, vector<1x16xi32>,
        %get3A_522 = vector.shape_cast %get3A_521 : vector<1x16xi32> to vector<16xi32>
        %shift_left3A = arith.constant 16 : i32
        %shift_left3A_523 = vector.broadcast %shift_left3A : i32 to vector<16xi32>
        %shift_left3A_524 = arith.shli %get3A_522, %shift_left3A_523 : vector<16xi32>
        %bitcast_convert_type3A = tpu.bitcast %shift_left3A_524 : vector<16xi32> -> vector<16xf32>
        %and3A = vector.broadcast %scan3A_473 : i32 to vector<16xi32>
        %and3A_525 = arith.andi %get3A_522, %and3A : vector<16xi32>
        %bitcast_convert_type3A_526 = tpu.bitcast %and3A_525 : vector<16xi32> -> vector<16xf32>
        %mul3A_527 = vector.broadcast %squeeze3A : f32 to vector<16xf32>
        %mul3A_528 = arith.mulf %bitcast_convert_type3A, %mul3A_527 : vector<16xf32>
        %swap3A_529 = arith.index_cast %scan3A_509 : i32 to index
        %swap3A_530 = arith.constant 0 : index
        %swap3A_531 = tpu.vector_load %arg20[%swap3A_529, %swap3A_530] {strides = array<i32>} : memref<16x144xf32, #tpu.memory_space<vmem>>, vector<1x16xf32>,
        %swap3A_532 = vector.shape_cast %swap3A_531 : vector<1x16xf32> to vector<16xf32>
        %swap3A_533 = vector.shape_cast %mul3A_528 : vector<16xf32> to vector<1x16xf32>
        tpu.vector_store %arg20[%swap3A_529, %swap3A_530], %swap3A_533 {strides = array<i32>} : memref<16x144xf32, #tpu.memory_space<vmem>>, vector<1x16xf32>,
        %mul3A_534 = vector.broadcast %squeeze3A : f32 to vector<16xf32>
        %mul3A_535 = arith.mulf %bitcast_convert_type3A_526, %mul3A_534 : vector<16xf32>
        %swap3A_536 = arith.index_cast %scan3A_509 : i32 to index
        %swap3A_537 = arith.constant 16 : index
        %swap3A_538 = tpu.vector_load %arg20[%swap3A_536, %swap3A_537] {strides = array<i32>} : memref<16x144xf32, #tpu.memory_space<vmem>>, vector<1x16xf32>,
        %swap3A_539 = vector.shape_cast %swap3A_538 : vector<1x16xf32> to vector<16xf32>
        %swap3A_540 = vector.shape_cast %mul3A_535 : vector<16xf32> to vector<1x16xf32>
        tpu.vector_store %arg20[%swap3A_536, %swap3A_537], %swap3A_540 {strides = array<i32>} : memref<16x144xf32, #tpu.memory_space<vmem>>, vector<1x16xf32>,
        %slice3A_541 = vector.extract_strided_slice %exp3A {offsets = [1], sizes = [1], strides = [1]} : vector<16xf32> to vector<1xf32>
        %squeeze3A_542 = vector.extract %slice3A_541[0] : f32 from vector<1xf32>
        %get3A_543 = arith.index_cast %scan3A_509 : i32 to index
        %get3A_544 = arith.constant 16 : index
        %get3A_545 = tpu.vector_load %arg18[%get3A_543, %get3A_544] {strides = array<i32>} : memref<16x64xi32, #tpu.memory_space<vmem>>, vector<1x16xi32>,
        %get3A_546 = vector.shape_cast %get3A_545 : vector<1x16xi32> to vector<16xi32>
        %shift_left3A_547 = arith.constant 16 : i32
        %shift_left3A_548 = vector.broadcast %shift_left3A_547 : i32 to vector<16xi32>
        %shift_left3A_549 = arith.shli %get3A_546, %shift_left3A_548 : vector<16xi32>
        %bitcast_convert_type3A_550 = tpu.bitcast %shift_left3A_549 : vector<16xi32> -> vector<16xf32>
        %and3A_551 = vector.broadcast %scan3A_473 : i32 to vector<16xi32>
        %and3A_552 = arith.andi %get3A_546, %and3A_551 : vector<16xi32>
        %bitcast_convert_type3A_553 = tpu.bitcast %and3A_552 : vector<16xi32> -> vector<16xf32>
        %mul3A_554 = vector.broadcast %squeeze3A_542 : f32 to vector<16xf32>
        %mul3A_555 = arith.mulf %bitcast_convert_type3A_550, %mul3A_554 : vector<16xf32>
        %swap3A_556 = arith.index_cast %scan3A_509 : i32 to index
        %swap3A_557 = arith.constant 32 : index
        %swap3A_558 = tpu.vector_load %arg20[%swap3A_556, %swap3A_557] {strides = array<i32>} : memref<16x144xf32, #tpu.memory_space<vmem>>, vector<1x16xf32>,
        %swap3A_559 = vector.shape_cast %swap3A_558 : vector<1x16xf32> to vector<16xf32>
        %swap3A_560 = vector.shape_cast %mul3A_555 : vector<16xf32> to vector<1x16xf32>
        tpu.vector_store %arg20[%swap3A_556, %swap3A_557], %swap3A_560 {strides = array<i32>} : memref<16x144xf32, #tpu.memory_space<vmem>>, vector<1x16xf32>,
        %mul3A_561 = vector.broadcast %squeeze3A_542 : f32 to vector<16xf32>
        %mul3A_562 = arith.mulf %bitcast_convert_type3A_553, %mul3A_561 : vector<16xf32>
        %swap3A_563 = arith.index_cast %scan3A_509 : i32 to index
        %swap3A_564 = arith.constant 48 : index
        %swap3A_565 = tpu.vector_load %arg20[%swap3A_563, %swap3A_564] {strides = array<i32>} : memref<16x144xf32, #tpu.memory_space<vmem>>, vector<1x16xf32>,
        %swap3A_566 = vector.shape_cast %swap3A_565 : vector<1x16xf32> to vector<16xf32>
        %swap3A_567 = vector.shape_cast %mul3A_562 : vector<16xf32> to vector<1x16xf32>
        tpu.vector_store %arg20[%swap3A_563, %swap3A_564], %swap3A_567 {strides = array<i32>} : memref<16x144xf32, #tpu.memory_space<vmem>>, vector<1x16xf32>,
        %slice3A_568 = vector.extract_strided_slice %exp3A {offsets = [2], sizes = [1], strides = [1]} : vector<16xf32> to vector<1xf32>
        %squeeze3A_569 = vector.extract %slice3A_568[0] : f32 from vector<1xf32>
        %get3A_570 = arith.index_cast %scan3A_509 : i32 to index
        %get3A_571 = arith.constant 32 : index
        %get3A_572 = tpu.vector_load %arg18[%get3A_570, %get3A_571] {strides = array<i32>} : memref<16x64xi32, #tpu.memory_space<vmem>>, vector<1x16xi32>,
        %get3A_573 = vector.shape_cast %get3A_572 : vector<1x16xi32> to vector<16xi32>
        %shift_left3A_574 = arith.constant 16 : i32
        %shift_left3A_575 = vector.broadcast %shift_left3A_574 : i32 to vector<16xi32>
        %shift_left3A_576 = arith.shli %get3A_573, %shift_left3A_575 : vector<16xi32>
        %bitcast_convert_type3A_577 = tpu.bitcast %shift_left3A_576 : vector<16xi32> -> vector<16xf32>
        %and3A_578 = vector.broadcast %scan3A_473 : i32 to vector<16xi32>
        %and3A_579 = arith.andi %get3A_573, %and3A_578 : vector<16xi32>
        %bitcast_convert_type3A_580 = tpu.bitcast %and3A_579 : vector<16xi32> -> vector<16xf32>
        %mul3A_581 = vector.broadcast %squeeze3A_569 : f32 to vector<16xf32>
        %mul3A_582 = arith.mulf %bitcast_convert_type3A_577, %mul3A_581 : vector<16xf32>
        %swap3A_583 = arith.index_cast %scan3A_509 : i32 to index
        %swap3A_584 = arith.constant 64 : index
        %swap3A_585 = tpu.vector_load %arg20[%swap3A_583, %swap3A_584] {strides = array<i32>} : memref<16x144xf32, #tpu.memory_space<vmem>>, vector<1x16xf32>,
        %swap3A_586 = vector.shape_cast %swap3A_585 : vector<1x16xf32> to vector<16xf32>
        %swap3A_587 = vector.shape_cast %mul3A_582 : vector<16xf32> to vector<1x16xf32>
        tpu.vector_store %arg20[%swap3A_583, %swap3A_584], %swap3A_587 {strides = array<i32>} : memref<16x144xf32, #tpu.memory_space<vmem>>, vector<1x16xf32>,
        %mul3A_588 = vector.broadcast %squeeze3A_569 : f32 to vector<16xf32>
        %mul3A_589 = arith.mulf %bitcast_convert_type3A_580, %mul3A_588 : vector<16xf32>
        %swap3A_590 = arith.index_cast %scan3A_509 : i32 to index
        %swap3A_591 = arith.constant 80 : index
        %swap3A_592 = tpu.vector_load %arg20[%swap3A_590, %swap3A_591] {strides = array<i32>} : memref<16x144xf32, #tpu.memory_space<vmem>>, vector<1x16xf32>,
        %swap3A_593 = vector.shape_cast %swap3A_592 : vector<1x16xf32> to vector<16xf32>
        %swap3A_594 = vector.shape_cast %mul3A_589 : vector<16xf32> to vector<1x16xf32>
        tpu.vector_store %arg20[%swap3A_590, %swap3A_591], %swap3A_594 {strides = array<i32>} : memref<16x144xf32, #tpu.memory_space<vmem>>, vector<1x16xf32>,
        %slice3A_595 = vector.extract_strided_slice %exp3A {offsets = [3], sizes = [1], strides = [1]} : vector<16xf32> to vector<1xf32>
        %squeeze3A_596 = vector.extract %slice3A_595[0] : f32 from vector<1xf32>
        %get3A_597 = arith.index_cast %scan3A_509 : i32 to index
        %get3A_598 = arith.constant 48 : index
        %get3A_599 = tpu.vector_load %arg18[%get3A_597, %get3A_598] {strides = array<i32>} : memref<16x64xi32, #tpu.memory_space<vmem>>, vector<1x16xi32>,
        %get3A_600 = vector.shape_cast %get3A_599 : vector<1x16xi32> to vector<16xi32>
        %shift_left3A_601 = arith.constant 16 : i32
        %shift_left3A_602 = vector.broadcast %shift_left3A_601 : i32 to vector<16xi32>
        %shift_left3A_603 = arith.shli %get3A_600, %shift_left3A_602 : vector<16xi32>
        %bitcast_convert_type3A_604 = tpu.bitcast %shift_left3A_603 : vector<16xi32> -> vector<16xf32>
        %and3A_605 = vector.broadcast %scan3A_473 : i32 to vector<16xi32>
        %and3A_606 = arith.andi %get3A_600, %and3A_605 : vector<16xi32>
        %bitcast_convert_type3A_607 = tpu.bitcast %and3A_606 : vector<16xi32> -> vector<16xf32>
        %mul3A_608 = vector.broadcast %squeeze3A_596 : f32 to vector<16xf32>
        %mul3A_609 = arith.mulf %bitcast_convert_type3A_604, %mul3A_608 : vector<16xf32>
        %swap3A_610 = arith.index_cast %scan3A_509 : i32 to index
        %swap3A_611 = arith.constant 96 : index
        %swap3A_612 = tpu.vector_load %arg20[%swap3A_610, %swap3A_611] {strides = array<i32>} : memref<16x144xf32, #tpu.memory_space<vmem>>, vector<1x16xf32>,
        %swap3A_613 = vector.shape_cast %swap3A_612 : vector<1x16xf32> to vector<16xf32>
        %swap3A_614 = vector.shape_cast %mul3A_609 : vector<16xf32> to vector<1x16xf32>
        tpu.vector_store %arg20[%swap3A_610, %swap3A_611], %swap3A_614 {strides = array<i32>} : memref<16x144xf32, #tpu.memory_space<vmem>>, vector<1x16xf32>,
        %mul3A_615 = vector.broadcast %squeeze3A_596 : f32 to vector<16xf32>
        %mul3A_616 = arith.mulf %bitcast_convert_type3A_607, %mul3A_615 : vector<16xf32>
        %swap3A_617 = arith.index_cast %scan3A_509 : i32 to index
        %swap3A_618 = arith.constant 112 : index
        %swap3A_619 = tpu.vector_load %arg20[%swap3A_617, %swap3A_618] {strides = array<i32>} : memref<16x144xf32, #tpu.memory_space<vmem>>, vector<1x16xf32>,
        %swap3A_620 = vector.shape_cast %swap3A_619 : vector<1x16xf32> to vector<16xf32>
        %swap3A_621 = vector.shape_cast %mul3A_616 : vector<16xf32> to vector<1x16xf32>
        tpu.vector_store %arg20[%swap3A_617, %swap3A_618], %swap3A_621 {strides = array<i32>} : memref<16x144xf32, #tpu.memory_space<vmem>>, vector<1x16xf32>,
        %scan3A_622 = arith.constant 1 : i32
        %scan3A_623 = arith.addi %scan3A_509, %scan3A_622 : i32
        %get3A_624 = arith.index_cast %scan3A_623 : i32 to index
        %get3A_625 = arith.constant 0 : index
        %get3A_626 = tpu.vector_load %arg16[%get3A_624, %get3A_625] {strides = array<i32>} : memref<16x16xf32, #tpu.memory_space<vmem>>, vector<1x16xf32>,
        %get3A_627 = vector.shape_cast %get3A_626 : vector<1x16xf32> to vector<16xf32>
        %exp3A_628 = math.exp %get3A_627 : vector<16xf32>
        %swap3A_629 = arith.index_cast %scan3A_623 : i32 to index
        %swap3A_630 = arith.constant 128 : index
        %swap3A_631 = tpu.vector_load %arg20[%swap3A_629, %swap3A_630] {strides = array<i32>} : memref<16x144xf32, #tpu.memory_space<vmem>>, vector<1x16xf32>,
        %swap3A_632 = vector.shape_cast %swap3A_631 : vector<1x16xf32> to vector<16xf32>
        %swap3A_633 = vector.shape_cast %exp3A_628 : vector<16xf32> to vector<1x16xf32>
        tpu.vector_store %arg20[%swap3A_629, %swap3A_630], %swap3A_633 {strides = array<i32>} : memref<16x144xf32, #tpu.memory_space<vmem>>, vector<1x16xf32>,
        %slice3A_634 = vector.extract_strided_slice %exp3A_628 {offsets = [0], sizes = [1], strides = [1]} : vector<16xf32> to vector<1xf32>
        %squeeze3A_635 = vector.extract %slice3A_634[0] : f32 from vector<1xf32>
        %get3A_636 = arith.index_cast %scan3A_623 : i32 to index
        %get3A_637 = arith.constant 0 : index
        %get3A_638 = tpu.vector_load %arg18[%get3A_636, %get3A_637] {strides = array<i32>} : memref<16x64xi32, #tpu.memory_space<vmem>>, vector<1x16xi32>,
        %get3A_639 = vector.shape_cast %get3A_638 : vector<1x16xi32> to vector<16xi32>
        %shift_left3A_640 = arith.constant 16 : i32
        %shift_left3A_641 = vector.broadcast %shift_left3A_640 : i32 to vector<16xi32>
        %shift_left3A_642 = arith.shli %get3A_639, %shift_left3A_641 : vector<16xi32>
        %bitcast_convert_type3A_643 = tpu.bitcast %shift_left3A_642 : vector<16xi32> -> vector<16xf32>
        %and3A_644 = vector.broadcast %scan3A_473 : i32 to vector<16xi32>
        %and3A_645 = arith.andi %get3A_639, %and3A_644 : vector<16xi32>
        %bitcast_convert_type3A_646 = tpu.bitcast %and3A_645 : vector<16xi32> -> vector<16xf32>
        %mul3A_647 = vector.broadcast %squeeze3A_635 : f32 to vector<16xf32>
        %mul3A_648 = arith.mulf %bitcast_convert_type3A_643, %mul3A_647 : vector<16xf32>
        %swap3A_649 = arith.index_cast %scan3A_623 : i32 to index
        %swap3A_650 = arith.constant 0 : index
        %swap3A_651 = tpu.vector_load %arg20[%swap3A_649, %swap3A_650] {strides = array<i32>} : memref<16x144xf32, #tpu.memory_space<vmem>>, vector<1x16xf32>,
        %swap3A_652 = vector.shape_cast %swap3A_651 : vector<1x16xf32> to vector<16xf32>
        %swap3A_653 = vector.shape_cast %mul3A_648 : vector<16xf32> to vector<1x16xf32>
        tpu.vector_store %arg20[%swap3A_649, %swap3A_650], %swap3A_653 {strides = array<i32>} : memref<16x144xf32, #tpu.memory_space<vmem>>, vector<1x16xf32>,
        %mul3A_654 = vector.broadcast %squeeze3A_635 : f32 to vector<16xf32>
        %mul3A_655 = arith.mulf %bitcast_convert_type3A_646, %mul3A_654 : vector<16xf32>
        %swap3A_656 = arith.index_cast %scan3A_623 : i32 to index
        %swap3A_657 = arith.constant 16 : index
        %swap3A_658 = tpu.vector_load %arg20[%swap3A_656, %swap3A_657] {strides = array<i32>} : memref<16x144xf32, #tpu.memory_space<vmem>>, vector<1x16xf32>,
        %swap3A_659 = vector.shape_cast %swap3A_658 : vector<1x16xf32> to vector<16xf32>
        %swap3A_660 = vector.shape_cast %mul3A_655 : vector<16xf32> to vector<1x16xf32>
        tpu.vector_store %arg20[%swap3A_656, %swap3A_657], %swap3A_660 {strides = array<i32>} : memref<16x144xf32, #tpu.memory_space<vmem>>, vector<1x16xf32>,
        %slice3A_661 = vector.extract_strided_slice %exp3A_628 {offsets = [1], sizes = [1], strides = [1]} : vector<16xf32> to vector<1xf32>
        %squeeze3A_662 = vector.extract %slice3A_661[0] : f32 from vector<1xf32>
        %get3A_663 = arith.index_cast %scan3A_623 : i32 to index
        %get3A_664 = arith.constant 16 : index
        %get3A_665 = tpu.vector_load %arg18[%get3A_663, %get3A_664] {strides = array<i32>} : memref<16x64xi32, #tpu.memory_space<vmem>>, vector<1x16xi32>,
        %get3A_666 = vector.shape_cast %get3A_665 : vector<1x16xi32> to vector<16xi32>
        %shift_left3A_667 = arith.constant 16 : i32
        %shift_left3A_668 = vector.broadcast %shift_left3A_667 : i32 to vector<16xi32>
        %shift_left3A_669 = arith.shli %get3A_666, %shift_left3A_668 : vector<16xi32>
        %bitcast_convert_type3A_670 = tpu.bitcast %shift_left3A_669 : vector<16xi32> -> vector<16xf32>
        %and3A_671 = vector.broadcast %scan3A_473 : i32 to vector<16xi32>
        %and3A_672 = arith.andi %get3A_666, %and3A_671 : vector<16xi32>
        %bitcast_convert_type3A_673 = tpu.bitcast %and3A_672 : vector<16xi32> -> vector<16xf32>
        %mul3A_674 = vector.broadcast %squeeze3A_662 : f32 to vector<16xf32>
        %mul3A_675 = arith.mulf %bitcast_convert_type3A_670, %mul3A_674 : vector<16xf32>
        %swap3A_676 = arith.index_cast %scan3A_623 : i32 to index
        %swap3A_677 = arith.constant 32 : index
        %swap3A_678 = tpu.vector_load %arg20[%swap3A_676, %swap3A_677] {strides = array<i32>} : memref<16x144xf32, #tpu.memory_space<vmem>>, vector<1x16xf32>,
        %swap3A_679 = vector.shape_cast %swap3A_678 : vector<1x16xf32> to vector<16xf32>
        %swap3A_680 = vector.shape_cast %mul3A_675 : vector<16xf32> to vector<1x16xf32>
        tpu.vector_store %arg20[%swap3A_676, %swap3A_677], %swap3A_680 {strides = array<i32>} : memref<16x144xf32, #tpu.memory_space<vmem>>, vector<1x16xf32>,
        %mul3A_681 = vector.broadcast %squeeze3A_662 : f32 to vector<16xf32>
        %mul3A_682 = arith.mulf %bitcast_convert_type3A_673, %mul3A_681 : vector<16xf32>
        %swap3A_683 = arith.index_cast %scan3A_623 : i32 to index
        %swap3A_684 = arith.constant 48 : index
        %swap3A_685 = tpu.vector_load %arg20[%swap3A_683, %swap3A_684] {strides = array<i32>} : memref<16x144xf32, #tpu.memory_space<vmem>>, vector<1x16xf32>,
        %swap3A_686 = vector.shape_cast %swap3A_685 : vector<1x16xf32> to vector<16xf32>
        %swap3A_687 = vector.shape_cast %mul3A_682 : vector<16xf32> to vector<1x16xf32>
        tpu.vector_store %arg20[%swap3A_683, %swap3A_684], %swap3A_687 {strides = array<i32>} : memref<16x144xf32, #tpu.memory_space<vmem>>, vector<1x16xf32>,
        %slice3A_688 = vector.extract_strided_slice %exp3A_628 {offsets = [2], sizes = [1], strides = [1]} : vector<16xf32> to vector<1xf32>
        %squeeze3A_689 = vector.extract %slice3A_688[0] : f32 from vector<1xf32>
        %get3A_690 = arith.index_cast %scan3A_623 : i32 to index
        %get3A_691 = arith.constant 32 : index
        %get3A_692 = tpu.vector_load %arg18[%get3A_690, %get3A_691] {strides = array<i32>} : memref<16x64xi32, #tpu.memory_space<vmem>>, vector<1x16xi32>,
        %get3A_693 = vector.shape_cast %get3A_692 : vector<1x16xi32> to vector<16xi32>
        %shift_left3A_694 = arith.constant 16 : i32
        %shift_left3A_695 = vector.broadcast %shift_left3A_694 : i32 to vector<16xi32>
        %shift_left3A_696 = arith.shli %get3A_693, %shift_left3A_695 : vector<16xi32>
        %bitcast_convert_type3A_697 = tpu.bitcast %shift_left3A_696 : vector<16xi32> -> vector<16xf32>
        %and3A_698 = vector.broadcast %scan3A_473 : i32 to vector<16xi32>
        %and3A_699 = arith.andi %get3A_693, %and3A_698 : vector<16xi32>
        %bitcast_convert_type3A_700 = tpu.bitcast %and3A_699 : vector<16xi32> -> vector<16xf32>
        %mul3A_701 = vector.broadcast %squeeze3A_689 : f32 to vector<16xf32>
        %mul3A_702 = arith.mulf %bitcast_convert_type3A_697, %mul3A_701 : vector<16xf32>
        %swap3A_703 = arith.index_cast %scan3A_623 : i32 to index
        %swap3A_704 = arith.constant 64 : index
        %swap3A_705 = tpu.vector_load %arg20[%swap3A_703, %swap3A_704] {strides = array<i32>} : memref<16x144xf32, #tpu.memory_space<vmem>>, vector<1x16xf32>,
        %swap3A_706 = vector.shape_cast %swap3A_705 : vector<1x16xf32> to vector<16xf32>
        %swap3A_707 = vector.shape_cast %mul3A_702 : vector<16xf32> to vector<1x16xf32>
        tpu.vector_store %arg20[%swap3A_703, %swap3A_704], %swap3A_707 {strides = array<i32>} : memref<16x144xf32, #tpu.memory_space<vmem>>, vector<1x16xf32>,
        %mul3A_708 = vector.broadcast %squeeze3A_689 : f32 to vector<16xf32>
        %mul3A_709 = arith.mulf %bitcast_convert_type3A_700, %mul3A_708 : vector<16xf32>
        %swap3A_710 = arith.index_cast %scan3A_623 : i32 to index
        %swap3A_711 = arith.constant 80 : index
        %swap3A_712 = tpu.vector_load %arg20[%swap3A_710, %swap3A_711] {strides = array<i32>} : memref<16x144xf32, #tpu.memory_space<vmem>>, vector<1x16xf32>,
        %swap3A_713 = vector.shape_cast %swap3A_712 : vector<1x16xf32> to vector<16xf32>
        %swap3A_714 = vector.shape_cast %mul3A_709 : vector<16xf32> to vector<1x16xf32>
        tpu.vector_store %arg20[%swap3A_710, %swap3A_711], %swap3A_714 {strides = array<i32>} : memref<16x144xf32, #tpu.memory_space<vmem>>, vector<1x16xf32>,
        %slice3A_715 = vector.extract_strided_slice %exp3A_628 {offsets = [3], sizes = [1], strides = [1]} : vector<16xf32> to vector<1xf32>
        %squeeze3A_716 = vector.extract %slice3A_715[0] : f32 from vector<1xf32>
        %get3A_717 = arith.index_cast %scan3A_623 : i32 to index
        %get3A_718 = arith.constant 48 : index
        %get3A_719 = tpu.vector_load %arg18[%get3A_717, %get3A_718] {strides = array<i32>} : memref<16x64xi32, #tpu.memory_space<vmem>>, vector<1x16xi32>,
        %get3A_720 = vector.shape_cast %get3A_719 : vector<1x16xi32> to vector<16xi32>
        %shift_left3A_721 = arith.constant 16 : i32
        %shift_left3A_722 = vector.broadcast %shift_left3A_721 : i32 to vector<16xi32>
        %shift_left3A_723 = arith.shli %get3A_720, %shift_left3A_722 : vector<16xi32>
        %bitcast_convert_type3A_724 = tpu.bitcast %shift_left3A_723 : vector<16xi32> -> vector<16xf32>
        %and3A_725 = vector.broadcast %scan3A_473 : i32 to vector<16xi32>
        %and3A_726 = arith.andi %get3A_720, %and3A_725 : vector<16xi32>
        %bitcast_convert_type3A_727 = tpu.bitcast %and3A_726 : vector<16xi32> -> vector<16xf32>
        %mul3A_728 = vector.broadcast %squeeze3A_716 : f32 to vector<16xf32>
        %mul3A_729 = arith.mulf %bitcast_convert_type3A_724, %mul3A_728 : vector<16xf32>
        %swap3A_730 = arith.index_cast %scan3A_623 : i32 to index
        %swap3A_731 = arith.constant 96 : index
        %swap3A_732 = tpu.vector_load %arg20[%swap3A_730, %swap3A_731] {strides = array<i32>} : memref<16x144xf32, #tpu.memory_space<vmem>>, vector<1x16xf32>,
        %swap3A_733 = vector.shape_cast %swap3A_732 : vector<1x16xf32> to vector<16xf32>
        %swap3A_734 = vector.shape_cast %mul3A_729 : vector<16xf32> to vector<1x16xf32>
        tpu.vector_store %arg20[%swap3A_730, %swap3A_731], %swap3A_734 {strides = array<i32>} : memref<16x144xf32, #tpu.memory_space<vmem>>, vector<1x16xf32>,
        %mul3A_735 = vector.broadcast %squeeze3A_716 : f32 to vector<16xf32>
        %mul3A_736 = arith.mulf %bitcast_convert_type3A_727, %mul3A_735 : vector<16xf32>
        %swap3A_737 = arith.index_cast %scan3A_623 : i32 to index
        %swap3A_738 = arith.constant 112 : index
        %swap3A_739 = tpu.vector_load %arg20[%swap3A_737, %swap3A_738] {strides = array<i32>} : memref<16x144xf32, #tpu.memory_space<vmem>>, vector<1x16xf32>,
        %swap3A_740 = vector.shape_cast %swap3A_739 : vector<1x16xf32> to vector<16xf32>
        %swap3A_741 = vector.shape_cast %mul3A_736 : vector<16xf32> to vector<1x16xf32>
        tpu.vector_store %arg20[%swap3A_737, %swap3A_738], %swap3A_741 {strides = array<i32>} : memref<16x144xf32, #tpu.memory_space<vmem>>, vector<1x16xf32>,
      }
      %scan3A_478 = arith.constant 16 : i32
      %dma_start3A_479 = arith.constant 0 : i32
      %dma_start3A_480 = arith.constant 0 : i32
      %dma_start3A_481 = tpu.memref_slice %arg21[%dma_start3A_479, %dma_start3A_480] : memref<10112x144xf32, #tpu.memory_space<vmem_shared>> -> memref<10112x144xf32, #tpu.memory_space<vmem_shared>>
      tpu.enqueue_indirect_dma source(%arg20 : memref<16x144xf32, #tpu.memory_space<vmem>>) target(%dma_start3A_481 : memref<10112x144xf32, #tpu.memory_space<vmem_shared>>) offsets(%arg12 : memref<16xi32, #tpu.memory_space<vmem>>) semaphore(%arg28 : memref<!tpu.dma_semaphore, #tpu.memory_space<semaphore_mem>>) {add = true}
      %add3A_482 = arith.constant 2 : i32
      %add3A_483 = arith.addi %add3A_451, %add3A_482 : i32
      %min3A_484 = arith.constant 671 : i32
      %min3A_485 = arith.minsi %add3A_483, %min3A_484 : i32
      %mul3A_486 = arith.constant 16 : i32
      %mul3A_487 = arith.muli %min3A_485, %mul3A_486 : i32
      %add3A_488 = arith.constant 0 : i32
      %add3A_489 = arith.addi %mul3A_487, %add3A_488 : i32
      %get3A_490 = arith.index_cast %add3A_489 : i32 to index
      %get3A_491 = tpu.vector_load %arg7[%get3A_490] {strides = array<i32>} : memref<10752xi32, #tpu.memory_space<vmem>>, vector<16xi32>,
      %get3A_492 = vector.shape_cast %get3A_491 : vector<16xi32> to vector<16xi32>
      %swap3A_493 = arith.constant 0 : index
      %swap3A_494 = tpu.vector_load %arg14[%swap3A_493] {strides = array<i32>} : memref<16xi32, #tpu.memory_space<vmem>>, vector<16xi32>,
      %swap3A_495 = vector.shape_cast %swap3A_494 : vector<16xi32> to vector<16xi32>
      %swap3A_496 = vector.shape_cast %get3A_492 : vector<16xi32> to vector<16xi32>
      tpu.vector_store %arg14[%swap3A_493], %swap3A_496 {strides = array<i32>} : memref<16xi32, #tpu.memory_space<vmem>>, vector<16xi32>,
      %add3A_497 = vector.broadcast %mul3A_13 : i32 to vector<16xi32>
      %add3A_498 = arith.addi %get3A_492, %add3A_497 : vector<16xi32>
      %swap3A_499 = arith.constant 0 : index
      %swap3A_500 = tpu.vector_load %arg10[%swap3A_499] {strides = array<i32>} : memref<16xi32, #tpu.memory_space<vmem>>, vector<16xi32>,
      %swap3A_501 = vector.shape_cast %swap3A_500 : vector<16xi32> to vector<16xi32>
      %swap3A_502 = vector.shape_cast %add3A_498 : vector<16xi32> to vector<16xi32>
      tpu.vector_store %arg10[%swap3A_499], %swap3A_502 {strides = array<i32>} : memref<16xi32, #tpu.memory_space<vmem>>, vector<16xi32>,
      %dma_start3A_503 = arith.constant 0 : i32
      %dma_start3A_504 = arith.constant 0 : i32
      %dma_start3A_505 = tpu.memref_slice %arg22[%dma_start3A_503, %dma_start3A_504] : memref<10112x16xf32, #tpu.memory_space<vmem_shared>> -> memref<10112x16xf32, #tpu.memory_space<vmem_shared>>
      tpu.enqueue_indirect_dma source(%dma_start3A_505 : memref<10112x16xf32, #tpu.memory_space<vmem_shared>>) target(%arg16 : memref<16x16xf32, #tpu.memory_space<vmem>>) offsets(%arg14 : memref<16xi32, #tpu.memory_space<vmem>>) semaphore(%arg24 : memref<!tpu.dma_semaphore, #tpu.memory_space<semaphore_mem>>)
      %dma_start3A_506 = arith.constant 0 : i32
      %dma_start3A_507 = arith.constant 0 : i32
      %dma_start3A_508 = tpu.memref_slice %arg3[%dma_start3A_506, %dma_start3A_507] : memref<40448x64xi32, #tpu.memory_space<hbm>> -> memref<40448x64xi32, #tpu.memory_space<hbm>>
      tpu.enqueue_indirect_dma source(%dma_start3A_508 : memref<40448x64xi32, #tpu.memory_space<hbm>>) target(%arg18 : memref<16x64xi32, #tpu.memory_space<vmem>>) offsets(%arg10 : memref<16xi32, #tpu.memory_space<vmem>>) semaphore(%arg26 : memref<!tpu.dma_semaphore, #tpu.memory_space<semaphore_mem>>)
    }
    %scan3A_151 = arith.constant 336 : i32
    %dma_wait3A = arith.constant 0 : i32
    %dma_wait3A_152 = arith.constant 0 : i32
    %dma_wait3A_153 = tpu.memref_slice %arg22[%dma_wait3A, %dma_wait3A_152] : memref<10112x16xf32, #tpu.memory_space<vmem_shared>> -> memref<10112x16xf32, #tpu.memory_space<vmem_shared>>
    tpu.wait_indirect_dma semaphore(%arg23 : memref<!tpu.dma_semaphore, #tpu.memory_space<semaphore_mem>>) src(%dma_wait3A_153 : memref<10112x16xf32, #tpu.memory_space<vmem_shared>>) dst(%arg15 : memref<16x16xf32, #tpu.memory_space<vmem>>)
    %dma_wait3A_154 = arith.constant 0 : i32
    %dma_wait3A_155 = arith.constant 0 : i32
    %dma_wait3A_156 = tpu.memref_slice %arg3[%dma_wait3A_154, %dma_wait3A_155] : memref<40448x64xi32, #tpu.memory_space<hbm>> -> memref<40448x64xi32, #tpu.memory_space<hbm>>
    tpu.wait_indirect_dma semaphore(%arg25 : memref<!tpu.dma_semaphore, #tpu.memory_space<semaphore_mem>>) src(%dma_wait3A_156 : memref<40448x64xi32, #tpu.memory_space<hbm>>) dst(%arg17 : memref<16x64xi32, #tpu.memory_space<vmem>>)
    %dma_wait3A_157 = arith.constant 0 : i32
    %dma_wait3A_158 = arith.constant 0 : i32
    %dma_wait3A_159 = tpu.memref_slice %arg22[%dma_wait3A_157, %dma_wait3A_158] : memref<10112x16xf32, #tpu.memory_space<vmem_shared>> -> memref<10112x16xf32, #tpu.memory_space<vmem_shared>>
    tpu.wait_indirect_dma semaphore(%arg24 : memref<!tpu.dma_semaphore, #tpu.memory_space<semaphore_mem>>) src(%dma_wait3A_159 : memref<10112x16xf32, #tpu.memory_space<vmem_shared>>) dst(%arg16 : memref<16x16xf32, #tpu.memory_space<vmem>>)
    %dma_wait3A_160 = arith.constant 0 : i32
    %dma_wait3A_161 = arith.constant 0 : i32
    %dma_wait3A_162 = tpu.memref_slice %arg3[%dma_wait3A_160, %dma_wait3A_161] : memref<40448x64xi32, #tpu.memory_space<hbm>> -> memref<40448x64xi32, #tpu.memory_space<hbm>>
    tpu.wait_indirect_dma semaphore(%arg26 : memref<!tpu.dma_semaphore, #tpu.memory_space<semaphore_mem>>) src(%dma_wait3A_162 : memref<40448x64xi32, #tpu.memory_space<hbm>>) dst(%arg18 : memref<16x64xi32, #tpu.memory_space<vmem>>)
    %dma_wait3A_163 = arith.constant 0 : i32
    %dma_wait3A_164 = arith.constant 0 : i32
    %dma_wait3A_165 = tpu.memref_slice %arg21[%dma_wait3A_163, %dma_wait3A_164] : memref<10112x144xf32, #tpu.memory_space<vmem_shared>> -> memref<10112x144xf32, #tpu.memory_space<vmem_shared>>
    tpu.wait_indirect_dma semaphore(%arg27 : memref<!tpu.dma_semaphore, #tpu.memory_space<semaphore_mem>>) src(%arg19 : memref<16x144xf32, #tpu.memory_space<vmem>>) dst(%dma_wait3A_165 : memref<10112x144xf32, #tpu.memory_space<vmem_shared>>)
    %dma_wait3A_166 = arith.constant 0 : i32
    %dma_wait3A_167 = arith.constant 0 : i32
    %dma_wait3A_168 = tpu.memref_slice %arg21[%dma_wait3A_166, %dma_wait3A_167] : memref<10112x144xf32, #tpu.memory_space<vmem_shared>> -> memref<10112x144xf32, #tpu.memory_space<vmem_shared>>
    tpu.wait_indirect_dma semaphore(%arg28 : memref<!tpu.dma_semaphore, #tpu.memory_space<semaphore_mem>>) src(%arg20 : memref<16x144xf32, #tpu.memory_space<vmem>>) dst(%dma_wait3A_168 : memref<10112x144xf32, #tpu.memory_space<vmem_shared>>)
    %barrier3A_169 = arith.constant 0 : index
    tpu.barrier barrier_id(%barrier3A_169)
    %add3A_170 = arith.constant 0 : i32
    %add3A_171 = arith.addi %mul3A_0, %add3A_170 : i32
    %add3A_172 = arith.addi %mul3A_13, %mul3A_0 : i32
    %add3A_173 = arith.constant 0 : i32
    %add3A_174 = arith.addi %add3A_172, %add3A_173 : i32
    "tpu.region"() ({
      %run_scoped3A = tpu.sem_alloc : memref<!tpu.dma_semaphore, #tpu.memory_space<semaphore_mem>>
      %dma_start3A_387 = arith.constant 0 : i32
      %dma_start3A_388 = tpu.memref_slice %arg6[%add3A_174, %dma_start3A_387] : memref<40448x144xf32, #tpu.memory_space<hbm>> -> memref<128x144xf32, #tpu.memory_space<hbm>>
      %dma_start3A_389 = arith.constant 0 : i32
      %dma_start3A_390 = tpu.memref_slice %arg21[%add3A_171, %dma_start3A_389] : memref<10112x144xf32, #tpu.memory_space<vmem_shared>> -> memref<128x144xf32, #tpu.memory_space<vmem_shared>>
      tpu.enqueue_dma source(%dma_start3A_390 : memref<128x144xf32, #tpu.memory_space<vmem_shared>>) target(%dma_start3A_388 : memref<128x144xf32, #tpu.memory_space<hbm>>) target_semaphore(%run_scoped3A : memref<!tpu.dma_semaphore, #tpu.memory_space<semaphore_mem>>)
      %dma_wait3A_391 = arith.constant 0 : i32
      %dma_wait3A_392 = tpu.memref_slice %arg6[%add3A_174, %dma_wait3A_391] : memref<40448x144xf32, #tpu.memory_space<hbm>> -> memref<128x144xf32, #tpu.memory_space<hbm>>
      %dma_wait3A_393 = arith.constant 0 : i32
      %dma_wait3A_394 = tpu.memref_slice %arg21[%add3A_171, %dma_wait3A_393] : memref<10112x144xf32, #tpu.memory_space<vmem_shared>> -> memref<128x144xf32, #tpu.memory_space<vmem_shared>>
      tpu.wait_dma2 semaphore(%run_scoped3A : memref<!tpu.dma_semaphore, #tpu.memory_space<semaphore_mem>>) src(%dma_wait3A_394 : memref<128x144xf32, #tpu.memory_space<vmem_shared>>) dst(%dma_wait3A_392 : memref<128x144xf32, #tpu.memory_space<hbm>>)
      tpu.yield
    }) : () -> ()
    %add3A_175 = arith.constant 128 : i32
    %add3A_176 = arith.addi %mul3A_0, %add3A_175 : i32
    %add3A_177 = arith.addi %mul3A_13, %mul3A_0 : i32
    %add3A_178 = arith.constant 128 : i32
    %add3A_179 = arith.addi %add3A_177, %add3A_178 : i32
    "tpu.region"() ({
      %run_scoped3A = tpu.sem_alloc : memref<!tpu.dma_semaphore, #tpu.memory_space<semaphore_mem>>
      %dma_start3A_387 = arith.constant 0 : i32
      %dma_start3A_388 = tpu.memref_slice %arg6[%add3A_179, %dma_start3A_387] : memref<40448x144xf32, #tpu.memory_space<hbm>> -> memref<128x144xf32, #tpu.memory_space<hbm>>
      %dma_start3A_389 = arith.constant 0 : i32
      %dma_start3A_390 = tpu.memref_slice %arg21[%add3A_176, %dma_start3A_389] : memref<10112x144xf32, #tpu.memory_space<vmem_shared>> -> memref<128x144xf32, #tpu.memory_space<vmem_shared>>
      tpu.enqueue_dma source(%dma_start3A_390 : memref<128x144xf32, #tpu.memory_space<vmem_shared>>) target(%dma_start3A_388 : memref<128x144xf32, #tpu.memory_space<hbm>>) target_semaphore(%run_scoped3A : memref<!tpu.dma_semaphore, #tpu.memory_space<semaphore_mem>>)
      %dma_wait3A_391 = arith.constant 0 : i32
      %dma_wait3A_392 = tpu.memref_slice %arg6[%add3A_179, %dma_wait3A_391] : memref<40448x144xf32, #tpu.memory_space<hbm>> -> memref<128x144xf32, #tpu.memory_space<hbm>>
      %dma_wait3A_393 = arith.constant 0 : i32
      %dma_wait3A_394 = tpu.memref_slice %arg21[%add3A_176, %dma_wait3A_393] : memref<10112x144xf32, #tpu.memory_space<vmem_shared>> -> memref<128x144xf32, #tpu.memory_space<vmem_shared>>
      tpu.wait_dma2 semaphore(%run_scoped3A : memref<!tpu.dma_semaphore, #tpu.memory_space<semaphore_mem>>) src(%dma_wait3A_394 : memref<128x144xf32, #tpu.memory_space<vmem_shared>>) dst(%dma_wait3A_392 : memref<128x144xf32, #tpu.memory_space<hbm>>)
      tpu.yield
    }) : () -> ()
    %add3A_180 = arith.constant 256 : i32
    %add3A_181 = arith.addi %mul3A_0, %add3A_180 : i32
    %add3A_182 = arith.addi %mul3A_13, %mul3A_0 : i32
    %add3A_183 = arith.constant 256 : i32
    %add3A_184 = arith.addi %add3A_182, %add3A_183 : i32
    "tpu.region"() ({
      %run_scoped3A = tpu.sem_alloc : memref<!tpu.dma_semaphore, #tpu.memory_space<semaphore_mem>>
      %dma_start3A_387 = arith.constant 0 : i32
      %dma_start3A_388 = tpu.memref_slice %arg6[%add3A_184, %dma_start3A_387] : memref<40448x144xf32, #tpu.memory_space<hbm>> -> memref<128x144xf32, #tpu.memory_space<hbm>>
      %dma_start3A_389 = arith.constant 0 : i32
      %dma_start3A_390 = tpu.memref_slice %arg21[%add3A_181, %dma_start3A_389] : memref<10112x144xf32, #tpu.memory_space<vmem_shared>> -> memref<128x144xf32, #tpu.memory_space<vmem_shared>>
      tpu.enqueue_dma source(%dma_start3A_390 : memref<128x144xf32, #tpu.memory_space<vmem_shared>>) target(%dma_start3A_388 : memref<128x144xf32, #tpu.memory_space<hbm>>) target_semaphore(%run_scoped3A : memref<!tpu.dma_semaphore, #tpu.memory_space<semaphore_mem>>)
      %dma_wait3A_391 = arith.constant 0 : i32
      %dma_wait3A_392 = tpu.memref_slice %arg6[%add3A_184, %dma_wait3A_391] : memref<40448x144xf32, #tpu.memory_space<hbm>> -> memref<128x144xf32, #tpu.memory_space<hbm>>
      %dma_wait3A_393 = arith.constant 0 : i32
      %dma_wait3A_394 = tpu.memref_slice %arg21[%add3A_181, %dma_wait3A_393] : memref<10112x144xf32, #tpu.memory_space<vmem_shared>> -> memref<128x144xf32, #tpu.memory_space<vmem_shared>>
      tpu.wait_dma2 semaphore(%run_scoped3A : memref<!tpu.dma_semaphore, #tpu.memory_space<semaphore_mem>>) src(%dma_wait3A_394 : memref<128x144xf32, #tpu.memory_space<vmem_shared>>) dst(%dma_wait3A_392 : memref<128x144xf32, #tpu.memory_space<hbm>>)
      tpu.yield
    }) : () -> ()
    %add3A_185 = arith.constant 384 : i32
    %add3A_186 = arith.addi %mul3A_0, %add3A_185 : i32
    %add3A_187 = arith.addi %mul3A_13, %mul3A_0 : i32
    %add3A_188 = arith.constant 384 : i32
    %add3A_189 = arith.addi %add3A_187, %add3A_188 : i32
    "tpu.region"() ({
      %run_scoped3A = tpu.sem_alloc : memref<!tpu.dma_semaphore, #tpu.memory_space<semaphore_mem>>
      %dma_start3A_387 = arith.constant 0 : i32
      %dma_start3A_388 = tpu.memref_slice %arg6[%add3A_189, %dma_start3A_387] : memref<40448x144xf32, #tpu.memory_space<hbm>> -> memref<128x144xf32, #tpu.memory_space<hbm>>
      %dma_start3A_389 = arith.constant 0 : i32
      %dma_start3A_390 = tpu.memref_slice %arg21[%add3A_186, %dma_start3A_389] : memref<10112x144xf32, #tpu.memory_space<vmem_shared>> -> memref<128x144xf32, #tpu.memory_space<vmem_shared>>
      tpu.enqueue_dma source(%dma_start3A_390 : memref<128x144xf32, #tpu.memory_space<vmem_shared>>) target(%dma_start3A_388 : memref<128x144xf32, #tpu.memory_space<hbm>>) target_semaphore(%run_scoped3A : memref<!tpu.dma_semaphore, #tpu.memory_space<semaphore_mem>>)
      %dma_wait3A_391 = arith.constant 0 : i32
      %dma_wait3A_392 = tpu.memref_slice %arg6[%add3A_189, %dma_wait3A_391] : memref<40448x144xf32, #tpu.memory_space<hbm>> -> memref<128x144xf32, #tpu.memory_space<hbm>>
      %dma_wait3A_393 = arith.constant 0 : i32
      %dma_wait3A_394 = tpu.memref_slice %arg21[%add3A_186, %dma_wait3A_393] : memref<10112x144xf32, #tpu.memory_space<vmem_shared>> -> memref<128x144xf32, #tpu.memory_space<vmem_shared>>
      tpu.wait_dma2 semaphore(%run_scoped3A : memref<!tpu.dma_semaphore, #tpu.memory_space<semaphore_mem>>) src(%dma_wait3A_394 : memref<128x144xf32, #tpu.memory_space<vmem_shared>>) dst(%dma_wait3A_392 : memref<128x144xf32, #tpu.memory_space<hbm>>)
      tpu.yield
    }) : () -> ()
    %add3A_190 = arith.constant 512 : i32
    %add3A_191 = arith.addi %mul3A_0, %add3A_190 : i32
    %add3A_192 = arith.addi %mul3A_13, %mul3A_0 : i32
    %add3A_193 = arith.constant 512 : i32
    %add3A_194 = arith.addi %add3A_192, %add3A_193 : i32
    "tpu.region"() ({
      %run_scoped3A = tpu.sem_alloc : memref<!tpu.dma_semaphore, #tpu.memory_space<semaphore_mem>>
      %dma_start3A_387 = arith.constant 0 : i32
      %dma_start3A_388 = tpu.memref_slice %arg6[%add3A_194, %dma_start3A_387] : memref<40448x144xf32, #tpu.memory_space<hbm>> -> memref<120x144xf32, #tpu.memory_space<hbm>>
      %dma_start3A_389 = arith.constant 0 : i32
      %dma_start3A_390 = tpu.memref_slice %arg21[%add3A_191, %dma_start3A_389] : memref<10112x144xf32, #tpu.memory_space<vmem_shared>> -> memref<120x144xf32, #tpu.memory_space<vmem_shared>>
      tpu.enqueue_dma source(%dma_start3A_390 : memref<120x144xf32, #tpu.memory_space<vmem_shared>>) target(%dma_start3A_388 : memref<120x144xf32, #tpu.memory_space<hbm>>) target_semaphore(%run_scoped3A : memref<!tpu.dma_semaphore, #tpu.memory_space<semaphore_mem>>)
      %dma_wait3A_391 = arith.constant 0 : i32
      %dma_wait3A_392 = tpu.memref_slice %arg6[%add3A_194, %dma_wait3A_391] : memref<40448x144xf32, #tpu.memory_space<hbm>> -> memref<120x144xf32, #tpu.memory_space<hbm>>
      %dma_wait3A_393 = arith.constant 0 : i32
      %dma_wait3A_394 = tpu.memref_slice %arg21[%add3A_191, %dma_wait3A_393] : memref<10112x144xf32, #tpu.memory_space<vmem_shared>> -> memref<120x144xf32, #tpu.memory_space<vmem_shared>>
      tpu.wait_dma2 semaphore(%run_scoped3A : memref<!tpu.dma_semaphore, #tpu.memory_space<semaphore_mem>>) src(%dma_wait3A_394 : memref<120x144xf32, #tpu.memory_space<vmem_shared>>) dst(%dma_wait3A_392 : memref<120x144xf32, #tpu.memory_space<hbm>>)
      tpu.yield
    }) : () -> ()
    %mul3A_195 = arith.constant 2 : i32
    %mul3A_196 = arith.muli %mul3A_195, %arg0 : i32
    %add3A_197 = arith.constant 1 : i32
    %add3A_198 = arith.addi %mul3A_196, %add3A_197 : i32
    %mul3A_199 = arith.constant 10112 : i32
    %mul3A_200 = arith.muli %add3A_198, %mul3A_199 : i32
    %scan3A_201 = arith.constant 0 : i32
    %scan3A_202 = arith.constant 0 : i32
    %scan3A_203 = arith.constant 16 : i32
    %scan3A_204 = arith.addi %scan3A_202, %scan3A_203 : i32
    %scan3A_205 = arith.constant 1 : i32
    scf.for %scan3A_387 = %scan3A_202 to %scan3A_204 step %scan3A_205  : i32 {
      %swap3A_388 = arith.index_cast %scan3A_387 : i32 to index
      %swap3A_389 = arith.constant 0 : index
      %swap3A_390 = tpu.vector_load %arg19[%swap3A_388, %swap3A_389] {strides = array<i32>} : memref<16x144xf32, #tpu.memory_space<vmem>>, vector<1x16xf32>,
      %swap3A_391 = vector.shape_cast %swap3A_390 : vector<1x16xf32> to vector<16xf32>
      %swap3A_392 = vector.shape_cast %broadcast_in_dim3A_1 : vector<16xf32> to vector<1x16xf32>
      tpu.vector_store %arg19[%swap3A_388, %swap3A_389], %swap3A_392 {strides = array<i32>} : memref<16x144xf32, #tpu.memory_space<vmem>>, vector<1x16xf32>,
      %swap3A_393 = arith.index_cast %scan3A_387 : i32 to index
      %swap3A_394 = arith.constant 16 : index
      %swap3A_395 = tpu.vector_load %arg19[%swap3A_393, %swap3A_394] {strides = array<i32>} : memref<16x144xf32, #tpu.memory_space<vmem>>, vector<1x16xf32>,
      %swap3A_396 = vector.shape_cast %swap3A_395 : vector<1x16xf32> to vector<16xf32>
      %swap3A_397 = vector.shape_cast %broadcast_in_dim3A_1 : vector<16xf32> to vector<1x16xf32>
      tpu.vector_store %arg19[%swap3A_393, %swap3A_394], %swap3A_397 {strides = array<i32>} : memref<16x144xf32, #tpu.memory_space<vmem>>, vector<1x16xf32>,
      %swap3A_398 = arith.index_cast %scan3A_387 : i32 to index
      %swap3A_399 = arith.constant 32 : index
      %swap3A_400 = tpu.vector_load %arg19[%swap3A_398, %swap3A_399] {strides = array<i32>} : memref<16x144xf32, #tpu.memory_space<vmem>>, vector<1x16xf32>,
      %swap3A_401 = vector.shape_cast %swap3A_400 : vector<1x16xf32> to vector<16xf32>
      %swap3A_402 = vector.shape_cast %broadcast_in_dim3A_1 : vector<16xf32> to vector<1x16xf32>
      tpu.vector_store %arg19[%swap3A_398, %swap3A_399], %swap3A_402 {strides = array<i32>} : memref<16x144xf32, #tpu.memory_space<vmem>>, vector<1x16xf32>,
      %swap3A_403 = arith.index_cast %scan3A_387 : i32 to index
      %swap3A_404 = arith.constant 48 : index
      %swap3A_405 = tpu.vector_load %arg19[%swap3A_403, %swap3A_404] {strides = array<i32>} : memref<16x144xf32, #tpu.memory_space<vmem>>, vector<1x16xf32>,
      %swap3A_406 = vector.shape_cast %swap3A_405 : vector<1x16xf32> to vector<16xf32>
      %swap3A_407 = vector.shape_cast %broadcast_in_dim3A_1 : vector<16xf32> to vector<1x16xf32>
      tpu.vector_store %arg19[%swap3A_403, %swap3A_404], %swap3A_407 {strides = array<i32>} : memref<16x144xf32, #tpu.memory_space<vmem>>, vector<1x16xf32>,
      %swap3A_408 = arith.index_cast %scan3A_387 : i32 to index
      %swap3A_409 = arith.constant 64 : index
      %swap3A_410 = tpu.vector_load %arg19[%swap3A_408, %swap3A_409] {strides = array<i32>} : memref<16x144xf32, #tpu.memory_space<vmem>>, vector<1x16xf32>,
      %swap3A_411 = vector.shape_cast %swap3A_410 : vector<1x16xf32> to vector<16xf32>
      %swap3A_412 = vector.shape_cast %broadcast_in_dim3A_1 : vector<16xf32> to vector<1x16xf32>
      tpu.vector_store %arg19[%swap3A_408, %swap3A_409], %swap3A_412 {strides = array<i32>} : memref<16x144xf32, #tpu.memory_space<vmem>>, vector<1x16xf32>,
      %swap3A_413 = arith.index_cast %scan3A_387 : i32 to index
      %swap3A_414 = arith.constant 80 : index
      %swap3A_415 = tpu.vector_load %arg19[%swap3A_413, %swap3A_414] {strides = array<i32>} : memref<16x144xf32, #tpu.memory_space<vmem>>, vector<1x16xf32>,
      %swap3A_416 = vector.shape_cast %swap3A_415 : vector<1x16xf32> to vector<16xf32>
      %swap3A_417 = vector.shape_cast %broadcast_in_dim3A_1 : vector<16xf32> to vector<1x16xf32>
      tpu.vector_store %arg19[%swap3A_413, %swap3A_414], %swap3A_417 {strides = array<i32>} : memref<16x144xf32, #tpu.memory_space<vmem>>, vector<1x16xf32>,
      %swap3A_418 = arith.index_cast %scan3A_387 : i32 to index
      %swap3A_419 = arith.constant 96 : index
      %swap3A_420 = tpu.vector_load %arg19[%swap3A_418, %swap3A_419] {strides = array<i32>} : memref<16x144xf32, #tpu.memory_space<vmem>>, vector<1x16xf32>,
      %swap3A_421 = vector.shape_cast %swap3A_420 : vector<1x16xf32> to vector<16xf32>
      %swap3A_422 = vector.shape_cast %broadcast_in_dim3A_1 : vector<16xf32> to vector<1x16xf32>
      tpu.vector_store %arg19[%swap3A_418, %swap3A_419], %swap3A_422 {strides = array<i32>} : memref<16x144xf32, #tpu.memory_space<vmem>>, vector<1x16xf32>,
      %swap3A_423 = arith.index_cast %scan3A_387 : i32 to index
      %swap3A_424 = arith.constant 112 : index
      %swap3A_425 = tpu.vector_load %arg19[%swap3A_423, %swap3A_424] {strides = array<i32>} : memref<16x144xf32, #tpu.memory_space<vmem>>, vector<1x16xf32>,
      %swap3A_426 = vector.shape_cast %swap3A_425 : vector<1x16xf32> to vector<16xf32>
      %swap3A_427 = vector.shape_cast %broadcast_in_dim3A_1 : vector<16xf32> to vector<1x16xf32>
      tpu.vector_store %arg19[%swap3A_423, %swap3A_424], %swap3A_427 {strides = array<i32>} : memref<16x144xf32, #tpu.memory_space<vmem>>, vector<1x16xf32>,
      %swap3A_428 = arith.index_cast %scan3A_387 : i32 to index
      %swap3A_429 = arith.constant 128 : index
      %swap3A_430 = tpu.vector_load %arg19[%swap3A_428, %swap3A_429] {strides = array<i32>} : memref<16x144xf32, #tpu.memory_space<vmem>>, vector<1x16xf32>,
      %swap3A_431 = vector.shape_cast %swap3A_430 : vector<1x16xf32> to vector<16xf32>
      %swap3A_432 = vector.shape_cast %broadcast_in_dim3A_1 : vector<16xf32> to vector<1x16xf32>
      tpu.vector_store %arg19[%swap3A_428, %swap3A_429], %swap3A_432 {strides = array<i32>} : memref<16x144xf32, #tpu.memory_space<vmem>>, vector<1x16xf32>,
    }
    %scan3A_206 = arith.constant 16 : i32
    %add3A_207 = arith.constant 0 : i32
    %add3A_208 = arith.addi %mul3A_0, %add3A_207 : i32
    "tpu.region"() ({
      %run_scoped3A = tpu.sem_alloc : memref<!tpu.dma_semaphore, #tpu.memory_space<semaphore_mem>>
      %dma_start3A_387 = arith.constant 0 : i32
      %dma_start3A_388 = arith.constant 0 : i32
      %dma_start3A_389 = tpu.memref_slice %arg19[%dma_start3A_387, %dma_start3A_388] : memref<16x144xf32, #tpu.memory_space<vmem>> -> memref<16x144xf32, #tpu.memory_space<vmem>>
      %dma_start3A_390 = arith.constant 0 : i32
      %dma_start3A_391 = tpu.memref_slice %arg21[%add3A_208, %dma_start3A_390] : memref<10112x144xf32, #tpu.memory_space<vmem_shared>> -> memref<16x144xf32, #tpu.memory_space<vmem_shared>>
      %dma_start3A_392 = arith.constant 0 : i32
      %dma_start3A_393 = tpu.memref_slice %arg21[%add3A_208, %dma_start3A_392] : memref<10112x144xf32, #tpu.memory_space<vmem_shared>> -> memref<16x144xf32, #tpu.memory_space<vmem_shared>>
      %dma_start3A_394 = arith.constant 0 : i32
      %dma_start3A_395 = arith.constant 0 : i32
      %dma_start3A_396 = tpu.memref_slice %arg19[%dma_start3A_394, %dma_start3A_395] : memref<16x144xf32, #tpu.memory_space<vmem>> -> memref<16x144xf32, #tpu.memory_space<vmem>>
      tpu.enqueue_dma source(%dma_start3A_396 : memref<16x144xf32, #tpu.memory_space<vmem>>) target(%dma_start3A_393 : memref<16x144xf32, #tpu.memory_space<vmem_shared>>) target_semaphore(%run_scoped3A : memref<!tpu.dma_semaphore, #tpu.memory_space<semaphore_mem>>)
      %dma_wait3A_397 = arith.constant 0 : i32
      %dma_wait3A_398 = arith.constant 0 : i32
      %dma_wait3A_399 = tpu.memref_slice %arg19[%dma_wait3A_397, %dma_wait3A_398] : memref<16x144xf32, #tpu.memory_space<vmem>> -> memref<16x144xf32, #tpu.memory_space<vmem>>
      %dma_wait3A_400 = arith.constant 0 : i32
      %dma_wait3A_401 = tpu.memref_slice %arg21[%add3A_208, %dma_wait3A_400] : memref<10112x144xf32, #tpu.memory_space<vmem_shared>> -> memref<16x144xf32, #tpu.memory_space<vmem_shared>>
      %dma_wait3A_402 = arith.constant 0 : i32
      %dma_wait3A_403 = tpu.memref_slice %arg21[%add3A_208, %dma_wait3A_402] : memref<10112x144xf32, #tpu.memory_space<vmem_shared>> -> memref<16x144xf32, #tpu.memory_space<vmem_shared>>
      %dma_wait3A_404 = arith.constant 0 : i32
      %dma_wait3A_405 = arith.constant 0 : i32
      %dma_wait3A_406 = tpu.memref_slice %arg19[%dma_wait3A_404, %dma_wait3A_405] : memref<16x144xf32, #tpu.memory_space<vmem>> -> memref<16x144xf32, #tpu.memory_space<vmem>>
      tpu.wait_dma2 semaphore(%run_scoped3A : memref<!tpu.dma_semaphore, #tpu.memory_space<semaphore_mem>>) src(%dma_wait3A_406 : memref<16x144xf32, #tpu.memory_space<vmem>>) dst(%dma_wait3A_403 : memref<16x144xf32, #tpu.memory_space<vmem_shared>>)
      tpu.yield
    }) : () -> ()
    %add3A_209 = arith.constant 16 : i32
    %add3A_210 = arith.addi %mul3A_0, %add3A_209 : i32
    "tpu.region"() ({
      %run_scoped3A = tpu.sem_alloc : memref<!tpu.dma_semaphore, #tpu.memory_space<semaphore_mem>>
      %dma_start3A_387 = arith.constant 0 : i32
      %dma_start3A_388 = arith.constant 0 : i32
      %dma_start3A_389 = tpu.memref_slice %arg19[%dma_start3A_387, %dma_start3A_388] : memref<16x144xf32, #tpu.memory_space<vmem>> -> memref<16x144xf32, #tpu.memory_space<vmem>>
      %dma_start3A_390 = arith.constant 0 : i32
      %dma_start3A_391 = tpu.memref_slice %arg21[%add3A_210, %dma_start3A_390] : memref<10112x144xf32, #tpu.memory_space<vmem_shared>> -> memref<16x144xf32, #tpu.memory_space<vmem_shared>>
      %dma_start3A_392 = arith.constant 0 : i32
      %dma_start3A_393 = tpu.memref_slice %arg21[%add3A_210, %dma_start3A_392] : memref<10112x144xf32, #tpu.memory_space<vmem_shared>> -> memref<16x144xf32, #tpu.memory_space<vmem_shared>>
      %dma_start3A_394 = arith.constant 0 : i32
      %dma_start3A_395 = arith.constant 0 : i32
      %dma_start3A_396 = tpu.memref_slice %arg19[%dma_start3A_394, %dma_start3A_395] : memref<16x144xf32, #tpu.memory_space<vmem>> -> memref<16x144xf32, #tpu.memory_space<vmem>>
      tpu.enqueue_dma source(%dma_start3A_396 : memref<16x144xf32, #tpu.memory_space<vmem>>) target(%dma_start3A_393 : memref<16x144xf32, #tpu.memory_space<vmem_shared>>) target_semaphore(%run_scoped3A : memref<!tpu.dma_semaphore, #tpu.memory_space<semaphore_mem>>)
      %dma_wait3A_397 = arith.constant 0 : i32
      %dma_wait3A_398 = arith.constant 0 : i32
      %dma_wait3A_399 = tpu.memref_slice %arg19[%dma_wait3A_397, %dma_wait3A_398] : memref<16x144xf32, #tpu.memory_space<vmem>> -> memref<16x144xf32, #tpu.memory_space<vmem>>
      %dma_wait3A_400 = arith.constant 0 : i32
      %dma_wait3A_401 = tpu.memref_slice %arg21[%add3A_210, %dma_wait3A_400] : memref<10112x144xf32, #tpu.memory_space<vmem_shared>> -> memref<16x144xf32, #tpu.memory_space<vmem_shared>>
      %dma_wait3A_402 = arith.constant 0 : i32
      %dma_wait3A_403 = tpu.memref_slice %arg21[%add3A_210, %dma_wait3A_402] : memref<10112x144xf32, #tpu.memory_space<vmem_shared>> -> memref<16x144xf32, #tpu.memory_space<vmem_shared>>
      %dma_wait3A_404 = arith.constant 0 : i32
      %dma_wait3A_405 = arith.constant 0 : i32
      %dma_wait3A_406 = tpu.memref_slice %arg19[%dma_wait3A_404, %dma_wait3A_405] : memref<16x144xf32, #tpu.memory_space<vmem>> -> memref<16x144xf32, #tpu.memory_space<vmem>>
      tpu.wait_dma2 semaphore(%run_scoped3A : memref<!tpu.dma_semaphore, #tpu.memory_space<semaphore_mem>>) src(%dma_wait3A_406 : memref<16x144xf32, #tpu.memory_space<vmem>>) dst(%dma_wait3A_403 : memref<16x144xf32, #tpu.memory_space<vmem_shared>>)
      tpu.yield
    }) : () -> ()
    %add3A_211 = arith.constant 32 : i32
    %add3A_212 = arith.addi %mul3A_0, %add3A_211 : i32
    "tpu.region"() ({
      %run_scoped3A = tpu.sem_alloc : memref<!tpu.dma_semaphore, #tpu.memory_space<semaphore_mem>>
      %dma_start3A_387 = arith.constant 0 : i32
      %dma_start3A_388 = arith.constant 0 : i32
      %dma_start3A_389 = tpu.memref_slice %arg19[%dma_start3A_387, %dma_start3A_388] : memref<16x144xf32, #tpu.memory_space<vmem>> -> memref<16x144xf32, #tpu.memory_space<vmem>>
      %dma_start3A_390 = arith.constant 0 : i32
      %dma_start3A_391 = tpu.memref_slice %arg21[%add3A_212, %dma_start3A_390] : memref<10112x144xf32, #tpu.memory_space<vmem_shared>> -> memref<16x144xf32, #tpu.memory_space<vmem_shared>>
      %dma_start3A_392 = arith.constant 0 : i32
      %dma_start3A_393 = tpu.memref_slice %arg21[%add3A_212, %dma_start3A_392] : memref<10112x144xf32, #tpu.memory_space<vmem_shared>> -> memref<16x144xf32, #tpu.memory_space<vmem_shared>>
      %dma_start3A_394 = arith.constant 0 : i32
      %dma_start3A_395 = arith.constant 0 : i32
      %dma_start3A_396 = tpu.memref_slice %arg19[%dma_start3A_394, %dma_start3A_395] : memref<16x144xf32, #tpu.memory_space<vmem>> -> memref<16x144xf32, #tpu.memory_space<vmem>>
      tpu.enqueue_dma source(%dma_start3A_396 : memref<16x144xf32, #tpu.memory_space<vmem>>) target(%dma_start3A_393 : memref<16x144xf32, #tpu.memory_space<vmem_shared>>) target_semaphore(%run_scoped3A : memref<!tpu.dma_semaphore, #tpu.memory_space<semaphore_mem>>)
      %dma_wait3A_397 = arith.constant 0 : i32
      %dma_wait3A_398 = arith.constant 0 : i32
      %dma_wait3A_399 = tpu.memref_slice %arg19[%dma_wait3A_397, %dma_wait3A_398] : memref<16x144xf32, #tpu.memory_space<vmem>> -> memref<16x144xf32, #tpu.memory_space<vmem>>
      %dma_wait3A_400 = arith.constant 0 : i32
      %dma_wait3A_401 = tpu.memref_slice %arg21[%add3A_212, %dma_wait3A_400] : memref<10112x144xf32, #tpu.memory_space<vmem_shared>> -> memref<16x144xf32, #tpu.memory_space<vmem_shared>>
      %dma_wait3A_402 = arith.constant 0 : i32
      %dma_wait3A_403 = tpu.memref_slice %arg21[%add3A_212, %dma_wait3A_402] : memref<10112x144xf32, #tpu.memory_space<vmem_shared>> -> memref<16x144xf32, #tpu.memory_space<vmem_shared>>
      %dma_wait3A_404 = arith.constant 0 : i32
      %dma_wait3A_405 = arith.constant 0 : i32
      %dma_wait3A_406 = tpu.memref_slice %arg19[%dma_wait3A_404, %dma_wait3A_405] : memref<16x144xf32, #tpu.memory_space<vmem>> -> memref<16x144xf32, #tpu.memory_space<vmem>>
      tpu.wait_dma2 semaphore(%run_scoped3A : memref<!tpu.dma_semaphore, #tpu.memory_space<semaphore_mem>>) src(%dma_wait3A_406 : memref<16x144xf32, #tpu.memory_space<vmem>>) dst(%dma_wait3A_403 : memref<16x144xf32, #tpu.memory_space<vmem_shared>>)
      tpu.yield
    }) : () -> ()
    %add3A_213 = arith.constant 48 : i32
    %add3A_214 = arith.addi %mul3A_0, %add3A_213 : i32
    "tpu.region"() ({
      %run_scoped3A = tpu.sem_alloc : memref<!tpu.dma_semaphore, #tpu.memory_space<semaphore_mem>>
      %dma_start3A_387 = arith.constant 0 : i32
      %dma_start3A_388 = arith.constant 0 : i32
      %dma_start3A_389 = tpu.memref_slice %arg19[%dma_start3A_387, %dma_start3A_388] : memref<16x144xf32, #tpu.memory_space<vmem>> -> memref<16x144xf32, #tpu.memory_space<vmem>>
      %dma_start3A_390 = arith.constant 0 : i32
      %dma_start3A_391 = tpu.memref_slice %arg21[%add3A_214, %dma_start3A_390] : memref<10112x144xf32, #tpu.memory_space<vmem_shared>> -> memref<16x144xf32, #tpu.memory_space<vmem_shared>>
      %dma_start3A_392 = arith.constant 0 : i32
      %dma_start3A_393 = tpu.memref_slice %arg21[%add3A_214, %dma_start3A_392] : memref<10112x144xf32, #tpu.memory_space<vmem_shared>> -> memref<16x144xf32, #tpu.memory_space<vmem_shared>>
      %dma_start3A_394 = arith.constant 0 : i32
      %dma_start3A_395 = arith.constant 0 : i32
      %dma_start3A_396 = tpu.memref_slice %arg19[%dma_start3A_394, %dma_start3A_395] : memref<16x144xf32, #tpu.memory_space<vmem>> -> memref<16x144xf32, #tpu.memory_space<vmem>>
      tpu.enqueue_dma source(%dma_start3A_396 : memref<16x144xf32, #tpu.memory_space<vmem>>) target(%dma_start3A_393 : memref<16x144xf32, #tpu.memory_space<vmem_shared>>) target_semaphore(%run_scoped3A : memref<!tpu.dma_semaphore, #tpu.memory_space<semaphore_mem>>)
      %dma_wait3A_397 = arith.constant 0 : i32
      %dma_wait3A_398 = arith.constant 0 : i32
      %dma_wait3A_399 = tpu.memref_slice %arg19[%dma_wait3A_397, %dma_wait3A_398] : memref<16x144xf32, #tpu.memory_space<vmem>> -> memref<16x144xf32, #tpu.memory_space<vmem>>
      %dma_wait3A_400 = arith.constant 0 : i32
      %dma_wait3A_401 = tpu.memref_slice %arg21[%add3A_214, %dma_wait3A_400] : memref<10112x144xf32, #tpu.memory_space<vmem_shared>> -> memref<16x144xf32, #tpu.memory_space<vmem_shared>>
      %dma_wait3A_402 = arith.constant 0 : i32
      %dma_wait3A_403 = tpu.memref_slice %arg21[%add3A_214, %dma_wait3A_402] : memref<10112x144xf32, #tpu.memory_space<vmem_shared>> -> memref<16x144xf32, #tpu.memory_space<vmem_shared>>
      %dma_wait3A_404 = arith.constant 0 : i32
      %dma_wait3A_405 = arith.constant 0 : i32
      %dma_wait3A_406 = tpu.memref_slice %arg19[%dma_wait3A_404, %dma_wait3A_405] : memref<16x144xf32, #tpu.memory_space<vmem>> -> memref<16x144xf32, #tpu.memory_space<vmem>>
      tpu.wait_dma2 semaphore(%run_scoped3A : memref<!tpu.dma_semaphore, #tpu.memory_space<semaphore_mem>>) src(%dma_wait3A_406 : memref<16x144xf32, #tpu.memory_space<vmem>>) dst(%dma_wait3A_403 : memref<16x144xf32, #tpu.memory_space<vmem_shared>>)
      tpu.yield
    }) : () -> ()
    %add3A_215 = arith.constant 64 : i32
    %add3A_216 = arith.addi %mul3A_0, %add3A_215 : i32
    "tpu.region"() ({
      %run_scoped3A = tpu.sem_alloc : memref<!tpu.dma_semaphore, #tpu.memory_space<semaphore_mem>>
      %dma_start3A_387 = arith.constant 0 : i32
      %dma_start3A_388 = arith.constant 0 : i32
      %dma_start3A_389 = tpu.memref_slice %arg19[%dma_start3A_387, %dma_start3A_388] : memref<16x144xf32, #tpu.memory_space<vmem>> -> memref<16x144xf32, #tpu.memory_space<vmem>>
      %dma_start3A_390 = arith.constant 0 : i32
      %dma_start3A_391 = tpu.memref_slice %arg21[%add3A_216, %dma_start3A_390] : memref<10112x144xf32, #tpu.memory_space<vmem_shared>> -> memref<16x144xf32, #tpu.memory_space<vmem_shared>>
      %dma_start3A_392 = arith.constant 0 : i32
      %dma_start3A_393 = tpu.memref_slice %arg21[%add3A_216, %dma_start3A_392] : memref<10112x144xf32, #tpu.memory_space<vmem_shared>> -> memref<16x144xf32, #tpu.memory_space<vmem_shared>>
      %dma_start3A_394 = arith.constant 0 : i32
      %dma_start3A_395 = arith.constant 0 : i32
      %dma_start3A_396 = tpu.memref_slice %arg19[%dma_start3A_394, %dma_start3A_395] : memref<16x144xf32, #tpu.memory_space<vmem>> -> memref<16x144xf32, #tpu.memory_space<vmem>>
      tpu.enqueue_dma source(%dma_start3A_396 : memref<16x144xf32, #tpu.memory_space<vmem>>) target(%dma_start3A_393 : memref<16x144xf32, #tpu.memory_space<vmem_shared>>) target_semaphore(%run_scoped3A : memref<!tpu.dma_semaphore, #tpu.memory_space<semaphore_mem>>)
      %dma_wait3A_397 = arith.constant 0 : i32
      %dma_wait3A_398 = arith.constant 0 : i32
      %dma_wait3A_399 = tpu.memref_slice %arg19[%dma_wait3A_397, %dma_wait3A_398] : memref<16x144xf32, #tpu.memory_space<vmem>> -> memref<16x144xf32, #tpu.memory_space<vmem>>
      %dma_wait3A_400 = arith.constant 0 : i32
      %dma_wait3A_401 = tpu.memref_slice %arg21[%add3A_216, %dma_wait3A_400] : memref<10112x144xf32, #tpu.memory_space<vmem_shared>> -> memref<16x144xf32, #tpu.memory_space<vmem_shared>>
      %dma_wait3A_402 = arith.constant 0 : i32
      %dma_wait3A_403 = tpu.memref_slice %arg21[%add3A_216, %dma_wait3A_402] : memref<10112x144xf32, #tpu.memory_space<vmem_shared>> -> memref<16x144xf32, #tpu.memory_space<vmem_shared>>
      %dma_wait3A_404 = arith.constant 0 : i32
      %dma_wait3A_405 = arith.constant 0 : i32
      %dma_wait3A_406 = tpu.memref_slice %arg19[%dma_wait3A_404, %dma_wait3A_405] : memref<16x144xf32, #tpu.memory_space<vmem>> -> memref<16x144xf32, #tpu.memory_space<vmem>>
      tpu.wait_dma2 semaphore(%run_scoped3A : memref<!tpu.dma_semaphore, #tpu.memory_space<semaphore_mem>>) src(%dma_wait3A_406 : memref<16x144xf32, #tpu.memory_space<vmem>>) dst(%dma_wait3A_403 : memref<16x144xf32, #tpu.memory_space<vmem_shared>>)
      tpu.yield
    }) : () -> ()
    %add3A_217 = arith.constant 80 : i32
    %add3A_218 = arith.addi %mul3A_0, %add3A_217 : i32
    "tpu.region"() ({
      %run_scoped3A = tpu.sem_alloc : memref<!tpu.dma_semaphore, #tpu.memory_space<semaphore_mem>>
      %dma_start3A_387 = arith.constant 0 : i32
      %dma_start3A_388 = arith.constant 0 : i32
      %dma_start3A_389 = tpu.memref_slice %arg19[%dma_start3A_387, %dma_start3A_388] : memref<16x144xf32, #tpu.memory_space<vmem>> -> memref<16x144xf32, #tpu.memory_space<vmem>>
      %dma_start3A_390 = arith.constant 0 : i32
      %dma_start3A_391 = tpu.memref_slice %arg21[%add3A_218, %dma_start3A_390] : memref<10112x144xf32, #tpu.memory_space<vmem_shared>> -> memref<16x144xf32, #tpu.memory_space<vmem_shared>>
      %dma_start3A_392 = arith.constant 0 : i32
      %dma_start3A_393 = tpu.memref_slice %arg21[%add3A_218, %dma_start3A_392] : memref<10112x144xf32, #tpu.memory_space<vmem_shared>> -> memref<16x144xf32, #tpu.memory_space<vmem_shared>>
      %dma_start3A_394 = arith.constant 0 : i32
      %dma_start3A_395 = arith.constant 0 : i32
      %dma_start3A_396 = tpu.memref_slice %arg19[%dma_start3A_394, %dma_start3A_395] : memref<16x144xf32, #tpu.memory_space<vmem>> -> memref<16x144xf32, #tpu.memory_space<vmem>>
      tpu.enqueue_dma source(%dma_start3A_396 : memref<16x144xf32, #tpu.memory_space<vmem>>) target(%dma_start3A_393 : memref<16x144xf32, #tpu.memory_space<vmem_shared>>) target_semaphore(%run_scoped3A : memref<!tpu.dma_semaphore, #tpu.memory_space<semaphore_mem>>)
      %dma_wait3A_397 = arith.constant 0 : i32
      %dma_wait3A_398 = arith.constant 0 : i32
      %dma_wait3A_399 = tpu.memref_slice %arg19[%dma_wait3A_397, %dma_wait3A_398] : memref<16x144xf32, #tpu.memory_space<vmem>> -> memref<16x144xf32, #tpu.memory_space<vmem>>
      %dma_wait3A_400 = arith.constant 0 : i32
      %dma_wait3A_401 = tpu.memref_slice %arg21[%add3A_218, %dma_wait3A_400] : memref<10112x144xf32, #tpu.memory_space<vmem_shared>> -> memref<16x144xf32, #tpu.memory_space<vmem_shared>>
      %dma_wait3A_402 = arith.constant 0 : i32
      %dma_wait3A_403 = tpu.memref_slice %arg21[%add3A_218, %dma_wait3A_402] : memref<10112x144xf32, #tpu.memory_space<vmem_shared>> -> memref<16x144xf32, #tpu.memory_space<vmem_shared>>
      %dma_wait3A_404 = arith.constant 0 : i32
      %dma_wait3A_405 = arith.constant 0 : i32
      %dma_wait3A_406 = tpu.memref_slice %arg19[%dma_wait3A_404, %dma_wait3A_405] : memref<16x144xf32, #tpu.memory_space<vmem>> -> memref<16x144xf32, #tpu.memory_space<vmem>>
      tpu.wait_dma2 semaphore(%run_scoped3A : memref<!tpu.dma_semaphore, #tpu.memory_space<semaphore_mem>>) src(%dma_wait3A_406 : memref<16x144xf32, #tpu.memory_space<vmem>>) dst(%dma_wait3A_403 : memref<16x144xf32, #tpu.memory_space<vmem_shared>>)
      tpu.yield
    }) : () -> ()
    %add3A_219 = arith.constant 96 : i32
    %add3A_220 = arith.addi %mul3A_0, %add3A_219 : i32
    "tpu.region"() ({
      %run_scoped3A = tpu.sem_alloc : memref<!tpu.dma_semaphore, #tpu.memory_space<semaphore_mem>>
      %dma_start3A_387 = arith.constant 0 : i32
      %dma_start3A_388 = arith.constant 0 : i32
      %dma_start3A_389 = tpu.memref_slice %arg19[%dma_start3A_387, %dma_start3A_388] : memref<16x144xf32, #tpu.memory_space<vmem>> -> memref<16x144xf32, #tpu.memory_space<vmem>>
      %dma_start3A_390 = arith.constant 0 : i32
      %dma_start3A_391 = tpu.memref_slice %arg21[%add3A_220, %dma_start3A_390] : memref<10112x144xf32, #tpu.memory_space<vmem_shared>> -> memref<16x144xf32, #tpu.memory_space<vmem_shared>>
      %dma_start3A_392 = arith.constant 0 : i32
      %dma_start3A_393 = tpu.memref_slice %arg21[%add3A_220, %dma_start3A_392] : memref<10112x144xf32, #tpu.memory_space<vmem_shared>> -> memref<16x144xf32, #tpu.memory_space<vmem_shared>>
      %dma_start3A_394 = arith.constant 0 : i32
      %dma_start3A_395 = arith.constant 0 : i32
      %dma_start3A_396 = tpu.memref_slice %arg19[%dma_start3A_394, %dma_start3A_395] : memref<16x144xf32, #tpu.memory_space<vmem>> -> memref<16x144xf32, #tpu.memory_space<vmem>>
      tpu.enqueue_dma source(%dma_start3A_396 : memref<16x144xf32, #tpu.memory_space<vmem>>) target(%dma_start3A_393 : memref<16x144xf32, #tpu.memory_space<vmem_shared>>) target_semaphore(%run_scoped3A : memref<!tpu.dma_semaphore, #tpu.memory_space<semaphore_mem>>)
      %dma_wait3A_397 = arith.constant 0 : i32
      %dma_wait3A_398 = arith.constant 0 : i32
      %dma_wait3A_399 = tpu.memref_slice %arg19[%dma_wait3A_397, %dma_wait3A_398] : memref<16x144xf32, #tpu.memory_space<vmem>> -> memref<16x144xf32, #tpu.memory_space<vmem>>
      %dma_wait3A_400 = arith.constant 0 : i32
      %dma_wait3A_401 = tpu.memref_slice %arg21[%add3A_220, %dma_wait3A_400] : memref<10112x144xf32, #tpu.memory_space<vmem_shared>> -> memref<16x144xf32, #tpu.memory_space<vmem_shared>>
      %dma_wait3A_402 = arith.constant 0 : i32
      %dma_wait3A_403 = tpu.memref_slice %arg21[%add3A_220, %dma_wait3A_402] : memref<10112x144xf32, #tpu.memory_space<vmem_shared>> -> memref<16x144xf32, #tpu.memory_space<vmem_shared>>
      %dma_wait3A_404 = arith.constant 0 : i32
      %dma_wait3A_405 = arith.constant 0 : i32
      %dma_wait3A_406 = tpu.memref_slice %arg19[%dma_wait3A_404, %dma_wait3A_405] : memref<16x144xf32, #tpu.memory_space<vmem>> -> memref<16x144xf32, #tpu.memory_space<vmem>>
      tpu.wait_dma2 semaphore(%run_scoped3A : memref<!tpu.dma_semaphore, #tpu.memory_space<semaphore_mem>>) src(%dma_wait3A_406 : memref<16x144xf32, #tpu.memory_space<vmem>>) dst(%dma_wait3A_403 : memref<16x144xf32, #tpu.memory_space<vmem_shared>>)
      tpu.yield
    }) : () -> ()
    %add3A_221 = arith.constant 112 : i32
    %add3A_222 = arith.addi %mul3A_0, %add3A_221 : i32
    "tpu.region"() ({
      %run_scoped3A = tpu.sem_alloc : memref<!tpu.dma_semaphore, #tpu.memory_space<semaphore_mem>>
      %dma_start3A_387 = arith.constant 0 : i32
      %dma_start3A_388 = arith.constant 0 : i32
      %dma_start3A_389 = tpu.memref_slice %arg19[%dma_start3A_387, %dma_start3A_388] : memref<16x144xf32, #tpu.memory_space<vmem>> -> memref<16x144xf32, #tpu.memory_space<vmem>>
      %dma_start3A_390 = arith.constant 0 : i32
      %dma_start3A_391 = tpu.memref_slice %arg21[%add3A_222, %dma_start3A_390] : memref<10112x144xf32, #tpu.memory_space<vmem_shared>> -> memref<16x144xf32, #tpu.memory_space<vmem_shared>>
      %dma_start3A_392 = arith.constant 0 : i32
      %dma_start3A_393 = tpu.memref_slice %arg21[%add3A_222, %dma_start3A_392] : memref<10112x144xf32, #tpu.memory_space<vmem_shared>> -> memref<16x144xf32, #tpu.memory_space<vmem_shared>>
      %dma_start3A_394 = arith.constant 0 : i32
      %dma_start3A_395 = arith.constant 0 : i32
      %dma_start3A_396 = tpu.memref_slice %arg19[%dma_start3A_394, %dma_start3A_395] : memref<16x144xf32, #tpu.memory_space<vmem>> -> memref<16x144xf32, #tpu.memory_space<vmem>>
      tpu.enqueue_dma source(%dma_start3A_396 : memref<16x144xf32, #tpu.memory_space<vmem>>) target(%dma_start3A_393 : memref<16x144xf32, #tpu.memory_space<vmem_shared>>) target_semaphore(%run_scoped3A : memref<!tpu.dma_semaphore, #tpu.memory_space<semaphore_mem>>)
      %dma_wait3A_397 = arith.constant 0 : i32
      %dma_wait3A_398 = arith.constant 0 : i32
      %dma_wait3A_399 = tpu.memref_slice %arg19[%dma_wait3A_397, %dma_wait3A_398] : memref<16x144xf32, #tpu.memory_space<vmem>> -> memref<16x144xf32, #tpu.memory_space<vmem>>
      %dma_wait3A_400 = arith.constant 0 : i32
      %dma_wait3A_401 = tpu.memref_slice %arg21[%add3A_222, %dma_wait3A_400] : memref<10112x144xf32, #tpu.memory_space<vmem_shared>> -> memref<16x144xf32, #tpu.memory_space<vmem_shared>>
      %dma_wait3A_402 = arith.constant 0 : i32
      %dma_wait3A_403 = tpu.memref_slice %arg21[%add3A_222, %dma_wait3A_402] : memref<10112x144xf32, #tpu.memory_space<vmem_shared>> -> memref<16x144xf32, #tpu.memory_space<vmem_shared>>
      %dma_wait3A_404 = arith.constant 0 : i32
      %dma_wait3A_405 = arith.constant 0 : i32
      %dma_wait3A_406 = tpu.memref_slice %arg19[%dma_wait3A_404, %dma_wait3A_405] : memref<16x144xf32, #tpu.memory_space<vmem>> -> memref<16x144xf32, #tpu.memory_space<vmem>>
      tpu.wait_dma2 semaphore(%run_scoped3A : memref<!tpu.dma_semaphore, #tpu.memory_space<semaphore_mem>>) src(%dma_wait3A_406 : memref<16x144xf32, #tpu.memory_space<vmem>>) dst(%dma_wait3A_403 : memref<16x144xf32, #tpu.memory_space<vmem_shared>>)
      tpu.yield
    }) : () -> ()
    %add3A_223 = arith.constant 128 : i32
    %add3A_224 = arith.addi %mul3A_0, %add3A_223 : i32
    "tpu.region"() ({
      %run_scoped3A = tpu.sem_alloc : memref<!tpu.dma_semaphore, #tpu.memory_space<semaphore_mem>>
      %dma_start3A_387 = arith.constant 0 : i32
      %dma_start3A_388 = arith.constant 0 : i32
      %dma_start3A_389 = tpu.memref_slice %arg19[%dma_start3A_387, %dma_start3A_388] : memref<16x144xf32, #tpu.memory_space<vmem>> -> memref<16x144xf32, #tpu.memory_space<vmem>>
      %dma_start3A_390 = arith.constant 0 : i32
      %dma_start3A_391 = tpu.memref_slice %arg21[%add3A_224, %dma_start3A_390] : memref<10112x144xf32, #tpu.memory_space<vmem_shared>> -> memref<16x144xf32, #tpu.memory_space<vmem_shared>>
      %dma_start3A_392 = arith.constant 0 : i32
      %dma_start3A_393 = tpu.memref_slice %arg21[%add3A_224, %dma_start3A_392] : memref<10112x144xf32, #tpu.memory_space<vmem_shared>> -> memref<16x144xf32, #tpu.memory_space<vmem_shared>>
      %dma_start3A_394 = arith.constant 0 : i32
      %dma_start3A_395 = arith.constant 0 : i32
      %dma_start3A_396 = tpu.memref_slice %arg19[%dma_start3A_394, %dma_start3A_395] : memref<16x144xf32, #tpu.memory_space<vmem>> -> memref<16x144xf32, #tpu.memory_space<vmem>>
      tpu.enqueue_dma source(%dma_start3A_396 : memref<16x144xf32, #tpu.memory_space<vmem>>) target(%dma_start3A_393 : memref<16x144xf32, #tpu.memory_space<vmem_shared>>) target_semaphore(%run_scoped3A : memref<!tpu.dma_semaphore, #tpu.memory_space<semaphore_mem>>)
      %dma_wait3A_397 = arith.constant 0 : i32
      %dma_wait3A_398 = arith.constant 0 : i32
      %dma_wait3A_399 = tpu.memref_slice %arg19[%dma_wait3A_397, %dma_wait3A_398] : memref<16x144xf32, #tpu.memory_space<vmem>> -> memref<16x144xf32, #tpu.memory_space<vmem>>
      %dma_wait3A_400 = arith.constant 0 : i32
      %dma_wait3A_401 = tpu.memref_slice %arg21[%add3A_224, %dma_wait3A_400] : memref<10112x144xf32, #tpu.memory_space<vmem_shared>> -> memref<16x144xf32, #tpu.memory_space<vmem_shared>>
      %dma_wait3A_402 = arith.constant 0 : i32
      %dma_wait3A_403 = tpu.memref_slice %arg21[%add3A_224, %dma_wait3A_402] : memref<10112x144xf32, #tpu.memory_space<vmem_shared>> -> memref<16x144xf32, #tpu.memory_space<vmem_shared>>
      %dma_wait3A_404 = arith.constant 0 : i32
      %dma_wait3A_405 = arith.constant 0 : i32
      %dma_wait3A_406 = tpu.memref_slice %arg19[%dma_wait3A_404, %dma_wait3A_405] : memref<16x144xf32, #tpu.memory_space<vmem>> -> memref<16x144xf32, #tpu.memory_space<vmem>>
      tpu.wait_dma2 semaphore(%run_scoped3A : memref<!tpu.dma_semaphore, #tpu.memory_space<semaphore_mem>>) src(%dma_wait3A_406 : memref<16x144xf32, #tpu.memory_space<vmem>>) dst(%dma_wait3A_403 : memref<16x144xf32, #tpu.memory_space<vmem_shared>>)
      tpu.yield
    }) : () -> ()
    %add3A_225 = arith.constant 144 : i32
    %add3A_226 = arith.addi %mul3A_0, %add3A_225 : i32
    "tpu.region"() ({
      %run_scoped3A = tpu.sem_alloc : memref<!tpu.dma_semaphore, #tpu.memory_space<semaphore_mem>>
      %dma_start3A_387 = arith.constant 0 : i32
      %dma_start3A_388 = arith.constant 0 : i32
      %dma_start3A_389 = tpu.memref_slice %arg19[%dma_start3A_387, %dma_start3A_388] : memref<16x144xf32, #tpu.memory_space<vmem>> -> memref<16x144xf32, #tpu.memory_space<vmem>>
      %dma_start3A_390 = arith.constant 0 : i32
      %dma_start3A_391 = tpu.memref_slice %arg21[%add3A_226, %dma_start3A_390] : memref<10112x144xf32, #tpu.memory_space<vmem_shared>> -> memref<16x144xf32, #tpu.memory_space<vmem_shared>>
      %dma_start3A_392 = arith.constant 0 : i32
      %dma_start3A_393 = tpu.memref_slice %arg21[%add3A_226, %dma_start3A_392] : memref<10112x144xf32, #tpu.memory_space<vmem_shared>> -> memref<16x144xf32, #tpu.memory_space<vmem_shared>>
      %dma_start3A_394 = arith.constant 0 : i32
      %dma_start3A_395 = arith.constant 0 : i32
      %dma_start3A_396 = tpu.memref_slice %arg19[%dma_start3A_394, %dma_start3A_395] : memref<16x144xf32, #tpu.memory_space<vmem>> -> memref<16x144xf32, #tpu.memory_space<vmem>>
      tpu.enqueue_dma source(%dma_start3A_396 : memref<16x144xf32, #tpu.memory_space<vmem>>) target(%dma_start3A_393 : memref<16x144xf32, #tpu.memory_space<vmem_shared>>) target_semaphore(%run_scoped3A : memref<!tpu.dma_semaphore, #tpu.memory_space<semaphore_mem>>)
      %dma_wait3A_397 = arith.constant 0 : i32
      %dma_wait3A_398 = arith.constant 0 : i32
      %dma_wait3A_399 = tpu.memref_slice %arg19[%dma_wait3A_397, %dma_wait3A_398] : memref<16x144xf32, #tpu.memory_space<vmem>> -> memref<16x144xf32, #tpu.memory_space<vmem>>
      %dma_wait3A_400 = arith.constant 0 : i32
      %dma_wait3A_401 = tpu.memref_slice %arg21[%add3A_226, %dma_wait3A_400] : memref<10112x144xf32, #tpu.memory_space<vmem_shared>> -> memref<16x144xf32, #tpu.memory_space<vmem_shared>>
      %dma_wait3A_402 = arith.constant 0 : i32
      %dma_wait3A_403 = tpu.memref_slice %arg21[%add3A_226, %dma_wait3A_402] : memref<10112x144xf32, #tpu.memory_space<vmem_shared>> -> memref<16x144xf32, #tpu.memory_space<vmem_shared>>
      %dma_wait3A_404 = arith.constant 0 : i32
      %dma_wait3A_405 = arith.constant 0 : i32
      %dma_wait3A_406 = tpu.memref_slice %arg19[%dma_wait3A_404, %dma_wait3A_405] : memref<16x144xf32, #tpu.memory_space<vmem>> -> memref<16x144xf32, #tpu.memory_space<vmem>>
      tpu.wait_dma2 semaphore(%run_scoped3A : memref<!tpu.dma_semaphore, #tpu.memory_space<semaphore_mem>>) src(%dma_wait3A_406 : memref<16x144xf32, #tpu.memory_space<vmem>>) dst(%dma_wait3A_403 : memref<16x144xf32, #tpu.memory_space<vmem_shared>>)
      tpu.yield
    }) : () -> ()
    %add3A_227 = arith.constant 160 : i32
    %add3A_228 = arith.addi %mul3A_0, %add3A_227 : i32
    "tpu.region"() ({
      %run_scoped3A = tpu.sem_alloc : memref<!tpu.dma_semaphore, #tpu.memory_space<semaphore_mem>>
      %dma_start3A_387 = arith.constant 0 : i32
      %dma_start3A_388 = arith.constant 0 : i32
      %dma_start3A_389 = tpu.memref_slice %arg19[%dma_start3A_387, %dma_start3A_388] : memref<16x144xf32, #tpu.memory_space<vmem>> -> memref<16x144xf32, #tpu.memory_space<vmem>>
      %dma_start3A_390 = arith.constant 0 : i32
      %dma_start3A_391 = tpu.memref_slice %arg21[%add3A_228, %dma_start3A_390] : memref<10112x144xf32, #tpu.memory_space<vmem_shared>> -> memref<16x144xf32, #tpu.memory_space<vmem_shared>>
      %dma_start3A_392 = arith.constant 0 : i32
      %dma_start3A_393 = tpu.memref_slice %arg21[%add3A_228, %dma_start3A_392] : memref<10112x144xf32, #tpu.memory_space<vmem_shared>> -> memref<16x144xf32, #tpu.memory_space<vmem_shared>>
      %dma_start3A_394 = arith.constant 0 : i32
      %dma_start3A_395 = arith.constant 0 : i32
      %dma_start3A_396 = tpu.memref_slice %arg19[%dma_start3A_394, %dma_start3A_395] : memref<16x144xf32, #tpu.memory_space<vmem>> -> memref<16x144xf32, #tpu.memory_space<vmem>>
      tpu.enqueue_dma source(%dma_start3A_396 : memref<16x144xf32, #tpu.memory_space<vmem>>) target(%dma_start3A_393 : memref<16x144xf32, #tpu.memory_space<vmem_shared>>) target_semaphore(%run_scoped3A : memref<!tpu.dma_semaphore, #tpu.memory_space<semaphore_mem>>)
      %dma_wait3A_397 = arith.constant 0 : i32
      %dma_wait3A_398 = arith.constant 0 : i32
      %dma_wait3A_399 = tpu.memref_slice %arg19[%dma_wait3A_397, %dma_wait3A_398] : memref<16x144xf32, #tpu.memory_space<vmem>> -> memref<16x144xf32, #tpu.memory_space<vmem>>
      %dma_wait3A_400 = arith.constant 0 : i32
      %dma_wait3A_401 = tpu.memref_slice %arg21[%add3A_228, %dma_wait3A_400] : memref<10112x144xf32, #tpu.memory_space<vmem_shared>> -> memref<16x144xf32, #tpu.memory_space<vmem_shared>>
      %dma_wait3A_402 = arith.constant 0 : i32
      %dma_wait3A_403 = tpu.memref_slice %arg21[%add3A_228, %dma_wait3A_402] : memref<10112x144xf32, #tpu.memory_space<vmem_shared>> -> memref<16x144xf32, #tpu.memory_space<vmem_shared>>
      %dma_wait3A_404 = arith.constant 0 : i32
      %dma_wait3A_405 = arith.constant 0 : i32
      %dma_wait3A_406 = tpu.memref_slice %arg19[%dma_wait3A_404, %dma_wait3A_405] : memref<16x144xf32, #tpu.memory_space<vmem>> -> memref<16x144xf32, #tpu.memory_space<vmem>>
      tpu.wait_dma2 semaphore(%run_scoped3A : memref<!tpu.dma_semaphore, #tpu.memory_space<semaphore_mem>>) src(%dma_wait3A_406 : memref<16x144xf32, #tpu.memory_space<vmem>>) dst(%dma_wait3A_403 : memref<16x144xf32, #tpu.memory_space<vmem_shared>>)
      tpu.yield
    }) : () -> ()
    %add3A_229 = arith.constant 176 : i32
    %add3A_230 = arith.addi %mul3A_0, %add3A_229 : i32
    "tpu.region"() ({
      %run_scoped3A = tpu.sem_alloc : memref<!tpu.dma_semaphore, #tpu.memory_space<semaphore_mem>>
      %dma_start3A_387 = arith.constant 0 : i32
      %dma_start3A_388 = arith.constant 0 : i32
      %dma_start3A_389 = tpu.memref_slice %arg19[%dma_start3A_387, %dma_start3A_388] : memref<16x144xf32, #tpu.memory_space<vmem>> -> memref<16x144xf32, #tpu.memory_space<vmem>>
      %dma_start3A_390 = arith.constant 0 : i32
      %dma_start3A_391 = tpu.memref_slice %arg21[%add3A_230, %dma_start3A_390] : memref<10112x144xf32, #tpu.memory_space<vmem_shared>> -> memref<16x144xf32, #tpu.memory_space<vmem_shared>>
      %dma_start3A_392 = arith.constant 0 : i32
      %dma_start3A_393 = tpu.memref_slice %arg21[%add3A_230, %dma_start3A_392] : memref<10112x144xf32, #tpu.memory_space<vmem_shared>> -> memref<16x144xf32, #tpu.memory_space<vmem_shared>>
      %dma_start3A_394 = arith.constant 0 : i32
      %dma_start3A_395 = arith.constant 0 : i32
      %dma_start3A_396 = tpu.memref_slice %arg19[%dma_start3A_394, %dma_start3A_395] : memref<16x144xf32, #tpu.memory_space<vmem>> -> memref<16x144xf32, #tpu.memory_space<vmem>>
      tpu.enqueue_dma source(%dma_start3A_396 : memref<16x144xf32, #tpu.memory_space<vmem>>) target(%dma_start3A_393 : memref<16x144xf32, #tpu.memory_space<vmem_shared>>) target_semaphore(%run_scoped3A : memref<!tpu.dma_semaphore, #tpu.memory_space<semaphore_mem>>)
      %dma_wait3A_397 = arith.constant 0 : i32
      %dma_wait3A_398 = arith.constant 0 : i32
      %dma_wait3A_399 = tpu.memref_slice %arg19[%dma_wait3A_397, %dma_wait3A_398] : memref<16x144xf32, #tpu.memory_space<vmem>> -> memref<16x144xf32, #tpu.memory_space<vmem>>
      %dma_wait3A_400 = arith.constant 0 : i32
      %dma_wait3A_401 = tpu.memref_slice %arg21[%add3A_230, %dma_wait3A_400] : memref<10112x144xf32, #tpu.memory_space<vmem_shared>> -> memref<16x144xf32, #tpu.memory_space<vmem_shared>>
      %dma_wait3A_402 = arith.constant 0 : i32
      %dma_wait3A_403 = tpu.memref_slice %arg21[%add3A_230, %dma_wait3A_402] : memref<10112x144xf32, #tpu.memory_space<vmem_shared>> -> memref<16x144xf32, #tpu.memory_space<vmem_shared>>
      %dma_wait3A_404 = arith.constant 0 : i32
      %dma_wait3A_405 = arith.constant 0 : i32
      %dma_wait3A_406 = tpu.memref_slice %arg19[%dma_wait3A_404, %dma_wait3A_405] : memref<16x144xf32, #tpu.memory_space<vmem>> -> memref<16x144xf32, #tpu.memory_space<vmem>>
      tpu.wait_dma2 semaphore(%run_scoped3A : memref<!tpu.dma_semaphore, #tpu.memory_space<semaphore_mem>>) src(%dma_wait3A_406 : memref<16x144xf32, #tpu.memory_space<vmem>>) dst(%dma_wait3A_403 : memref<16x144xf32, #tpu.memory_space<vmem_shared>>)
      tpu.yield
    }) : () -> ()
    %add3A_231 = arith.constant 192 : i32
    %add3A_232 = arith.addi %mul3A_0, %add3A_231 : i32
    "tpu.region"() ({
      %run_scoped3A = tpu.sem_alloc : memref<!tpu.dma_semaphore, #tpu.memory_space<semaphore_mem>>
      %dma_start3A_387 = arith.constant 0 : i32
      %dma_start3A_388 = arith.constant 0 : i32
      %dma_start3A_389 = tpu.memref_slice %arg19[%dma_start3A_387, %dma_start3A_388] : memref<16x144xf32, #tpu.memory_space<vmem>> -> memref<16x144xf32, #tpu.memory_space<vmem>>
      %dma_start3A_390 = arith.constant 0 : i32
      %dma_start3A_391 = tpu.memref_slice %arg21[%add3A_232, %dma_start3A_390] : memref<10112x144xf32, #tpu.memory_space<vmem_shared>> -> memref<16x144xf32, #tpu.memory_space<vmem_shared>>
      %dma_start3A_392 = arith.constant 0 : i32
      %dma_start3A_393 = tpu.memref_slice %arg21[%add3A_232, %dma_start3A_392] : memref<10112x144xf32, #tpu.memory_space<vmem_shared>> -> memref<16x144xf32, #tpu.memory_space<vmem_shared>>
      %dma_start3A_394 = arith.constant 0 : i32
      %dma_start3A_395 = arith.constant 0 : i32
      %dma_start3A_396 = tpu.memref_slice %arg19[%dma_start3A_394, %dma_start3A_395] : memref<16x144xf32, #tpu.memory_space<vmem>> -> memref<16x144xf32, #tpu.memory_space<vmem>>
      tpu.enqueue_dma source(%dma_start3A_396 : memref<16x144xf32, #tpu.memory_space<vmem>>) target(%dma_start3A_393 : memref<16x144xf32, #tpu.memory_space<vmem_shared>>) target_semaphore(%run_scoped3A : memref<!tpu.dma_semaphore, #tpu.memory_space<semaphore_mem>>)
      %dma_wait3A_397 = arith.constant 0 : i32
      %dma_wait3A_398 = arith.constant 0 : i32
      %dma_wait3A_399 = tpu.memref_slice %arg19[%dma_wait3A_397, %dma_wait3A_398] : memref<16x144xf32, #tpu.memory_space<vmem>> -> memref<16x144xf32, #tpu.memory_space<vmem>>
      %dma_wait3A_400 = arith.constant 0 : i32
      %dma_wait3A_401 = tpu.memref_slice %arg21[%add3A_232, %dma_wait3A_400] : memref<10112x144xf32, #tpu.memory_space<vmem_shared>> -> memref<16x144xf32, #tpu.memory_space<vmem_shared>>
      %dma_wait3A_402 = arith.constant 0 : i32
      %dma_wait3A_403 = tpu.memref_slice %arg21[%add3A_232, %dma_wait3A_402] : memref<10112x144xf32, #tpu.memory_space<vmem_shared>> -> memref<16x144xf32, #tpu.memory_space<vmem_shared>>
      %dma_wait3A_404 = arith.constant 0 : i32
      %dma_wait3A_405 = arith.constant 0 : i32
      %dma_wait3A_406 = tpu.memref_slice %arg19[%dma_wait3A_404, %dma_wait3A_405] : memref<16x144xf32, #tpu.memory_space<vmem>> -> memref<16x144xf32, #tpu.memory_space<vmem>>
      tpu.wait_dma2 semaphore(%run_scoped3A : memref<!tpu.dma_semaphore, #tpu.memory_space<semaphore_mem>>) src(%dma_wait3A_406 : memref<16x144xf32, #tpu.memory_space<vmem>>) dst(%dma_wait3A_403 : memref<16x144xf32, #tpu.memory_space<vmem_shared>>)
      tpu.yield
    }) : () -> ()
    %add3A_233 = arith.constant 208 : i32
    %add3A_234 = arith.addi %mul3A_0, %add3A_233 : i32
    "tpu.region"() ({
      %run_scoped3A = tpu.sem_alloc : memref<!tpu.dma_semaphore, #tpu.memory_space<semaphore_mem>>
      %dma_start3A_387 = arith.constant 0 : i32
      %dma_start3A_388 = arith.constant 0 : i32
      %dma_start3A_389 = tpu.memref_slice %arg19[%dma_start3A_387, %dma_start3A_388] : memref<16x144xf32, #tpu.memory_space<vmem>> -> memref<16x144xf32, #tpu.memory_space<vmem>>
      %dma_start3A_390 = arith.constant 0 : i32
      %dma_start3A_391 = tpu.memref_slice %arg21[%add3A_234, %dma_start3A_390] : memref<10112x144xf32, #tpu.memory_space<vmem_shared>> -> memref<16x144xf32, #tpu.memory_space<vmem_shared>>
      %dma_start3A_392 = arith.constant 0 : i32
      %dma_start3A_393 = tpu.memref_slice %arg21[%add3A_234, %dma_start3A_392] : memref<10112x144xf32, #tpu.memory_space<vmem_shared>> -> memref<16x144xf32, #tpu.memory_space<vmem_shared>>
      %dma_start3A_394 = arith.constant 0 : i32
      %dma_start3A_395 = arith.constant 0 : i32
      %dma_start3A_396 = tpu.memref_slice %arg19[%dma_start3A_394, %dma_start3A_395] : memref<16x144xf32, #tpu.memory_space<vmem>> -> memref<16x144xf32, #tpu.memory_space<vmem>>
      tpu.enqueue_dma source(%dma_start3A_396 : memref<16x144xf32, #tpu.memory_space<vmem>>) target(%dma_start3A_393 : memref<16x144xf32, #tpu.memory_space<vmem_shared>>) target_semaphore(%run_scoped3A : memref<!tpu.dma_semaphore, #tpu.memory_space<semaphore_mem>>)
      %dma_wait3A_397 = arith.constant 0 : i32
      %dma_wait3A_398 = arith.constant 0 : i32
      %dma_wait3A_399 = tpu.memref_slice %arg19[%dma_wait3A_397, %dma_wait3A_398] : memref<16x144xf32, #tpu.memory_space<vmem>> -> memref<16x144xf32, #tpu.memory_space<vmem>>
      %dma_wait3A_400 = arith.constant 0 : i32
      %dma_wait3A_401 = tpu.memref_slice %arg21[%add3A_234, %dma_wait3A_400] : memref<10112x144xf32, #tpu.memory_space<vmem_shared>> -> memref<16x144xf32, #tpu.memory_space<vmem_shared>>
      %dma_wait3A_402 = arith.constant 0 : i32
      %dma_wait3A_403 = tpu.memref_slice %arg21[%add3A_234, %dma_wait3A_402] : memref<10112x144xf32, #tpu.memory_space<vmem_shared>> -> memref<16x144xf32, #tpu.memory_space<vmem_shared>>
      %dma_wait3A_404 = arith.constant 0 : i32
      %dma_wait3A_405 = arith.constant 0 : i32
      %dma_wait3A_406 = tpu.memref_slice %arg19[%dma_wait3A_404, %dma_wait3A_405] : memref<16x144xf32, #tpu.memory_space<vmem>> -> memref<16x144xf32, #tpu.memory_space<vmem>>
      tpu.wait_dma2 semaphore(%run_scoped3A : memref<!tpu.dma_semaphore, #tpu.memory_space<semaphore_mem>>) src(%dma_wait3A_406 : memref<16x144xf32, #tpu.memory_space<vmem>>) dst(%dma_wait3A_403 : memref<16x144xf32, #tpu.memory_space<vmem_shared>>)
      tpu.yield
    }) : () -> ()
    %add3A_235 = arith.constant 224 : i32
    %add3A_236 = arith.addi %mul3A_0, %add3A_235 : i32
    "tpu.region"() ({
      %run_scoped3A = tpu.sem_alloc : memref<!tpu.dma_semaphore, #tpu.memory_space<semaphore_mem>>
      %dma_start3A_387 = arith.constant 0 : i32
      %dma_start3A_388 = arith.constant 0 : i32
      %dma_start3A_389 = tpu.memref_slice %arg19[%dma_start3A_387, %dma_start3A_388] : memref<16x144xf32, #tpu.memory_space<vmem>> -> memref<16x144xf32, #tpu.memory_space<vmem>>
      %dma_start3A_390 = arith.constant 0 : i32
      %dma_start3A_391 = tpu.memref_slice %arg21[%add3A_236, %dma_start3A_390] : memref<10112x144xf32, #tpu.memory_space<vmem_shared>> -> memref<16x144xf32, #tpu.memory_space<vmem_shared>>
      %dma_start3A_392 = arith.constant 0 : i32
      %dma_start3A_393 = tpu.memref_slice %arg21[%add3A_236, %dma_start3A_392] : memref<10112x144xf32, #tpu.memory_space<vmem_shared>> -> memref<16x144xf32, #tpu.memory_space<vmem_shared>>
      %dma_start3A_394 = arith.constant 0 : i32
      %dma_start3A_395 = arith.constant 0 : i32
      %dma_start3A_396 = tpu.memref_slice %arg19[%dma_start3A_394, %dma_start3A_395] : memref<16x144xf32, #tpu.memory_space<vmem>> -> memref<16x144xf32, #tpu.memory_space<vmem>>
      tpu.enqueue_dma source(%dma_start3A_396 : memref<16x144xf32, #tpu.memory_space<vmem>>) target(%dma_start3A_393 : memref<16x144xf32, #tpu.memory_space<vmem_shared>>) target_semaphore(%run_scoped3A : memref<!tpu.dma_semaphore, #tpu.memory_space<semaphore_mem>>)
      %dma_wait3A_397 = arith.constant 0 : i32
      %dma_wait3A_398 = arith.constant 0 : i32
      %dma_wait3A_399 = tpu.memref_slice %arg19[%dma_wait3A_397, %dma_wait3A_398] : memref<16x144xf32, #tpu.memory_space<vmem>> -> memref<16x144xf32, #tpu.memory_space<vmem>>
      %dma_wait3A_400 = arith.constant 0 : i32
      %dma_wait3A_401 = tpu.memref_slice %arg21[%add3A_236, %dma_wait3A_400] : memref<10112x144xf32, #tpu.memory_space<vmem_shared>> -> memref<16x144xf32, #tpu.memory_space<vmem_shared>>
      %dma_wait3A_402 = arith.constant 0 : i32
      %dma_wait3A_403 = tpu.memref_slice %arg21[%add3A_236, %dma_wait3A_402] : memref<10112x144xf32, #tpu.memory_space<vmem_shared>> -> memref<16x144xf32, #tpu.memory_space<vmem_shared>>
      %dma_wait3A_404 = arith.constant 0 : i32
      %dma_wait3A_405 = arith.constant 0 : i32
      %dma_wait3A_406 = tpu.memref_slice %arg19[%dma_wait3A_404, %dma_wait3A_405] : memref<16x144xf32, #tpu.memory_space<vmem>> -> memref<16x144xf32, #tpu.memory_space<vmem>>
      tpu.wait_dma2 semaphore(%run_scoped3A : memref<!tpu.dma_semaphore, #tpu.memory_space<semaphore_mem>>) src(%dma_wait3A_406 : memref<16x144xf32, #tpu.memory_space<vmem>>) dst(%dma_wait3A_403 : memref<16x144xf32, #tpu.memory_space<vmem_shared>>)
      tpu.yield
    }) : () -> ()
    %add3A_237 = arith.constant 240 : i32
    %add3A_238 = arith.addi %mul3A_0, %add3A_237 : i32
    "tpu.region"() ({
      %run_scoped3A = tpu.sem_alloc : memref<!tpu.dma_semaphore, #tpu.memory_space<semaphore_mem>>
      %dma_start3A_387 = arith.constant 0 : i32
      %dma_start3A_388 = arith.constant 0 : i32
      %dma_start3A_389 = tpu.memref_slice %arg19[%dma_start3A_387, %dma_start3A_388] : memref<16x144xf32, #tpu.memory_space<vmem>> -> memref<16x144xf32, #tpu.memory_space<vmem>>
      %dma_start3A_390 = arith.constant 0 : i32
      %dma_start3A_391 = tpu.memref_slice %arg21[%add3A_238, %dma_start3A_390] : memref<10112x144xf32, #tpu.memory_space<vmem_shared>> -> memref<16x144xf32, #tpu.memory_space<vmem_shared>>
      %dma_start3A_392 = arith.constant 0 : i32
      %dma_start3A_393 = tpu.memref_slice %arg21[%add3A_238, %dma_start3A_392] : memref<10112x144xf32, #tpu.memory_space<vmem_shared>> -> memref<16x144xf32, #tpu.memory_space<vmem_shared>>
      %dma_start3A_394 = arith.constant 0 : i32
      %dma_start3A_395 = arith.constant 0 : i32
      %dma_start3A_396 = tpu.memref_slice %arg19[%dma_start3A_394, %dma_start3A_395] : memref<16x144xf32, #tpu.memory_space<vmem>> -> memref<16x144xf32, #tpu.memory_space<vmem>>
      tpu.enqueue_dma source(%dma_start3A_396 : memref<16x144xf32, #tpu.memory_space<vmem>>) target(%dma_start3A_393 : memref<16x144xf32, #tpu.memory_space<vmem_shared>>) target_semaphore(%run_scoped3A : memref<!tpu.dma_semaphore, #tpu.memory_space<semaphore_mem>>)
      %dma_wait3A_397 = arith.constant 0 : i32
      %dma_wait3A_398 = arith.constant 0 : i32
      %dma_wait3A_399 = tpu.memref_slice %arg19[%dma_wait3A_397, %dma_wait3A_398] : memref<16x144xf32, #tpu.memory_space<vmem>> -> memref<16x144xf32, #tpu.memory_space<vmem>>
      %dma_wait3A_400 = arith.constant 0 : i32
      %dma_wait3A_401 = tpu.memref_slice %arg21[%add3A_238, %dma_wait3A_400] : memref<10112x144xf32, #tpu.memory_space<vmem_shared>> -> memref<16x144xf32, #tpu.memory_space<vmem_shared>>
      %dma_wait3A_402 = arith.constant 0 : i32
      %dma_wait3A_403 = tpu.memref_slice %arg21[%add3A_238, %dma_wait3A_402] : memref<10112x144xf32, #tpu.memory_space<vmem_shared>> -> memref<16x144xf32, #tpu.memory_space<vmem_shared>>
      %dma_wait3A_404 = arith.constant 0 : i32
      %dma_wait3A_405 = arith.constant 0 : i32
      %dma_wait3A_406 = tpu.memref_slice %arg19[%dma_wait3A_404, %dma_wait3A_405] : memref<16x144xf32, #tpu.memory_space<vmem>> -> memref<16x144xf32, #tpu.memory_space<vmem>>
      tpu.wait_dma2 semaphore(%run_scoped3A : memref<!tpu.dma_semaphore, #tpu.memory_space<semaphore_mem>>) src(%dma_wait3A_406 : memref<16x144xf32, #tpu.memory_space<vmem>>) dst(%dma_wait3A_403 : memref<16x144xf32, #tpu.memory_space<vmem_shared>>)
      tpu.yield
    }) : () -> ()
    %add3A_239 = arith.constant 256 : i32
    %add3A_240 = arith.addi %mul3A_0, %add3A_239 : i32
    "tpu.region"() ({
      %run_scoped3A = tpu.sem_alloc : memref<!tpu.dma_semaphore, #tpu.memory_space<semaphore_mem>>
      %dma_start3A_387 = arith.constant 0 : i32
      %dma_start3A_388 = arith.constant 0 : i32
      %dma_start3A_389 = tpu.memref_slice %arg19[%dma_start3A_387, %dma_start3A_388] : memref<16x144xf32, #tpu.memory_space<vmem>> -> memref<16x144xf32, #tpu.memory_space<vmem>>
      %dma_start3A_390 = arith.constant 0 : i32
      %dma_start3A_391 = tpu.memref_slice %arg21[%add3A_240, %dma_start3A_390] : memref<10112x144xf32, #tpu.memory_space<vmem_shared>> -> memref<16x144xf32, #tpu.memory_space<vmem_shared>>
      %dma_start3A_392 = arith.constant 0 : i32
      %dma_start3A_393 = tpu.memref_slice %arg21[%add3A_240, %dma_start3A_392] : memref<10112x144xf32, #tpu.memory_space<vmem_shared>> -> memref<16x144xf32, #tpu.memory_space<vmem_shared>>
      %dma_start3A_394 = arith.constant 0 : i32
      %dma_start3A_395 = arith.constant 0 : i32
      %dma_start3A_396 = tpu.memref_slice %arg19[%dma_start3A_394, %dma_start3A_395] : memref<16x144xf32, #tpu.memory_space<vmem>> -> memref<16x144xf32, #tpu.memory_space<vmem>>
      tpu.enqueue_dma source(%dma_start3A_396 : memref<16x144xf32, #tpu.memory_space<vmem>>) target(%dma_start3A_393 : memref<16x144xf32, #tpu.memory_space<vmem_shared>>) target_semaphore(%run_scoped3A : memref<!tpu.dma_semaphore, #tpu.memory_space<semaphore_mem>>)
      %dma_wait3A_397 = arith.constant 0 : i32
      %dma_wait3A_398 = arith.constant 0 : i32
      %dma_wait3A_399 = tpu.memref_slice %arg19[%dma_wait3A_397, %dma_wait3A_398] : memref<16x144xf32, #tpu.memory_space<vmem>> -> memref<16x144xf32, #tpu.memory_space<vmem>>
      %dma_wait3A_400 = arith.constant 0 : i32
      %dma_wait3A_401 = tpu.memref_slice %arg21[%add3A_240, %dma_wait3A_400] : memref<10112x144xf32, #tpu.memory_space<vmem_shared>> -> memref<16x144xf32, #tpu.memory_space<vmem_shared>>
      %dma_wait3A_402 = arith.constant 0 : i32
      %dma_wait3A_403 = tpu.memref_slice %arg21[%add3A_240, %dma_wait3A_402] : memref<10112x144xf32, #tpu.memory_space<vmem_shared>> -> memref<16x144xf32, #tpu.memory_space<vmem_shared>>
      %dma_wait3A_404 = arith.constant 0 : i32
      %dma_wait3A_405 = arith.constant 0 : i32
      %dma_wait3A_406 = tpu.memref_slice %arg19[%dma_wait3A_404, %dma_wait3A_405] : memref<16x144xf32, #tpu.memory_space<vmem>> -> memref<16x144xf32, #tpu.memory_space<vmem>>
      tpu.wait_dma2 semaphore(%run_scoped3A : memref<!tpu.dma_semaphore, #tpu.memory_space<semaphore_mem>>) src(%dma_wait3A_406 : memref<16x144xf32, #tpu.memory_space<vmem>>) dst(%dma_wait3A_403 : memref<16x144xf32, #tpu.memory_space<vmem_shared>>)
      tpu.yield
    }) : () -> ()
    %add3A_241 = arith.constant 272 : i32
    %add3A_242 = arith.addi %mul3A_0, %add3A_241 : i32
    "tpu.region"() ({
      %run_scoped3A = tpu.sem_alloc : memref<!tpu.dma_semaphore, #tpu.memory_space<semaphore_mem>>
      %dma_start3A_387 = arith.constant 0 : i32
      %dma_start3A_388 = arith.constant 0 : i32
      %dma_start3A_389 = tpu.memref_slice %arg19[%dma_start3A_387, %dma_start3A_388] : memref<16x144xf32, #tpu.memory_space<vmem>> -> memref<16x144xf32, #tpu.memory_space<vmem>>
      %dma_start3A_390 = arith.constant 0 : i32
      %dma_start3A_391 = tpu.memref_slice %arg21[%add3A_242, %dma_start3A_390] : memref<10112x144xf32, #tpu.memory_space<vmem_shared>> -> memref<16x144xf32, #tpu.memory_space<vmem_shared>>
      %dma_start3A_392 = arith.constant 0 : i32
      %dma_start3A_393 = tpu.memref_slice %arg21[%add3A_242, %dma_start3A_392] : memref<10112x144xf32, #tpu.memory_space<vmem_shared>> -> memref<16x144xf32, #tpu.memory_space<vmem_shared>>
      %dma_start3A_394 = arith.constant 0 : i32
      %dma_start3A_395 = arith.constant 0 : i32
      %dma_start3A_396 = tpu.memref_slice %arg19[%dma_start3A_394, %dma_start3A_395] : memref<16x144xf32, #tpu.memory_space<vmem>> -> memref<16x144xf32, #tpu.memory_space<vmem>>
      tpu.enqueue_dma source(%dma_start3A_396 : memref<16x144xf32, #tpu.memory_space<vmem>>) target(%dma_start3A_393 : memref<16x144xf32, #tpu.memory_space<vmem_shared>>) target_semaphore(%run_scoped3A : memref<!tpu.dma_semaphore, #tpu.memory_space<semaphore_mem>>)
      %dma_wait3A_397 = arith.constant 0 : i32
      %dma_wait3A_398 = arith.constant 0 : i32
      %dma_wait3A_399 = tpu.memref_slice %arg19[%dma_wait3A_397, %dma_wait3A_398] : memref<16x144xf32, #tpu.memory_space<vmem>> -> memref<16x144xf32, #tpu.memory_space<vmem>>
      %dma_wait3A_400 = arith.constant 0 : i32
      %dma_wait3A_401 = tpu.memref_slice %arg21[%add3A_242, %dma_wait3A_400] : memref<10112x144xf32, #tpu.memory_space<vmem_shared>> -> memref<16x144xf32, #tpu.memory_space<vmem_shared>>
      %dma_wait3A_402 = arith.constant 0 : i32
      %dma_wait3A_403 = tpu.memref_slice %arg21[%add3A_242, %dma_wait3A_402] : memref<10112x144xf32, #tpu.memory_space<vmem_shared>> -> memref<16x144xf32, #tpu.memory_space<vmem_shared>>
      %dma_wait3A_404 = arith.constant 0 : i32
      %dma_wait3A_405 = arith.constant 0 : i32
      %dma_wait3A_406 = tpu.memref_slice %arg19[%dma_wait3A_404, %dma_wait3A_405] : memref<16x144xf32, #tpu.memory_space<vmem>> -> memref<16x144xf32, #tpu.memory_space<vmem>>
      tpu.wait_dma2 semaphore(%run_scoped3A : memref<!tpu.dma_semaphore, #tpu.memory_space<semaphore_mem>>) src(%dma_wait3A_406 : memref<16x144xf32, #tpu.memory_space<vmem>>) dst(%dma_wait3A_403 : memref<16x144xf32, #tpu.memory_space<vmem_shared>>)
      tpu.yield
    }) : () -> ()
    %add3A_243 = arith.constant 288 : i32
    %add3A_244 = arith.addi %mul3A_0, %add3A_243 : i32
    "tpu.region"() ({
      %run_scoped3A = tpu.sem_alloc : memref<!tpu.dma_semaphore, #tpu.memory_space<semaphore_mem>>
      %dma_start3A_387 = arith.constant 0 : i32
      %dma_start3A_388 = arith.constant 0 : i32
      %dma_start3A_389 = tpu.memref_slice %arg19[%dma_start3A_387, %dma_start3A_388] : memref<16x144xf32, #tpu.memory_space<vmem>> -> memref<16x144xf32, #tpu.memory_space<vmem>>
      %dma_start3A_390 = arith.constant 0 : i32
      %dma_start3A_391 = tpu.memref_slice %arg21[%add3A_244, %dma_start3A_390] : memref<10112x144xf32, #tpu.memory_space<vmem_shared>> -> memref<16x144xf32, #tpu.memory_space<vmem_shared>>
      %dma_start3A_392 = arith.constant 0 : i32
      %dma_start3A_393 = tpu.memref_slice %arg21[%add3A_244, %dma_start3A_392] : memref<10112x144xf32, #tpu.memory_space<vmem_shared>> -> memref<16x144xf32, #tpu.memory_space<vmem_shared>>
      %dma_start3A_394 = arith.constant 0 : i32
      %dma_start3A_395 = arith.constant 0 : i32
      %dma_start3A_396 = tpu.memref_slice %arg19[%dma_start3A_394, %dma_start3A_395] : memref<16x144xf32, #tpu.memory_space<vmem>> -> memref<16x144xf32, #tpu.memory_space<vmem>>
      tpu.enqueue_dma source(%dma_start3A_396 : memref<16x144xf32, #tpu.memory_space<vmem>>) target(%dma_start3A_393 : memref<16x144xf32, #tpu.memory_space<vmem_shared>>) target_semaphore(%run_scoped3A : memref<!tpu.dma_semaphore, #tpu.memory_space<semaphore_mem>>)
      %dma_wait3A_397 = arith.constant 0 : i32
      %dma_wait3A_398 = arith.constant 0 : i32
      %dma_wait3A_399 = tpu.memref_slice %arg19[%dma_wait3A_397, %dma_wait3A_398] : memref<16x144xf32, #tpu.memory_space<vmem>> -> memref<16x144xf32, #tpu.memory_space<vmem>>
      %dma_wait3A_400 = arith.constant 0 : i32
      %dma_wait3A_401 = tpu.memref_slice %arg21[%add3A_244, %dma_wait3A_400] : memref<10112x144xf32, #tpu.memory_space<vmem_shared>> -> memref<16x144xf32, #tpu.memory_space<vmem_shared>>
      %dma_wait3A_402 = arith.constant 0 : i32
      %dma_wait3A_403 = tpu.memref_slice %arg21[%add3A_244, %dma_wait3A_402] : memref<10112x144xf32, #tpu.memory_space<vmem_shared>> -> memref<16x144xf32, #tpu.memory_space<vmem_shared>>
      %dma_wait3A_404 = arith.constant 0 : i32
      %dma_wait3A_405 = arith.constant 0 : i32
      %dma_wait3A_406 = tpu.memref_slice %arg19[%dma_wait3A_404, %dma_wait3A_405] : memref<16x144xf32, #tpu.memory_space<vmem>> -> memref<16x144xf32, #tpu.memory_space<vmem>>
      tpu.wait_dma2 semaphore(%run_scoped3A : memref<!tpu.dma_semaphore, #tpu.memory_space<semaphore_mem>>) src(%dma_wait3A_406 : memref<16x144xf32, #tpu.memory_space<vmem>>) dst(%dma_wait3A_403 : memref<16x144xf32, #tpu.memory_space<vmem_shared>>)
      tpu.yield
    }) : () -> ()
    %add3A_245 = arith.constant 304 : i32
    %add3A_246 = arith.addi %mul3A_0, %add3A_245 : i32
    "tpu.region"() ({
      %run_scoped3A = tpu.sem_alloc : memref<!tpu.dma_semaphore, #tpu.memory_space<semaphore_mem>>
      %dma_start3A_387 = arith.constant 0 : i32
      %dma_start3A_388 = arith.constant 0 : i32
      %dma_start3A_389 = tpu.memref_slice %arg19[%dma_start3A_387, %dma_start3A_388] : memref<16x144xf32, #tpu.memory_space<vmem>> -> memref<16x144xf32, #tpu.memory_space<vmem>>
      %dma_start3A_390 = arith.constant 0 : i32
      %dma_start3A_391 = tpu.memref_slice %arg21[%add3A_246, %dma_start3A_390] : memref<10112x144xf32, #tpu.memory_space<vmem_shared>> -> memref<16x144xf32, #tpu.memory_space<vmem_shared>>
      %dma_start3A_392 = arith.constant 0 : i32
      %dma_start3A_393 = tpu.memref_slice %arg21[%add3A_246, %dma_start3A_392] : memref<10112x144xf32, #tpu.memory_space<vmem_shared>> -> memref<16x144xf32, #tpu.memory_space<vmem_shared>>
      %dma_start3A_394 = arith.constant 0 : i32
      %dma_start3A_395 = arith.constant 0 : i32
      %dma_start3A_396 = tpu.memref_slice %arg19[%dma_start3A_394, %dma_start3A_395] : memref<16x144xf32, #tpu.memory_space<vmem>> -> memref<16x144xf32, #tpu.memory_space<vmem>>
      tpu.enqueue_dma source(%dma_start3A_396 : memref<16x144xf32, #tpu.memory_space<vmem>>) target(%dma_start3A_393 : memref<16x144xf32, #tpu.memory_space<vmem_shared>>) target_semaphore(%run_scoped3A : memref<!tpu.dma_semaphore, #tpu.memory_space<semaphore_mem>>)
      %dma_wait3A_397 = arith.constant 0 : i32
      %dma_wait3A_398 = arith.constant 0 : i32
      %dma_wait3A_399 = tpu.memref_slice %arg19[%dma_wait3A_397, %dma_wait3A_398] : memref<16x144xf32, #tpu.memory_space<vmem>> -> memref<16x144xf32, #tpu.memory_space<vmem>>
      %dma_wait3A_400 = arith.constant 0 : i32
      %dma_wait3A_401 = tpu.memref_slice %arg21[%add3A_246, %dma_wait3A_400] : memref<10112x144xf32, #tpu.memory_space<vmem_shared>> -> memref<16x144xf32, #tpu.memory_space<vmem_shared>>
      %dma_wait3A_402 = arith.constant 0 : i32
      %dma_wait3A_403 = tpu.memref_slice %arg21[%add3A_246, %dma_wait3A_402] : memref<10112x144xf32, #tpu.memory_space<vmem_shared>> -> memref<16x144xf32, #tpu.memory_space<vmem_shared>>
      %dma_wait3A_404 = arith.constant 0 : i32
      %dma_wait3A_405 = arith.constant 0 : i32
      %dma_wait3A_406 = tpu.memref_slice %arg19[%dma_wait3A_404, %dma_wait3A_405] : memref<16x144xf32, #tpu.memory_space<vmem>> -> memref<16x144xf32, #tpu.memory_space<vmem>>
      tpu.wait_dma2 semaphore(%run_scoped3A : memref<!tpu.dma_semaphore, #tpu.memory_space<semaphore_mem>>) src(%dma_wait3A_406 : memref<16x144xf32, #tpu.memory_space<vmem>>) dst(%dma_wait3A_403 : memref<16x144xf32, #tpu.memory_space<vmem_shared>>)
      tpu.yield
    }) : () -> ()
    %add3A_247 = arith.constant 320 : i32
    %add3A_248 = arith.addi %mul3A_0, %add3A_247 : i32
    "tpu.region"() ({
      %run_scoped3A = tpu.sem_alloc : memref<!tpu.dma_semaphore, #tpu.memory_space<semaphore_mem>>
      %dma_start3A_387 = arith.constant 0 : i32
      %dma_start3A_388 = arith.constant 0 : i32
      %dma_start3A_389 = tpu.memref_slice %arg19[%dma_start3A_387, %dma_start3A_388] : memref<16x144xf32, #tpu.memory_space<vmem>> -> memref<16x144xf32, #tpu.memory_space<vmem>>
      %dma_start3A_390 = arith.constant 0 : i32
      %dma_start3A_391 = tpu.memref_slice %arg21[%add3A_248, %dma_start3A_390] : memref<10112x144xf32, #tpu.memory_space<vmem_shared>> -> memref<16x144xf32, #tpu.memory_space<vmem_shared>>
      %dma_start3A_392 = arith.constant 0 : i32
      %dma_start3A_393 = tpu.memref_slice %arg21[%add3A_248, %dma_start3A_392] : memref<10112x144xf32, #tpu.memory_space<vmem_shared>> -> memref<16x144xf32, #tpu.memory_space<vmem_shared>>
      %dma_start3A_394 = arith.constant 0 : i32
      %dma_start3A_395 = arith.constant 0 : i32
      %dma_start3A_396 = tpu.memref_slice %arg19[%dma_start3A_394, %dma_start3A_395] : memref<16x144xf32, #tpu.memory_space<vmem>> -> memref<16x144xf32, #tpu.memory_space<vmem>>
      tpu.enqueue_dma source(%dma_start3A_396 : memref<16x144xf32, #tpu.memory_space<vmem>>) target(%dma_start3A_393 : memref<16x144xf32, #tpu.memory_space<vmem_shared>>) target_semaphore(%run_scoped3A : memref<!tpu.dma_semaphore, #tpu.memory_space<semaphore_mem>>)
      %dma_wait3A_397 = arith.constant 0 : i32
      %dma_wait3A_398 = arith.constant 0 : i32
      %dma_wait3A_399 = tpu.memref_slice %arg19[%dma_wait3A_397, %dma_wait3A_398] : memref<16x144xf32, #tpu.memory_space<vmem>> -> memref<16x144xf32, #tpu.memory_space<vmem>>
      %dma_wait3A_400 = arith.constant 0 : i32
      %dma_wait3A_401 = tpu.memref_slice %arg21[%add3A_248, %dma_wait3A_400] : memref<10112x144xf32, #tpu.memory_space<vmem_shared>> -> memref<16x144xf32, #tpu.memory_space<vmem_shared>>
      %dma_wait3A_402 = arith.constant 0 : i32
      %dma_wait3A_403 = tpu.memref_slice %arg21[%add3A_248, %dma_wait3A_402] : memref<10112x144xf32, #tpu.memory_space<vmem_shared>> -> memref<16x144xf32, #tpu.memory_space<vmem_shared>>
      %dma_wait3A_404 = arith.constant 0 : i32
      %dma_wait3A_405 = arith.constant 0 : i32
      %dma_wait3A_406 = tpu.memref_slice %arg19[%dma_wait3A_404, %dma_wait3A_405] : memref<16x144xf32, #tpu.memory_space<vmem>> -> memref<16x144xf32, #tpu.memory_space<vmem>>
      tpu.wait_dma2 semaphore(%run_scoped3A : memref<!tpu.dma_semaphore, #tpu.memory_space<semaphore_mem>>) src(%dma_wait3A_406 : memref<16x144xf32, #tpu.memory_space<vmem>>) dst(%dma_wait3A_403 : memref<16x144xf32, #tpu.memory_space<vmem_shared>>)
      tpu.yield
    }) : () -> ()
    %add3A_249 = arith.constant 336 : i32
    %add3A_250 = arith.addi %mul3A_0, %add3A_249 : i32
    "tpu.region"() ({
      %run_scoped3A = tpu.sem_alloc : memref<!tpu.dma_semaphore, #tpu.memory_space<semaphore_mem>>
      %dma_start3A_387 = arith.constant 0 : i32
      %dma_start3A_388 = arith.constant 0 : i32
      %dma_start3A_389 = tpu.memref_slice %arg19[%dma_start3A_387, %dma_start3A_388] : memref<16x144xf32, #tpu.memory_space<vmem>> -> memref<16x144xf32, #tpu.memory_space<vmem>>
      %dma_start3A_390 = arith.constant 0 : i32
      %dma_start3A_391 = tpu.memref_slice %arg21[%add3A_250, %dma_start3A_390] : memref<10112x144xf32, #tpu.memory_space<vmem_shared>> -> memref<16x144xf32, #tpu.memory_space<vmem_shared>>
      %dma_start3A_392 = arith.constant 0 : i32
      %dma_start3A_393 = tpu.memref_slice %arg21[%add3A_250, %dma_start3A_392] : memref<10112x144xf32, #tpu.memory_space<vmem_shared>> -> memref<16x144xf32, #tpu.memory_space<vmem_shared>>
      %dma_start3A_394 = arith.constant 0 : i32
      %dma_start3A_395 = arith.constant 0 : i32
      %dma_start3A_396 = tpu.memref_slice %arg19[%dma_start3A_394, %dma_start3A_395] : memref<16x144xf32, #tpu.memory_space<vmem>> -> memref<16x144xf32, #tpu.memory_space<vmem>>
      tpu.enqueue_dma source(%dma_start3A_396 : memref<16x144xf32, #tpu.memory_space<vmem>>) target(%dma_start3A_393 : memref<16x144xf32, #tpu.memory_space<vmem_shared>>) target_semaphore(%run_scoped3A : memref<!tpu.dma_semaphore, #tpu.memory_space<semaphore_mem>>)
      %dma_wait3A_397 = arith.constant 0 : i32
      %dma_wait3A_398 = arith.constant 0 : i32
      %dma_wait3A_399 = tpu.memref_slice %arg19[%dma_wait3A_397, %dma_wait3A_398] : memref<16x144xf32, #tpu.memory_space<vmem>> -> memref<16x144xf32, #tpu.memory_space<vmem>>
      %dma_wait3A_400 = arith.constant 0 : i32
      %dma_wait3A_401 = tpu.memref_slice %arg21[%add3A_250, %dma_wait3A_400] : memref<10112x144xf32, #tpu.memory_space<vmem_shared>> -> memref<16x144xf32, #tpu.memory_space<vmem_shared>>
      %dma_wait3A_402 = arith.constant 0 : i32
      %dma_wait3A_403 = tpu.memref_slice %arg21[%add3A_250, %dma_wait3A_402] : memref<10112x144xf32, #tpu.memory_space<vmem_shared>> -> memref<16x144xf32, #tpu.memory_space<vmem_shared>>
      %dma_wait3A_404 = arith.constant 0 : i32
      %dma_wait3A_405 = arith.constant 0 : i32
      %dma_wait3A_406 = tpu.memref_slice %arg19[%dma_wait3A_404, %dma_wait3A_405] : memref<16x144xf32, #tpu.memory_space<vmem>> -> memref<16x144xf32, #tpu.memory_space<vmem>>
      tpu.wait_dma2 semaphore(%run_scoped3A : memref<!tpu.dma_semaphore, #tpu.memory_space<semaphore_mem>>) src(%dma_wait3A_406 : memref<16x144xf32, #tpu.memory_space<vmem>>) dst(%dma_wait3A_403 : memref<16x144xf32, #tpu.memory_space<vmem_shared>>)
      tpu.yield
    }) : () -> ()
    %add3A_251 = arith.constant 352 : i32
    %add3A_252 = arith.addi %mul3A_0, %add3A_251 : i32
    "tpu.region"() ({
      %run_scoped3A = tpu.sem_alloc : memref<!tpu.dma_semaphore, #tpu.memory_space<semaphore_mem>>
      %dma_start3A_387 = arith.constant 0 : i32
      %dma_start3A_388 = arith.constant 0 : i32
      %dma_start3A_389 = tpu.memref_slice %arg19[%dma_start3A_387, %dma_start3A_388] : memref<16x144xf32, #tpu.memory_space<vmem>> -> memref<16x144xf32, #tpu.memory_space<vmem>>
      %dma_start3A_390 = arith.constant 0 : i32
      %dma_start3A_391 = tpu.memref_slice %arg21[%add3A_252, %dma_start3A_390] : memref<10112x144xf32, #tpu.memory_space<vmem_shared>> -> memref<16x144xf32, #tpu.memory_space<vmem_shared>>
      %dma_start3A_392 = arith.constant 0 : i32
      %dma_start3A_393 = tpu.memref_slice %arg21[%add3A_252, %dma_start3A_392] : memref<10112x144xf32, #tpu.memory_space<vmem_shared>> -> memref<16x144xf32, #tpu.memory_space<vmem_shared>>
      %dma_start3A_394 = arith.constant 0 : i32
      %dma_start3A_395 = arith.constant 0 : i32
      %dma_start3A_396 = tpu.memref_slice %arg19[%dma_start3A_394, %dma_start3A_395] : memref<16x144xf32, #tpu.memory_space<vmem>> -> memref<16x144xf32, #tpu.memory_space<vmem>>
      tpu.enqueue_dma source(%dma_start3A_396 : memref<16x144xf32, #tpu.memory_space<vmem>>) target(%dma_start3A_393 : memref<16x144xf32, #tpu.memory_space<vmem_shared>>) target_semaphore(%run_scoped3A : memref<!tpu.dma_semaphore, #tpu.memory_space<semaphore_mem>>)
      %dma_wait3A_397 = arith.constant 0 : i32
      %dma_wait3A_398 = arith.constant 0 : i32
      %dma_wait3A_399 = tpu.memref_slice %arg19[%dma_wait3A_397, %dma_wait3A_398] : memref<16x144xf32, #tpu.memory_space<vmem>> -> memref<16x144xf32, #tpu.memory_space<vmem>>
      %dma_wait3A_400 = arith.constant 0 : i32
      %dma_wait3A_401 = tpu.memref_slice %arg21[%add3A_252, %dma_wait3A_400] : memref<10112x144xf32, #tpu.memory_space<vmem_shared>> -> memref<16x144xf32, #tpu.memory_space<vmem_shared>>
      %dma_wait3A_402 = arith.constant 0 : i32
      %dma_wait3A_403 = tpu.memref_slice %arg21[%add3A_252, %dma_wait3A_402] : memref<10112x144xf32, #tpu.memory_space<vmem_shared>> -> memref<16x144xf32, #tpu.memory_space<vmem_shared>>
      %dma_wait3A_404 = arith.constant 0 : i32
      %dma_wait3A_405 = arith.constant 0 : i32
      %dma_wait3A_406 = tpu.memref_slice %arg19[%dma_wait3A_404, %dma_wait3A_405] : memref<16x144xf32, #tpu.memory_space<vmem>> -> memref<16x144xf32, #tpu.memory_space<vmem>>
      tpu.wait_dma2 semaphore(%run_scoped3A : memref<!tpu.dma_semaphore, #tpu.memory_space<semaphore_mem>>) src(%dma_wait3A_406 : memref<16x144xf32, #tpu.memory_space<vmem>>) dst(%dma_wait3A_403 : memref<16x144xf32, #tpu.memory_space<vmem_shared>>)
      tpu.yield
    }) : () -> ()
    %add3A_253 = arith.constant 368 : i32
    %add3A_254 = arith.addi %mul3A_0, %add3A_253 : i32
    "tpu.region"() ({
      %run_scoped3A = tpu.sem_alloc : memref<!tpu.dma_semaphore, #tpu.memory_space<semaphore_mem>>
      %dma_start3A_387 = arith.constant 0 : i32
      %dma_start3A_388 = arith.constant 0 : i32
      %dma_start3A_389 = tpu.memref_slice %arg19[%dma_start3A_387, %dma_start3A_388] : memref<16x144xf32, #tpu.memory_space<vmem>> -> memref<16x144xf32, #tpu.memory_space<vmem>>
      %dma_start3A_390 = arith.constant 0 : i32
      %dma_start3A_391 = tpu.memref_slice %arg21[%add3A_254, %dma_start3A_390] : memref<10112x144xf32, #tpu.memory_space<vmem_shared>> -> memref<16x144xf32, #tpu.memory_space<vmem_shared>>
      %dma_start3A_392 = arith.constant 0 : i32
      %dma_start3A_393 = tpu.memref_slice %arg21[%add3A_254, %dma_start3A_392] : memref<10112x144xf32, #tpu.memory_space<vmem_shared>> -> memref<16x144xf32, #tpu.memory_space<vmem_shared>>
      %dma_start3A_394 = arith.constant 0 : i32
      %dma_start3A_395 = arith.constant 0 : i32
      %dma_start3A_396 = tpu.memref_slice %arg19[%dma_start3A_394, %dma_start3A_395] : memref<16x144xf32, #tpu.memory_space<vmem>> -> memref<16x144xf32, #tpu.memory_space<vmem>>
      tpu.enqueue_dma source(%dma_start3A_396 : memref<16x144xf32, #tpu.memory_space<vmem>>) target(%dma_start3A_393 : memref<16x144xf32, #tpu.memory_space<vmem_shared>>) target_semaphore(%run_scoped3A : memref<!tpu.dma_semaphore, #tpu.memory_space<semaphore_mem>>)
      %dma_wait3A_397 = arith.constant 0 : i32
      %dma_wait3A_398 = arith.constant 0 : i32
      %dma_wait3A_399 = tpu.memref_slice %arg19[%dma_wait3A_397, %dma_wait3A_398] : memref<16x144xf32, #tpu.memory_space<vmem>> -> memref<16x144xf32, #tpu.memory_space<vmem>>
      %dma_wait3A_400 = arith.constant 0 : i32
      %dma_wait3A_401 = tpu.memref_slice %arg21[%add3A_254, %dma_wait3A_400] : memref<10112x144xf32, #tpu.memory_space<vmem_shared>> -> memref<16x144xf32, #tpu.memory_space<vmem_shared>>
      %dma_wait3A_402 = arith.constant 0 : i32
      %dma_wait3A_403 = tpu.memref_slice %arg21[%add3A_254, %dma_wait3A_402] : memref<10112x144xf32, #tpu.memory_space<vmem_shared>> -> memref<16x144xf32, #tpu.memory_space<vmem_shared>>
      %dma_wait3A_404 = arith.constant 0 : i32
      %dma_wait3A_405 = arith.constant 0 : i32
      %dma_wait3A_406 = tpu.memref_slice %arg19[%dma_wait3A_404, %dma_wait3A_405] : memref<16x144xf32, #tpu.memory_space<vmem>> -> memref<16x144xf32, #tpu.memory_space<vmem>>
      tpu.wait_dma2 semaphore(%run_scoped3A : memref<!tpu.dma_semaphore, #tpu.memory_space<semaphore_mem>>) src(%dma_wait3A_406 : memref<16x144xf32, #tpu.memory_space<vmem>>) dst(%dma_wait3A_403 : memref<16x144xf32, #tpu.memory_space<vmem_shared>>)
      tpu.yield
    }) : () -> ()
    %add3A_255 = arith.constant 384 : i32
    %add3A_256 = arith.addi %mul3A_0, %add3A_255 : i32
    "tpu.region"() ({
      %run_scoped3A = tpu.sem_alloc : memref<!tpu.dma_semaphore, #tpu.memory_space<semaphore_mem>>
      %dma_start3A_387 = arith.constant 0 : i32
      %dma_start3A_388 = arith.constant 0 : i32
      %dma_start3A_389 = tpu.memref_slice %arg19[%dma_start3A_387, %dma_start3A_388] : memref<16x144xf32, #tpu.memory_space<vmem>> -> memref<16x144xf32, #tpu.memory_space<vmem>>
      %dma_start3A_390 = arith.constant 0 : i32
      %dma_start3A_391 = tpu.memref_slice %arg21[%add3A_256, %dma_start3A_390] : memref<10112x144xf32, #tpu.memory_space<vmem_shared>> -> memref<16x144xf32, #tpu.memory_space<vmem_shared>>
      %dma_start3A_392 = arith.constant 0 : i32
      %dma_start3A_393 = tpu.memref_slice %arg21[%add3A_256, %dma_start3A_392] : memref<10112x144xf32, #tpu.memory_space<vmem_shared>> -> memref<16x144xf32, #tpu.memory_space<vmem_shared>>
      %dma_start3A_394 = arith.constant 0 : i32
      %dma_start3A_395 = arith.constant 0 : i32
      %dma_start3A_396 = tpu.memref_slice %arg19[%dma_start3A_394, %dma_start3A_395] : memref<16x144xf32, #tpu.memory_space<vmem>> -> memref<16x144xf32, #tpu.memory_space<vmem>>
      tpu.enqueue_dma source(%dma_start3A_396 : memref<16x144xf32, #tpu.memory_space<vmem>>) target(%dma_start3A_393 : memref<16x144xf32, #tpu.memory_space<vmem_shared>>) target_semaphore(%run_scoped3A : memref<!tpu.dma_semaphore, #tpu.memory_space<semaphore_mem>>)
      %dma_wait3A_397 = arith.constant 0 : i32
      %dma_wait3A_398 = arith.constant 0 : i32
      %dma_wait3A_399 = tpu.memref_slice %arg19[%dma_wait3A_397, %dma_wait3A_398] : memref<16x144xf32, #tpu.memory_space<vmem>> -> memref<16x144xf32, #tpu.memory_space<vmem>>
      %dma_wait3A_400 = arith.constant 0 : i32
      %dma_wait3A_401 = tpu.memref_slice %arg21[%add3A_256, %dma_wait3A_400] : memref<10112x144xf32, #tpu.memory_space<vmem_shared>> -> memref<16x144xf32, #tpu.memory_space<vmem_shared>>
      %dma_wait3A_402 = arith.constant 0 : i32
      %dma_wait3A_403 = tpu.memref_slice %arg21[%add3A_256, %dma_wait3A_402] : memref<10112x144xf32, #tpu.memory_space<vmem_shared>> -> memref<16x144xf32, #tpu.memory_space<vmem_shared>>
      %dma_wait3A_404 = arith.constant 0 : i32
      %dma_wait3A_405 = arith.constant 0 : i32
      %dma_wait3A_406 = tpu.memref_slice %arg19[%dma_wait3A_404, %dma_wait3A_405] : memref<16x144xf32, #tpu.memory_space<vmem>> -> memref<16x144xf32, #tpu.memory_space<vmem>>
      tpu.wait_dma2 semaphore(%run_scoped3A : memref<!tpu.dma_semaphore, #tpu.memory_space<semaphore_mem>>) src(%dma_wait3A_406 : memref<16x144xf32, #tpu.memory_space<vmem>>) dst(%dma_wait3A_403 : memref<16x144xf32, #tpu.memory_space<vmem_shared>>)
      tpu.yield
    }) : () -> ()
    %add3A_257 = arith.constant 400 : i32
    %add3A_258 = arith.addi %mul3A_0, %add3A_257 : i32
    "tpu.region"() ({
      %run_scoped3A = tpu.sem_alloc : memref<!tpu.dma_semaphore, #tpu.memory_space<semaphore_mem>>
      %dma_start3A_387 = arith.constant 0 : i32
      %dma_start3A_388 = arith.constant 0 : i32
      %dma_start3A_389 = tpu.memref_slice %arg19[%dma_start3A_387, %dma_start3A_388] : memref<16x144xf32, #tpu.memory_space<vmem>> -> memref<16x144xf32, #tpu.memory_space<vmem>>
      %dma_start3A_390 = arith.constant 0 : i32
      %dma_start3A_391 = tpu.memref_slice %arg21[%add3A_258, %dma_start3A_390] : memref<10112x144xf32, #tpu.memory_space<vmem_shared>> -> memref<16x144xf32, #tpu.memory_space<vmem_shared>>
      %dma_start3A_392 = arith.constant 0 : i32
      %dma_start3A_393 = tpu.memref_slice %arg21[%add3A_258, %dma_start3A_392] : memref<10112x144xf32, #tpu.memory_space<vmem_shared>> -> memref<16x144xf32, #tpu.memory_space<vmem_shared>>
      %dma_start3A_394 = arith.constant 0 : i32
      %dma_start3A_395 = arith.constant 0 : i32
      %dma_start3A_396 = tpu.memref_slice %arg19[%dma_start3A_394, %dma_start3A_395] : memref<16x144xf32, #tpu.memory_space<vmem>> -> memref<16x144xf32, #tpu.memory_space<vmem>>
      tpu.enqueue_dma source(%dma_start3A_396 : memref<16x144xf32, #tpu.memory_space<vmem>>) target(%dma_start3A_393 : memref<16x144xf32, #tpu.memory_space<vmem_shared>>) target_semaphore(%run_scoped3A : memref<!tpu.dma_semaphore, #tpu.memory_space<semaphore_mem>>)
      %dma_wait3A_397 = arith.constant 0 : i32
      %dma_wait3A_398 = arith.constant 0 : i32
      %dma_wait3A_399 = tpu.memref_slice %arg19[%dma_wait3A_397, %dma_wait3A_398] : memref<16x144xf32, #tpu.memory_space<vmem>> -> memref<16x144xf32, #tpu.memory_space<vmem>>
      %dma_wait3A_400 = arith.constant 0 : i32
      %dma_wait3A_401 = tpu.memref_slice %arg21[%add3A_258, %dma_wait3A_400] : memref<10112x144xf32, #tpu.memory_space<vmem_shared>> -> memref<16x144xf32, #tpu.memory_space<vmem_shared>>
      %dma_wait3A_402 = arith.constant 0 : i32
      %dma_wait3A_403 = tpu.memref_slice %arg21[%add3A_258, %dma_wait3A_402] : memref<10112x144xf32, #tpu.memory_space<vmem_shared>> -> memref<16x144xf32, #tpu.memory_space<vmem_shared>>
      %dma_wait3A_404 = arith.constant 0 : i32
      %dma_wait3A_405 = arith.constant 0 : i32
      %dma_wait3A_406 = tpu.memref_slice %arg19[%dma_wait3A_404, %dma_wait3A_405] : memref<16x144xf32, #tpu.memory_space<vmem>> -> memref<16x144xf32, #tpu.memory_space<vmem>>
      tpu.wait_dma2 semaphore(%run_scoped3A : memref<!tpu.dma_semaphore, #tpu.memory_space<semaphore_mem>>) src(%dma_wait3A_406 : memref<16x144xf32, #tpu.memory_space<vmem>>) dst(%dma_wait3A_403 : memref<16x144xf32, #tpu.memory_space<vmem_shared>>)
      tpu.yield
    }) : () -> ()
    %add3A_259 = arith.constant 416 : i32
    %add3A_260 = arith.addi %mul3A_0, %add3A_259 : i32
    "tpu.region"() ({
      %run_scoped3A = tpu.sem_alloc : memref<!tpu.dma_semaphore, #tpu.memory_space<semaphore_mem>>
      %dma_start3A_387 = arith.constant 0 : i32
      %dma_start3A_388 = arith.constant 0 : i32
      %dma_start3A_389 = tpu.memref_slice %arg19[%dma_start3A_387, %dma_start3A_388] : memref<16x144xf32, #tpu.memory_space<vmem>> -> memref<16x144xf32, #tpu.memory_space<vmem>>
      %dma_start3A_390 = arith.constant 0 : i32
      %dma_start3A_391 = tpu.memref_slice %arg21[%add3A_260, %dma_start3A_390] : memref<10112x144xf32, #tpu.memory_space<vmem_shared>> -> memref<16x144xf32, #tpu.memory_space<vmem_shared>>
      %dma_start3A_392 = arith.constant 0 : i32
      %dma_start3A_393 = tpu.memref_slice %arg21[%add3A_260, %dma_start3A_392] : memref<10112x144xf32, #tpu.memory_space<vmem_shared>> -> memref<16x144xf32, #tpu.memory_space<vmem_shared>>
      %dma_start3A_394 = arith.constant 0 : i32
      %dma_start3A_395 = arith.constant 0 : i32
      %dma_start3A_396 = tpu.memref_slice %arg19[%dma_start3A_394, %dma_start3A_395] : memref<16x144xf32, #tpu.memory_space<vmem>> -> memref<16x144xf32, #tpu.memory_space<vmem>>
      tpu.enqueue_dma source(%dma_start3A_396 : memref<16x144xf32, #tpu.memory_space<vmem>>) target(%dma_start3A_393 : memref<16x144xf32, #tpu.memory_space<vmem_shared>>) target_semaphore(%run_scoped3A : memref<!tpu.dma_semaphore, #tpu.memory_space<semaphore_mem>>)
      %dma_wait3A_397 = arith.constant 0 : i32
      %dma_wait3A_398 = arith.constant 0 : i32
      %dma_wait3A_399 = tpu.memref_slice %arg19[%dma_wait3A_397, %dma_wait3A_398] : memref<16x144xf32, #tpu.memory_space<vmem>> -> memref<16x144xf32, #tpu.memory_space<vmem>>
      %dma_wait3A_400 = arith.constant 0 : i32
      %dma_wait3A_401 = tpu.memref_slice %arg21[%add3A_260, %dma_wait3A_400] : memref<10112x144xf32, #tpu.memory_space<vmem_shared>> -> memref<16x144xf32, #tpu.memory_space<vmem_shared>>
      %dma_wait3A_402 = arith.constant 0 : i32
      %dma_wait3A_403 = tpu.memref_slice %arg21[%add3A_260, %dma_wait3A_402] : memref<10112x144xf32, #tpu.memory_space<vmem_shared>> -> memref<16x144xf32, #tpu.memory_space<vmem_shared>>
      %dma_wait3A_404 = arith.constant 0 : i32
      %dma_wait3A_405 = arith.constant 0 : i32
      %dma_wait3A_406 = tpu.memref_slice %arg19[%dma_wait3A_404, %dma_wait3A_405] : memref<16x144xf32, #tpu.memory_space<vmem>> -> memref<16x144xf32, #tpu.memory_space<vmem>>
      tpu.wait_dma2 semaphore(%run_scoped3A : memref<!tpu.dma_semaphore, #tpu.memory_space<semaphore_mem>>) src(%dma_wait3A_406 : memref<16x144xf32, #tpu.memory_space<vmem>>) dst(%dma_wait3A_403 : memref<16x144xf32, #tpu.memory_space<vmem_shared>>)
      tpu.yield
    }) : () -> ()
    %add3A_261 = arith.constant 432 : i32
    %add3A_262 = arith.addi %mul3A_0, %add3A_261 : i32
    "tpu.region"() ({
      %run_scoped3A = tpu.sem_alloc : memref<!tpu.dma_semaphore, #tpu.memory_space<semaphore_mem>>
      %dma_start3A_387 = arith.constant 0 : i32
      %dma_start3A_388 = arith.constant 0 : i32
      %dma_start3A_389 = tpu.memref_slice %arg19[%dma_start3A_387, %dma_start3A_388] : memref<16x144xf32, #tpu.memory_space<vmem>> -> memref<16x144xf32, #tpu.memory_space<vmem>>
      %dma_start3A_390 = arith.constant 0 : i32
      %dma_start3A_391 = tpu.memref_slice %arg21[%add3A_262, %dma_start3A_390] : memref<10112x144xf32, #tpu.memory_space<vmem_shared>> -> memref<16x144xf32, #tpu.memory_space<vmem_shared>>
      %dma_start3A_392 = arith.constant 0 : i32
      %dma_start3A_393 = tpu.memref_slice %arg21[%add3A_262, %dma_start3A_392] : memref<10112x144xf32, #tpu.memory_space<vmem_shared>> -> memref<16x144xf32, #tpu.memory_space<vmem_shared>>
      %dma_start3A_394 = arith.constant 0 : i32
      %dma_start3A_395 = arith.constant 0 : i32
      %dma_start3A_396 = tpu.memref_slice %arg19[%dma_start3A_394, %dma_start3A_395] : memref<16x144xf32, #tpu.memory_space<vmem>> -> memref<16x144xf32, #tpu.memory_space<vmem>>
      tpu.enqueue_dma source(%dma_start3A_396 : memref<16x144xf32, #tpu.memory_space<vmem>>) target(%dma_start3A_393 : memref<16x144xf32, #tpu.memory_space<vmem_shared>>) target_semaphore(%run_scoped3A : memref<!tpu.dma_semaphore, #tpu.memory_space<semaphore_mem>>)
      %dma_wait3A_397 = arith.constant 0 : i32
      %dma_wait3A_398 = arith.constant 0 : i32
      %dma_wait3A_399 = tpu.memref_slice %arg19[%dma_wait3A_397, %dma_wait3A_398] : memref<16x144xf32, #tpu.memory_space<vmem>> -> memref<16x144xf32, #tpu.memory_space<vmem>>
      %dma_wait3A_400 = arith.constant 0 : i32
      %dma_wait3A_401 = tpu.memref_slice %arg21[%add3A_262, %dma_wait3A_400] : memref<10112x144xf32, #tpu.memory_space<vmem_shared>> -> memref<16x144xf32, #tpu.memory_space<vmem_shared>>
      %dma_wait3A_402 = arith.constant 0 : i32
      %dma_wait3A_403 = tpu.memref_slice %arg21[%add3A_262, %dma_wait3A_402] : memref<10112x144xf32, #tpu.memory_space<vmem_shared>> -> memref<16x144xf32, #tpu.memory_space<vmem_shared>>
      %dma_wait3A_404 = arith.constant 0 : i32
      %dma_wait3A_405 = arith.constant 0 : i32
      %dma_wait3A_406 = tpu.memref_slice %arg19[%dma_wait3A_404, %dma_wait3A_405] : memref<16x144xf32, #tpu.memory_space<vmem>> -> memref<16x144xf32, #tpu.memory_space<vmem>>
      tpu.wait_dma2 semaphore(%run_scoped3A : memref<!tpu.dma_semaphore, #tpu.memory_space<semaphore_mem>>) src(%dma_wait3A_406 : memref<16x144xf32, #tpu.memory_space<vmem>>) dst(%dma_wait3A_403 : memref<16x144xf32, #tpu.memory_space<vmem_shared>>)
      tpu.yield
    }) : () -> ()
    %add3A_263 = arith.constant 448 : i32
    %add3A_264 = arith.addi %mul3A_0, %add3A_263 : i32
    "tpu.region"() ({
      %run_scoped3A = tpu.sem_alloc : memref<!tpu.dma_semaphore, #tpu.memory_space<semaphore_mem>>
      %dma_start3A_387 = arith.constant 0 : i32
      %dma_start3A_388 = arith.constant 0 : i32
      %dma_start3A_389 = tpu.memref_slice %arg19[%dma_start3A_387, %dma_start3A_388] : memref<16x144xf32, #tpu.memory_space<vmem>> -> memref<16x144xf32, #tpu.memory_space<vmem>>
      %dma_start3A_390 = arith.constant 0 : i32
      %dma_start3A_391 = tpu.memref_slice %arg21[%add3A_264, %dma_start3A_390] : memref<10112x144xf32, #tpu.memory_space<vmem_shared>> -> memref<16x144xf32, #tpu.memory_space<vmem_shared>>
      %dma_start3A_392 = arith.constant 0 : i32
      %dma_start3A_393 = tpu.memref_slice %arg21[%add3A_264, %dma_start3A_392] : memref<10112x144xf32, #tpu.memory_space<vmem_shared>> -> memref<16x144xf32, #tpu.memory_space<vmem_shared>>
      %dma_start3A_394 = arith.constant 0 : i32
      %dma_start3A_395 = arith.constant 0 : i32
      %dma_start3A_396 = tpu.memref_slice %arg19[%dma_start3A_394, %dma_start3A_395] : memref<16x144xf32, #tpu.memory_space<vmem>> -> memref<16x144xf32, #tpu.memory_space<vmem>>
      tpu.enqueue_dma source(%dma_start3A_396 : memref<16x144xf32, #tpu.memory_space<vmem>>) target(%dma_start3A_393 : memref<16x144xf32, #tpu.memory_space<vmem_shared>>) target_semaphore(%run_scoped3A : memref<!tpu.dma_semaphore, #tpu.memory_space<semaphore_mem>>)
      %dma_wait3A_397 = arith.constant 0 : i32
      %dma_wait3A_398 = arith.constant 0 : i32
      %dma_wait3A_399 = tpu.memref_slice %arg19[%dma_wait3A_397, %dma_wait3A_398] : memref<16x144xf32, #tpu.memory_space<vmem>> -> memref<16x144xf32, #tpu.memory_space<vmem>>
      %dma_wait3A_400 = arith.constant 0 : i32
      %dma_wait3A_401 = tpu.memref_slice %arg21[%add3A_264, %dma_wait3A_400] : memref<10112x144xf32, #tpu.memory_space<vmem_shared>> -> memref<16x144xf32, #tpu.memory_space<vmem_shared>>
      %dma_wait3A_402 = arith.constant 0 : i32
      %dma_wait3A_403 = tpu.memref_slice %arg21[%add3A_264, %dma_wait3A_402] : memref<10112x144xf32, #tpu.memory_space<vmem_shared>> -> memref<16x144xf32, #tpu.memory_space<vmem_shared>>
      %dma_wait3A_404 = arith.constant 0 : i32
      %dma_wait3A_405 = arith.constant 0 : i32
      %dma_wait3A_406 = tpu.memref_slice %arg19[%dma_wait3A_404, %dma_wait3A_405] : memref<16x144xf32, #tpu.memory_space<vmem>> -> memref<16x144xf32, #tpu.memory_space<vmem>>
      tpu.wait_dma2 semaphore(%run_scoped3A : memref<!tpu.dma_semaphore, #tpu.memory_space<semaphore_mem>>) src(%dma_wait3A_406 : memref<16x144xf32, #tpu.memory_space<vmem>>) dst(%dma_wait3A_403 : memref<16x144xf32, #tpu.memory_space<vmem_shared>>)
      tpu.yield
    }) : () -> ()
    %add3A_265 = arith.constant 464 : i32
    %add3A_266 = arith.addi %mul3A_0, %add3A_265 : i32
    "tpu.region"() ({
      %run_scoped3A = tpu.sem_alloc : memref<!tpu.dma_semaphore, #tpu.memory_space<semaphore_mem>>
      %dma_start3A_387 = arith.constant 0 : i32
      %dma_start3A_388 = arith.constant 0 : i32
      %dma_start3A_389 = tpu.memref_slice %arg19[%dma_start3A_387, %dma_start3A_388] : memref<16x144xf32, #tpu.memory_space<vmem>> -> memref<16x144xf32, #tpu.memory_space<vmem>>
      %dma_start3A_390 = arith.constant 0 : i32
      %dma_start3A_391 = tpu.memref_slice %arg21[%add3A_266, %dma_start3A_390] : memref<10112x144xf32, #tpu.memory_space<vmem_shared>> -> memref<16x144xf32, #tpu.memory_space<vmem_shared>>
      %dma_start3A_392 = arith.constant 0 : i32
      %dma_start3A_393 = tpu.memref_slice %arg21[%add3A_266, %dma_start3A_392] : memref<10112x144xf32, #tpu.memory_space<vmem_shared>> -> memref<16x144xf32, #tpu.memory_space<vmem_shared>>
      %dma_start3A_394 = arith.constant 0 : i32
      %dma_start3A_395 = arith.constant 0 : i32
      %dma_start3A_396 = tpu.memref_slice %arg19[%dma_start3A_394, %dma_start3A_395] : memref<16x144xf32, #tpu.memory_space<vmem>> -> memref<16x144xf32, #tpu.memory_space<vmem>>
      tpu.enqueue_dma source(%dma_start3A_396 : memref<16x144xf32, #tpu.memory_space<vmem>>) target(%dma_start3A_393 : memref<16x144xf32, #tpu.memory_space<vmem_shared>>) target_semaphore(%run_scoped3A : memref<!tpu.dma_semaphore, #tpu.memory_space<semaphore_mem>>)
      %dma_wait3A_397 = arith.constant 0 : i32
      %dma_wait3A_398 = arith.constant 0 : i32
      %dma_wait3A_399 = tpu.memref_slice %arg19[%dma_wait3A_397, %dma_wait3A_398] : memref<16x144xf32, #tpu.memory_space<vmem>> -> memref<16x144xf32, #tpu.memory_space<vmem>>
      %dma_wait3A_400 = arith.constant 0 : i32
      %dma_wait3A_401 = tpu.memref_slice %arg21[%add3A_266, %dma_wait3A_400] : memref<10112x144xf32, #tpu.memory_space<vmem_shared>> -> memref<16x144xf32, #tpu.memory_space<vmem_shared>>
      %dma_wait3A_402 = arith.constant 0 : i32
      %dma_wait3A_403 = tpu.memref_slice %arg21[%add3A_266, %dma_wait3A_402] : memref<10112x144xf32, #tpu.memory_space<vmem_shared>> -> memref<16x144xf32, #tpu.memory_space<vmem_shared>>
      %dma_wait3A_404 = arith.constant 0 : i32
      %dma_wait3A_405 = arith.constant 0 : i32
      %dma_wait3A_406 = tpu.memref_slice %arg19[%dma_wait3A_404, %dma_wait3A_405] : memref<16x144xf32, #tpu.memory_space<vmem>> -> memref<16x144xf32, #tpu.memory_space<vmem>>
      tpu.wait_dma2 semaphore(%run_scoped3A : memref<!tpu.dma_semaphore, #tpu.memory_space<semaphore_mem>>) src(%dma_wait3A_406 : memref<16x144xf32, #tpu.memory_space<vmem>>) dst(%dma_wait3A_403 : memref<16x144xf32, #tpu.memory_space<vmem_shared>>)
      tpu.yield
    }) : () -> ()
    %add3A_267 = arith.constant 480 : i32
    %add3A_268 = arith.addi %mul3A_0, %add3A_267 : i32
    "tpu.region"() ({
      %run_scoped3A = tpu.sem_alloc : memref<!tpu.dma_semaphore, #tpu.memory_space<semaphore_mem>>
      %dma_start3A_387 = arith.constant 0 : i32
      %dma_start3A_388 = arith.constant 0 : i32
      %dma_start3A_389 = tpu.memref_slice %arg19[%dma_start3A_387, %dma_start3A_388] : memref<16x144xf32, #tpu.memory_space<vmem>> -> memref<16x144xf32, #tpu.memory_space<vmem>>
      %dma_start3A_390 = arith.constant 0 : i32
      %dma_start3A_391 = tpu.memref_slice %arg21[%add3A_268, %dma_start3A_390] : memref<10112x144xf32, #tpu.memory_space<vmem_shared>> -> memref<16x144xf32, #tpu.memory_space<vmem_shared>>
      %dma_start3A_392 = arith.constant 0 : i32
      %dma_start3A_393 = tpu.memref_slice %arg21[%add3A_268, %dma_start3A_392] : memref<10112x144xf32, #tpu.memory_space<vmem_shared>> -> memref<16x144xf32, #tpu.memory_space<vmem_shared>>
      %dma_start3A_394 = arith.constant 0 : i32
      %dma_start3A_395 = arith.constant 0 : i32
      %dma_start3A_396 = tpu.memref_slice %arg19[%dma_start3A_394, %dma_start3A_395] : memref<16x144xf32, #tpu.memory_space<vmem>> -> memref<16x144xf32, #tpu.memory_space<vmem>>
      tpu.enqueue_dma source(%dma_start3A_396 : memref<16x144xf32, #tpu.memory_space<vmem>>) target(%dma_start3A_393 : memref<16x144xf32, #tpu.memory_space<vmem_shared>>) target_semaphore(%run_scoped3A : memref<!tpu.dma_semaphore, #tpu.memory_space<semaphore_mem>>)
      %dma_wait3A_397 = arith.constant 0 : i32
      %dma_wait3A_398 = arith.constant 0 : i32
      %dma_wait3A_399 = tpu.memref_slice %arg19[%dma_wait3A_397, %dma_wait3A_398] : memref<16x144xf32, #tpu.memory_space<vmem>> -> memref<16x144xf32, #tpu.memory_space<vmem>>
      %dma_wait3A_400 = arith.constant 0 : i32
      %dma_wait3A_401 = tpu.memref_slice %arg21[%add3A_268, %dma_wait3A_400] : memref<10112x144xf32, #tpu.memory_space<vmem_shared>> -> memref<16x144xf32, #tpu.memory_space<vmem_shared>>
      %dma_wait3A_402 = arith.constant 0 : i32
      %dma_wait3A_403 = tpu.memref_slice %arg21[%add3A_268, %dma_wait3A_402] : memref<10112x144xf32, #tpu.memory_space<vmem_shared>> -> memref<16x144xf32, #tpu.memory_space<vmem_shared>>
      %dma_wait3A_404 = arith.constant 0 : i32
      %dma_wait3A_405 = arith.constant 0 : i32
      %dma_wait3A_406 = tpu.memref_slice %arg19[%dma_wait3A_404, %dma_wait3A_405] : memref<16x144xf32, #tpu.memory_space<vmem>> -> memref<16x144xf32, #tpu.memory_space<vmem>>
      tpu.wait_dma2 semaphore(%run_scoped3A : memref<!tpu.dma_semaphore, #tpu.memory_space<semaphore_mem>>) src(%dma_wait3A_406 : memref<16x144xf32, #tpu.memory_space<vmem>>) dst(%dma_wait3A_403 : memref<16x144xf32, #tpu.memory_space<vmem_shared>>)
      tpu.yield
    }) : () -> ()
    %add3A_269 = arith.constant 496 : i32
    %add3A_270 = arith.addi %mul3A_0, %add3A_269 : i32
    "tpu.region"() ({
      %run_scoped3A = tpu.sem_alloc : memref<!tpu.dma_semaphore, #tpu.memory_space<semaphore_mem>>
      %dma_start3A_387 = arith.constant 0 : i32
      %dma_start3A_388 = arith.constant 0 : i32
      %dma_start3A_389 = tpu.memref_slice %arg19[%dma_start3A_387, %dma_start3A_388] : memref<16x144xf32, #tpu.memory_space<vmem>> -> memref<16x144xf32, #tpu.memory_space<vmem>>
      %dma_start3A_390 = arith.constant 0 : i32
      %dma_start3A_391 = tpu.memref_slice %arg21[%add3A_270, %dma_start3A_390] : memref<10112x144xf32, #tpu.memory_space<vmem_shared>> -> memref<16x144xf32, #tpu.memory_space<vmem_shared>>
      %dma_start3A_392 = arith.constant 0 : i32
      %dma_start3A_393 = tpu.memref_slice %arg21[%add3A_270, %dma_start3A_392] : memref<10112x144xf32, #tpu.memory_space<vmem_shared>> -> memref<16x144xf32, #tpu.memory_space<vmem_shared>>
      %dma_start3A_394 = arith.constant 0 : i32
      %dma_start3A_395 = arith.constant 0 : i32
      %dma_start3A_396 = tpu.memref_slice %arg19[%dma_start3A_394, %dma_start3A_395] : memref<16x144xf32, #tpu.memory_space<vmem>> -> memref<16x144xf32, #tpu.memory_space<vmem>>
      tpu.enqueue_dma source(%dma_start3A_396 : memref<16x144xf32, #tpu.memory_space<vmem>>) target(%dma_start3A_393 : memref<16x144xf32, #tpu.memory_space<vmem_shared>>) target_semaphore(%run_scoped3A : memref<!tpu.dma_semaphore, #tpu.memory_space<semaphore_mem>>)
      %dma_wait3A_397 = arith.constant 0 : i32
      %dma_wait3A_398 = arith.constant 0 : i32
      %dma_wait3A_399 = tpu.memref_slice %arg19[%dma_wait3A_397, %dma_wait3A_398] : memref<16x144xf32, #tpu.memory_space<vmem>> -> memref<16x144xf32, #tpu.memory_space<vmem>>
      %dma_wait3A_400 = arith.constant 0 : i32
      %dma_wait3A_401 = tpu.memref_slice %arg21[%add3A_270, %dma_wait3A_400] : memref<10112x144xf32, #tpu.memory_space<vmem_shared>> -> memref<16x144xf32, #tpu.memory_space<vmem_shared>>
      %dma_wait3A_402 = arith.constant 0 : i32
      %dma_wait3A_403 = tpu.memref_slice %arg21[%add3A_270, %dma_wait3A_402] : memref<10112x144xf32, #tpu.memory_space<vmem_shared>> -> memref<16x144xf32, #tpu.memory_space<vmem_shared>>
      %dma_wait3A_404 = arith.constant 0 : i32
      %dma_wait3A_405 = arith.constant 0 : i32
      %dma_wait3A_406 = tpu.memref_slice %arg19[%dma_wait3A_404, %dma_wait3A_405] : memref<16x144xf32, #tpu.memory_space<vmem>> -> memref<16x144xf32, #tpu.memory_space<vmem>>
      tpu.wait_dma2 semaphore(%run_scoped3A : memref<!tpu.dma_semaphore, #tpu.memory_space<semaphore_mem>>) src(%dma_wait3A_406 : memref<16x144xf32, #tpu.memory_space<vmem>>) dst(%dma_wait3A_403 : memref<16x144xf32, #tpu.memory_space<vmem_shared>>)
      tpu.yield
    }) : () -> ()
    %add3A_271 = arith.constant 512 : i32
    %add3A_272 = arith.addi %mul3A_0, %add3A_271 : i32
    "tpu.region"() ({
      %run_scoped3A = tpu.sem_alloc : memref<!tpu.dma_semaphore, #tpu.memory_space<semaphore_mem>>
      %dma_start3A_387 = arith.constant 0 : i32
      %dma_start3A_388 = arith.constant 0 : i32
      %dma_start3A_389 = tpu.memref_slice %arg19[%dma_start3A_387, %dma_start3A_388] : memref<16x144xf32, #tpu.memory_space<vmem>> -> memref<16x144xf32, #tpu.memory_space<vmem>>
      %dma_start3A_390 = arith.constant 0 : i32
      %dma_start3A_391 = tpu.memref_slice %arg21[%add3A_272, %dma_start3A_390] : memref<10112x144xf32, #tpu.memory_space<vmem_shared>> -> memref<16x144xf32, #tpu.memory_space<vmem_shared>>
      %dma_start3A_392 = arith.constant 0 : i32
      %dma_start3A_393 = tpu.memref_slice %arg21[%add3A_272, %dma_start3A_392] : memref<10112x144xf32, #tpu.memory_space<vmem_shared>> -> memref<16x144xf32, #tpu.memory_space<vmem_shared>>
      %dma_start3A_394 = arith.constant 0 : i32
      %dma_start3A_395 = arith.constant 0 : i32
      %dma_start3A_396 = tpu.memref_slice %arg19[%dma_start3A_394, %dma_start3A_395] : memref<16x144xf32, #tpu.memory_space<vmem>> -> memref<16x144xf32, #tpu.memory_space<vmem>>
      tpu.enqueue_dma source(%dma_start3A_396 : memref<16x144xf32, #tpu.memory_space<vmem>>) target(%dma_start3A_393 : memref<16x144xf32, #tpu.memory_space<vmem_shared>>) target_semaphore(%run_scoped3A : memref<!tpu.dma_semaphore, #tpu.memory_space<semaphore_mem>>)
      %dma_wait3A_397 = arith.constant 0 : i32
      %dma_wait3A_398 = arith.constant 0 : i32
      %dma_wait3A_399 = tpu.memref_slice %arg19[%dma_wait3A_397, %dma_wait3A_398] : memref<16x144xf32, #tpu.memory_space<vmem>> -> memref<16x144xf32, #tpu.memory_space<vmem>>
      %dma_wait3A_400 = arith.constant 0 : i32
      %dma_wait3A_401 = tpu.memref_slice %arg21[%add3A_272, %dma_wait3A_400] : memref<10112x144xf32, #tpu.memory_space<vmem_shared>> -> memref<16x144xf32, #tpu.memory_space<vmem_shared>>
      %dma_wait3A_402 = arith.constant 0 : i32
      %dma_wait3A_403 = tpu.memref_slice %arg21[%add3A_272, %dma_wait3A_402] : memref<10112x144xf32, #tpu.memory_space<vmem_shared>> -> memref<16x144xf32, #tpu.memory_space<vmem_shared>>
      %dma_wait3A_404 = arith.constant 0 : i32
      %dma_wait3A_405 = arith.constant 0 : i32
      %dma_wait3A_406 = tpu.memref_slice %arg19[%dma_wait3A_404, %dma_wait3A_405] : memref<16x144xf32, #tpu.memory_space<vmem>> -> memref<16x144xf32, #tpu.memory_space<vmem>>
      tpu.wait_dma2 semaphore(%run_scoped3A : memref<!tpu.dma_semaphore, #tpu.memory_space<semaphore_mem>>) src(%dma_wait3A_406 : memref<16x144xf32, #tpu.memory_space<vmem>>) dst(%dma_wait3A_403 : memref<16x144xf32, #tpu.memory_space<vmem_shared>>)
      tpu.yield
    }) : () -> ()
    %add3A_273 = arith.constant 528 : i32
    %add3A_274 = arith.addi %mul3A_0, %add3A_273 : i32
    "tpu.region"() ({
      %run_scoped3A = tpu.sem_alloc : memref<!tpu.dma_semaphore, #tpu.memory_space<semaphore_mem>>
      %dma_start3A_387 = arith.constant 0 : i32
      %dma_start3A_388 = arith.constant 0 : i32
      %dma_start3A_389 = tpu.memref_slice %arg19[%dma_start3A_387, %dma_start3A_388] : memref<16x144xf32, #tpu.memory_space<vmem>> -> memref<16x144xf32, #tpu.memory_space<vmem>>
      %dma_start3A_390 = arith.constant 0 : i32
      %dma_start3A_391 = tpu.memref_slice %arg21[%add3A_274, %dma_start3A_390] : memref<10112x144xf32, #tpu.memory_space<vmem_shared>> -> memref<16x144xf32, #tpu.memory_space<vmem_shared>>
      %dma_start3A_392 = arith.constant 0 : i32
      %dma_start3A_393 = tpu.memref_slice %arg21[%add3A_274, %dma_start3A_392] : memref<10112x144xf32, #tpu.memory_space<vmem_shared>> -> memref<16x144xf32, #tpu.memory_space<vmem_shared>>
      %dma_start3A_394 = arith.constant 0 : i32
      %dma_start3A_395 = arith.constant 0 : i32
      %dma_start3A_396 = tpu.memref_slice %arg19[%dma_start3A_394, %dma_start3A_395] : memref<16x144xf32, #tpu.memory_space<vmem>> -> memref<16x144xf32, #tpu.memory_space<vmem>>
      tpu.enqueue_dma source(%dma_start3A_396 : memref<16x144xf32, #tpu.memory_space<vmem>>) target(%dma_start3A_393 : memref<16x144xf32, #tpu.memory_space<vmem_shared>>) target_semaphore(%run_scoped3A : memref<!tpu.dma_semaphore, #tpu.memory_space<semaphore_mem>>)
      %dma_wait3A_397 = arith.constant 0 : i32
      %dma_wait3A_398 = arith.constant 0 : i32
      %dma_wait3A_399 = tpu.memref_slice %arg19[%dma_wait3A_397, %dma_wait3A_398] : memref<16x144xf32, #tpu.memory_space<vmem>> -> memref<16x144xf32, #tpu.memory_space<vmem>>
      %dma_wait3A_400 = arith.constant 0 : i32
      %dma_wait3A_401 = tpu.memref_slice %arg21[%add3A_274, %dma_wait3A_400] : memref<10112x144xf32, #tpu.memory_space<vmem_shared>> -> memref<16x144xf32, #tpu.memory_space<vmem_shared>>
      %dma_wait3A_402 = arith.constant 0 : i32
      %dma_wait3A_403 = tpu.memref_slice %arg21[%add3A_274, %dma_wait3A_402] : memref<10112x144xf32, #tpu.memory_space<vmem_shared>> -> memref<16x144xf32, #tpu.memory_space<vmem_shared>>
      %dma_wait3A_404 = arith.constant 0 : i32
      %dma_wait3A_405 = arith.constant 0 : i32
      %dma_wait3A_406 = tpu.memref_slice %arg19[%dma_wait3A_404, %dma_wait3A_405] : memref<16x144xf32, #tpu.memory_space<vmem>> -> memref<16x144xf32, #tpu.memory_space<vmem>>
      tpu.wait_dma2 semaphore(%run_scoped3A : memref<!tpu.dma_semaphore, #tpu.memory_space<semaphore_mem>>) src(%dma_wait3A_406 : memref<16x144xf32, #tpu.memory_space<vmem>>) dst(%dma_wait3A_403 : memref<16x144xf32, #tpu.memory_space<vmem_shared>>)
      tpu.yield
    }) : () -> ()
    %add3A_275 = arith.constant 544 : i32
    %add3A_276 = arith.addi %mul3A_0, %add3A_275 : i32
    "tpu.region"() ({
      %run_scoped3A = tpu.sem_alloc : memref<!tpu.dma_semaphore, #tpu.memory_space<semaphore_mem>>
      %dma_start3A_387 = arith.constant 0 : i32
      %dma_start3A_388 = arith.constant 0 : i32
      %dma_start3A_389 = tpu.memref_slice %arg19[%dma_start3A_387, %dma_start3A_388] : memref<16x144xf32, #tpu.memory_space<vmem>> -> memref<16x144xf32, #tpu.memory_space<vmem>>
      %dma_start3A_390 = arith.constant 0 : i32
      %dma_start3A_391 = tpu.memref_slice %arg21[%add3A_276, %dma_start3A_390] : memref<10112x144xf32, #tpu.memory_space<vmem_shared>> -> memref<16x144xf32, #tpu.memory_space<vmem_shared>>
      %dma_start3A_392 = arith.constant 0 : i32
      %dma_start3A_393 = tpu.memref_slice %arg21[%add3A_276, %dma_start3A_392] : memref<10112x144xf32, #tpu.memory_space<vmem_shared>> -> memref<16x144xf32, #tpu.memory_space<vmem_shared>>
      %dma_start3A_394 = arith.constant 0 : i32
      %dma_start3A_395 = arith.constant 0 : i32
      %dma_start3A_396 = tpu.memref_slice %arg19[%dma_start3A_394, %dma_start3A_395] : memref<16x144xf32, #tpu.memory_space<vmem>> -> memref<16x144xf32, #tpu.memory_space<vmem>>
      tpu.enqueue_dma source(%dma_start3A_396 : memref<16x144xf32, #tpu.memory_space<vmem>>) target(%dma_start3A_393 : memref<16x144xf32, #tpu.memory_space<vmem_shared>>) target_semaphore(%run_scoped3A : memref<!tpu.dma_semaphore, #tpu.memory_space<semaphore_mem>>)
      %dma_wait3A_397 = arith.constant 0 : i32
      %dma_wait3A_398 = arith.constant 0 : i32
      %dma_wait3A_399 = tpu.memref_slice %arg19[%dma_wait3A_397, %dma_wait3A_398] : memref<16x144xf32, #tpu.memory_space<vmem>> -> memref<16x144xf32, #tpu.memory_space<vmem>>
      %dma_wait3A_400 = arith.constant 0 : i32
      %dma_wait3A_401 = tpu.memref_slice %arg21[%add3A_276, %dma_wait3A_400] : memref<10112x144xf32, #tpu.memory_space<vmem_shared>> -> memref<16x144xf32, #tpu.memory_space<vmem_shared>>
      %dma_wait3A_402 = arith.constant 0 : i32
      %dma_wait3A_403 = tpu.memref_slice %arg21[%add3A_276, %dma_wait3A_402] : memref<10112x144xf32, #tpu.memory_space<vmem_shared>> -> memref<16x144xf32, #tpu.memory_space<vmem_shared>>
      %dma_wait3A_404 = arith.constant 0 : i32
      %dma_wait3A_405 = arith.constant 0 : i32
      %dma_wait3A_406 = tpu.memref_slice %arg19[%dma_wait3A_404, %dma_wait3A_405] : memref<16x144xf32, #tpu.memory_space<vmem>> -> memref<16x144xf32, #tpu.memory_space<vmem>>
      tpu.wait_dma2 semaphore(%run_scoped3A : memref<!tpu.dma_semaphore, #tpu.memory_space<semaphore_mem>>) src(%dma_wait3A_406 : memref<16x144xf32, #tpu.memory_space<vmem>>) dst(%dma_wait3A_403 : memref<16x144xf32, #tpu.memory_space<vmem_shared>>)
      tpu.yield
    }) : () -> ()
    %add3A_277 = arith.constant 560 : i32
    %add3A_278 = arith.addi %mul3A_0, %add3A_277 : i32
    "tpu.region"() ({
      %run_scoped3A = tpu.sem_alloc : memref<!tpu.dma_semaphore, #tpu.memory_space<semaphore_mem>>
      %dma_start3A_387 = arith.constant 0 : i32
      %dma_start3A_388 = arith.constant 0 : i32
      %dma_start3A_389 = tpu.memref_slice %arg19[%dma_start3A_387, %dma_start3A_388] : memref<16x144xf32, #tpu.memory_space<vmem>> -> memref<16x144xf32, #tpu.memory_space<vmem>>
      %dma_start3A_390 = arith.constant 0 : i32
      %dma_start3A_391 = tpu.memref_slice %arg21[%add3A_278, %dma_start3A_390] : memref<10112x144xf32, #tpu.memory_space<vmem_shared>> -> memref<16x144xf32, #tpu.memory_space<vmem_shared>>
      %dma_start3A_392 = arith.constant 0 : i32
      %dma_start3A_393 = tpu.memref_slice %arg21[%add3A_278, %dma_start3A_392] : memref<10112x144xf32, #tpu.memory_space<vmem_shared>> -> memref<16x144xf32, #tpu.memory_space<vmem_shared>>
      %dma_start3A_394 = arith.constant 0 : i32
      %dma_start3A_395 = arith.constant 0 : i32
      %dma_start3A_396 = tpu.memref_slice %arg19[%dma_start3A_394, %dma_start3A_395] : memref<16x144xf32, #tpu.memory_space<vmem>> -> memref<16x144xf32, #tpu.memory_space<vmem>>
      tpu.enqueue_dma source(%dma_start3A_396 : memref<16x144xf32, #tpu.memory_space<vmem>>) target(%dma_start3A_393 : memref<16x144xf32, #tpu.memory_space<vmem_shared>>) target_semaphore(%run_scoped3A : memref<!tpu.dma_semaphore, #tpu.memory_space<semaphore_mem>>)
      %dma_wait3A_397 = arith.constant 0 : i32
      %dma_wait3A_398 = arith.constant 0 : i32
      %dma_wait3A_399 = tpu.memref_slice %arg19[%dma_wait3A_397, %dma_wait3A_398] : memref<16x144xf32, #tpu.memory_space<vmem>> -> memref<16x144xf32, #tpu.memory_space<vmem>>
      %dma_wait3A_400 = arith.constant 0 : i32
      %dma_wait3A_401 = tpu.memref_slice %arg21[%add3A_278, %dma_wait3A_400] : memref<10112x144xf32, #tpu.memory_space<vmem_shared>> -> memref<16x144xf32, #tpu.memory_space<vmem_shared>>
      %dma_wait3A_402 = arith.constant 0 : i32
      %dma_wait3A_403 = tpu.memref_slice %arg21[%add3A_278, %dma_wait3A_402] : memref<10112x144xf32, #tpu.memory_space<vmem_shared>> -> memref<16x144xf32, #tpu.memory_space<vmem_shared>>
      %dma_wait3A_404 = arith.constant 0 : i32
      %dma_wait3A_405 = arith.constant 0 : i32
      %dma_wait3A_406 = tpu.memref_slice %arg19[%dma_wait3A_404, %dma_wait3A_405] : memref<16x144xf32, #tpu.memory_space<vmem>> -> memref<16x144xf32, #tpu.memory_space<vmem>>
      tpu.wait_dma2 semaphore(%run_scoped3A : memref<!tpu.dma_semaphore, #tpu.memory_space<semaphore_mem>>) src(%dma_wait3A_406 : memref<16x144xf32, #tpu.memory_space<vmem>>) dst(%dma_wait3A_403 : memref<16x144xf32, #tpu.memory_space<vmem_shared>>)
      tpu.yield
    }) : () -> ()
    %add3A_279 = arith.constant 576 : i32
    %add3A_280 = arith.addi %mul3A_0, %add3A_279 : i32
    "tpu.region"() ({
      %run_scoped3A = tpu.sem_alloc : memref<!tpu.dma_semaphore, #tpu.memory_space<semaphore_mem>>
      %dma_start3A_387 = arith.constant 0 : i32
      %dma_start3A_388 = arith.constant 0 : i32
      %dma_start3A_389 = tpu.memref_slice %arg19[%dma_start3A_387, %dma_start3A_388] : memref<16x144xf32, #tpu.memory_space<vmem>> -> memref<16x144xf32, #tpu.memory_space<vmem>>
      %dma_start3A_390 = arith.constant 0 : i32
      %dma_start3A_391 = tpu.memref_slice %arg21[%add3A_280, %dma_start3A_390] : memref<10112x144xf32, #tpu.memory_space<vmem_shared>> -> memref<16x144xf32, #tpu.memory_space<vmem_shared>>
      %dma_start3A_392 = arith.constant 0 : i32
      %dma_start3A_393 = tpu.memref_slice %arg21[%add3A_280, %dma_start3A_392] : memref<10112x144xf32, #tpu.memory_space<vmem_shared>> -> memref<16x144xf32, #tpu.memory_space<vmem_shared>>
      %dma_start3A_394 = arith.constant 0 : i32
      %dma_start3A_395 = arith.constant 0 : i32
      %dma_start3A_396 = tpu.memref_slice %arg19[%dma_start3A_394, %dma_start3A_395] : memref<16x144xf32, #tpu.memory_space<vmem>> -> memref<16x144xf32, #tpu.memory_space<vmem>>
      tpu.enqueue_dma source(%dma_start3A_396 : memref<16x144xf32, #tpu.memory_space<vmem>>) target(%dma_start3A_393 : memref<16x144xf32, #tpu.memory_space<vmem_shared>>) target_semaphore(%run_scoped3A : memref<!tpu.dma_semaphore, #tpu.memory_space<semaphore_mem>>)
      %dma_wait3A_397 = arith.constant 0 : i32
      %dma_wait3A_398 = arith.constant 0 : i32
      %dma_wait3A_399 = tpu.memref_slice %arg19[%dma_wait3A_397, %dma_wait3A_398] : memref<16x144xf32, #tpu.memory_space<vmem>> -> memref<16x144xf32, #tpu.memory_space<vmem>>
      %dma_wait3A_400 = arith.constant 0 : i32
      %dma_wait3A_401 = tpu.memref_slice %arg21[%add3A_280, %dma_wait3A_400] : memref<10112x144xf32, #tpu.memory_space<vmem_shared>> -> memref<16x144xf32, #tpu.memory_space<vmem_shared>>
      %dma_wait3A_402 = arith.constant 0 : i32
      %dma_wait3A_403 = tpu.memref_slice %arg21[%add3A_280, %dma_wait3A_402] : memref<10112x144xf32, #tpu.memory_space<vmem_shared>> -> memref<16x144xf32, #tpu.memory_space<vmem_shared>>
      %dma_wait3A_404 = arith.constant 0 : i32
      %dma_wait3A_405 = arith.constant 0 : i32
      %dma_wait3A_406 = tpu.memref_slice %arg19[%dma_wait3A_404, %dma_wait3A_405] : memref<16x144xf32, #tpu.memory_space<vmem>> -> memref<16x144xf32, #tpu.memory_space<vmem>>
      tpu.wait_dma2 semaphore(%run_scoped3A : memref<!tpu.dma_semaphore, #tpu.memory_space<semaphore_mem>>) src(%dma_wait3A_406 : memref<16x144xf32, #tpu.memory_space<vmem>>) dst(%dma_wait3A_403 : memref<16x144xf32, #tpu.memory_space<vmem_shared>>)
      tpu.yield
    }) : () -> ()
    %add3A_281 = arith.constant 592 : i32
    %add3A_282 = arith.addi %mul3A_0, %add3A_281 : i32
    "tpu.region"() ({
      %run_scoped3A = tpu.sem_alloc : memref<!tpu.dma_semaphore, #tpu.memory_space<semaphore_mem>>
      %dma_start3A_387 = arith.constant 0 : i32
      %dma_start3A_388 = arith.constant 0 : i32
      %dma_start3A_389 = tpu.memref_slice %arg19[%dma_start3A_387, %dma_start3A_388] : memref<16x144xf32, #tpu.memory_space<vmem>> -> memref<16x144xf32, #tpu.memory_space<vmem>>
      %dma_start3A_390 = arith.constant 0 : i32
      %dma_start3A_391 = tpu.memref_slice %arg21[%add3A_282, %dma_start3A_390] : memref<10112x144xf32, #tpu.memory_space<vmem_shared>> -> memref<16x144xf32, #tpu.memory_space<vmem_shared>>
      %dma_start3A_392 = arith.constant 0 : i32
      %dma_start3A_393 = tpu.memref_slice %arg21[%add3A_282, %dma_start3A_392] : memref<10112x144xf32, #tpu.memory_space<vmem_shared>> -> memref<16x144xf32, #tpu.memory_space<vmem_shared>>
      %dma_start3A_394 = arith.constant 0 : i32
      %dma_start3A_395 = arith.constant 0 : i32
      %dma_start3A_396 = tpu.memref_slice %arg19[%dma_start3A_394, %dma_start3A_395] : memref<16x144xf32, #tpu.memory_space<vmem>> -> memref<16x144xf32, #tpu.memory_space<vmem>>
      tpu.enqueue_dma source(%dma_start3A_396 : memref<16x144xf32, #tpu.memory_space<vmem>>) target(%dma_start3A_393 : memref<16x144xf32, #tpu.memory_space<vmem_shared>>) target_semaphore(%run_scoped3A : memref<!tpu.dma_semaphore, #tpu.memory_space<semaphore_mem>>)
      %dma_wait3A_397 = arith.constant 0 : i32
      %dma_wait3A_398 = arith.constant 0 : i32
      %dma_wait3A_399 = tpu.memref_slice %arg19[%dma_wait3A_397, %dma_wait3A_398] : memref<16x144xf32, #tpu.memory_space<vmem>> -> memref<16x144xf32, #tpu.memory_space<vmem>>
      %dma_wait3A_400 = arith.constant 0 : i32
      %dma_wait3A_401 = tpu.memref_slice %arg21[%add3A_282, %dma_wait3A_400] : memref<10112x144xf32, #tpu.memory_space<vmem_shared>> -> memref<16x144xf32, #tpu.memory_space<vmem_shared>>
      %dma_wait3A_402 = arith.constant 0 : i32
      %dma_wait3A_403 = tpu.memref_slice %arg21[%add3A_282, %dma_wait3A_402] : memref<10112x144xf32, #tpu.memory_space<vmem_shared>> -> memref<16x144xf32, #tpu.memory_space<vmem_shared>>
      %dma_wait3A_404 = arith.constant 0 : i32
      %dma_wait3A_405 = arith.constant 0 : i32
      %dma_wait3A_406 = tpu.memref_slice %arg19[%dma_wait3A_404, %dma_wait3A_405] : memref<16x144xf32, #tpu.memory_space<vmem>> -> memref<16x144xf32, #tpu.memory_space<vmem>>
      tpu.wait_dma2 semaphore(%run_scoped3A : memref<!tpu.dma_semaphore, #tpu.memory_space<semaphore_mem>>) src(%dma_wait3A_406 : memref<16x144xf32, #tpu.memory_space<vmem>>) dst(%dma_wait3A_403 : memref<16x144xf32, #tpu.memory_space<vmem_shared>>)
      tpu.yield
    }) : () -> ()
    %add3A_283 = arith.constant 608 : i32
    %add3A_284 = arith.addi %mul3A_0, %add3A_283 : i32
    "tpu.region"() ({
      %run_scoped3A = tpu.sem_alloc : memref<!tpu.dma_semaphore, #tpu.memory_space<semaphore_mem>>
      %dma_start3A_387 = arith.constant 0 : i32
      %dma_start3A_388 = arith.constant 0 : i32
      %dma_start3A_389 = tpu.memref_slice %arg19[%dma_start3A_387, %dma_start3A_388] : memref<16x144xf32, #tpu.memory_space<vmem>> -> memref<16x144xf32, #tpu.memory_space<vmem>>
      %dma_start3A_390 = arith.constant 0 : i32
      %dma_start3A_391 = tpu.memref_slice %arg21[%add3A_284, %dma_start3A_390] : memref<10112x144xf32, #tpu.memory_space<vmem_shared>> -> memref<16x144xf32, #tpu.memory_space<vmem_shared>>
      %dma_start3A_392 = arith.constant 0 : i32
      %dma_start3A_393 = tpu.memref_slice %arg21[%add3A_284, %dma_start3A_392] : memref<10112x144xf32, #tpu.memory_space<vmem_shared>> -> memref<16x144xf32, #tpu.memory_space<vmem_shared>>
      %dma_start3A_394 = arith.constant 0 : i32
      %dma_start3A_395 = arith.constant 0 : i32
      %dma_start3A_396 = tpu.memref_slice %arg19[%dma_start3A_394, %dma_start3A_395] : memref<16x144xf32, #tpu.memory_space<vmem>> -> memref<16x144xf32, #tpu.memory_space<vmem>>
      tpu.enqueue_dma source(%dma_start3A_396 : memref<16x144xf32, #tpu.memory_space<vmem>>) target(%dma_start3A_393 : memref<16x144xf32, #tpu.memory_space<vmem_shared>>) target_semaphore(%run_scoped3A : memref<!tpu.dma_semaphore, #tpu.memory_space<semaphore_mem>>)
      %dma_wait3A_397 = arith.constant 0 : i32
      %dma_wait3A_398 = arith.constant 0 : i32
      %dma_wait3A_399 = tpu.memref_slice %arg19[%dma_wait3A_397, %dma_wait3A_398] : memref<16x144xf32, #tpu.memory_space<vmem>> -> memref<16x144xf32, #tpu.memory_space<vmem>>
      %dma_wait3A_400 = arith.constant 0 : i32
      %dma_wait3A_401 = tpu.memref_slice %arg21[%add3A_284, %dma_wait3A_400] : memref<10112x144xf32, #tpu.memory_space<vmem_shared>> -> memref<16x144xf32, #tpu.memory_space<vmem_shared>>
      %dma_wait3A_402 = arith.constant 0 : i32
      %dma_wait3A_403 = tpu.memref_slice %arg21[%add3A_284, %dma_wait3A_402] : memref<10112x144xf32, #tpu.memory_space<vmem_shared>> -> memref<16x144xf32, #tpu.memory_space<vmem_shared>>
      %dma_wait3A_404 = arith.constant 0 : i32
      %dma_wait3A_405 = arith.constant 0 : i32
      %dma_wait3A_406 = tpu.memref_slice %arg19[%dma_wait3A_404, %dma_wait3A_405] : memref<16x144xf32, #tpu.memory_space<vmem>> -> memref<16x144xf32, #tpu.memory_space<vmem>>
      tpu.wait_dma2 semaphore(%run_scoped3A : memref<!tpu.dma_semaphore, #tpu.memory_space<semaphore_mem>>) src(%dma_wait3A_406 : memref<16x144xf32, #tpu.memory_space<vmem>>) dst(%dma_wait3A_403 : memref<16x144xf32, #tpu.memory_space<vmem_shared>>)
      tpu.yield
    }) : () -> ()
    %add3A_285 = arith.constant 624 : i32
    %add3A_286 = arith.addi %mul3A_0, %add3A_285 : i32
    "tpu.region"() ({
      %run_scoped3A = tpu.sem_alloc : memref<!tpu.dma_semaphore, #tpu.memory_space<semaphore_mem>>
      %dma_start3A_387 = arith.constant 0 : i32
      %dma_start3A_388 = arith.constant 0 : i32
      %dma_start3A_389 = tpu.memref_slice %arg19[%dma_start3A_387, %dma_start3A_388] : memref<16x144xf32, #tpu.memory_space<vmem>> -> memref<8x144xf32, #tpu.memory_space<vmem>>
      %dma_start3A_390 = arith.constant 0 : i32
      %dma_start3A_391 = tpu.memref_slice %arg21[%add3A_286, %dma_start3A_390] : memref<10112x144xf32, #tpu.memory_space<vmem_shared>> -> memref<8x144xf32, #tpu.memory_space<vmem_shared>>
      %dma_start3A_392 = arith.constant 0 : i32
      %dma_start3A_393 = tpu.memref_slice %arg21[%add3A_286, %dma_start3A_392] : memref<10112x144xf32, #tpu.memory_space<vmem_shared>> -> memref<8x144xf32, #tpu.memory_space<vmem_shared>>
      %dma_start3A_394 = arith.constant 0 : i32
      %dma_start3A_395 = arith.constant 0 : i32
      %dma_start3A_396 = tpu.memref_slice %arg19[%dma_start3A_394, %dma_start3A_395] : memref<16x144xf32, #tpu.memory_space<vmem>> -> memref<8x144xf32, #tpu.memory_space<vmem>>
      tpu.enqueue_dma source(%dma_start3A_396 : memref<8x144xf32, #tpu.memory_space<vmem>>) target(%dma_start3A_393 : memref<8x144xf32, #tpu.memory_space<vmem_shared>>) target_semaphore(%run_scoped3A : memref<!tpu.dma_semaphore, #tpu.memory_space<semaphore_mem>>)
      %dma_wait3A_397 = arith.constant 0 : i32
      %dma_wait3A_398 = arith.constant 0 : i32
      %dma_wait3A_399 = tpu.memref_slice %arg19[%dma_wait3A_397, %dma_wait3A_398] : memref<16x144xf32, #tpu.memory_space<vmem>> -> memref<8x144xf32, #tpu.memory_space<vmem>>
      %dma_wait3A_400 = arith.constant 0 : i32
      %dma_wait3A_401 = tpu.memref_slice %arg21[%add3A_286, %dma_wait3A_400] : memref<10112x144xf32, #tpu.memory_space<vmem_shared>> -> memref<8x144xf32, #tpu.memory_space<vmem_shared>>
      %dma_wait3A_402 = arith.constant 0 : i32
      %dma_wait3A_403 = tpu.memref_slice %arg21[%add3A_286, %dma_wait3A_402] : memref<10112x144xf32, #tpu.memory_space<vmem_shared>> -> memref<8x144xf32, #tpu.memory_space<vmem_shared>>
      %dma_wait3A_404 = arith.constant 0 : i32
      %dma_wait3A_405 = arith.constant 0 : i32
      %dma_wait3A_406 = tpu.memref_slice %arg19[%dma_wait3A_404, %dma_wait3A_405] : memref<16x144xf32, #tpu.memory_space<vmem>> -> memref<8x144xf32, #tpu.memory_space<vmem>>
      tpu.wait_dma2 semaphore(%run_scoped3A : memref<!tpu.dma_semaphore, #tpu.memory_space<semaphore_mem>>) src(%dma_wait3A_406 : memref<8x144xf32, #tpu.memory_space<vmem>>) dst(%dma_wait3A_403 : memref<8x144xf32, #tpu.memory_space<vmem_shared>>)
      tpu.yield
    }) : () -> ()
    %add3A_287 = arith.addi %mul3A_200, %mul3A_0 : i32
    "tpu.region"() ({
      %run_scoped3A = tpu.sem_alloc : memref<!tpu.dma_semaphore, #tpu.memory_space<semaphore_mem>>
      %dma_start3A_387 = arith.constant 0 : i32
      %dma_start3A_388 = tpu.memref_slice %arg22[%mul3A_0, %dma_start3A_387] : memref<10112x16xf32, #tpu.memory_space<vmem_shared>> -> memref<632x16xf32, #tpu.memory_space<vmem_shared>>
      %dma_start3A_389 = arith.constant 0 : i32
      %dma_start3A_390 = tpu.memref_slice %arg2[%add3A_287, %dma_start3A_389] : memref<40448x16xf32, #tpu.memory_space<hbm>> -> memref<632x16xf32, #tpu.memory_space<hbm>>
      tpu.enqueue_dma source(%dma_start3A_390 : memref<632x16xf32, #tpu.memory_space<hbm>>) target(%dma_start3A_388 : memref<632x16xf32, #tpu.memory_space<vmem_shared>>) target_semaphore(%run_scoped3A : memref<!tpu.dma_semaphore, #tpu.memory_space<semaphore_mem>>)
      %dma_wait3A_391 = arith.constant 0 : i32
      %dma_wait3A_392 = tpu.memref_slice %arg22[%mul3A_0, %dma_wait3A_391] : memref<10112x16xf32, #tpu.memory_space<vmem_shared>> -> memref<632x16xf32, #tpu.memory_space<vmem_shared>>
      %dma_wait3A_393 = arith.constant 0 : i32
      %dma_wait3A_394 = tpu.memref_slice %arg2[%add3A_287, %dma_wait3A_393] : memref<40448x16xf32, #tpu.memory_space<hbm>> -> memref<632x16xf32, #tpu.memory_space<hbm>>
      tpu.wait_dma2 semaphore(%run_scoped3A : memref<!tpu.dma_semaphore, #tpu.memory_space<semaphore_mem>>) src(%dma_wait3A_394 : memref<632x16xf32, #tpu.memory_space<hbm>>) dst(%dma_wait3A_392 : memref<632x16xf32, #tpu.memory_space<vmem_shared>>)
      tpu.yield
    }) : () -> ()
    %barrier3A_288 = arith.constant 0 : index
    tpu.barrier barrier_id(%barrier3A_288)
    %add3A_289 = arith.addi %mul3A_200, %mul3A_0 : i32
    %dma_start3A_290 = arith.constant 0 : i32
    %dma_start3A_291 = tpu.memref_slice %arg6[%add3A_289, %dma_start3A_290] : memref<40448x144xf32, #tpu.memory_space<hbm>> -> memref<16x144xf32, #tpu.memory_space<hbm>>
    %dma_start3A_292 = arith.constant 0 : i32
    %dma_start3A_293 = tpu.memref_slice %arg6[%add3A_289, %dma_start3A_292] : memref<40448x144xf32, #tpu.memory_space<hbm>> -> memref<16x144xf32, #tpu.memory_space<hbm>>
    tpu.enqueue_dma source(%arg19 : memref<16x144xf32, #tpu.memory_space<vmem>>) target(%dma_start3A_293 : memref<16x144xf32, #tpu.memory_space<hbm>>) target_semaphore(%arg27 : memref<!tpu.dma_semaphore, #tpu.memory_space<semaphore_mem>>)
    %add3A_294 = arith.addi %mul3A_200, %mul3A_0 : i32
    %dma_start3A_295 = arith.constant 0 : i32
    %dma_start3A_296 = tpu.memref_slice %arg6[%add3A_294, %dma_start3A_295] : memref<40448x144xf32, #tpu.memory_space<hbm>> -> memref<16x144xf32, #tpu.memory_space<hbm>>
    %dma_start3A_297 = arith.constant 0 : i32
    %dma_start3A_298 = tpu.memref_slice %arg6[%add3A_294, %dma_start3A_297] : memref<40448x144xf32, #tpu.memory_space<hbm>> -> memref<16x144xf32, #tpu.memory_space<hbm>>
    tpu.enqueue_dma source(%arg20 : memref<16x144xf32, #tpu.memory_space<vmem>>) target(%dma_start3A_298 : memref<16x144xf32, #tpu.memory_space<hbm>>) target_semaphore(%arg28 : memref<!tpu.dma_semaphore, #tpu.memory_space<semaphore_mem>>)
    %get3A_299 = arith.constant 0 : index
    %get3A_300 = tpu.vector_load %arg7[%get3A_299] {strides = array<i32>} : memref<10752xi32, #tpu.memory_space<vmem>>, vector<16xi32>,
    %get3A_301 = vector.shape_cast %get3A_300 : vector<16xi32> to vector<16xi32>
    %swap3A_302 = arith.constant 0 : index
    %swap3A_303 = tpu.vector_load %arg13[%swap3A_302] {strides = array<i32>} : memref<16xi32, #tpu.memory_space<vmem>>, vector<16xi32>,
    %swap3A_304 = vector.shape_cast %swap3A_303 : vector<16xi32> to vector<16xi32>
    %swap3A_305 = vector.shape_cast %get3A_301 : vector<16xi32> to vector<16xi32>
    tpu.vector_store %arg13[%swap3A_302], %swap3A_305 {strides = array<i32>} : memref<16xi32, #tpu.memory_space<vmem>>, vector<16xi32>,
    %add3A_306 = vector.broadcast %mul3A_200 : i32 to vector<16xi32>
    %add3A_307 = arith.addi %get3A_301, %add3A_306 : vector<16xi32>
    %swap3A_308 = arith.constant 0 : index
    %swap3A_309 = tpu.vector_load %arg9[%swap3A_308] {strides = array<i32>} : memref<16xi32, #tpu.memory_space<vmem>>, vector<16xi32>,
    %swap3A_310 = vector.shape_cast %swap3A_309 : vector<16xi32> to vector<16xi32>
    %swap3A_311 = vector.shape_cast %add3A_307 : vector<16xi32> to vector<16xi32>
    tpu.vector_store %arg9[%swap3A_308], %swap3A_311 {strides = array<i32>} : memref<16xi32, #tpu.memory_space<vmem>>, vector<16xi32>,
    %dma_start3A_312 = arith.constant 0 : i32
    %dma_start3A_313 = arith.constant 0 : i32
    %dma_start3A_314 = tpu.memref_slice %arg22[%dma_start3A_312, %dma_start3A_313] : memref<10112x16xf32, #tpu.memory_space<vmem_shared>> -> memref<10112x16xf32, #tpu.memory_space<vmem_shared>>
    tpu.enqueue_indirect_dma source(%dma_start3A_314 : memref<10112x16xf32, #tpu.memory_space<vmem_shared>>) target(%arg15 : memref<16x16xf32, #tpu.memory_space<vmem>>) offsets(%arg13 : memref<16xi32, #tpu.memory_space<vmem>>) semaphore(%arg23 : memref<!tpu.dma_semaphore, #tpu.memory_space<semaphore_mem>>)
    %dma_start3A_315 = arith.constant 0 : i32
    %dma_start3A_316 = arith.constant 0 : i32
    %dma_start3A_317 = tpu.memref_slice %arg3[%dma_start3A_315, %dma_start3A_316] : memref<40448x64xi32, #tpu.memory_space<hbm>> -> memref<40448x64xi32, #tpu.memory_space<hbm>>
    tpu.enqueue_indirect_dma source(%dma_start3A_317 : memref<40448x64xi32, #tpu.memory_space<hbm>>) target(%arg17 : memref<16x64xi32, #tpu.memory_space<vmem>>) offsets(%arg9 : memref<16xi32, #tpu.memory_space<vmem>>) semaphore(%arg25 : memref<!tpu.dma_semaphore, #tpu.memory_space<semaphore_mem>>)
    %get3A_318 = arith.constant 16 : index
    %get3A_319 = tpu.vector_load %arg7[%get3A_318] {strides = array<i32>} : memref<10752xi32, #tpu.memory_space<vmem>>, vector<16xi32>,
    %get3A_320 = vector.shape_cast %get3A_319 : vector<16xi32> to vector<16xi32>
    %swap3A_321 = arith.constant 0 : index
    %swap3A_322 = tpu.vector_load %arg14[%swap3A_321] {strides = array<i32>} : memref<16xi32, #tpu.memory_space<vmem>>, vector<16xi32>,
    %swap3A_323 = vector.shape_cast %swap3A_322 : vector<16xi32> to vector<16xi32>
    %swap3A_324 = vector.shape_cast %get3A_320 : vector<16xi32> to vector<16xi32>
    tpu.vector_store %arg14[%swap3A_321], %swap3A_324 {strides = array<i32>} : memref<16xi32, #tpu.memory_space<vmem>>, vector<16xi32>,
    %add3A_325 = vector.broadcast %mul3A_200 : i32 to vector<16xi32>
    %add3A_326 = arith.addi %get3A_320, %add3A_325 : vector<16xi32>
    %swap3A_327 = arith.constant 0 : index
    %swap3A_328 = tpu.vector_load %arg10[%swap3A_327] {strides = array<i32>} : memref<16xi32, #tpu.memory_space<vmem>>, vector<16xi32>,
    %swap3A_329 = vector.shape_cast %swap3A_328 : vector<16xi32> to vector<16xi32>
    %swap3A_330 = vector.shape_cast %add3A_326 : vector<16xi32> to vector<16xi32>
    tpu.vector_store %arg10[%swap3A_327], %swap3A_330 {strides = array<i32>} : memref<16xi32, #tpu.memory_space<vmem>>, vector<16xi32>,
    %dma_start3A_331 = arith.constant 0 : i32
    %dma_start3A_332 = arith.constant 0 : i32
    %dma_start3A_333 = tpu.memref_slice %arg22[%dma_start3A_331, %dma_start3A_332] : memref<10112x16xf32, #tpu.memory_space<vmem_shared>> -> memref<10112x16xf32, #tpu.memory_space<vmem_shared>>
    tpu.enqueue_indirect_dma source(%dma_start3A_333 : memref<10112x16xf32, #tpu.memory_space<vmem_shared>>) target(%arg16 : memref<16x16xf32, #tpu.memory_space<vmem>>) offsets(%arg14 : memref<16xi32, #tpu.memory_space<vmem>>) semaphore(%arg24 : memref<!tpu.dma_semaphore, #tpu.memory_space<semaphore_mem>>)
    %dma_start3A_334 = arith.constant 0 : i32
    %dma_start3A_335 = arith.constant 0 : i32
    %dma_start3A_336 = tpu.memref_slice %arg3[%dma_start3A_334, %dma_start3A_335] : memref<40448x64xi32, #tpu.memory_space<hbm>> -> memref<40448x64xi32, #tpu.memory_space<hbm>>
    tpu.enqueue_indirect_dma source(%dma_start3A_336 : memref<40448x64xi32, #tpu.memory_space<hbm>>) target(%arg18 : memref<16x64xi32, #tpu.memory_space<vmem>>) offsets(%arg10 : memref<16xi32, #tpu.memory_space<vmem>>) semaphore(%arg26 : memref<!tpu.dma_semaphore, #tpu.memory_space<semaphore_mem>>)
    %scan3A_337 = arith.constant 0 : i32
    %scan3A_338 = arith.constant 0 : i32
    %scan3A_339 = arith.constant 336 : i32
    %scan3A_340 = arith.addi %scan3A_338, %scan3A_339 : i32
    %scan3A_341 = arith.constant 1 : i32
    scf.for %scan3A_387 = %scan3A_338 to %scan3A_340 step %scan3A_341  : i32 {
      %mul3A_388 = arith.constant 2 : i32
      %mul3A_389 = arith.muli %mul3A_388, %scan3A_387 : i32
      %add3A_390 = arith.constant 0 : i32
      %add3A_391 = arith.addi %mul3A_389, %add3A_390 : i32
      %dma_wait3A_392 = arith.constant 0 : i32
      %dma_wait3A_393 = arith.constant 0 : i32
      %dma_wait3A_394 = tpu.memref_slice %arg22[%dma_wait3A_392, %dma_wait3A_393] : memref<10112x16xf32, #tpu.memory_space<vmem_shared>> -> memref<10112x16xf32, #tpu.memory_space<vmem_shared>>
      tpu.wait_indirect_dma semaphore(%arg23 : memref<!tpu.dma_semaphore, #tpu.memory_space<semaphore_mem>>) src(%dma_wait3A_394 : memref<10112x16xf32, #tpu.memory_space<vmem_shared>>) dst(%arg15 : memref<16x16xf32, #tpu.memory_space<vmem>>)
      %dma_wait3A_395 = arith.constant 0 : i32
      %dma_wait3A_396 = arith.constant 0 : i32
      %dma_wait3A_397 = tpu.memref_slice %arg3[%dma_wait3A_395, %dma_wait3A_396] : memref<40448x64xi32, #tpu.memory_space<hbm>> -> memref<40448x64xi32, #tpu.memory_space<hbm>>
      tpu.wait_indirect_dma semaphore(%arg25 : memref<!tpu.dma_semaphore, #tpu.memory_space<semaphore_mem>>) src(%dma_wait3A_397 : memref<40448x64xi32, #tpu.memory_space<hbm>>) dst(%arg17 : memref<16x64xi32, #tpu.memory_space<vmem>>)
      %dma_wait3A_398 = arith.constant 0 : i32
      %dma_wait3A_399 = arith.constant 0 : i32
      %dma_wait3A_400 = tpu.memref_slice %arg21[%dma_wait3A_398, %dma_wait3A_399] : memref<10112x144xf32, #tpu.memory_space<vmem_shared>> -> memref<10112x144xf32, #tpu.memory_space<vmem_shared>>
      tpu.wait_indirect_dma semaphore(%arg27 : memref<!tpu.dma_semaphore, #tpu.memory_space<semaphore_mem>>) src(%arg19 : memref<16x144xf32, #tpu.memory_space<vmem>>) dst(%dma_wait3A_400 : memref<10112x144xf32, #tpu.memory_space<vmem_shared>>)
      %mul3A_401 = arith.constant 16 : i32
      %mul3A_402 = arith.muli %add3A_391, %mul3A_401 : i32
      %add3A_403 = arith.constant 0 : i32
      %add3A_404 = arith.addi %mul3A_402, %add3A_403 : i32
      %get3A_405 = arith.index_cast %add3A_404 : i32 to index
      %get3A_406 = tpu.vector_load %arg8[%get3A_405] {strides = array<i32>} : memref<10752xi32, #tpu.memory_space<vmem>>, vector<16xi32>,
      %get3A_407 = vector.shape_cast %get3A_406 : vector<16xi32> to vector<16xi32>
      %swap3A_408 = arith.constant 0 : index
      %swap3A_409 = tpu.vector_load %arg11[%swap3A_408] {strides = array<i32>} : memref<16xi32, #tpu.memory_space<vmem>>, vector<16xi32>,
      %swap3A_410 = vector.shape_cast %swap3A_409 : vector<16xi32> to vector<16xi32>
      %swap3A_411 = vector.shape_cast %get3A_407 : vector<16xi32> to vector<16xi32>
      tpu.vector_store %arg11[%swap3A_408], %swap3A_411 {strides = array<i32>} : memref<16xi32, #tpu.memory_space<vmem>>, vector<16xi32>,
      %scan3A_412 = arith.constant 0 : i32
      %scan3A_413 = arith.constant -65536 : i32
      %scan3A_414 = arith.constant 0 : i32
      %scan3A_415 = arith.constant 16 : i32
      %scan3A_416 = arith.addi %scan3A_414, %scan3A_415 : i32
      %scan3A_417 = arith.constant 2 : i32
      scf.for %scan3A_509 = %scan3A_414 to %scan3A_416 step %scan3A_417  : i32 {
        %get3A_510 = arith.index_cast %scan3A_509 : i32 to index
        %get3A_511 = arith.constant 0 : index
        %get3A_512 = tpu.vector_load %arg15[%get3A_510, %get3A_511] {strides = array<i32>} : memref<16x16xf32, #tpu.memory_space<vmem>>, vector<1x16xf32>,
        %get3A_513 = vector.shape_cast %get3A_512 : vector<1x16xf32> to vector<16xf32>
        %exp3A = math.exp %get3A_513 : vector<16xf32>
        %swap3A_514 = arith.index_cast %scan3A_509 : i32 to index
        %swap3A_515 = arith.constant 128 : index
        %swap3A_516 = tpu.vector_load %arg19[%swap3A_514, %swap3A_515] {strides = array<i32>} : memref<16x144xf32, #tpu.memory_space<vmem>>, vector<1x16xf32>,
        %swap3A_517 = vector.shape_cast %swap3A_516 : vector<1x16xf32> to vector<16xf32>
        %swap3A_518 = vector.shape_cast %exp3A : vector<16xf32> to vector<1x16xf32>
        tpu.vector_store %arg19[%swap3A_514, %swap3A_515], %swap3A_518 {strides = array<i32>} : memref<16x144xf32, #tpu.memory_space<vmem>>, vector<1x16xf32>,
        %slice3A = vector.extract_strided_slice %exp3A {offsets = [0], sizes = [1], strides = [1]} : vector<16xf32> to vector<1xf32>
        %squeeze3A = vector.extract %slice3A[0] : f32 from vector<1xf32>
        %get3A_519 = arith.index_cast %scan3A_509 : i32 to index
        %get3A_520 = arith.constant 0 : index
        %get3A_521 = tpu.vector_load %arg17[%get3A_519, %get3A_520] {strides = array<i32>} : memref<16x64xi32, #tpu.memory_space<vmem>>, vector<1x16xi32>,
        %get3A_522 = vector.shape_cast %get3A_521 : vector<1x16xi32> to vector<16xi32>
        %shift_left3A = arith.constant 16 : i32
        %shift_left3A_523 = vector.broadcast %shift_left3A : i32 to vector<16xi32>
        %shift_left3A_524 = arith.shli %get3A_522, %shift_left3A_523 : vector<16xi32>
        %bitcast_convert_type3A = tpu.bitcast %shift_left3A_524 : vector<16xi32> -> vector<16xf32>
        %and3A = vector.broadcast %scan3A_413 : i32 to vector<16xi32>
        %and3A_525 = arith.andi %get3A_522, %and3A : vector<16xi32>
        %bitcast_convert_type3A_526 = tpu.bitcast %and3A_525 : vector<16xi32> -> vector<16xf32>
        %mul3A_527 = vector.broadcast %squeeze3A : f32 to vector<16xf32>
        %mul3A_528 = arith.mulf %bitcast_convert_type3A, %mul3A_527 : vector<16xf32>
        %swap3A_529 = arith.index_cast %scan3A_509 : i32 to index
        %swap3A_530 = arith.constant 0 : index
        %swap3A_531 = tpu.vector_load %arg19[%swap3A_529, %swap3A_530] {strides = array<i32>} : memref<16x144xf32, #tpu.memory_space<vmem>>, vector<1x16xf32>,
        %swap3A_532 = vector.shape_cast %swap3A_531 : vector<1x16xf32> to vector<16xf32>
        %swap3A_533 = vector.shape_cast %mul3A_528 : vector<16xf32> to vector<1x16xf32>
        tpu.vector_store %arg19[%swap3A_529, %swap3A_530], %swap3A_533 {strides = array<i32>} : memref<16x144xf32, #tpu.memory_space<vmem>>, vector<1x16xf32>,
        %mul3A_534 = vector.broadcast %squeeze3A : f32 to vector<16xf32>
        %mul3A_535 = arith.mulf %bitcast_convert_type3A_526, %mul3A_534 : vector<16xf32>
        %swap3A_536 = arith.index_cast %scan3A_509 : i32 to index
        %swap3A_537 = arith.constant 16 : index
        %swap3A_538 = tpu.vector_load %arg19[%swap3A_536, %swap3A_537] {strides = array<i32>} : memref<16x144xf32, #tpu.memory_space<vmem>>, vector<1x16xf32>,
        %swap3A_539 = vector.shape_cast %swap3A_538 : vector<1x16xf32> to vector<16xf32>
        %swap3A_540 = vector.shape_cast %mul3A_535 : vector<16xf32> to vector<1x16xf32>
        tpu.vector_store %arg19[%swap3A_536, %swap3A_537], %swap3A_540 {strides = array<i32>} : memref<16x144xf32, #tpu.memory_space<vmem>>, vector<1x16xf32>,
        %slice3A_541 = vector.extract_strided_slice %exp3A {offsets = [1], sizes = [1], strides = [1]} : vector<16xf32> to vector<1xf32>
        %squeeze3A_542 = vector.extract %slice3A_541[0] : f32 from vector<1xf32>
        %get3A_543 = arith.index_cast %scan3A_509 : i32 to index
        %get3A_544 = arith.constant 16 : index
        %get3A_545 = tpu.vector_load %arg17[%get3A_543, %get3A_544] {strides = array<i32>} : memref<16x64xi32, #tpu.memory_space<vmem>>, vector<1x16xi32>,
        %get3A_546 = vector.shape_cast %get3A_545 : vector<1x16xi32> to vector<16xi32>
        %shift_left3A_547 = arith.constant 16 : i32
        %shift_left3A_548 = vector.broadcast %shift_left3A_547 : i32 to vector<16xi32>
        %shift_left3A_549 = arith.shli %get3A_546, %shift_left3A_548 : vector<16xi32>
        %bitcast_convert_type3A_550 = tpu.bitcast %shift_left3A_549 : vector<16xi32> -> vector<16xf32>
        %and3A_551 = vector.broadcast %scan3A_413 : i32 to vector<16xi32>
        %and3A_552 = arith.andi %get3A_546, %and3A_551 : vector<16xi32>
        %bitcast_convert_type3A_553 = tpu.bitcast %and3A_552 : vector<16xi32> -> vector<16xf32>
        %mul3A_554 = vector.broadcast %squeeze3A_542 : f32 to vector<16xf32>
        %mul3A_555 = arith.mulf %bitcast_convert_type3A_550, %mul3A_554 : vector<16xf32>
        %swap3A_556 = arith.index_cast %scan3A_509 : i32 to index
        %swap3A_557 = arith.constant 32 : index
        %swap3A_558 = tpu.vector_load %arg19[%swap3A_556, %swap3A_557] {strides = array<i32>} : memref<16x144xf32, #tpu.memory_space<vmem>>, vector<1x16xf32>,
        %swap3A_559 = vector.shape_cast %swap3A_558 : vector<1x16xf32> to vector<16xf32>
        %swap3A_560 = vector.shape_cast %mul3A_555 : vector<16xf32> to vector<1x16xf32>
        tpu.vector_store %arg19[%swap3A_556, %swap3A_557], %swap3A_560 {strides = array<i32>} : memref<16x144xf32, #tpu.memory_space<vmem>>, vector<1x16xf32>,
        %mul3A_561 = vector.broadcast %squeeze3A_542 : f32 to vector<16xf32>
        %mul3A_562 = arith.mulf %bitcast_convert_type3A_553, %mul3A_561 : vector<16xf32>
        %swap3A_563 = arith.index_cast %scan3A_509 : i32 to index
        %swap3A_564 = arith.constant 48 : index
        %swap3A_565 = tpu.vector_load %arg19[%swap3A_563, %swap3A_564] {strides = array<i32>} : memref<16x144xf32, #tpu.memory_space<vmem>>, vector<1x16xf32>,
        %swap3A_566 = vector.shape_cast %swap3A_565 : vector<1x16xf32> to vector<16xf32>
        %swap3A_567 = vector.shape_cast %mul3A_562 : vector<16xf32> to vector<1x16xf32>
        tpu.vector_store %arg19[%swap3A_563, %swap3A_564], %swap3A_567 {strides = array<i32>} : memref<16x144xf32, #tpu.memory_space<vmem>>, vector<1x16xf32>,
        %slice3A_568 = vector.extract_strided_slice %exp3A {offsets = [2], sizes = [1], strides = [1]} : vector<16xf32> to vector<1xf32>
        %squeeze3A_569 = vector.extract %slice3A_568[0] : f32 from vector<1xf32>
        %get3A_570 = arith.index_cast %scan3A_509 : i32 to index
        %get3A_571 = arith.constant 32 : index
        %get3A_572 = tpu.vector_load %arg17[%get3A_570, %get3A_571] {strides = array<i32>} : memref<16x64xi32, #tpu.memory_space<vmem>>, vector<1x16xi32>,
        %get3A_573 = vector.shape_cast %get3A_572 : vector<1x16xi32> to vector<16xi32>
        %shift_left3A_574 = arith.constant 16 : i32
        %shift_left3A_575 = vector.broadcast %shift_left3A_574 : i32 to vector<16xi32>
        %shift_left3A_576 = arith.shli %get3A_573, %shift_left3A_575 : vector<16xi32>
        %bitcast_convert_type3A_577 = tpu.bitcast %shift_left3A_576 : vector<16xi32> -> vector<16xf32>
        %and3A_578 = vector.broadcast %scan3A_413 : i32 to vector<16xi32>
        %and3A_579 = arith.andi %get3A_573, %and3A_578 : vector<16xi32>
        %bitcast_convert_type3A_580 = tpu.bitcast %and3A_579 : vector<16xi32> -> vector<16xf32>
        %mul3A_581 = vector.broadcast %squeeze3A_569 : f32 to vector<16xf32>
        %mul3A_582 = arith.mulf %bitcast_convert_type3A_577, %mul3A_581 : vector<16xf32>
        %swap3A_583 = arith.index_cast %scan3A_509 : i32 to index
        %swap3A_584 = arith.constant 64 : index
        %swap3A_585 = tpu.vector_load %arg19[%swap3A_583, %swap3A_584] {strides = array<i32>} : memref<16x144xf32, #tpu.memory_space<vmem>>, vector<1x16xf32>,
        %swap3A_586 = vector.shape_cast %swap3A_585 : vector<1x16xf32> to vector<16xf32>
        %swap3A_587 = vector.shape_cast %mul3A_582 : vector<16xf32> to vector<1x16xf32>
        tpu.vector_store %arg19[%swap3A_583, %swap3A_584], %swap3A_587 {strides = array<i32>} : memref<16x144xf32, #tpu.memory_space<vmem>>, vector<1x16xf32>,
        %mul3A_588 = vector.broadcast %squeeze3A_569 : f32 to vector<16xf32>
        %mul3A_589 = arith.mulf %bitcast_convert_type3A_580, %mul3A_588 : vector<16xf32>
        %swap3A_590 = arith.index_cast %scan3A_509 : i32 to index
        %swap3A_591 = arith.constant 80 : index
        %swap3A_592 = tpu.vector_load %arg19[%swap3A_590, %swap3A_591] {strides = array<i32>} : memref<16x144xf32, #tpu.memory_space<vmem>>, vector<1x16xf32>,
        %swap3A_593 = vector.shape_cast %swap3A_592 : vector<1x16xf32> to vector<16xf32>
        %swap3A_594 = vector.shape_cast %mul3A_589 : vector<16xf32> to vector<1x16xf32>
        tpu.vector_store %arg19[%swap3A_590, %swap3A_591], %swap3A_594 {strides = array<i32>} : memref<16x144xf32, #tpu.memory_space<vmem>>, vector<1x16xf32>,
        %slice3A_595 = vector.extract_strided_slice %exp3A {offsets = [3], sizes = [1], strides = [1]} : vector<16xf32> to vector<1xf32>
        %squeeze3A_596 = vector.extract %slice3A_595[0] : f32 from vector<1xf32>
        %get3A_597 = arith.index_cast %scan3A_509 : i32 to index
        %get3A_598 = arith.constant 48 : index
        %get3A_599 = tpu.vector_load %arg17[%get3A_597, %get3A_598] {strides = array<i32>} : memref<16x64xi32, #tpu.memory_space<vmem>>, vector<1x16xi32>,
        %get3A_600 = vector.shape_cast %get3A_599 : vector<1x16xi32> to vector<16xi32>
        %shift_left3A_601 = arith.constant 16 : i32
        %shift_left3A_602 = vector.broadcast %shift_left3A_601 : i32 to vector<16xi32>
        %shift_left3A_603 = arith.shli %get3A_600, %shift_left3A_602 : vector<16xi32>
        %bitcast_convert_type3A_604 = tpu.bitcast %shift_left3A_603 : vector<16xi32> -> vector<16xf32>
        %and3A_605 = vector.broadcast %scan3A_413 : i32 to vector<16xi32>
        %and3A_606 = arith.andi %get3A_600, %and3A_605 : vector<16xi32>
        %bitcast_convert_type3A_607 = tpu.bitcast %and3A_606 : vector<16xi32> -> vector<16xf32>
        %mul3A_608 = vector.broadcast %squeeze3A_596 : f32 to vector<16xf32>
        %mul3A_609 = arith.mulf %bitcast_convert_type3A_604, %mul3A_608 : vector<16xf32>
        %swap3A_610 = arith.index_cast %scan3A_509 : i32 to index
        %swap3A_611 = arith.constant 96 : index
        %swap3A_612 = tpu.vector_load %arg19[%swap3A_610, %swap3A_611] {strides = array<i32>} : memref<16x144xf32, #tpu.memory_space<vmem>>, vector<1x16xf32>,
        %swap3A_613 = vector.shape_cast %swap3A_612 : vector<1x16xf32> to vector<16xf32>
        %swap3A_614 = vector.shape_cast %mul3A_609 : vector<16xf32> to vector<1x16xf32>
        tpu.vector_store %arg19[%swap3A_610, %swap3A_611], %swap3A_614 {strides = array<i32>} : memref<16x144xf32, #tpu.memory_space<vmem>>, vector<1x16xf32>,
        %mul3A_615 = vector.broadcast %squeeze3A_596 : f32 to vector<16xf32>
        %mul3A_616 = arith.mulf %bitcast_convert_type3A_607, %mul3A_615 : vector<16xf32>
        %swap3A_617 = arith.index_cast %scan3A_509 : i32 to index
        %swap3A_618 = arith.constant 112 : index
        %swap3A_619 = tpu.vector_load %arg19[%swap3A_617, %swap3A_618] {strides = array<i32>} : memref<16x144xf32, #tpu.memory_space<vmem>>, vector<1x16xf32>,
        %swap3A_620 = vector.shape_cast %swap3A_619 : vector<1x16xf32> to vector<16xf32>
        %swap3A_621 = vector.shape_cast %mul3A_616 : vector<16xf32> to vector<1x16xf32>
        tpu.vector_store %arg19[%swap3A_617, %swap3A_618], %swap3A_621 {strides = array<i32>} : memref<16x144xf32, #tpu.memory_space<vmem>>, vector<1x16xf32>,
        %scan3A_622 = arith.constant 1 : i32
        %scan3A_623 = arith.addi %scan3A_509, %scan3A_622 : i32
        %get3A_624 = arith.index_cast %scan3A_623 : i32 to index
        %get3A_625 = arith.constant 0 : index
        %get3A_626 = tpu.vector_load %arg15[%get3A_624, %get3A_625] {strides = array<i32>} : memref<16x16xf32, #tpu.memory_space<vmem>>, vector<1x16xf32>,
        %get3A_627 = vector.shape_cast %get3A_626 : vector<1x16xf32> to vector<16xf32>
        %exp3A_628 = math.exp %get3A_627 : vector<16xf32>
        %swap3A_629 = arith.index_cast %scan3A_623 : i32 to index
        %swap3A_630 = arith.constant 128 : index
        %swap3A_631 = tpu.vector_load %arg19[%swap3A_629, %swap3A_630] {strides = array<i32>} : memref<16x144xf32, #tpu.memory_space<vmem>>, vector<1x16xf32>,
        %swap3A_632 = vector.shape_cast %swap3A_631 : vector<1x16xf32> to vector<16xf32>
        %swap3A_633 = vector.shape_cast %exp3A_628 : vector<16xf32> to vector<1x16xf32>
        tpu.vector_store %arg19[%swap3A_629, %swap3A_630], %swap3A_633 {strides = array<i32>} : memref<16x144xf32, #tpu.memory_space<vmem>>, vector<1x16xf32>,
        %slice3A_634 = vector.extract_strided_slice %exp3A_628 {offsets = [0], sizes = [1], strides = [1]} : vector<16xf32> to vector<1xf32>
        %squeeze3A_635 = vector.extract %slice3A_634[0] : f32 from vector<1xf32>
        %get3A_636 = arith.index_cast %scan3A_623 : i32 to index
        %get3A_637 = arith.constant 0 : index
        %get3A_638 = tpu.vector_load %arg17[%get3A_636, %get3A_637] {strides = array<i32>} : memref<16x64xi32, #tpu.memory_space<vmem>>, vector<1x16xi32>,
        %get3A_639 = vector.shape_cast %get3A_638 : vector<1x16xi32> to vector<16xi32>
        %shift_left3A_640 = arith.constant 16 : i32
        %shift_left3A_641 = vector.broadcast %shift_left3A_640 : i32 to vector<16xi32>
        %shift_left3A_642 = arith.shli %get3A_639, %shift_left3A_641 : vector<16xi32>
        %bitcast_convert_type3A_643 = tpu.bitcast %shift_left3A_642 : vector<16xi32> -> vector<16xf32>
        %and3A_644 = vector.broadcast %scan3A_413 : i32 to vector<16xi32>
        %and3A_645 = arith.andi %get3A_639, %and3A_644 : vector<16xi32>
        %bitcast_convert_type3A_646 = tpu.bitcast %and3A_645 : vector<16xi32> -> vector<16xf32>
        %mul3A_647 = vector.broadcast %squeeze3A_635 : f32 to vector<16xf32>
        %mul3A_648 = arith.mulf %bitcast_convert_type3A_643, %mul3A_647 : vector<16xf32>
        %swap3A_649 = arith.index_cast %scan3A_623 : i32 to index
        %swap3A_650 = arith.constant 0 : index
        %swap3A_651 = tpu.vector_load %arg19[%swap3A_649, %swap3A_650] {strides = array<i32>} : memref<16x144xf32, #tpu.memory_space<vmem>>, vector<1x16xf32>,
        %swap3A_652 = vector.shape_cast %swap3A_651 : vector<1x16xf32> to vector<16xf32>
        %swap3A_653 = vector.shape_cast %mul3A_648 : vector<16xf32> to vector<1x16xf32>
        tpu.vector_store %arg19[%swap3A_649, %swap3A_650], %swap3A_653 {strides = array<i32>} : memref<16x144xf32, #tpu.memory_space<vmem>>, vector<1x16xf32>,
        %mul3A_654 = vector.broadcast %squeeze3A_635 : f32 to vector<16xf32>
        %mul3A_655 = arith.mulf %bitcast_convert_type3A_646, %mul3A_654 : vector<16xf32>
        %swap3A_656 = arith.index_cast %scan3A_623 : i32 to index
        %swap3A_657 = arith.constant 16 : index
        %swap3A_658 = tpu.vector_load %arg19[%swap3A_656, %swap3A_657] {strides = array<i32>} : memref<16x144xf32, #tpu.memory_space<vmem>>, vector<1x16xf32>,
        %swap3A_659 = vector.shape_cast %swap3A_658 : vector<1x16xf32> to vector<16xf32>
        %swap3A_660 = vector.shape_cast %mul3A_655 : vector<16xf32> to vector<1x16xf32>
        tpu.vector_store %arg19[%swap3A_656, %swap3A_657], %swap3A_660 {strides = array<i32>} : memref<16x144xf32, #tpu.memory_space<vmem>>, vector<1x16xf32>,
        %slice3A_661 = vector.extract_strided_slice %exp3A_628 {offsets = [1], sizes = [1], strides = [1]} : vector<16xf32> to vector<1xf32>
        %squeeze3A_662 = vector.extract %slice3A_661[0] : f32 from vector<1xf32>
        %get3A_663 = arith.index_cast %scan3A_623 : i32 to index
        %get3A_664 = arith.constant 16 : index
        %get3A_665 = tpu.vector_load %arg17[%get3A_663, %get3A_664] {strides = array<i32>} : memref<16x64xi32, #tpu.memory_space<vmem>>, vector<1x16xi32>,
        %get3A_666 = vector.shape_cast %get3A_665 : vector<1x16xi32> to vector<16xi32>
        %shift_left3A_667 = arith.constant 16 : i32
        %shift_left3A_668 = vector.broadcast %shift_left3A_667 : i32 to vector<16xi32>
        %shift_left3A_669 = arith.shli %get3A_666, %shift_left3A_668 : vector<16xi32>
        %bitcast_convert_type3A_670 = tpu.bitcast %shift_left3A_669 : vector<16xi32> -> vector<16xf32>
        %and3A_671 = vector.broadcast %scan3A_413 : i32 to vector<16xi32>
        %and3A_672 = arith.andi %get3A_666, %and3A_671 : vector<16xi32>
        %bitcast_convert_type3A_673 = tpu.bitcast %and3A_672 : vector<16xi32> -> vector<16xf32>
        %mul3A_674 = vector.broadcast %squeeze3A_662 : f32 to vector<16xf32>
        %mul3A_675 = arith.mulf %bitcast_convert_type3A_670, %mul3A_674 : vector<16xf32>
        %swap3A_676 = arith.index_cast %scan3A_623 : i32 to index
        %swap3A_677 = arith.constant 32 : index
        %swap3A_678 = tpu.vector_load %arg19[%swap3A_676, %swap3A_677] {strides = array<i32>} : memref<16x144xf32, #tpu.memory_space<vmem>>, vector<1x16xf32>,
        %swap3A_679 = vector.shape_cast %swap3A_678 : vector<1x16xf32> to vector<16xf32>
        %swap3A_680 = vector.shape_cast %mul3A_675 : vector<16xf32> to vector<1x16xf32>
        tpu.vector_store %arg19[%swap3A_676, %swap3A_677], %swap3A_680 {strides = array<i32>} : memref<16x144xf32, #tpu.memory_space<vmem>>, vector<1x16xf32>,
        %mul3A_681 = vector.broadcast %squeeze3A_662 : f32 to vector<16xf32>
        %mul3A_682 = arith.mulf %bitcast_convert_type3A_673, %mul3A_681 : vector<16xf32>
        %swap3A_683 = arith.index_cast %scan3A_623 : i32 to index
        %swap3A_684 = arith.constant 48 : index
        %swap3A_685 = tpu.vector_load %arg19[%swap3A_683, %swap3A_684] {strides = array<i32>} : memref<16x144xf32, #tpu.memory_space<vmem>>, vector<1x16xf32>,
        %swap3A_686 = vector.shape_cast %swap3A_685 : vector<1x16xf32> to vector<16xf32>
        %swap3A_687 = vector.shape_cast %mul3A_682 : vector<16xf32> to vector<1x16xf32>
        tpu.vector_store %arg19[%swap3A_683, %swap3A_684], %swap3A_687 {strides = array<i32>} : memref<16x144xf32, #tpu.memory_space<vmem>>, vector<1x16xf32>,
        %slice3A_688 = vector.extract_strided_slice %exp3A_628 {offsets = [2], sizes = [1], strides = [1]} : vector<16xf32> to vector<1xf32>
        %squeeze3A_689 = vector.extract %slice3A_688[0] : f32 from vector<1xf32>
        %get3A_690 = arith.index_cast %scan3A_623 : i32 to index
        %get3A_691 = arith.constant 32 : index
        %get3A_692 = tpu.vector_load %arg17[%get3A_690, %get3A_691] {strides = array<i32>} : memref<16x64xi32, #tpu.memory_space<vmem>>, vector<1x16xi32>,
        %get3A_693 = vector.shape_cast %get3A_692 : vector<1x16xi32> to vector<16xi32>
        %shift_left3A_694 = arith.constant 16 : i32
        %shift_left3A_695 = vector.broadcast %shift_left3A_694 : i32 to vector<16xi32>
        %shift_left3A_696 = arith.shli %get3A_693, %shift_left3A_695 : vector<16xi32>
        %bitcast_convert_type3A_697 = tpu.bitcast %shift_left3A_696 : vector<16xi32> -> vector<16xf32>
        %and3A_698 = vector.broadcast %scan3A_413 : i32 to vector<16xi32>
        %and3A_699 = arith.andi %get3A_693, %and3A_698 : vector<16xi32>
        %bitcast_convert_type3A_700 = tpu.bitcast %and3A_699 : vector<16xi32> -> vector<16xf32>
        %mul3A_701 = vector.broadcast %squeeze3A_689 : f32 to vector<16xf32>
        %mul3A_702 = arith.mulf %bitcast_convert_type3A_697, %mul3A_701 : vector<16xf32>
        %swap3A_703 = arith.index_cast %scan3A_623 : i32 to index
        %swap3A_704 = arith.constant 64 : index
        %swap3A_705 = tpu.vector_load %arg19[%swap3A_703, %swap3A_704] {strides = array<i32>} : memref<16x144xf32, #tpu.memory_space<vmem>>, vector<1x16xf32>,
        %swap3A_706 = vector.shape_cast %swap3A_705 : vector<1x16xf32> to vector<16xf32>
        %swap3A_707 = vector.shape_cast %mul3A_702 : vector<16xf32> to vector<1x16xf32>
        tpu.vector_store %arg19[%swap3A_703, %swap3A_704], %swap3A_707 {strides = array<i32>} : memref<16x144xf32, #tpu.memory_space<vmem>>, vector<1x16xf32>,
        %mul3A_708 = vector.broadcast %squeeze3A_689 : f32 to vector<16xf32>
        %mul3A_709 = arith.mulf %bitcast_convert_type3A_700, %mul3A_708 : vector<16xf32>
        %swap3A_710 = arith.index_cast %scan3A_623 : i32 to index
        %swap3A_711 = arith.constant 80 : index
        %swap3A_712 = tpu.vector_load %arg19[%swap3A_710, %swap3A_711] {strides = array<i32>} : memref<16x144xf32, #tpu.memory_space<vmem>>, vector<1x16xf32>,
        %swap3A_713 = vector.shape_cast %swap3A_712 : vector<1x16xf32> to vector<16xf32>
        %swap3A_714 = vector.shape_cast %mul3A_709 : vector<16xf32> to vector<1x16xf32>
        tpu.vector_store %arg19[%swap3A_710, %swap3A_711], %swap3A_714 {strides = array<i32>} : memref<16x144xf32, #tpu.memory_space<vmem>>, vector<1x16xf32>,
        %slice3A_715 = vector.extract_strided_slice %exp3A_628 {offsets = [3], sizes = [1], strides = [1]} : vector<16xf32> to vector<1xf32>
        %squeeze3A_716 = vector.extract %slice3A_715[0] : f32 from vector<1xf32>
        %get3A_717 = arith.index_cast %scan3A_623 : i32 to index
        %get3A_718 = arith.constant 48 : index
        %get3A_719 = tpu.vector_load %arg17[%get3A_717, %get3A_718] {strides = array<i32>} : memref<16x64xi32, #tpu.memory_space<vmem>>, vector<1x16xi32>,
        %get3A_720 = vector.shape_cast %get3A_719 : vector<1x16xi32> to vector<16xi32>
        %shift_left3A_721 = arith.constant 16 : i32
        %shift_left3A_722 = vector.broadcast %shift_left3A_721 : i32 to vector<16xi32>
        %shift_left3A_723 = arith.shli %get3A_720, %shift_left3A_722 : vector<16xi32>
        %bitcast_convert_type3A_724 = tpu.bitcast %shift_left3A_723 : vector<16xi32> -> vector<16xf32>
        %and3A_725 = vector.broadcast %scan3A_413 : i32 to vector<16xi32>
        %and3A_726 = arith.andi %get3A_720, %and3A_725 : vector<16xi32>
        %bitcast_convert_type3A_727 = tpu.bitcast %and3A_726 : vector<16xi32> -> vector<16xf32>
        %mul3A_728 = vector.broadcast %squeeze3A_716 : f32 to vector<16xf32>
        %mul3A_729 = arith.mulf %bitcast_convert_type3A_724, %mul3A_728 : vector<16xf32>
        %swap3A_730 = arith.index_cast %scan3A_623 : i32 to index
        %swap3A_731 = arith.constant 96 : index
        %swap3A_732 = tpu.vector_load %arg19[%swap3A_730, %swap3A_731] {strides = array<i32>} : memref<16x144xf32, #tpu.memory_space<vmem>>, vector<1x16xf32>,
        %swap3A_733 = vector.shape_cast %swap3A_732 : vector<1x16xf32> to vector<16xf32>
        %swap3A_734 = vector.shape_cast %mul3A_729 : vector<16xf32> to vector<1x16xf32>
        tpu.vector_store %arg19[%swap3A_730, %swap3A_731], %swap3A_734 {strides = array<i32>} : memref<16x144xf32, #tpu.memory_space<vmem>>, vector<1x16xf32>,
        %mul3A_735 = vector.broadcast %squeeze3A_716 : f32 to vector<16xf32>
        %mul3A_736 = arith.mulf %bitcast_convert_type3A_727, %mul3A_735 : vector<16xf32>
        %swap3A_737 = arith.index_cast %scan3A_623 : i32 to index
        %swap3A_738 = arith.constant 112 : index
        %swap3A_739 = tpu.vector_load %arg19[%swap3A_737, %swap3A_738] {strides = array<i32>} : memref<16x144xf32, #tpu.memory_space<vmem>>, vector<1x16xf32>,
        %swap3A_740 = vector.shape_cast %swap3A_739 : vector<1x16xf32> to vector<16xf32>
        %swap3A_741 = vector.shape_cast %mul3A_736 : vector<16xf32> to vector<1x16xf32>
        tpu.vector_store %arg19[%swap3A_737, %swap3A_738], %swap3A_741 {strides = array<i32>} : memref<16x144xf32, #tpu.memory_space<vmem>>, vector<1x16xf32>,
      }
      %scan3A_418 = arith.constant 16 : i32
      %dma_start3A_419 = arith.constant 0 : i32
      %dma_start3A_420 = arith.constant 0 : i32
      %dma_start3A_421 = tpu.memref_slice %arg21[%dma_start3A_419, %dma_start3A_420] : memref<10112x144xf32, #tpu.memory_space<vmem_shared>> -> memref<10112x144xf32, #tpu.memory_space<vmem_shared>>
      tpu.enqueue_indirect_dma source(%arg19 : memref<16x144xf32, #tpu.memory_space<vmem>>) target(%dma_start3A_421 : memref<10112x144xf32, #tpu.memory_space<vmem_shared>>) offsets(%arg11 : memref<16xi32, #tpu.memory_space<vmem>>) semaphore(%arg27 : memref<!tpu.dma_semaphore, #tpu.memory_space<semaphore_mem>>) {add = true}
      %add3A_422 = arith.constant 2 : i32
      %add3A_423 = arith.addi %add3A_391, %add3A_422 : i32
      %min3A = arith.constant 671 : i32
      %min3A_424 = arith.minsi %add3A_423, %min3A : i32
      %mul3A_425 = arith.constant 16 : i32
      %mul3A_426 = arith.muli %min3A_424, %mul3A_425 : i32
      %add3A_427 = arith.constant 0 : i32
      %add3A_428 = arith.addi %mul3A_426, %add3A_427 : i32
      %get3A_429 = arith.index_cast %add3A_428 : i32 to index
      %get3A_430 = tpu.vector_load %arg7[%get3A_429] {strides = array<i32>} : memref<10752xi32, #tpu.memory_space<vmem>>, vector<16xi32>,
      %get3A_431 = vector.shape_cast %get3A_430 : vector<16xi32> to vector<16xi32>
      %swap3A_432 = arith.constant 0 : index
      %swap3A_433 = tpu.vector_load %arg13[%swap3A_432] {strides = array<i32>} : memref<16xi32, #tpu.memory_space<vmem>>, vector<16xi32>,
      %swap3A_434 = vector.shape_cast %swap3A_433 : vector<16xi32> to vector<16xi32>
      %swap3A_435 = vector.shape_cast %get3A_431 : vector<16xi32> to vector<16xi32>
      tpu.vector_store %arg13[%swap3A_432], %swap3A_435 {strides = array<i32>} : memref<16xi32, #tpu.memory_space<vmem>>, vector<16xi32>,
      %add3A_436 = vector.broadcast %mul3A_200 : i32 to vector<16xi32>
      %add3A_437 = arith.addi %get3A_431, %add3A_436 : vector<16xi32>
      %swap3A_438 = arith.constant 0 : index
      %swap3A_439 = tpu.vector_load %arg9[%swap3A_438] {strides = array<i32>} : memref<16xi32, #tpu.memory_space<vmem>>, vector<16xi32>,
      %swap3A_440 = vector.shape_cast %swap3A_439 : vector<16xi32> to vector<16xi32>
      %swap3A_441 = vector.shape_cast %add3A_437 : vector<16xi32> to vector<16xi32>
      tpu.vector_store %arg9[%swap3A_438], %swap3A_441 {strides = array<i32>} : memref<16xi32, #tpu.memory_space<vmem>>, vector<16xi32>,
      %dma_start3A_442 = arith.constant 0 : i32
      %dma_start3A_443 = arith.constant 0 : i32
      %dma_start3A_444 = tpu.memref_slice %arg22[%dma_start3A_442, %dma_start3A_443] : memref<10112x16xf32, #tpu.memory_space<vmem_shared>> -> memref<10112x16xf32, #tpu.memory_space<vmem_shared>>
      tpu.enqueue_indirect_dma source(%dma_start3A_444 : memref<10112x16xf32, #tpu.memory_space<vmem_shared>>) target(%arg15 : memref<16x16xf32, #tpu.memory_space<vmem>>) offsets(%arg13 : memref<16xi32, #tpu.memory_space<vmem>>) semaphore(%arg23 : memref<!tpu.dma_semaphore, #tpu.memory_space<semaphore_mem>>)
      %dma_start3A_445 = arith.constant 0 : i32
      %dma_start3A_446 = arith.constant 0 : i32
      %dma_start3A_447 = tpu.memref_slice %arg3[%dma_start3A_445, %dma_start3A_446] : memref<40448x64xi32, #tpu.memory_space<hbm>> -> memref<40448x64xi32, #tpu.memory_space<hbm>>
      tpu.enqueue_indirect_dma source(%dma_start3A_447 : memref<40448x64xi32, #tpu.memory_space<hbm>>) target(%arg17 : memref<16x64xi32, #tpu.memory_space<vmem>>) offsets(%arg9 : memref<16xi32, #tpu.memory_space<vmem>>) semaphore(%arg25 : memref<!tpu.dma_semaphore, #tpu.memory_space<semaphore_mem>>)
      %mul3A_448 = arith.constant 2 : i32
      %mul3A_449 = arith.muli %mul3A_448, %scan3A_387 : i32
      %add3A_450 = arith.constant 1 : i32
      %add3A_451 = arith.addi %mul3A_449, %add3A_450 : i32
      %dma_wait3A_452 = arith.constant 0 : i32
      %dma_wait3A_453 = arith.constant 0 : i32
      %dma_wait3A_454 = tpu.memref_slice %arg22[%dma_wait3A_452, %dma_wait3A_453] : memref<10112x16xf32, #tpu.memory_space<vmem_shared>> -> memref<10112x16xf32, #tpu.memory_space<vmem_shared>>
      tpu.wait_indirect_dma semaphore(%arg24 : memref<!tpu.dma_semaphore, #tpu.memory_space<semaphore_mem>>) src(%dma_wait3A_454 : memref<10112x16xf32, #tpu.memory_space<vmem_shared>>) dst(%arg16 : memref<16x16xf32, #tpu.memory_space<vmem>>)
      %dma_wait3A_455 = arith.constant 0 : i32
      %dma_wait3A_456 = arith.constant 0 : i32
      %dma_wait3A_457 = tpu.memref_slice %arg3[%dma_wait3A_455, %dma_wait3A_456] : memref<40448x64xi32, #tpu.memory_space<hbm>> -> memref<40448x64xi32, #tpu.memory_space<hbm>>
      tpu.wait_indirect_dma semaphore(%arg26 : memref<!tpu.dma_semaphore, #tpu.memory_space<semaphore_mem>>) src(%dma_wait3A_457 : memref<40448x64xi32, #tpu.memory_space<hbm>>) dst(%arg18 : memref<16x64xi32, #tpu.memory_space<vmem>>)
      %dma_wait3A_458 = arith.constant 0 : i32
      %dma_wait3A_459 = arith.constant 0 : i32
      %dma_wait3A_460 = tpu.memref_slice %arg21[%dma_wait3A_458, %dma_wait3A_459] : memref<10112x144xf32, #tpu.memory_space<vmem_shared>> -> memref<10112x144xf32, #tpu.memory_space<vmem_shared>>
      tpu.wait_indirect_dma semaphore(%arg28 : memref<!tpu.dma_semaphore, #tpu.memory_space<semaphore_mem>>) src(%arg20 : memref<16x144xf32, #tpu.memory_space<vmem>>) dst(%dma_wait3A_460 : memref<10112x144xf32, #tpu.memory_space<vmem_shared>>)
      %mul3A_461 = arith.constant 16 : i32
      %mul3A_462 = arith.muli %add3A_451, %mul3A_461 : i32
      %add3A_463 = arith.constant 0 : i32
      %add3A_464 = arith.addi %mul3A_462, %add3A_463 : i32
      %get3A_465 = arith.index_cast %add3A_464 : i32 to index
      %get3A_466 = tpu.vector_load %arg8[%get3A_465] {strides = array<i32>} : memref<10752xi32, #tpu.memory_space<vmem>>, vector<16xi32>,
      %get3A_467 = vector.shape_cast %get3A_466 : vector<16xi32> to vector<16xi32>
      %swap3A_468 = arith.constant 0 : index
      %swap3A_469 = tpu.vector_load %arg12[%swap3A_468] {strides = array<i32>} : memref<16xi32, #tpu.memory_space<vmem>>, vector<16xi32>,
      %swap3A_470 = vector.shape_cast %swap3A_469 : vector<16xi32> to vector<16xi32>
      %swap3A_471 = vector.shape_cast %get3A_467 : vector<16xi32> to vector<16xi32>
      tpu.vector_store %arg12[%swap3A_468], %swap3A_471 {strides = array<i32>} : memref<16xi32, #tpu.memory_space<vmem>>, vector<16xi32>,
      %scan3A_472 = arith.constant 0 : i32
      %scan3A_473 = arith.constant -65536 : i32
      %scan3A_474 = arith.constant 0 : i32
      %scan3A_475 = arith.constant 16 : i32
      %scan3A_476 = arith.addi %scan3A_474, %scan3A_475 : i32
      %scan3A_477 = arith.constant 2 : i32
      scf.for %scan3A_509 = %scan3A_474 to %scan3A_476 step %scan3A_477  : i32 {
        %get3A_510 = arith.index_cast %scan3A_509 : i32 to index
        %get3A_511 = arith.constant 0 : index
        %get3A_512 = tpu.vector_load %arg16[%get3A_510, %get3A_511] {strides = array<i32>} : memref<16x16xf32, #tpu.memory_space<vmem>>, vector<1x16xf32>,
        %get3A_513 = vector.shape_cast %get3A_512 : vector<1x16xf32> to vector<16xf32>
        %exp3A = math.exp %get3A_513 : vector<16xf32>
        %swap3A_514 = arith.index_cast %scan3A_509 : i32 to index
        %swap3A_515 = arith.constant 128 : index
        %swap3A_516 = tpu.vector_load %arg20[%swap3A_514, %swap3A_515] {strides = array<i32>} : memref<16x144xf32, #tpu.memory_space<vmem>>, vector<1x16xf32>,
        %swap3A_517 = vector.shape_cast %swap3A_516 : vector<1x16xf32> to vector<16xf32>
        %swap3A_518 = vector.shape_cast %exp3A : vector<16xf32> to vector<1x16xf32>
        tpu.vector_store %arg20[%swap3A_514, %swap3A_515], %swap3A_518 {strides = array<i32>} : memref<16x144xf32, #tpu.memory_space<vmem>>, vector<1x16xf32>,
        %slice3A = vector.extract_strided_slice %exp3A {offsets = [0], sizes = [1], strides = [1]} : vector<16xf32> to vector<1xf32>
        %squeeze3A = vector.extract %slice3A[0] : f32 from vector<1xf32>
        %get3A_519 = arith.index_cast %scan3A_509 : i32 to index
        %get3A_520 = arith.constant 0 : index
        %get3A_521 = tpu.vector_load %arg18[%get3A_519, %get3A_520] {strides = array<i32>} : memref<16x64xi32, #tpu.memory_space<vmem>>, vector<1x16xi32>,
        %get3A_522 = vector.shape_cast %get3A_521 : vector<1x16xi32> to vector<16xi32>
        %shift_left3A = arith.constant 16 : i32
        %shift_left3A_523 = vector.broadcast %shift_left3A : i32 to vector<16xi32>
        %shift_left3A_524 = arith.shli %get3A_522, %shift_left3A_523 : vector<16xi32>
        %bitcast_convert_type3A = tpu.bitcast %shift_left3A_524 : vector<16xi32> -> vector<16xf32>
        %and3A = vector.broadcast %scan3A_473 : i32 to vector<16xi32>
        %and3A_525 = arith.andi %get3A_522, %and3A : vector<16xi32>
        %bitcast_convert_type3A_526 = tpu.bitcast %and3A_525 : vector<16xi32> -> vector<16xf32>
        %mul3A_527 = vector.broadcast %squeeze3A : f32 to vector<16xf32>
        %mul3A_528 = arith.mulf %bitcast_convert_type3A, %mul3A_527 : vector<16xf32>
        %swap3A_529 = arith.index_cast %scan3A_509 : i32 to index
        %swap3A_530 = arith.constant 0 : index
        %swap3A_531 = tpu.vector_load %arg20[%swap3A_529, %swap3A_530] {strides = array<i32>} : memref<16x144xf32, #tpu.memory_space<vmem>>, vector<1x16xf32>,
        %swap3A_532 = vector.shape_cast %swap3A_531 : vector<1x16xf32> to vector<16xf32>
        %swap3A_533 = vector.shape_cast %mul3A_528 : vector<16xf32> to vector<1x16xf32>
        tpu.vector_store %arg20[%swap3A_529, %swap3A_530], %swap3A_533 {strides = array<i32>} : memref<16x144xf32, #tpu.memory_space<vmem>>, vector<1x16xf32>,
        %mul3A_534 = vector.broadcast %squeeze3A : f32 to vector<16xf32>
        %mul3A_535 = arith.mulf %bitcast_convert_type3A_526, %mul3A_534 : vector<16xf32>
        %swap3A_536 = arith.index_cast %scan3A_509 : i32 to index
        %swap3A_537 = arith.constant 16 : index
        %swap3A_538 = tpu.vector_load %arg20[%swap3A_536, %swap3A_537] {strides = array<i32>} : memref<16x144xf32, #tpu.memory_space<vmem>>, vector<1x16xf32>,
        %swap3A_539 = vector.shape_cast %swap3A_538 : vector<1x16xf32> to vector<16xf32>
        %swap3A_540 = vector.shape_cast %mul3A_535 : vector<16xf32> to vector<1x16xf32>
        tpu.vector_store %arg20[%swap3A_536, %swap3A_537], %swap3A_540 {strides = array<i32>} : memref<16x144xf32, #tpu.memory_space<vmem>>, vector<1x16xf32>,
        %slice3A_541 = vector.extract_strided_slice %exp3A {offsets = [1], sizes = [1], strides = [1]} : vector<16xf32> to vector<1xf32>
        %squeeze3A_542 = vector.extract %slice3A_541[0] : f32 from vector<1xf32>
        %get3A_543 = arith.index_cast %scan3A_509 : i32 to index
        %get3A_544 = arith.constant 16 : index
        %get3A_545 = tpu.vector_load %arg18[%get3A_543, %get3A_544] {strides = array<i32>} : memref<16x64xi32, #tpu.memory_space<vmem>>, vector<1x16xi32>,
        %get3A_546 = vector.shape_cast %get3A_545 : vector<1x16xi32> to vector<16xi32>
        %shift_left3A_547 = arith.constant 16 : i32
        %shift_left3A_548 = vector.broadcast %shift_left3A_547 : i32 to vector<16xi32>
        %shift_left3A_549 = arith.shli %get3A_546, %shift_left3A_548 : vector<16xi32>
        %bitcast_convert_type3A_550 = tpu.bitcast %shift_left3A_549 : vector<16xi32> -> vector<16xf32>
        %and3A_551 = vector.broadcast %scan3A_473 : i32 to vector<16xi32>
        %and3A_552 = arith.andi %get3A_546, %and3A_551 : vector<16xi32>
        %bitcast_convert_type3A_553 = tpu.bitcast %and3A_552 : vector<16xi32> -> vector<16xf32>
        %mul3A_554 = vector.broadcast %squeeze3A_542 : f32 to vector<16xf32>
        %mul3A_555 = arith.mulf %bitcast_convert_type3A_550, %mul3A_554 : vector<16xf32>
        %swap3A_556 = arith.index_cast %scan3A_509 : i32 to index
        %swap3A_557 = arith.constant 32 : index
        %swap3A_558 = tpu.vector_load %arg20[%swap3A_556, %swap3A_557] {strides = array<i32>} : memref<16x144xf32, #tpu.memory_space<vmem>>, vector<1x16xf32>,
        %swap3A_559 = vector.shape_cast %swap3A_558 : vector<1x16xf32> to vector<16xf32>
        %swap3A_560 = vector.shape_cast %mul3A_555 : vector<16xf32> to vector<1x16xf32>
        tpu.vector_store %arg20[%swap3A_556, %swap3A_557], %swap3A_560 {strides = array<i32>} : memref<16x144xf32, #tpu.memory_space<vmem>>, vector<1x16xf32>,
        %mul3A_561 = vector.broadcast %squeeze3A_542 : f32 to vector<16xf32>
        %mul3A_562 = arith.mulf %bitcast_convert_type3A_553, %mul3A_561 : vector<16xf32>
        %swap3A_563 = arith.index_cast %scan3A_509 : i32 to index
        %swap3A_564 = arith.constant 48 : index
        %swap3A_565 = tpu.vector_load %arg20[%swap3A_563, %swap3A_564] {strides = array<i32>} : memref<16x144xf32, #tpu.memory_space<vmem>>, vector<1x16xf32>,
        %swap3A_566 = vector.shape_cast %swap3A_565 : vector<1x16xf32> to vector<16xf32>
        %swap3A_567 = vector.shape_cast %mul3A_562 : vector<16xf32> to vector<1x16xf32>
        tpu.vector_store %arg20[%swap3A_563, %swap3A_564], %swap3A_567 {strides = array<i32>} : memref<16x144xf32, #tpu.memory_space<vmem>>, vector<1x16xf32>,
        %slice3A_568 = vector.extract_strided_slice %exp3A {offsets = [2], sizes = [1], strides = [1]} : vector<16xf32> to vector<1xf32>
        %squeeze3A_569 = vector.extract %slice3A_568[0] : f32 from vector<1xf32>
        %get3A_570 = arith.index_cast %scan3A_509 : i32 to index
        %get3A_571 = arith.constant 32 : index
        %get3A_572 = tpu.vector_load %arg18[%get3A_570, %get3A_571] {strides = array<i32>} : memref<16x64xi32, #tpu.memory_space<vmem>>, vector<1x16xi32>,
        %get3A_573 = vector.shape_cast %get3A_572 : vector<1x16xi32> to vector<16xi32>
        %shift_left3A_574 = arith.constant 16 : i32
        %shift_left3A_575 = vector.broadcast %shift_left3A_574 : i32 to vector<16xi32>
        %shift_left3A_576 = arith.shli %get3A_573, %shift_left3A_575 : vector<16xi32>
        %bitcast_convert_type3A_577 = tpu.bitcast %shift_left3A_576 : vector<16xi32> -> vector<16xf32>
        %and3A_578 = vector.broadcast %scan3A_473 : i32 to vector<16xi32>
        %and3A_579 = arith.andi %get3A_573, %and3A_578 : vector<16xi32>
        %bitcast_convert_type3A_580 = tpu.bitcast %and3A_579 : vector<16xi32> -> vector<16xf32>
        %mul3A_581 = vector.broadcast %squeeze3A_569 : f32 to vector<16xf32>
        %mul3A_582 = arith.mulf %bitcast_convert_type3A_577, %mul3A_581 : vector<16xf32>
        %swap3A_583 = arith.index_cast %scan3A_509 : i32 to index
        %swap3A_584 = arith.constant 64 : index
        %swap3A_585 = tpu.vector_load %arg20[%swap3A_583, %swap3A_584] {strides = array<i32>} : memref<16x144xf32, #tpu.memory_space<vmem>>, vector<1x16xf32>,
        %swap3A_586 = vector.shape_cast %swap3A_585 : vector<1x16xf32> to vector<16xf32>
        %swap3A_587 = vector.shape_cast %mul3A_582 : vector<16xf32> to vector<1x16xf32>
        tpu.vector_store %arg20[%swap3A_583, %swap3A_584], %swap3A_587 {strides = array<i32>} : memref<16x144xf32, #tpu.memory_space<vmem>>, vector<1x16xf32>,
        %mul3A_588 = vector.broadcast %squeeze3A_569 : f32 to vector<16xf32>
        %mul3A_589 = arith.mulf %bitcast_convert_type3A_580, %mul3A_588 : vector<16xf32>
        %swap3A_590 = arith.index_cast %scan3A_509 : i32 to index
        %swap3A_591 = arith.constant 80 : index
        %swap3A_592 = tpu.vector_load %arg20[%swap3A_590, %swap3A_591] {strides = array<i32>} : memref<16x144xf32, #tpu.memory_space<vmem>>, vector<1x16xf32>,
        %swap3A_593 = vector.shape_cast %swap3A_592 : vector<1x16xf32> to vector<16xf32>
        %swap3A_594 = vector.shape_cast %mul3A_589 : vector<16xf32> to vector<1x16xf32>
        tpu.vector_store %arg20[%swap3A_590, %swap3A_591], %swap3A_594 {strides = array<i32>} : memref<16x144xf32, #tpu.memory_space<vmem>>, vector<1x16xf32>,
        %slice3A_595 = vector.extract_strided_slice %exp3A {offsets = [3], sizes = [1], strides = [1]} : vector<16xf32> to vector<1xf32>
        %squeeze3A_596 = vector.extract %slice3A_595[0] : f32 from vector<1xf32>
        %get3A_597 = arith.index_cast %scan3A_509 : i32 to index
        %get3A_598 = arith.constant 48 : index
        %get3A_599 = tpu.vector_load %arg18[%get3A_597, %get3A_598] {strides = array<i32>} : memref<16x64xi32, #tpu.memory_space<vmem>>, vector<1x16xi32>,
        %get3A_600 = vector.shape_cast %get3A_599 : vector<1x16xi32> to vector<16xi32>
        %shift_left3A_601 = arith.constant 16 : i32
        %shift_left3A_602 = vector.broadcast %shift_left3A_601 : i32 to vector<16xi32>
        %shift_left3A_603 = arith.shli %get3A_600, %shift_left3A_602 : vector<16xi32>
        %bitcast_convert_type3A_604 = tpu.bitcast %shift_left3A_603 : vector<16xi32> -> vector<16xf32>
        %and3A_605 = vector.broadcast %scan3A_473 : i32 to vector<16xi32>
        %and3A_606 = arith.andi %get3A_600, %and3A_605 : vector<16xi32>
        %bitcast_convert_type3A_607 = tpu.bitcast %and3A_606 : vector<16xi32> -> vector<16xf32>
        %mul3A_608 = vector.broadcast %squeeze3A_596 : f32 to vector<16xf32>
        %mul3A_609 = arith.mulf %bitcast_convert_type3A_604, %mul3A_608 : vector<16xf32>
        %swap3A_610 = arith.index_cast %scan3A_509 : i32 to index
        %swap3A_611 = arith.constant 96 : index
        %swap3A_612 = tpu.vector_load %arg20[%swap3A_610, %swap3A_611] {strides = array<i32>} : memref<16x144xf32, #tpu.memory_space<vmem>>, vector<1x16xf32>,
        %swap3A_613 = vector.shape_cast %swap3A_612 : vector<1x16xf32> to vector<16xf32>
        %swap3A_614 = vector.shape_cast %mul3A_609 : vector<16xf32> to vector<1x16xf32>
        tpu.vector_store %arg20[%swap3A_610, %swap3A_611], %swap3A_614 {strides = array<i32>} : memref<16x144xf32, #tpu.memory_space<vmem>>, vector<1x16xf32>,
        %mul3A_615 = vector.broadcast %squeeze3A_596 : f32 to vector<16xf32>
        %mul3A_616 = arith.mulf %bitcast_convert_type3A_607, %mul3A_615 : vector<16xf32>
        %swap3A_617 = arith.index_cast %scan3A_509 : i32 to index
        %swap3A_618 = arith.constant 112 : index
        %swap3A_619 = tpu.vector_load %arg20[%swap3A_617, %swap3A_618] {strides = array<i32>} : memref<16x144xf32, #tpu.memory_space<vmem>>, vector<1x16xf32>,
        %swap3A_620 = vector.shape_cast %swap3A_619 : vector<1x16xf32> to vector<16xf32>
        %swap3A_621 = vector.shape_cast %mul3A_616 : vector<16xf32> to vector<1x16xf32>
        tpu.vector_store %arg20[%swap3A_617, %swap3A_618], %swap3A_621 {strides = array<i32>} : memref<16x144xf32, #tpu.memory_space<vmem>>, vector<1x16xf32>,
        %scan3A_622 = arith.constant 1 : i32
        %scan3A_623 = arith.addi %scan3A_509, %scan3A_622 : i32
        %get3A_624 = arith.index_cast %scan3A_623 : i32 to index
        %get3A_625 = arith.constant 0 : index
        %get3A_626 = tpu.vector_load %arg16[%get3A_624, %get3A_625] {strides = array<i32>} : memref<16x16xf32, #tpu.memory_space<vmem>>, vector<1x16xf32>,
        %get3A_627 = vector.shape_cast %get3A_626 : vector<1x16xf32> to vector<16xf32>
        %exp3A_628 = math.exp %get3A_627 : vector<16xf32>
        %swap3A_629 = arith.index_cast %scan3A_623 : i32 to index
        %swap3A_630 = arith.constant 128 : index
        %swap3A_631 = tpu.vector_load %arg20[%swap3A_629, %swap3A_630] {strides = array<i32>} : memref<16x144xf32, #tpu.memory_space<vmem>>, vector<1x16xf32>,
        %swap3A_632 = vector.shape_cast %swap3A_631 : vector<1x16xf32> to vector<16xf32>
        %swap3A_633 = vector.shape_cast %exp3A_628 : vector<16xf32> to vector<1x16xf32>
        tpu.vector_store %arg20[%swap3A_629, %swap3A_630], %swap3A_633 {strides = array<i32>} : memref<16x144xf32, #tpu.memory_space<vmem>>, vector<1x16xf32>,
        %slice3A_634 = vector.extract_strided_slice %exp3A_628 {offsets = [0], sizes = [1], strides = [1]} : vector<16xf32> to vector<1xf32>
        %squeeze3A_635 = vector.extract %slice3A_634[0] : f32 from vector<1xf32>
        %get3A_636 = arith.index_cast %scan3A_623 : i32 to index
        %get3A_637 = arith.constant 0 : index
        %get3A_638 = tpu.vector_load %arg18[%get3A_636, %get3A_637] {strides = array<i32>} : memref<16x64xi32, #tpu.memory_space<vmem>>, vector<1x16xi32>,
        %get3A_639 = vector.shape_cast %get3A_638 : vector<1x16xi32> to vector<16xi32>
        %shift_left3A_640 = arith.constant 16 : i32
        %shift_left3A_641 = vector.broadcast %shift_left3A_640 : i32 to vector<16xi32>
        %shift_left3A_642 = arith.shli %get3A_639, %shift_left3A_641 : vector<16xi32>
        %bitcast_convert_type3A_643 = tpu.bitcast %shift_left3A_642 : vector<16xi32> -> vector<16xf32>
        %and3A_644 = vector.broadcast %scan3A_473 : i32 to vector<16xi32>
        %and3A_645 = arith.andi %get3A_639, %and3A_644 : vector<16xi32>
        %bitcast_convert_type3A_646 = tpu.bitcast %and3A_645 : vector<16xi32> -> vector<16xf32>
        %mul3A_647 = vector.broadcast %squeeze3A_635 : f32 to vector<16xf32>
        %mul3A_648 = arith.mulf %bitcast_convert_type3A_643, %mul3A_647 : vector<16xf32>
        %swap3A_649 = arith.index_cast %scan3A_623 : i32 to index
        %swap3A_650 = arith.constant 0 : index
        %swap3A_651 = tpu.vector_load %arg20[%swap3A_649, %swap3A_650] {strides = array<i32>} : memref<16x144xf32, #tpu.memory_space<vmem>>, vector<1x16xf32>,
        %swap3A_652 = vector.shape_cast %swap3A_651 : vector<1x16xf32> to vector<16xf32>
        %swap3A_653 = vector.shape_cast %mul3A_648 : vector<16xf32> to vector<1x16xf32>
        tpu.vector_store %arg20[%swap3A_649, %swap3A_650], %swap3A_653 {strides = array<i32>} : memref<16x144xf32, #tpu.memory_space<vmem>>, vector<1x16xf32>,
        %mul3A_654 = vector.broadcast %squeeze3A_635 : f32 to vector<16xf32>
        %mul3A_655 = arith.mulf %bitcast_convert_type3A_646, %mul3A_654 : vector<16xf32>
        %swap3A_656 = arith.index_cast %scan3A_623 : i32 to index
        %swap3A_657 = arith.constant 16 : index
        %swap3A_658 = tpu.vector_load %arg20[%swap3A_656, %swap3A_657] {strides = array<i32>} : memref<16x144xf32, #tpu.memory_space<vmem>>, vector<1x16xf32>,
        %swap3A_659 = vector.shape_cast %swap3A_658 : vector<1x16xf32> to vector<16xf32>
        %swap3A_660 = vector.shape_cast %mul3A_655 : vector<16xf32> to vector<1x16xf32>
        tpu.vector_store %arg20[%swap3A_656, %swap3A_657], %swap3A_660 {strides = array<i32>} : memref<16x144xf32, #tpu.memory_space<vmem>>, vector<1x16xf32>,
        %slice3A_661 = vector.extract_strided_slice %exp3A_628 {offsets = [1], sizes = [1], strides = [1]} : vector<16xf32> to vector<1xf32>
        %squeeze3A_662 = vector.extract %slice3A_661[0] : f32 from vector<1xf32>
        %get3A_663 = arith.index_cast %scan3A_623 : i32 to index
        %get3A_664 = arith.constant 16 : index
        %get3A_665 = tpu.vector_load %arg18[%get3A_663, %get3A_664] {strides = array<i32>} : memref<16x64xi32, #tpu.memory_space<vmem>>, vector<1x16xi32>,
        %get3A_666 = vector.shape_cast %get3A_665 : vector<1x16xi32> to vector<16xi32>
        %shift_left3A_667 = arith.constant 16 : i32
        %shift_left3A_668 = vector.broadcast %shift_left3A_667 : i32 to vector<16xi32>
        %shift_left3A_669 = arith.shli %get3A_666, %shift_left3A_668 : vector<16xi32>
        %bitcast_convert_type3A_670 = tpu.bitcast %shift_left3A_669 : vector<16xi32> -> vector<16xf32>
        %and3A_671 = vector.broadcast %scan3A_473 : i32 to vector<16xi32>
        %and3A_672 = arith.andi %get3A_666, %and3A_671 : vector<16xi32>
        %bitcast_convert_type3A_673 = tpu.bitcast %and3A_672 : vector<16xi32> -> vector<16xf32>
        %mul3A_674 = vector.broadcast %squeeze3A_662 : f32 to vector<16xf32>
        %mul3A_675 = arith.mulf %bitcast_convert_type3A_670, %mul3A_674 : vector<16xf32>
        %swap3A_676 = arith.index_cast %scan3A_623 : i32 to index
        %swap3A_677 = arith.constant 32 : index
        %swap3A_678 = tpu.vector_load %arg20[%swap3A_676, %swap3A_677] {strides = array<i32>} : memref<16x144xf32, #tpu.memory_space<vmem>>, vector<1x16xf32>,
        %swap3A_679 = vector.shape_cast %swap3A_678 : vector<1x16xf32> to vector<16xf32>
        %swap3A_680 = vector.shape_cast %mul3A_675 : vector<16xf32> to vector<1x16xf32>
        tpu.vector_store %arg20[%swap3A_676, %swap3A_677], %swap3A_680 {strides = array<i32>} : memref<16x144xf32, #tpu.memory_space<vmem>>, vector<1x16xf32>,
        %mul3A_681 = vector.broadcast %squeeze3A_662 : f32 to vector<16xf32>
        %mul3A_682 = arith.mulf %bitcast_convert_type3A_673, %mul3A_681 : vector<16xf32>
        %swap3A_683 = arith.index_cast %scan3A_623 : i32 to index
        %swap3A_684 = arith.constant 48 : index
        %swap3A_685 = tpu.vector_load %arg20[%swap3A_683, %swap3A_684] {strides = array<i32>} : memref<16x144xf32, #tpu.memory_space<vmem>>, vector<1x16xf32>,
        %swap3A_686 = vector.shape_cast %swap3A_685 : vector<1x16xf32> to vector<16xf32>
        %swap3A_687 = vector.shape_cast %mul3A_682 : vector<16xf32> to vector<1x16xf32>
        tpu.vector_store %arg20[%swap3A_683, %swap3A_684], %swap3A_687 {strides = array<i32>} : memref<16x144xf32, #tpu.memory_space<vmem>>, vector<1x16xf32>,
        %slice3A_688 = vector.extract_strided_slice %exp3A_628 {offsets = [2], sizes = [1], strides = [1]} : vector<16xf32> to vector<1xf32>
        %squeeze3A_689 = vector.extract %slice3A_688[0] : f32 from vector<1xf32>
        %get3A_690 = arith.index_cast %scan3A_623 : i32 to index
        %get3A_691 = arith.constant 32 : index
        %get3A_692 = tpu.vector_load %arg18[%get3A_690, %get3A_691] {strides = array<i32>} : memref<16x64xi32, #tpu.memory_space<vmem>>, vector<1x16xi32>,
        %get3A_693 = vector.shape_cast %get3A_692 : vector<1x16xi32> to vector<16xi32>
        %shift_left3A_694 = arith.constant 16 : i32
        %shift_left3A_695 = vector.broadcast %shift_left3A_694 : i32 to vector<16xi32>
        %shift_left3A_696 = arith.shli %get3A_693, %shift_left3A_695 : vector<16xi32>
        %bitcast_convert_type3A_697 = tpu.bitcast %shift_left3A_696 : vector<16xi32> -> vector<16xf32>
        %and3A_698 = vector.broadcast %scan3A_473 : i32 to vector<16xi32>
        %and3A_699 = arith.andi %get3A_693, %and3A_698 : vector<16xi32>
        %bitcast_convert_type3A_700 = tpu.bitcast %and3A_699 : vector<16xi32> -> vector<16xf32>
        %mul3A_701 = vector.broadcast %squeeze3A_689 : f32 to vector<16xf32>
        %mul3A_702 = arith.mulf %bitcast_convert_type3A_697, %mul3A_701 : vector<16xf32>
        %swap3A_703 = arith.index_cast %scan3A_623 : i32 to index
        %swap3A_704 = arith.constant 64 : index
        %swap3A_705 = tpu.vector_load %arg20[%swap3A_703, %swap3A_704] {strides = array<i32>} : memref<16x144xf32, #tpu.memory_space<vmem>>, vector<1x16xf32>,
        %swap3A_706 = vector.shape_cast %swap3A_705 : vector<1x16xf32> to vector<16xf32>
        %swap3A_707 = vector.shape_cast %mul3A_702 : vector<16xf32> to vector<1x16xf32>
        tpu.vector_store %arg20[%swap3A_703, %swap3A_704], %swap3A_707 {strides = array<i32>} : memref<16x144xf32, #tpu.memory_space<vmem>>, vector<1x16xf32>,
        %mul3A_708 = vector.broadcast %squeeze3A_689 : f32 to vector<16xf32>
        %mul3A_709 = arith.mulf %bitcast_convert_type3A_700, %mul3A_708 : vector<16xf32>
        %swap3A_710 = arith.index_cast %scan3A_623 : i32 to index
        %swap3A_711 = arith.constant 80 : index
        %swap3A_712 = tpu.vector_load %arg20[%swap3A_710, %swap3A_711] {strides = array<i32>} : memref<16x144xf32, #tpu.memory_space<vmem>>, vector<1x16xf32>,
        %swap3A_713 = vector.shape_cast %swap3A_712 : vector<1x16xf32> to vector<16xf32>
        %swap3A_714 = vector.shape_cast %mul3A_709 : vector<16xf32> to vector<1x16xf32>
        tpu.vector_store %arg20[%swap3A_710, %swap3A_711], %swap3A_714 {strides = array<i32>} : memref<16x144xf32, #tpu.memory_space<vmem>>, vector<1x16xf32>,
        %slice3A_715 = vector.extract_strided_slice %exp3A_628 {offsets = [3], sizes = [1], strides = [1]} : vector<16xf32> to vector<1xf32>
        %squeeze3A_716 = vector.extract %slice3A_715[0] : f32 from vector<1xf32>
        %get3A_717 = arith.index_cast %scan3A_623 : i32 to index
        %get3A_718 = arith.constant 48 : index
        %get3A_719 = tpu.vector_load %arg18[%get3A_717, %get3A_718] {strides = array<i32>} : memref<16x64xi32, #tpu.memory_space<vmem>>, vector<1x16xi32>,
        %get3A_720 = vector.shape_cast %get3A_719 : vector<1x16xi32> to vector<16xi32>
        %shift_left3A_721 = arith.constant 16 : i32
        %shift_left3A_722 = vector.broadcast %shift_left3A_721 : i32 to vector<16xi32>
        %shift_left3A_723 = arith.shli %get3A_720, %shift_left3A_722 : vector<16xi32>
        %bitcast_convert_type3A_724 = tpu.bitcast %shift_left3A_723 : vector<16xi32> -> vector<16xf32>
        %and3A_725 = vector.broadcast %scan3A_473 : i32 to vector<16xi32>
        %and3A_726 = arith.andi %get3A_720, %and3A_725 : vector<16xi32>
        %bitcast_convert_type3A_727 = tpu.bitcast %and3A_726 : vector<16xi32> -> vector<16xf32>
        %mul3A_728 = vector.broadcast %squeeze3A_716 : f32 to vector<16xf32>
        %mul3A_729 = arith.mulf %bitcast_convert_type3A_724, %mul3A_728 : vector<16xf32>
        %swap3A_730 = arith.index_cast %scan3A_623 : i32 to index
        %swap3A_731 = arith.constant 96 : index
        %swap3A_732 = tpu.vector_load %arg20[%swap3A_730, %swap3A_731] {strides = array<i32>} : memref<16x144xf32, #tpu.memory_space<vmem>>, vector<1x16xf32>,
        %swap3A_733 = vector.shape_cast %swap3A_732 : vector<1x16xf32> to vector<16xf32>
        %swap3A_734 = vector.shape_cast %mul3A_729 : vector<16xf32> to vector<1x16xf32>
        tpu.vector_store %arg20[%swap3A_730, %swap3A_731], %swap3A_734 {strides = array<i32>} : memref<16x144xf32, #tpu.memory_space<vmem>>, vector<1x16xf32>,
        %mul3A_735 = vector.broadcast %squeeze3A_716 : f32 to vector<16xf32>
        %mul3A_736 = arith.mulf %bitcast_convert_type3A_727, %mul3A_735 : vector<16xf32>
        %swap3A_737 = arith.index_cast %scan3A_623 : i32 to index
        %swap3A_738 = arith.constant 112 : index
        %swap3A_739 = tpu.vector_load %arg20[%swap3A_737, %swap3A_738] {strides = array<i32>} : memref<16x144xf32, #tpu.memory_space<vmem>>, vector<1x16xf32>,
        %swap3A_740 = vector.shape_cast %swap3A_739 : vector<1x16xf32> to vector<16xf32>
        %swap3A_741 = vector.shape_cast %mul3A_736 : vector<16xf32> to vector<1x16xf32>
        tpu.vector_store %arg20[%swap3A_737, %swap3A_738], %swap3A_741 {strides = array<i32>} : memref<16x144xf32, #tpu.memory_space<vmem>>, vector<1x16xf32>,
      }
      %scan3A_478 = arith.constant 16 : i32
      %dma_start3A_479 = arith.constant 0 : i32
      %dma_start3A_480 = arith.constant 0 : i32
      %dma_start3A_481 = tpu.memref_slice %arg21[%dma_start3A_479, %dma_start3A_480] : memref<10112x144xf32, #tpu.memory_space<vmem_shared>> -> memref<10112x144xf32, #tpu.memory_space<vmem_shared>>
      tpu.enqueue_indirect_dma source(%arg20 : memref<16x144xf32, #tpu.memory_space<vmem>>) target(%dma_start3A_481 : memref<10112x144xf32, #tpu.memory_space<vmem_shared>>) offsets(%arg12 : memref<16xi32, #tpu.memory_space<vmem>>) semaphore(%arg28 : memref<!tpu.dma_semaphore, #tpu.memory_space<semaphore_mem>>) {add = true}
      %add3A_482 = arith.constant 2 : i32
      %add3A_483 = arith.addi %add3A_451, %add3A_482 : i32
      %min3A_484 = arith.constant 671 : i32
      %min3A_485 = arith.minsi %add3A_483, %min3A_484 : i32
      %mul3A_486 = arith.constant 16 : i32
      %mul3A_487 = arith.muli %min3A_485, %mul3A_486 : i32
      %add3A_488 = arith.constant 0 : i32
      %add3A_489 = arith.addi %mul3A_487, %add3A_488 : i32
      %get3A_490 = arith.index_cast %add3A_489 : i32 to index
      %get3A_491 = tpu.vector_load %arg7[%get3A_490] {strides = array<i32>} : memref<10752xi32, #tpu.memory_space<vmem>>, vector<16xi32>,
      %get3A_492 = vector.shape_cast %get3A_491 : vector<16xi32> to vector<16xi32>
      %swap3A_493 = arith.constant 0 : index
      %swap3A_494 = tpu.vector_load %arg14[%swap3A_493] {strides = array<i32>} : memref<16xi32, #tpu.memory_space<vmem>>, vector<16xi32>,
      %swap3A_495 = vector.shape_cast %swap3A_494 : vector<16xi32> to vector<16xi32>
      %swap3A_496 = vector.shape_cast %get3A_492 : vector<16xi32> to vector<16xi32>
      tpu.vector_store %arg14[%swap3A_493], %swap3A_496 {strides = array<i32>} : memref<16xi32, #tpu.memory_space<vmem>>, vector<16xi32>,
      %add3A_497 = vector.broadcast %mul3A_200 : i32 to vector<16xi32>
      %add3A_498 = arith.addi %get3A_492, %add3A_497 : vector<16xi32>
      %swap3A_499 = arith.constant 0 : index
      %swap3A_500 = tpu.vector_load %arg10[%swap3A_499] {strides = array<i32>} : memref<16xi32, #tpu.memory_space<vmem>>, vector<16xi32>,
      %swap3A_501 = vector.shape_cast %swap3A_500 : vector<16xi32> to vector<16xi32>
      %swap3A_502 = vector.shape_cast %add3A_498 : vector<16xi32> to vector<16xi32>
      tpu.vector_store %arg10[%swap3A_499], %swap3A_502 {strides = array<i32>} : memref<16xi32, #tpu.memory_space<vmem>>, vector<16xi32>,
      %dma_start3A_503 = arith.constant 0 : i32
      %dma_start3A_504 = arith.constant 0 : i32
      %dma_start3A_505 = tpu.memref_slice %arg22[%dma_start3A_503, %dma_start3A_504] : memref<10112x16xf32, #tpu.memory_space<vmem_shared>> -> memref<10112x16xf32, #tpu.memory_space<vmem_shared>>
      tpu.enqueue_indirect_dma source(%dma_start3A_505 : memref<10112x16xf32, #tpu.memory_space<vmem_shared>>) target(%arg16 : memref<16x16xf32, #tpu.memory_space<vmem>>) offsets(%arg14 : memref<16xi32, #tpu.memory_space<vmem>>) semaphore(%arg24 : memref<!tpu.dma_semaphore, #tpu.memory_space<semaphore_mem>>)
      %dma_start3A_506 = arith.constant 0 : i32
      %dma_start3A_507 = arith.constant 0 : i32
      %dma_start3A_508 = tpu.memref_slice %arg3[%dma_start3A_506, %dma_start3A_507] : memref<40448x64xi32, #tpu.memory_space<hbm>> -> memref<40448x64xi32, #tpu.memory_space<hbm>>
      tpu.enqueue_indirect_dma source(%dma_start3A_508 : memref<40448x64xi32, #tpu.memory_space<hbm>>) target(%arg18 : memref<16x64xi32, #tpu.memory_space<vmem>>) offsets(%arg10 : memref<16xi32, #tpu.memory_space<vmem>>) semaphore(%arg26 : memref<!tpu.dma_semaphore, #tpu.memory_space<semaphore_mem>>)
    }
    %scan3A_342 = arith.constant 336 : i32
    %dma_wait3A_343 = arith.constant 0 : i32
    %dma_wait3A_344 = arith.constant 0 : i32
    %dma_wait3A_345 = tpu.memref_slice %arg22[%dma_wait3A_343, %dma_wait3A_344] : memref<10112x16xf32, #tpu.memory_space<vmem_shared>> -> memref<10112x16xf32, #tpu.memory_space<vmem_shared>>
    tpu.wait_indirect_dma semaphore(%arg23 : memref<!tpu.dma_semaphore, #tpu.memory_space<semaphore_mem>>) src(%dma_wait3A_345 : memref<10112x16xf32, #tpu.memory_space<vmem_shared>>) dst(%arg15 : memref<16x16xf32, #tpu.memory_space<vmem>>)
    %dma_wait3A_346 = arith.constant 0 : i32
    %dma_wait3A_347 = arith.constant 0 : i32
    %dma_wait3A_348 = tpu.memref_slice %arg3[%dma_wait3A_346, %dma_wait3A_347] : memref<40448x64xi32, #tpu.memory_space<hbm>> -> memref<40448x64xi32, #tpu.memory_space<hbm>>
    tpu.wait_indirect_dma semaphore(%arg25 : memref<!tpu.dma_semaphore, #tpu.memory_space<semaphore_mem>>) src(%dma_wait3A_348 : memref<40448x64xi32, #tpu.memory_space<hbm>>) dst(%arg17 : memref<16x64xi32, #tpu.memory_space<vmem>>)
    %dma_wait3A_349 = arith.constant 0 : i32
    %dma_wait3A_350 = arith.constant 0 : i32
    %dma_wait3A_351 = tpu.memref_slice %arg22[%dma_wait3A_349, %dma_wait3A_350] : memref<10112x16xf32, #tpu.memory_space<vmem_shared>> -> memref<10112x16xf32, #tpu.memory_space<vmem_shared>>
    tpu.wait_indirect_dma semaphore(%arg24 : memref<!tpu.dma_semaphore, #tpu.memory_space<semaphore_mem>>) src(%dma_wait3A_351 : memref<10112x16xf32, #tpu.memory_space<vmem_shared>>) dst(%arg16 : memref<16x16xf32, #tpu.memory_space<vmem>>)
    %dma_wait3A_352 = arith.constant 0 : i32
    %dma_wait3A_353 = arith.constant 0 : i32
    %dma_wait3A_354 = tpu.memref_slice %arg3[%dma_wait3A_352, %dma_wait3A_353] : memref<40448x64xi32, #tpu.memory_space<hbm>> -> memref<40448x64xi32, #tpu.memory_space<hbm>>
    tpu.wait_indirect_dma semaphore(%arg26 : memref<!tpu.dma_semaphore, #tpu.memory_space<semaphore_mem>>) src(%dma_wait3A_354 : memref<40448x64xi32, #tpu.memory_space<hbm>>) dst(%arg18 : memref<16x64xi32, #tpu.memory_space<vmem>>)
    %dma_wait3A_355 = arith.constant 0 : i32
    %dma_wait3A_356 = arith.constant 0 : i32
    %dma_wait3A_357 = tpu.memref_slice %arg21[%dma_wait3A_355, %dma_wait3A_356] : memref<10112x144xf32, #tpu.memory_space<vmem_shared>> -> memref<10112x144xf32, #tpu.memory_space<vmem_shared>>
    tpu.wait_indirect_dma semaphore(%arg27 : memref<!tpu.dma_semaphore, #tpu.memory_space<semaphore_mem>>) src(%arg19 : memref<16x144xf32, #tpu.memory_space<vmem>>) dst(%dma_wait3A_357 : memref<10112x144xf32, #tpu.memory_space<vmem_shared>>)
    %dma_wait3A_358 = arith.constant 0 : i32
    %dma_wait3A_359 = arith.constant 0 : i32
    %dma_wait3A_360 = tpu.memref_slice %arg21[%dma_wait3A_358, %dma_wait3A_359] : memref<10112x144xf32, #tpu.memory_space<vmem_shared>> -> memref<10112x144xf32, #tpu.memory_space<vmem_shared>>
    tpu.wait_indirect_dma semaphore(%arg28 : memref<!tpu.dma_semaphore, #tpu.memory_space<semaphore_mem>>) src(%arg20 : memref<16x144xf32, #tpu.memory_space<vmem>>) dst(%dma_wait3A_360 : memref<10112x144xf32, #tpu.memory_space<vmem_shared>>)
    %barrier3A_361 = arith.constant 0 : index
    tpu.barrier barrier_id(%barrier3A_361)
    %add3A_362 = arith.constant 0 : i32
    %add3A_363 = arith.addi %mul3A_0, %add3A_362 : i32
    %add3A_364 = arith.addi %mul3A_200, %mul3A_0 : i32
    %add3A_365 = arith.constant 0 : i32
    %add3A_366 = arith.addi %add3A_364, %add3A_365 : i32
    "tpu.region"() ({
      %run_scoped3A = tpu.sem_alloc : memref<!tpu.dma_semaphore, #tpu.memory_space<semaphore_mem>>
      %dma_start3A_387 = arith.constant 0 : i32
      %dma_start3A_388 = tpu.memref_slice %arg6[%add3A_366, %dma_start3A_387] : memref<40448x144xf32, #tpu.memory_space<hbm>> -> memref<128x144xf32, #tpu.memory_space<hbm>>
      %dma_start3A_389 = arith.constant 0 : i32
      %dma_start3A_390 = tpu.memref_slice %arg21[%add3A_363, %dma_start3A_389] : memref<10112x144xf32, #tpu.memory_space<vmem_shared>> -> memref<128x144xf32, #tpu.memory_space<vmem_shared>>
      tpu.enqueue_dma source(%dma_start3A_390 : memref<128x144xf32, #tpu.memory_space<vmem_shared>>) target(%dma_start3A_388 : memref<128x144xf32, #tpu.memory_space<hbm>>) target_semaphore(%run_scoped3A : memref<!tpu.dma_semaphore, #tpu.memory_space<semaphore_mem>>)
      %dma_wait3A_391 = arith.constant 0 : i32
      %dma_wait3A_392 = tpu.memref_slice %arg6[%add3A_366, %dma_wait3A_391] : memref<40448x144xf32, #tpu.memory_space<hbm>> -> memref<128x144xf32, #tpu.memory_space<hbm>>
      %dma_wait3A_393 = arith.constant 0 : i32
      %dma_wait3A_394 = tpu.memref_slice %arg21[%add3A_363, %dma_wait3A_393] : memref<10112x144xf32, #tpu.memory_space<vmem_shared>> -> memref<128x144xf32, #tpu.memory_space<vmem_shared>>
      tpu.wait_dma2 semaphore(%run_scoped3A : memref<!tpu.dma_semaphore, #tpu.memory_space<semaphore_mem>>) src(%dma_wait3A_394 : memref<128x144xf32, #tpu.memory_space<vmem_shared>>) dst(%dma_wait3A_392 : memref<128x144xf32, #tpu.memory_space<hbm>>)
      tpu.yield
    }) : () -> ()
    %add3A_367 = arith.constant 128 : i32
    %add3A_368 = arith.addi %mul3A_0, %add3A_367 : i32
    %add3A_369 = arith.addi %mul3A_200, %mul3A_0 : i32
    %add3A_370 = arith.constant 128 : i32
    %add3A_371 = arith.addi %add3A_369, %add3A_370 : i32
    "tpu.region"() ({
      %run_scoped3A = tpu.sem_alloc : memref<!tpu.dma_semaphore, #tpu.memory_space<semaphore_mem>>
      %dma_start3A_387 = arith.constant 0 : i32
      %dma_start3A_388 = tpu.memref_slice %arg6[%add3A_371, %dma_start3A_387] : memref<40448x144xf32, #tpu.memory_space<hbm>> -> memref<128x144xf32, #tpu.memory_space<hbm>>
      %dma_start3A_389 = arith.constant 0 : i32
      %dma_start3A_390 = tpu.memref_slice %arg21[%add3A_368, %dma_start3A_389] : memref<10112x144xf32, #tpu.memory_space<vmem_shared>> -> memref<128x144xf32, #tpu.memory_space<vmem_shared>>
      tpu.enqueue_dma source(%dma_start3A_390 : memref<128x144xf32, #tpu.memory_space<vmem_shared>>) target(%dma_start3A_388 : memref<128x144xf32, #tpu.memory_space<hbm>>) target_semaphore(%run_scoped3A : memref<!tpu.dma_semaphore, #tpu.memory_space<semaphore_mem>>)
      %dma_wait3A_391 = arith.constant 0 : i32
      %dma_wait3A_392 = tpu.memref_slice %arg6[%add3A_371, %dma_wait3A_391] : memref<40448x144xf32, #tpu.memory_space<hbm>> -> memref<128x144xf32, #tpu.memory_space<hbm>>
      %dma_wait3A_393 = arith.constant 0 : i32
      %dma_wait3A_394 = tpu.memref_slice %arg21[%add3A_368, %dma_wait3A_393] : memref<10112x144xf32, #tpu.memory_space<vmem_shared>> -> memref<128x144xf32, #tpu.memory_space<vmem_shared>>
      tpu.wait_dma2 semaphore(%run_scoped3A : memref<!tpu.dma_semaphore, #tpu.memory_space<semaphore_mem>>) src(%dma_wait3A_394 : memref<128x144xf32, #tpu.memory_space<vmem_shared>>) dst(%dma_wait3A_392 : memref<128x144xf32, #tpu.memory_space<hbm>>)
      tpu.yield
    }) : () -> ()
    %add3A_372 = arith.constant 256 : i32
    %add3A_373 = arith.addi %mul3A_0, %add3A_372 : i32
    %add3A_374 = arith.addi %mul3A_200, %mul3A_0 : i32
    %add3A_375 = arith.constant 256 : i32
    %add3A_376 = arith.addi %add3A_374, %add3A_375 : i32
    "tpu.region"() ({
      %run_scoped3A = tpu.sem_alloc : memref<!tpu.dma_semaphore, #tpu.memory_space<semaphore_mem>>
      %dma_start3A_387 = arith.constant 0 : i32
      %dma_start3A_388 = tpu.memref_slice %arg6[%add3A_376, %dma_start3A_387] : memref<40448x144xf32, #tpu.memory_space<hbm>> -> memref<128x144xf32, #tpu.memory_space<hbm>>
      %dma_start3A_389 = arith.constant 0 : i32
      %dma_start3A_390 = tpu.memref_slice %arg21[%add3A_373, %dma_start3A_389] : memref<10112x144xf32, #tpu.memory_space<vmem_shared>> -> memref<128x144xf32, #tpu.memory_space<vmem_shared>>
      tpu.enqueue_dma source(%dma_start3A_390 : memref<128x144xf32, #tpu.memory_space<vmem_shared>>) target(%dma_start3A_388 : memref<128x144xf32, #tpu.memory_space<hbm>>) target_semaphore(%run_scoped3A : memref<!tpu.dma_semaphore, #tpu.memory_space<semaphore_mem>>)
      %dma_wait3A_391 = arith.constant 0 : i32
      %dma_wait3A_392 = tpu.memref_slice %arg6[%add3A_376, %dma_wait3A_391] : memref<40448x144xf32, #tpu.memory_space<hbm>> -> memref<128x144xf32, #tpu.memory_space<hbm>>
      %dma_wait3A_393 = arith.constant 0 : i32
      %dma_wait3A_394 = tpu.memref_slice %arg21[%add3A_373, %dma_wait3A_393] : memref<10112x144xf32, #tpu.memory_space<vmem_shared>> -> memref<128x144xf32, #tpu.memory_space<vmem_shared>>
      tpu.wait_dma2 semaphore(%run_scoped3A : memref<!tpu.dma_semaphore, #tpu.memory_space<semaphore_mem>>) src(%dma_wait3A_394 : memref<128x144xf32, #tpu.memory_space<vmem_shared>>) dst(%dma_wait3A_392 : memref<128x144xf32, #tpu.memory_space<hbm>>)
      tpu.yield
    }) : () -> ()
    %add3A_377 = arith.constant 384 : i32
    %add3A_378 = arith.addi %mul3A_0, %add3A_377 : i32
    %add3A_379 = arith.addi %mul3A_200, %mul3A_0 : i32
    %add3A_380 = arith.constant 384 : i32
    %add3A_381 = arith.addi %add3A_379, %add3A_380 : i32
    "tpu.region"() ({
      %run_scoped3A = tpu.sem_alloc : memref<!tpu.dma_semaphore, #tpu.memory_space<semaphore_mem>>
      %dma_start3A_387 = arith.constant 0 : i32
      %dma_start3A_388 = tpu.memref_slice %arg6[%add3A_381, %dma_start3A_387] : memref<40448x144xf32, #tpu.memory_space<hbm>> -> memref<128x144xf32, #tpu.memory_space<hbm>>
      %dma_start3A_389 = arith.constant 0 : i32
      %dma_start3A_390 = tpu.memref_slice %arg21[%add3A_378, %dma_start3A_389] : memref<10112x144xf32, #tpu.memory_space<vmem_shared>> -> memref<128x144xf32, #tpu.memory_space<vmem_shared>>
      tpu.enqueue_dma source(%dma_start3A_390 : memref<128x144xf32, #tpu.memory_space<vmem_shared>>) target(%dma_start3A_388 : memref<128x144xf32, #tpu.memory_space<hbm>>) target_semaphore(%run_scoped3A : memref<!tpu.dma_semaphore, #tpu.memory_space<semaphore_mem>>)
      %dma_wait3A_391 = arith.constant 0 : i32
      %dma_wait3A_392 = tpu.memref_slice %arg6[%add3A_381, %dma_wait3A_391] : memref<40448x144xf32, #tpu.memory_space<hbm>> -> memref<128x144xf32, #tpu.memory_space<hbm>>
      %dma_wait3A_393 = arith.constant 0 : i32
      %dma_wait3A_394 = tpu.memref_slice %arg21[%add3A_378, %dma_wait3A_393] : memref<10112x144xf32, #tpu.memory_space<vmem_shared>> -> memref<128x144xf32, #tpu.memory_space<vmem_shared>>
      tpu.wait_dma2 semaphore(%run_scoped3A : memref<!tpu.dma_semaphore, #tpu.memory_space<semaphore_mem>>) src(%dma_wait3A_394 : memref<128x144xf32, #tpu.memory_space<vmem_shared>>) dst(%dma_wait3A_392 : memref<128x144xf32, #tpu.memory_space<hbm>>)
      tpu.yield
    }) : () -> ()
    %add3A_382 = arith.constant 512 : i32
    %add3A_383 = arith.addi %mul3A_0, %add3A_382 : i32
    %add3A_384 = arith.addi %mul3A_200, %mul3A_0 : i32
    %add3A_385 = arith.constant 512 : i32
    %add3A_386 = arith.addi %add3A_384, %add3A_385 : i32
    "tpu.region"() ({
      %run_scoped3A = tpu.sem_alloc : memref<!tpu.dma_semaphore, #tpu.memory_space<semaphore_mem>>
      %dma_start3A_387 = arith.constant 0 : i32
      %dma_start3A_388 = tpu.memref_slice %arg6[%add3A_386, %dma_start3A_387] : memref<40448x144xf32, #tpu.memory_space<hbm>> -> memref<120x144xf32, #tpu.memory_space<hbm>>
      %dma_start3A_389 = arith.constant 0 : i32
      %dma_start3A_390 = tpu.memref_slice %arg21[%add3A_383, %dma_start3A_389] : memref<10112x144xf32, #tpu.memory_space<vmem_shared>> -> memref<120x144xf32, #tpu.memory_space<vmem_shared>>
      tpu.enqueue_dma source(%dma_start3A_390 : memref<120x144xf32, #tpu.memory_space<vmem_shared>>) target(%dma_start3A_388 : memref<120x144xf32, #tpu.memory_space<hbm>>) target_semaphore(%run_scoped3A : memref<!tpu.dma_semaphore, #tpu.memory_space<semaphore_mem>>)
      %dma_wait3A_391 = arith.constant 0 : i32
      %dma_wait3A_392 = tpu.memref_slice %arg6[%add3A_386, %dma_wait3A_391] : memref<40448x144xf32, #tpu.memory_space<hbm>> -> memref<120x144xf32, #tpu.memory_space<hbm>>
      %dma_wait3A_393 = arith.constant 0 : i32
      %dma_wait3A_394 = tpu.memref_slice %arg21[%add3A_383, %dma_wait3A_393] : memref<10112x144xf32, #tpu.memory_space<vmem_shared>> -> memref<120x144xf32, #tpu.memory_space<vmem_shared>>
      tpu.wait_dma2 semaphore(%run_scoped3A : memref<!tpu.dma_semaphore, #tpu.memory_space<semaphore_mem>>) src(%dma_wait3A_394 : memref<120x144xf32, #tpu.memory_space<vmem_shared>>) dst(%dma_wait3A_392 : memref<120x144xf32, #tpu.memory_space<hbm>>)
      tpu.yield
    }) : () -> ()
    return
  }
}

module attributes {stable_mosaic.version = 14 : i64} {
  func.func @_proj_body(%arg0: i32, %arg1: memref<320x128xf32, #tpu.memory_space<vmem>>, %arg2: memref<128x128xf32, #tpu.memory_space<vmem>>, %arg3: memref<128x16xf32, #tpu.memory_space<vmem>>, %arg4: memref<320x128xf32, #tpu.memory_space<vmem>>, %arg5: memref<320x16xf32, #tpu.memory_space<vmem>>) attributes {dimension_semantics = [#tpu.dimension_semantics<arbitrary>], iteration_bounds = array<i64: 125>, scalar_prefetch = 0 : i64, scratch_operands = 0 : i64, tpu.core_type = #tpu.core_type<tc>, window_params = [{transform_indices = @transform_0, window_bounds = array<i64: 320, 128>}, {pipeline_mode = #tpu.pipeline_mode<synchronous>, transform_indices = @transform_1, window_bounds = array<i64: 128, 128>}, {pipeline_mode = #tpu.pipeline_mode<synchronous>, transform_indices = @transform_2, window_bounds = array<i64: 128, 16>}, {transform_indices = @transform_3, window_bounds = array<i64: 320, 128>}, {transform_indices = @transform_4, window_bounds = array<i64: 320, 16>}]} {
    %get3A = arith.constant 0 : index
    %get3A_0 = arith.constant 0 : index
    %get3A_1 = vector.load %arg1[%get3A, %get3A_0] : memref<320x128xf32, #tpu.memory_space<vmem>>, vector<320x128xf32>
    %get3A_2 = arith.constant 0 : index
    %get3A_3 = arith.constant 0 : index
    %get3A_4 = vector.load %arg2[%get3A_2, %get3A_3] : memref<128x128xf32, #tpu.memory_space<vmem>>, vector<128x128xf32>
    %dot_general3A = arith.constant dense<0.000000e+00> : vector<320x128xf32>
    %dot_general3A_5 = tpu.matmul %get3A_1, %get3A_4, %dot_general3A {dimension_numbers = #tpu.dot_dimension_numbers<[1], [0], [0], [1], [0, 0, 1, 1], [], []>, transpose_lhs_hint = false} : vector<320x128xf32>, vector<128x128xf32>, vector<320x128xf32> -> vector<320x128xf32>
    %swap3A = arith.constant 0 : index
    %swap3A_6 = arith.constant 0 : index
    %swap3A_7 = vector.load %arg4[%swap3A, %swap3A_6] : memref<320x128xf32, #tpu.memory_space<vmem>>, vector<320x128xf32>
    tpu.vector_store %arg4[%swap3A, %swap3A_6], %dot_general3A_5 {strides = array<i32>} : memref<320x128xf32, #tpu.memory_space<vmem>>, vector<320x128xf32>,
    %gt3A = arith.constant 0.000000e+00 : f32
    %gt3A_8 = vector.broadcast %gt3A : f32 to vector<320x128xf32>
    %gt3A_9 = arith.cmpf ogt, %dot_general3A_5, %gt3A_8 : vector<320x128xf32>
    %mul3A = arith.constant 2.000000e-01 : f32
    %mul3A_10 = vector.broadcast %mul3A : f32 to vector<320x128xf32>
    %mul3A_11 = arith.mulf %mul3A_10, %dot_general3A_5 : vector<320x128xf32>
    %select_n3A = arith.select %gt3A_9, %dot_general3A_5, %mul3A_11 : vector<320x128xi1>, vector<320x128xf32>
    %get3A_12 = arith.constant 0 : index
    %get3A_13 = arith.constant 0 : index
    %get3A_14 = vector.load %arg3[%get3A_12, %get3A_13] : memref<128x16xf32, #tpu.memory_space<vmem>>, vector<128x16xf32>
    %dot_general3A_15 = arith.constant dense<0.000000e+00> : vector<320x16xf32>
    %dot_general3A_16 = tpu.matmul %select_n3A, %get3A_14, %dot_general3A_15 {dimension_numbers = #tpu.dot_dimension_numbers<[1], [0], [0], [1], [0, 0, 1, 1], [], []>, transpose_lhs_hint = false} : vector<320x128xf32>, vector<128x16xf32>, vector<320x16xf32> -> vector<320x16xf32>
    %swap3A_17 = arith.constant 0 : index
    %swap3A_18 = arith.constant 0 : index
    %swap3A_19 = vector.load %arg5[%swap3A_17, %swap3A_18] : memref<320x16xf32, #tpu.memory_space<vmem>>, vector<320x16xf32>
    tpu.vector_store %arg5[%swap3A_17, %swap3A_18], %dot_general3A_16 {strides = array<i32>} : memref<320x16xf32, #tpu.memory_space<vmem>>, vector<320x16xf32>,
    return
  }
  func.func @transform_0(%arg0: i32) -> (i32, i32) {
    %c0_i32 = arith.constant 0 : i32
    %c0_i32_0 = arith.constant 0 : i32
    return %arg0, %c0_i32 : i32, i32
  }
  func.func @transform_1(%arg0: i32) -> (i32, i32) {
    %c0_i32 = arith.constant 0 : i32
    %c0_i32_0 = arith.constant 0 : i32
    %c0_i32_1 = arith.constant 0 : i32
    return %c0_i32, %c0_i32_0 : i32, i32
  }
  func.func @transform_2(%arg0: i32) -> (i32, i32) {
    %c0_i32 = arith.constant 0 : i32
    %c0_i32_0 = arith.constant 0 : i32
    %c0_i32_1 = arith.constant 0 : i32
    return %c0_i32, %c0_i32_0 : i32, i32
  }
  func.func @transform_3(%arg0: i32) -> (i32, i32) {
    %c0_i32 = arith.constant 0 : i32
    %c0_i32_0 = arith.constant 0 : i32
    return %arg0, %c0_i32 : i32, i32
  }
  func.func @transform_4(%arg0: i32) -> (i32, i32) {
    %c0_i32 = arith.constant 0 : i32
    %c0_i32_0 = arith.constant 0 : i32
    return %arg0, %c0_i32 : i32, i32
  }
}

module attributes {stable_mosaic.version = 14 : i64} {
  func.func @_mlp_body(%arg0: i32, %arg1: memref<256x144xf32, #tpu.memory_space<vmem>>, %arg2: memref<16x128xf32, #tpu.memory_space<vmem>>, %arg3: memref<128x256xf32, #tpu.memory_space<vmem>>, %arg4: memref<1x256xf32, #tpu.memory_space<vmem>>, %arg5: memref<256x128xf32, #tpu.memory_space<vmem>>, %arg6: memref<1x128xf32, #tpu.memory_space<vmem>>, %arg7: memref<256x128xf32, #tpu.memory_space<vmem>>) attributes {dimension_semantics = [#tpu.dimension_semantics<arbitrary>], iteration_bounds = array<i64: 158>, scalar_prefetch = 0 : i64, scratch_operands = 0 : i64, tpu.core_type = #tpu.core_type<tc>, window_params = [{transform_indices = @transform_0, window_bounds = array<i64: 256, 144>}, {pipeline_mode = #tpu.pipeline_mode<synchronous>, transform_indices = @transform_1, window_bounds = array<i64: 16, 128>}, {pipeline_mode = #tpu.pipeline_mode<synchronous>, transform_indices = @transform_2, window_bounds = array<i64: 128, 256>}, {pipeline_mode = #tpu.pipeline_mode<synchronous>, transform_indices = @transform_3, window_bounds = array<i64: 1, 256>}, {pipeline_mode = #tpu.pipeline_mode<synchronous>, transform_indices = @transform_4, window_bounds = array<i64: 256, 128>}, {pipeline_mode = #tpu.pipeline_mode<synchronous>, transform_indices = @transform_5, window_bounds = array<i64: 1, 128>}, {transform_indices = @transform_6, window_bounds = array<i64: 256, 128>}]} {
    %get3A = arith.constant 0 : index
    %get3A_0 = arith.constant 0 : index
    %get3A_1 = vector.load %arg1[%get3A, %get3A_0] : memref<256x144xf32, #tpu.memory_space<vmem>>, vector<256x144xf32>
    %slice3A = vector.extract_strided_slice %get3A_1 {offsets = [0, 128], sizes = [256, 16], strides = [1, 1]} : vector<256x144xf32> to vector<256x16xf32>
    %add3A = arith.constant 1.000000e-16 : f32
    %add3A_2 = vector.broadcast %add3A : f32 to vector<256x16xf32>
    %add3A_3 = arith.addf %slice3A, %add3A_2 : vector<256x16xf32>
    %div3A = arith.constant 1.000000e+00 : f32
    %div3A_4 = vector.broadcast %div3A : f32 to vector<256x16xf32>
    %div3A_5 = arith.divf %div3A_4, %add3A_3 : vector<256x16xf32>
    %get3A_6 = arith.constant 0 : index
    %get3A_7 = arith.constant 0 : index
    %get3A_8 = vector.load %arg2[%get3A_6, %get3A_7] : memref<16x128xf32, #tpu.memory_space<vmem>>, vector<16x128xf32>
    %dot_general3A = arith.constant dense<0.000000e+00> : vector<256x128xf32>
    %dot_general3A_9 = tpu.matmul %div3A_5, %get3A_8, %dot_general3A {dimension_numbers = #tpu.dot_dimension_numbers<[1], [0], [0], [1], [0, 0, 1, 1], [], []>, transpose_lhs_hint = false} : vector<256x16xf32>, vector<16x128xf32>, vector<256x128xf32> -> vector<256x128xf32>
    %slice3A_10 = vector.extract_strided_slice %get3A_1 {offsets = [0, 0], sizes = [256, 128], strides = [1, 1]} : vector<256x144xf32> to vector<256x128xf32>
    %mul3A = arith.mulf %slice3A_10, %dot_general3A_9 : vector<256x128xf32>
    %get3A_11 = arith.constant 0 : index
    %get3A_12 = arith.constant 0 : index
    %get3A_13 = vector.load %arg3[%get3A_11, %get3A_12] : memref<128x256xf32, #tpu.memory_space<vmem>>, vector<128x256xf32>
    %dot_general3A_14 = arith.constant dense<0.000000e+00> : vector<256x256xf32>
    %dot_general3A_15 = tpu.matmul %mul3A, %get3A_13, %dot_general3A_14 {dimension_numbers = #tpu.dot_dimension_numbers<[1], [0], [0], [1], [0, 0, 1, 1], [], []>, transpose_lhs_hint = false} : vector<256x128xf32>, vector<128x256xf32>, vector<256x256xf32> -> vector<256x256xf32>
    %get3A_16 = arith.constant 0 : index
    %get3A_17 = arith.constant 0 : index
    %get3A_18 = vector.load %arg4[%get3A_16, %get3A_17] : memref<1x256xf32, #tpu.memory_space<vmem>>, vector<1x256xf32>
    %add3A_19 = vector.broadcast %get3A_18 : vector<1x256xf32> to vector<256x256xf32>
    %add3A_20 = arith.addf %dot_general3A_15, %add3A_19 : vector<256x256xf32>
    %max3A = arith.constant 0.000000e+00 : f32
    %max3A_21 = vector.broadcast %max3A : f32 to vector<256x256xf32>
    %max3A_22 = arith.maximumf %add3A_20, %max3A_21 : vector<256x256xf32>
    %get3A_23 = arith.constant 0 : index
    %get3A_24 = arith.constant 0 : index
    %get3A_25 = vector.load %arg5[%get3A_23, %get3A_24] : memref<256x128xf32, #tpu.memory_space<vmem>>, vector<256x128xf32>
    %dot_general3A_26 = arith.constant dense<0.000000e+00> : vector<256x128xf32>
    %dot_general3A_27 = tpu.matmul %max3A_22, %get3A_25, %dot_general3A_26 {dimension_numbers = #tpu.dot_dimension_numbers<[1], [0], [0], [1], [0, 0, 1, 1], [], []>, transpose_lhs_hint = false} : vector<256x256xf32>, vector<256x128xf32>, vector<256x128xf32> -> vector<256x128xf32>
    %get3A_28 = arith.constant 0 : index
    %get3A_29 = arith.constant 0 : index
    %get3A_30 = vector.load %arg6[%get3A_28, %get3A_29] : memref<1x128xf32, #tpu.memory_space<vmem>>, vector<1x128xf32>
    %add3A_31 = vector.broadcast %get3A_30 : vector<1x128xf32> to vector<256x128xf32>
    %add3A_32 = arith.addf %dot_general3A_27, %add3A_31 : vector<256x128xf32>
    %swap3A = arith.constant 0 : index
    %swap3A_33 = arith.constant 0 : index
    %swap3A_34 = vector.load %arg7[%swap3A, %swap3A_33] : memref<256x128xf32, #tpu.memory_space<vmem>>, vector<256x128xf32>
    tpu.vector_store %arg7[%swap3A, %swap3A_33], %add3A_32 {strides = array<i32>} : memref<256x128xf32, #tpu.memory_space<vmem>>, vector<256x128xf32>,
    return
  }
  func.func @transform_0(%arg0: i32) -> (i32, i32) {
    %c0_i32 = arith.constant 0 : i32
    %c0_i32_0 = arith.constant 0 : i32
    return %arg0, %c0_i32 : i32, i32
  }
  func.func @transform_1(%arg0: i32) -> (i32, i32) {
    %c0_i32 = arith.constant 0 : i32
    %c0_i32_0 = arith.constant 0 : i32
    %c0_i32_1 = arith.constant 0 : i32
    return %c0_i32, %c0_i32_0 : i32, i32
  }
  func.func @transform_2(%arg0: i32) -> (i32, i32) {
    %c0_i32 = arith.constant 0 : i32
    %c0_i32_0 = arith.constant 0 : i32
    %c0_i32_1 = arith.constant 0 : i32
    return %c0_i32, %c0_i32_0 : i32, i32
  }
  func.func @transform_3(%arg0: i32) -> (i32, i32) {
    %c0_i32 = arith.constant 0 : i32
    %c0_i32_0 = arith.constant 0 : i32
    %c0_i32_1 = arith.constant 0 : i32
    return %c0_i32, %c0_i32_0 : i32, i32
  }
  func.func @transform_4(%arg0: i32) -> (i32, i32) {
    %c0_i32 = arith.constant 0 : i32
    %c0_i32_0 = arith.constant 0 : i32
    %c0_i32_1 = arith.constant 0 : i32
    return %c0_i32, %c0_i32_0 : i32, i32
  }
  func.func @transform_5(%arg0: i32) -> (i32, i32) {
    %c0_i32 = arith.constant 0 : i32
    %c0_i32_0 = arith.constant 0 : i32
    %c0_i32_1 = arith.constant 0 : i32
    return %c0_i32, %c0_i32_0 : i32, i32
  }
  func.func @transform_6(%arg0: i32) -> (i32, i32) {
    %c0_i32 = arith.constant 0 : i32
    %c0_i32_0 = arith.constant 0 : i32
    return %arg0, %c0_i32 : i32, i32
  }
}

</mosaic_0001>

<sc_bundles>
// kernel: kernel.5.cloned.1.call-start
scs
__scs_entry_jumppad:
0x0: {  	(pc) =	sbr.rel $0x88, $3  }
0x1: {  	(tag) =	ssettag $0x0;
	lr =	simm.s32 $0x1  }
0x2: {  	[smem:$0x3F98] =	sst lr;
	_ =	strace $0xD0000000  }
0x3: {  	_ = 	snop  }
0x4: {  	_ = 	snop  }
0x5: {  	_ = 	snop  }
0x6: {  	_ = 	snop  }
0x7: {  	_ = 	snop  }
__scs_overlays_trampoline_lowered:
0x8: {  	[smem:$0x3FA7] =	sst s0  }
0x9: {  	[smem:$0x3FA8] =	sst s1  }
0xa: {  	[smem:$0x3FA9] =	sst s2  }
0xb: {  	[smem:$0x3FAA] =	sst s3  }
0xc: {  	[smem:$0x3FAB] =	sst s4  }
0xd: {  	[smem:$0x3FAC] =	sst s5  }
0xe: {  	[smem:$0x3FAD] =	sst s6  }
0xf: {  	[smem:$0x3FAE] =	sst s7  }
0x10: {  	[smem:$0x3FAF] =	sst s8  }
0x11: {  	[smem:$0x3FB0] =	sst s9;
	s0 =	simm.s32 @!p0 $0x0  }
0x12: {  	s1 =	sld [smem:$0x3F96];
	s0 =	simm.s32 @p0 $0x1  }
0x13: {  	[smem:$0x3FB1] =	sst s0;
	s0 =	simm.s32 @!p1 $0x0  }
0x14: {  	s2 =	sld [smem:$0x3F95];
	s0 =	simm.s32 @p1 $0x1  }
0x15: {  	[smem:$0x3FB2] =	sst s0;
	s0 =	simm.s32 @!p2 $0x0  }
0x16: {  	s3 =	sld [smem:$0x3FDB];
	s0 =	simm.s32 @p2 $0x1  }
0x17: {  	s4 =	simm.s32 $0x1BF5;
	[smem:$0x3FB4] =	sst s0  }
0x18: {  	s0 =	sld [smem:$0x3F97];
	_ =	swait.ge [sflag:s4], $0x0  }
0x19: {  	s7 =	sld [smem:$0x3F98]  }
0x1a: {  	s8 =	sadd.s32 $0xFFFFE003, lr  }
0x1b: {  	s9 =	sadd.s32 $0xFFFFFEF7, lr;
	s5 =	simm.s32 $0xFFFFFFFF;
	p2 =	slt.u32 s8, $0xFFFFF086  }
0x1c: {  	p1 =	slt.u32 s9, $0xF7A;
	s5 =	simm.s32 @!p2 $0x0  }
0x1d: {  	s5 =	simm.s32 @p1 $0x1;
	p0 =	seq.s32 s7, s2  }
0x1e: {  	s7 =	smul.u32 @!p0 $0xF7A, s2;
	p2 =	seq.s32 @!p0 s5, $0x0  }
0x1f: {  	s9 =	smul.u32 $0xF7A, s1;
	s8 =	simm.s32 @!p0 $0x1BF5;
	p2 =	por !p2, p0  }
0x20: {  	[sflag:s8] =	ssyncset.s32 @!p0 $0xFFFFF086;
	s6 =	sadd.s32 @!p0 s3, s7;
	s7 =	simm.s32 @!p0 $0x108  }
0x21: {  	s3 =	sadd.s32 s3, s9;
	s6 =	sadd.s32 @!p0 $0x88, s6;
	s7 =	simm.s32 @p2 $0x1082  }
0x22: {  	[simem:s7], [sflag:s8] =	dma.local @!p0 [hbm:s6], $0xF7A  }
0x23: {  	s9 =	sor.u32 $0xD0000000, s2;
	s6 =	simm.s32 $0x108;
	_ =	swait.ge @!p0 [sflag:s8], $0x0  }
0x24: {  	s3 =	sadd.s32 $0x88, s3;
	s6 =	simm.s32 @!p1 $0x1082;
	[sflag:s4] =	ssyncset.s32 $0xFFFFF086  }
0x25: {  	[simem:s6], [sflag:s4] =	dma.local [hbm:s3], $0xF7A  }
0x26: {  	[smem:$0x3F98] =	sst s1;
	(tag) =	ssettag s2;
	_ =	strace s9  }
0x27: {  	s1 =	sld [smem:$0x3FA8]  }
0x28: {  	s2 =	sld [smem:$0x3FA9]  }
0x29: {  	s4 =	sld [smem:$0x3FAB]  }
0x2a: {  	p0 =	seq.s32 s5, $0x0;
	s5 =	sld [smem:$0x3FAC]  }
0x2b: {  	s6 =	sld [smem:$0x3FAD]  }
0x2c: {  	s7 =	sld [smem:$0x3FAE]  }
0x2d: {  	s3 =	simm.s32 $0x108;
	s8 =	sld [smem:$0x3FAF]  }
0x2e: {  	s3 =	simm.s32 @!p0 $0x1082;
	s9 =	sld [smem:$0x3FB0]  }
0x2f: {  	lr =	sadd.s32 s0, s3;
	s0 =	sld [smem:$0x3FA7]  }
0x30: {  	s3 =	sld [smem:$0x3FAA]  }
0x31: {  	[smem:$0x3FB3] =	sst s10  }
0x32: {  	s10 =	sld [smem:$0x3FB1];
	_ =	sdelay $0x3  }
0x33: {  	p0 =	seq.s32 s10, $0x1;
	s10 =	sld [smem:$0x3FB3];
	_ =	sdelay $0x3  }
0x34: {  	[smem:$0x3FB3] =	sst s10  }
0x35: {  	s10 =	sld [smem:$0x3FB2];
	_ =	sdelay $0x3  }
0x36: {  	p1 =	seq.s32 s10, $0x1;
	s10 =	sld [smem:$0x3FB3];
	_ =	sdelay $0x3  }
0x37: {  	[smem:$0x3FB3] =	sst s10  }
0x38: {  	s10 =	sld [smem:$0x3FB4]  }
0x39: {  	_ = 	snop;
	(pc) =	sbr.ind lr, $3  }
0x3a: {  	_ = 	snop  }
0x3b: {  	_ = 	snop  }
0x3c: {  	p2 =	seq.s32 s10, $0x1;
	s10 =	sld [smem:$0x3FB3]  }
0x3d: {  	_ =	shalt  }
0x3e: {  	_ =	shalt  }
0x3f: {  	_ =	shalt  }
0x40: {  	_ =	shalt  }
0x41: {  	_ =	shalt  }
0x42: {  	_ =	shalt  }
0x43: {  	_ =	shalt  }
0x44: {  	_ =	shalt  }
0x45: {  	_ =	shalt  }
0x46: {  	_ =	shalt  }
0x47: {  	_ =	shalt  }
0x48: {  	_ =	shalt  }
0x49: {  	_ =	shalt  }
0x4a: {  	_ =	shalt  }
0x4b: {  	_ =	shalt  }
0x4c: {  	_ =	shalt  }
0x4d: {  	_ =	shalt  }
0x4e: {  	_ =	shalt  }
0x4f: {  	_ =	shalt  }
0x50: {  	_ =	shalt  }
0x51: {  	_ =	shalt  }
0x52: {  	_ =	shalt  }
0x53: {  	_ =	shalt  }
0x54: {  	_ =	shalt  }
0x55: {  	_ =	shalt  }
0x56: {  	_ =	shalt  }
0x57: {  	_ =	shalt  }
0x58: {  	_ =	shalt  }
0x59: {  	_ =	shalt  }
0x5a: {  	_ =	shalt  }
0x5b: {  	_ =	shalt  }
0x5c: {  	_ =	shalt  }
0x5d: {  	_ =	shalt  }
0x5e: {  	_ =	shalt  }
0x5f: {  	_ =	shalt  }
0x60: {  	_ =	shalt  }
0x61: {  	_ =	shalt  }
0x62: {  	_ =	shalt  }
0x63: {  	_ =	shalt  }
0x64: {  	_ =	shalt  }
0x65: {  	_ =	shalt  }
0x66: {  	_ =	shalt  }
0x67: {  	_ =	shalt  }
0x68: {  	_ =	shalt  }
0x69: {  	_ =	shalt  }
0x6a: {  	_ =	shalt  }
0x6b: {  	_ =	shalt  }
0x6c: {  	_ =	shalt  }
0x6d: {  	_ =	shalt  }
0x6e: {  	_ =	shalt  }
0x6f: {  	_ =	shalt  }
0x70: {  	_ =	shalt  }
0x71: {  	_ =	shalt  }
0x72: {  	_ =	shalt  }
0x73: {  	_ =	shalt  }
0x74: {  	_ =	shalt  }
0x75: {  	_ =	shalt  }
0x76: {  	_ =	shalt  }
0x77: {  	_ =	shalt  }
0x78: {  	_ =	shalt  }
0x79: {  	_ =	shalt  }
0x7a: {  	_ =	shalt  }
0x7b: {  	_ =	shalt  }
0x7c: {  	_ =	shalt  }
0x7d: {  	_ =	shalt  }
0x7e: {  	_ =	shalt  }
0x7f: {  	_ =	shalt  }
0x80: {  	_ =	shalt  }
0x81: {  	_ =	shalt  }
0x82: {  	_ =	shalt  }
0x83: {  	_ =	shalt  }
0x84: {  	_ =	shalt  }
0x85: {  	_ =	shalt  }
0x86: {  	_ =	shalt  }
0x87: {  	_ =	shalt  }
.Lfunc_end0:
.L_simem_size_0:
called_computation_lowered:
.L_overlay_start_0:
0x88: {  	s2 =	sld [smem:$0x3FD9]  }
0x89: {  	s3 =	sld [smem:$0x3FFE];
	_ =	sdelay $0x1  }
0x8a: {  	s1 =	srdreg.scid  }
0x8b: {  	s0 =	sand.u32 $0x1, s1  }
0x8c: {  	s17 =	sshll.u32 s0, $0xA;
	s2 =	sadd.s32 s3, s2  }
0x8d: {  	s2 =	sadd.s32 s2, s17  }
0x8e: {  	[smem:$0x3FBF] =	sst s2  }
0x8f: {  	_ = 	snop  }
0x90: {  	s2 =	sld [smem:$0x3FD0];
	(tm) =	ssettm $0x1  }
0x91: {  	s18 =	sld [smem:$0x3FFB];
	_ =	sdelay $0x3  }
0x92: {  	_ =	strace s18  }
0x93: {  	s3 =	sld [smem:$0x3FFC];
	_ =	sdelay $0x3  }
0x94: {  	_ =	strace s3  }
0x95: {  	s3 =	sld [smem:$0x3FFD];
	_ =	sdelay $0x3  }
0x96: {  	_ =	strace s3  }
0x97: {  	_ =	strace $0x8FFFFFFF  }
0x98: {  	s19 =	sld [smem:$0x3FDB];
	_ =	sdelay $0x1  }
0x99: {  	s4 =	simm.s32 $_scs_section_size  }
0x9a: {  	s5 =	simm.s32 $_size__tile_overlayer_lowered;
	s6 =	simm.s32 $_tile_overlayer_lowered  }
0x9b: {  	s22 =	simm.s32 $0x1BFF;
	s21 =	sshll.u32 s6, $0x1;
	s3 =	sadd.s32 s4, s19  }
0x9c: {  	s7 =	simm.s32 $0x0;
	s20 =	sshll.u32 s5, $0x1;
	s5 =	sadd.s32 s21, s3  }
0x9d: {  	[timem:s7], [sflag:s22] =	dma.local [hbm:s5], s20  }
0x9e: {  	_ =	swait.ge [sflag:s22], s20  }
0x9f: {  	s4 =	ssub.s32 $0x0, s20;
	[sflag:s22] =	ssyncset.done $0x0  }
0xa0: {  	[sflag:s22] =	ssyncadd.s32 s4;
	_ =	sdelay $0x1  }
0xa1: {  	s23 =	simm.s32 $0x1B8B  }
0xa2: {  	_ =	swait.ge [sflag:s23], $0x1  }
0xa3: {  	[sflag:s23] =	ssyncset.done $0x0  }
0xa4: {  	s25 =	simm.s32 $0x1B8E;
	s24 =	sld [smem:$0x3FFE];
	[sflag:s23] =	ssyncadd.s32 $0xFFFFFFFF  }
0xa5: {  	s26 =	simm.s32 $execute0_lowered;
	[smem:$0x3FD2] =	sst s25  }
0xa6: {  	s5 =	sshll.u32 s26, $0x1;
	_ =	strace $0x80000046;
	[dreg:$0x1] =	wrdreg $0xFFFFFFFF  }
0xa7: {  	s28 =	simm.s32 $_size_execute0_lowered;
	s3 =	sadd.s32 s3, s5;
	[dreg:$0x0] =	wrdreg $0x0  }
0xa8: {  	s5 =	sshll.u32 s28, $0x1;
	[dreg:$0x2] =	wrdreg s3  }
0xa9: {  	[dreg:$0x3] =	wrdreg s5  }
0xaa: {  	[dreg:$0x4] =	wrdreg $0xC0  }
0xab: {  	_ =	task [dreg:s7], $0x5FFFF  }
0xac: {  	[dreg:$0x1] =	wrdreg $0xFFFFFFFF  }
0xad: {  	[dreg:$0x0] =	wrdreg $0x60  }
0xae: {  	[dreg:$0x2] =	wrdreg s24  }
0xaf: {  	[dreg:$0x3] =	wrdreg s2  }
0xb0: {  	[dreg:$0x4] =	wrdreg $0x70600  }
0xb1: {  	[dreg:$0x5] =	wrdreg $0x1D3E00  }
0xb2: {  	[dreg:$0x6] =	wrdreg $0x9  }
0xb3: {  	_ =	task.clear_ibuf [dreg:s7], $0x7FFFF;
	_ =	strace $0x90000046  }
0xb4: {  	s29 =	simm.s32 $0x9;
	_ =	strace $0x80000048  }
0xb5: {  	_ =	swait.ge [sflag:s29], $0x1  }
0xb6: {  	[sflag:s29] =	ssyncadd.s32 $0xFFFFFFFF  }
0xb7: {  	_ =	strace $0x90000048  }
0xb8: {  	_ =	sfence  }
0xb9: {  	s30 =	sld [smem:$0x0];
	_ =	sdelay $0x2  }
0xba: {  	s31 =	sshll.u32 s1, $0xD;
	s1 =	sshrl.u32 s1, $0x2  }
0xbb: {  	s3 =	sand.u32 $0x4000, s31;
	s1 =	sadd.s32 s1, s30  }
0xbc: {  	s0 =	sor.u32 s3, s0;
	s1 =	sshll.u32 s1, $0x11  }
0xbd: {  	s0 =	sor.u32 s1, s0  }
0xbe: {  	s0 =	sadd.s32 $0x8F2B, s0  }
0xbf: {  	[sflag:s0] =	ssyncadd.remote.s32 $0x1  }
0xc0: {  	_ =	sfence.sel $0xFFFF  }
0xc1: {  	[dreg:$0x0] =	wrdreg $0xFFFFFFFF;
	(pc) =	sbr.abs _section_cstart, $3  }
0xc2: {  	[dreg:$0x1] =	wrdreg $0xFFFFFFFF  }
0xc3: {  	_ =	task.clear_ibuf [dreg:s7], $0x2FFFF;
	_ =	strace $0x9FFFFFFF  }
0xc4: {  	(tm) =	ssettm $0x7FFFFFFF  }
0xc5: {  	_ =	shalt  }
tec
execute0_lowered:
.L_overlay_start_1:
0x0: {  	(tag) =	ssettag $0x1  }
0x1: {  	s0 =	rddreg [dreg:$0x0]  }
0x2: {  	s1 =	srdreg.scid;
	s12 =	stileid.u32  }
0x3: {  	s3 =	simm.s32 $0x0;
	s2 =	sand.u32 $0x1, s1;
	s4 =	smul.u32 $0x278, s12  }
0x4: {  	[smem:$0x7FF] =	sst s3;
	s5 =	sadd.s32 $0xE00, s0;
	s1 =	smul.u32 $0x4F00, s2  }
0x5: {  	s6 =	sadd.s32 $0x19E00, s0;
	s7 =	sadd.s32 $0x14A00, s0;
	s2 =	ssub.s32 $0x2, s2  }
0x6: {  	s0 =	sadd.s32 $0x1F200, s0;
	s11 =	sshrl.u32 s2, $0x1;
	s8 =	sadd.s32 s4, s1  }
0x7: {  	s2 =	ssub.s32 s2, s11;
	s3 =	sadd.s32 $0x2780, s1;
	s11 =	smul.u32 $0x2A00, s12  }
0x8: {  	s9 =	smul.u32 $0x12, s8;
	s10 =	sshll.u32 s8, $0x1;
	s4 =	sadd.s32 s4, s3  }
0x9: {  	s10 =	sadd.s32 s5, s10;
	s13 =	smul.u32 $0x90, s4;
	s14 =	sshll.u32 s4, $0x1  }
0xa: {  	s4 =	smul.u32 $0x12, s4;
	[dreg:$0x5] =	wrdreg s10;
	s9 =	sadd.s32 s0, s9  }
0xb: {  	s16 =	sshrl.u32 s11, $0x3;
	s5 =	sadd.s32 s5, s14;
	[dreg:$0x6] =	wrdreg s9  }
0xc: {  	s14 =	sadd.s32 s7, s16;
	[dreg:$0x7] =	wrdreg s5  }
0xd: {  	s17 =	sadd.s32 $0xA8, s16;
	s4 =	sadd.s32 s0, s4;
	[dreg:$0x16] =	wrdreg s14  }
0xe: {  	s19 =	sadd.s32 $0x150, s16;
	s18 =	sadd.s32 s6, s17;
	[dreg:$0x8] =	wrdreg s4  }
0xf: {  	s21 =	sadd.s32 $0x1F8, s16;
	s20 =	sadd.s32 s6, s19;
	[dreg:$0x9] =	wrdreg s18  }
0x10: {  	s23 =	sadd.s32 $0x2A0, s16;
	s22 =	sadd.s32 s6, s21;
	[dreg:$0xb] =	wrdreg s20  }
0x11: {  	s25 =	sadd.s32 $0x348, s16;
	s24 =	sadd.s32 s6, s23;
	[dreg:$0xd] =	wrdreg s22  }
0x12: {  	s29 =	sadd.s32 $0x3F0, s16;
	s26 =	sadd.s32 s6, s25;
	[dreg:$0xf] =	wrdreg s24  }
0x13: {  	s10 =	sadd.s32 s6, s29;
	[dreg:$0x11] =	wrdreg s26  }
0x14: {  	s8 =	smul.u32 $0x90, s8;
	[dreg:$0x13] =	wrdreg s10  }
0x15: {  	s15 =	sshrl.u32 s13, $0x3;
	s13 =	sadd.s32 s6, s16;
	s18 =	rddreg [dreg:$0x1]  }
0x16: {  	s8 =	sshrl.u32 s8, $0x3;
	s4 =	sadd.s32 s7, s17;
	[dreg:$0x15] =	wrdreg s13  }
0x17: {  	s8 =	sadd.s32 s0, s8;
	[dreg:$0xa] =	wrdreg s4;
	s4 =	sadd.s32 s7, s19  }
0x18: {  	s0 =	sadd.s32 s0, s15;
	s15 =	sadd.s32 $0x498, s16;
	[dreg:$0xc] =	wrdreg s4  }
0x19: {  	s6 =	sadd.s32 s6, s15;
	s4 =	sadd.s32 s7, s21;
	s21 =	rddreg [dreg:$0x2]  }
0x1a: {  	s5 =	sadd.s32 s7, s15;
	[dreg:$0x17] =	wrdreg s6  }
0x1b: {  	[dreg:$0x18] =	wrdreg s5  }
0x1c: {  	[dreg:$0xe] =	wrdreg s4;
	s4 =	sadd.s32 s7, s23  }
0x1d: {  	s16 =	smul.u32 $0x9E00, s12;
	[dreg:$0x10] =	wrdreg s4  }
0x1e: {  	s4 =	sadd.s32 s7, s25;
	s25 =	rddreg [dreg:$0x3]  }
0x1f: {  	s17 =	sshrl.u32 s16, $0x2;
	[dreg:$0x12] =	wrdreg s4;
	s4 =	sadd.s32 s7, s29  }
0x20: {  	s5 =	sadd.s32 s17, s25;
	[dreg:$0x14] =	wrdreg s4  }
0x21: {  	s19 =	sadd.s32 $0x900, s8;
	_ =	strace $0x80000047;
	[dreg:$0x1a] =	wrdreg s5  }
0x22: {  	s20 =	sadd.s32 $0x1200, s8;
	[dreg:$0x1b] =	wrdreg s19  }
0x23: {  	s22 =	sadd.s32 $0x1B00, s8;
	[dreg:$0x1c] =	wrdreg s20  }
0x24: {  	s23 =	sadd.s32 $0x2400, s8;
	[dreg:$0x1d] =	wrdreg s22  }
0x25: {  	s24 =	sadd.s32 $0x900, s0;
	[dreg:$0x1e] =	wrdreg s23  }
0x26: {  	s26 =	sadd.s32 $0x1200, s0;
	[dreg:$0x1f] =	wrdreg s24  }
0x27: {  	s11 =	smul.u32 $0x58E00, s12;
	s29 =	sadd.s32 $0x1B00, s0;
	[smem:$0x7D3] =	sst s26  }
0x28: {  	s0 =	sadd.s32 $0x2400, s0;
	[smem:$0x7D4] =	sst s29  }
0x29: {  	s6 =	smax.u32 s2, $0x1;
	s4 =	sshrl.u32 s11, $0x2;
	[smem:$0x7D5] =	sst s0  }
0x2a: {  	s4 =	sadd.s32 s4, s21;
	[smem:$0x7D6] =	sst s6  }
0x2b: {  	s7 =	sadd.s32 $0x900, s4;
	[dreg:$0x19] =	wrdreg s4  }
0x2c: {  	s8 =	sadd.s32 $0x1200, s4;
	[smem:$0x7D7] =	sst s7  }
0x2d: {  	s9 =	sadd.s32 $0x1B00, s4;
	[smem:$0x7D8] =	sst s8  }
0x2e: {  	s10 =	sadd.s32 $0x2400, s4;
	[smem:$0x7D9] =	sst s9  }
0x2f: {  	s11 =	sadd.s32 $0x2D00, s4;
	[smem:$0x7DA] =	sst s10  }
0x30: {  	s12 =	sadd.s32 $0x3600, s4;
	[smem:$0x7DB] =	sst s11  }
0x31: {  	s13 =	sadd.s32 $0x3F00, s4;
	[smem:$0x7DC] =	sst s12  }
0x32: {  	s14 =	sadd.s32 $0x4800, s4;
	[smem:$0x7DD] =	sst s13  }
0x33: {  	s15 =	sadd.s32 $0x5100, s4;
	[smem:$0x7DE] =	sst s14  }
0x34: {  	s16 =	sadd.s32 $0x5A00, s4;
	[smem:$0x7DF] =	sst s15  }
0x35: {  	s17 =	sadd.s32 $0x6300, s4;
	[smem:$0x7E0] =	sst s16  }
0x36: {  	s19 =	sadd.s32 $0x6C00, s4;
	[smem:$0x7E1] =	sst s17  }
0x37: {  	s20 =	sadd.s32 $0x7500, s4;
	[smem:$0x7E2] =	sst s19  }
0x38: {  	s22 =	sadd.s32 $0x7E00, s4;
	[smem:$0x7E3] =	sst s20  }
0x39: {  	s23 =	sadd.s32 $0x8700, s4;
	[smem:$0x7E4] =	sst s22  }
0x3a: {  	s24 =	sadd.s32 $0x9000, s4;
	[smem:$0x7E5] =	sst s23  }
0x3b: {  	s26 =	sadd.s32 $0x9900, s4;
	[smem:$0x7E6] =	sst s24  }
0x3c: {  	s29 =	sadd.s32 $0xA200, s4;
	[smem:$0x7E7] =	sst s26  }
0x3d: {  	s2 =	sadd.s32 $0xAB00, s4;
	[smem:$0x7E8] =	sst s29  }
0x3e: {  	s5 =	sadd.s32 $0xB400, s4;
	[smem:$0x7E9] =	sst s2  }
0x3f: {  	s6 =	sadd.s32 $0xBD00, s4;
	[smem:$0x7EA] =	sst s5  }
0x40: {  	[smem:$0x7EB] =	sst s6;
	s7 =	sadd.s32 $0xC600, s4  }
0x41: {  	s8 =	sadd.s32 $0xCF00, s4;
	[smem:$0x7EC] =	sst s7  }
0x42: {  	s9 =	sadd.s32 $0xD800, s4;
	[smem:$0x7ED] =	sst s8  }
0x43: {  	s10 =	sadd.s32 $0xE100, s4;
	[smem:$0x7EE] =	sst s9  }
0x44: {  	s11 =	sadd.s32 $0xEA00, s4;
	[smem:$0x7EF] =	sst s10  }
0x45: {  	s12 =	sadd.s32 $0xF300, s4;
	[smem:$0x7F0] =	sst s11  }
0x46: {  	s13 =	sadd.s32 $0xFC00, s4;
	[smem:$0x7F1] =	sst s12  }
0x47: {  	s14 =	sadd.s32 $0x10500, s4;
	[smem:$0x7F2] =	sst s13  }
0x48: {  	s15 =	sadd.s32 $0x10E00, s4;
	[smem:$0x7F3] =	sst s14  }
0x49: {  	s16 =	sadd.s32 $0x11700, s4;
	[smem:$0x7F4] =	sst s15  }
0x4a: {  	s17 =	sadd.s32 $0x12000, s4;
	[smem:$0x7F5] =	sst s16  }
0x4b: {  	s31 =	simm.s32 $0x7;
	s19 =	sadd.s32 $0x12900, s4;
	[smem:$0x7F6] =	sst s17  }
0x4c: {  	s28 =	simm.s32 $0x6;
	s20 =	sadd.s32 $0x13200, s4;
	[smem:$0x7F7] =	sst s19  }
0x4d: {  	s30 =	simm.s32 $0x5430;
	s22 =	sadd.s32 $0x13B00, s4;
	[smem:$0x7F8] =	sst s20  }
0x4e: {  	v1 =	vmov s3;
	s3 =	simm.s32 $0x0;
	s23 =	sadd.s32 $0x14400, s4;
	[smem:$0x7F9] =	sst s22  }
0x4f: {  	s0 =	simm.s32 $0x6760;
	s24 =	sadd.s32 $0x14D00, s4;
	[smem:$0x7FA] =	sst s23  }
0x50: {  	s26 =	sadd.s32 $0x15600, s4;
	s29 =	sadd.s32 $0x15F00, s4;
	[smem:$0x7FB] =	sst s24  }
0x51: {  	s2 =	simm.s32 $0x10;
	s4 =	simm.s32 $0x5440;
	[smem:$0x7FC] =	sst s26  }
0x52: {  	s6 =	simm.s32 $0x5460;
	[smem:$0x7FD] =	sst s29;
	s22 =	simm.s32 $0x5E60  }
0x53: {  	s8 =	simm.s32 $0x5400;
	s9 =	simm.s32 $0x5660;
	s10 =	simm.s32 $0x5450  }
0x54: {  	s11 =	simm.s32 $0x5560;
	s12 =	simm.s32 $0x5410;
	s13 =	simm.s32 $0x5A60  }
0x55: {  	s14 =	simm.s32 $0x1;
	s17 =	simm.s32 $0x3;
	s19 =	simm.s32 $0x5  }
0x56: {  	v2 =	vimm.f32 $0.0e+00;
	v0 =	vmov s1;
	s20 =	simm.s32 $0x5420;
	s23 =	simm.s32 $0x2;
	s24 =	simm.s32 $0x4  }
.LBB2_1:
0x57: {  	[smem:$0x7D2] =	sst s3  }
0x58: {  	s1 =	simm.s32 $0x0;
	s5 =	rddreg [dreg:$0x15]  }
0x59: {  	[tilespmem:s1], [sflag:$0x7] =	stream.linear.gather [hbm4b:s5+s1], $0x540, $0x38;
	[tilespmem:$0x1FB60] =	vst v63  }
0x5a: {  	_ =	swait.ge [sflag:s31], $0x540  }
0x5b: {  	[sflag:s31] =	ssyncset.done $0x0  }
0x5c: {  	s5 =	simm.s32 $0x2A00;
	s7 =	rddreg [dreg:$0x16];
	[sflag:s31] =	ssyncadd.s32 $0xFFFFFAC0  }
0x5d: {  	[tilespmem:s5], [sflag:$0x7] =	stream.linear.gather [hbm4b:s7+s1], $0x540, $0x38;
	[tilespmem:$0x1FB60] =	vst v63  }
0x5e: {  	_ =	swait.ge [sflag:s31], $0x540  }
0x5f: {  	[sflag:s31] =	ssyncset.done $0x0  }
0x60: {  	s16 =	simm.s32 $0x540;
	s15 =	rddreg [dreg:$0x9];
	[sflag:s31] =	ssyncadd.s32 $0xFFFFFAC0  }
0x61: {  	[tilespmem:s16], [sflag:$0x7] =	stream.linear.gather [hbm4b:s15+s1], $0x540, $0x38;
	[tilespmem:$0x1FB60] =	vst v63  }
0x62: {  	_ =	swait.ge [sflag:s31], $0x540  }
0x63: {  	[sflag:s31] =	ssyncset.done $0x0  }
0x64: {  	s29 =	simm.s32 $0x2F40;
	s26 =	rddreg [dreg:$0xa];
	[sflag:s31] =	ssyncadd.s32 $0xFFFFFAC0  }
0x65: {  	[tilespmem:s29], [sflag:$0x7] =	stream.linear.gather [hbm4b:s26+s1], $0x540, $0x38;
	[tilespmem:$0x1FB60] =	vst v63  }
0x66: {  	_ =	swait.ge [sflag:s31], $0x540  }
0x67: {  	[sflag:s31] =	ssyncset.done $0x0  }
0x68: {  	s7 =	simm.s32 $0xA80;
	s5 =	rddreg [dreg:$0xb];
	[sflag:s31] =	ssyncadd.s32 $0xFFFFFAC0  }
0x69: {  	[tilespmem:s7], [sflag:$0x7] =	stream.linear.gather [hbm4b:s5+s1], $0x540, $0x38;
	[tilespmem:$0x1FB60] =	vst v63  }
0x6a: {  	_ =	swait.ge [sflag:s31], $0x540  }
0x6b: {  	[sflag:s31] =	ssyncset.done $0x0  }
0x6c: {  	s16 =	simm.s32 $0x3480;
	s15 =	rddreg [dreg:$0xc];
	[sflag:s31] =	ssyncadd.s32 $0xFFFFFAC0  }
0x6d: {  	[tilespmem:s16], [sflag:$0x7] =	stream.linear.gather [hbm4b:s15+s1], $0x540, $0x38;
	[tilespmem:$0x1FB60] =	vst v63  }
0x6e: {  	_ =	swait.ge [sflag:s31], $0x540  }
0x6f: {  	[sflag:s31] =	ssyncset.done $0x0  }
0x70: {  	s29 =	simm.s32 $0xFC0;
	s26 =	rddreg [dreg:$0xd];
	[sflag:s31] =	ssyncadd.s32 $0xFFFFFAC0  }
0x71: {  	[tilespmem:s29], [sflag:$0x7] =	stream.linear.gather [hbm4b:s26+s1], $0x540, $0x38;
	[tilespmem:$0x1FB60] =	vst v63  }
0x72: {  	_ =	swait.ge [sflag:s31], $0x540  }
0x73: {  	[sflag:s31] =	ssyncset.done $0x0  }
0x74: {  	s7 =	simm.s32 $0x39C0;
	s5 =	rddreg [dreg:$0xe];
	[sflag:s31] =	ssyncadd.s32 $0xFFFFFAC0  }
0x75: {  	[tilespmem:s7], [sflag:$0x7] =	stream.linear.gather [hbm4b:s5+s1], $0x540, $0x38;
	[tilespmem:$0x1FB60] =	vst v63  }
0x76: {  	_ =	swait.ge [sflag:s31], $0x540  }
0x77: {  	[sflag:s31] =	ssyncset.done $0x0  }
0x78: {  	s16 =	simm.s32 $0x1500;
	s15 =	rddreg [dreg:$0xf];
	[sflag:s31] =	ssyncadd.s32 $0xFFFFFAC0  }
0x79: {  	[tilespmem:s16], [sflag:$0x7] =	stream.linear.gather [hbm4b:s15+s1], $0x540, $0x38;
	[tilespmem:$0x1FB60] =	vst v63  }
0x7a: {  	_ =	swait.ge [sflag:s31], $0x540  }
0x7b: {  	[sflag:s31] =	ssyncset.done $0x0  }
0x7c: {  	s29 =	simm.s32 $0x3F00;
	s26 =	rddreg [dreg:$0x10];
	[sflag:s31] =	ssyncadd.s32 $0xFFFFFAC0  }
0x7d: {  	[tilespmem:s29], [sflag:$0x7] =	stream.linear.gather [hbm4b:s26+s1], $0x540, $0x38;
	[tilespmem:$0x1FB60] =	vst v63  }
0x7e: {  	_ =	swait.ge [sflag:s31], $0x540  }
0x7f: {  	[sflag:s31] =	ssyncset.done $0x0  }
0x80: {  	s7 =	simm.s32 $0x1A40;
	s5 =	rddreg [dreg:$0x11];
	[sflag:s31] =	ssyncadd.s32 $0xFFFFFAC0  }
0x81: {  	[tilespmem:s7], [sflag:$0x7] =	stream.linear.gather [hbm4b:s5+s1], $0x540, $0x38;
	[tilespmem:$0x1FB60] =	vst v63  }
0x82: {  	_ =	swait.ge [sflag:s31], $0x540  }
0x83: {  	[sflag:s31] =	ssyncset.done $0x0  }
0x84: {  	s16 =	simm.s32 $0x4440;
	s15 =	rddreg [dreg:$0x12];
	[sflag:s31] =	ssyncadd.s32 $0xFFFFFAC0  }
0x85: {  	[tilespmem:s16], [sflag:$0x7] =	stream.linear.gather [hbm4b:s15+s1], $0x540, $0x38;
	[tilespmem:$0x1FB60] =	vst v63  }
0x86: {  	_ =	swait.ge [sflag:s31], $0x540  }
0x87: {  	[sflag:s31] =	ssyncset.done $0x0  }
0x88: {  	s29 =	simm.s32 $0x1F80;
	s26 =	rddreg [dreg:$0x13];
	[sflag:s31] =	ssyncadd.s32 $0xFFFFFAC0  }
0x89: {  	[tilespmem:s29], [sflag:$0x7] =	stream.linear.gather [hbm4b:s26+s1], $0x540, $0x38;
	[tilespmem:$0x1FB60] =	vst v63  }
0x8a: {  	_ =	swait.ge [sflag:s31], $0x540  }
0x8b: {  	[sflag:s31] =	ssyncset.done $0x0  }
0x8c: {  	s7 =	simm.s32 $0x4980;
	s5 =	rddreg [dreg:$0x14];
	[sflag:s31] =	ssyncadd.s32 $0xFFFFFAC0  }
0x8d: {  	[tilespmem:s7], [sflag:$0x7] =	stream.linear.gather [hbm4b:s5+s1], $0x540, $0x38;
	[tilespmem:$0x1FB60] =	vst v63  }
0x8e: {  	_ =	swait.ge [sflag:s31], $0x540  }
0x8f: {  	[sflag:s31] =	ssyncset.done $0x0  }
0x90: {  	s16 =	simm.s32 $0x24C0;
	s15 =	rddreg [dreg:$0x17];
	[sflag:s31] =	ssyncadd.s32 $0xFFFFFAC0  }
0x91: {  	[tilespmem:s16], [sflag:$0x7] =	stream.linear.gather [hbm4b:s15+s1], $0x540, $0x38;
	[tilespmem:$0x1FB60] =	vst v63  }
0x92: {  	_ =	swait.ge [sflag:s31], $0x540  }
0x93: {  	[sflag:s31] =	ssyncset.done $0x0  }
0x94: {  	s29 =	simm.s32 $0x4EC0;
	s26 =	rddreg [dreg:$0x18];
	[sflag:s31] =	ssyncadd.s32 $0xFFFFFAC0  }
0x95: {  	[tilespmem:s29], [sflag:$0x7] =	stream.linear.gather [hbm4b:s26+s1], $0x540, $0x38;
	[tilespmem:$0x1FB60] =	vst v63  }
0x96: {  	_ =	swait.ge [sflag:s31], $0x540  }
0x97: {  	[sflag:s31] =	ssyncset.done $0x0  }
0x98: {  	s3 =	simm.s32 $0x240;
	s1 =	simm.s32 $0x0;
	[sflag:s31] =	ssyncadd.s32 $0xFFFFFAC0  }
.LBB2_2:
0x99: {  	p0 =	sne.s32 s3, $0x21C0;
	[tilespmem:s1+$0x5EE0] =	vst v2  }
0x9a: {  	[tilespmem:s1+$0x5E60] =	vst v2  }
0x9b: {  	[tilespmem:s1+$0x5E70] =	vst v2  }
0x9c: {  	[tilespmem:s1+$0x5E80] =	vst v2  }
.Ltmp0:
0x9d: {  	[tilespmem:s1+$0x5E90] =	vst v2;
	(pc) =	sbr.rel @p0 .LBB2_2-.Ltmp0, $4  }
0x9e: {  	[tilespmem:s1+$0x5EA0] =	vst v2  }
0x9f: {  	[tilespmem:s1+$0x5EB0] =	vst v2  }
0xa0: {  	[tilespmem:s1+$0x5EC0] =	vst v2  }
0xa1: {  	[tilespmem:s1+$0x5ED0] =	vst v2;
	s1 =	sshra.s32 s3, $0x2;
	s3 =	sadd.s32 $0x240, s3  }
0xa2: {  	[tilespmem:s1+$0x5EE0] =	vst v2  }
0xa3: {  	[tilespmem:s1+$0x5E60] =	vst v2  }
0xa4: {  	[tilespmem:s1+$0x5E70] =	vst v2  }
0xa5: {  	[tilespmem:s1+$0x5E80] =	vst v2  }
0xa6: {  	[tilespmem:s1+$0x5E90] =	vst v2  }
0xa7: {  	[tilespmem:s1+$0x5EA0] =	vst v2  }
0xa8: {  	[tilespmem:s1+$0x5EB0] =	vst v2  }
0xa9: {  	[tilespmem:s1+$0x5EC0] =	vst v2  }
0xaa: {  	[tilespmem:s1+$0x5ED0] =	vst v2;
	s26 =	rddreg [dreg:$0x19]  }
0xab: {  	[spmem:s26] =	stream.linear.scatter [tilespmem:s22], [sflag:$0x7], $0x900, $0x38;
	[tilespmem:$0x1FB60] =	vst v63  }
0xac: {  	_ =	swait.ge [sflag:s31], $0x900  }
0xad: {  	s29 =	sld [smem:$0x7D7]  }
0xae: {  	[sflag:s31] =	ssyncset.done $0x0  }
0xaf: {  	[sflag:s31] =	ssyncadd.s32 $0xFFFFF700  }
0xb0: {  	[spmem:s29] =	stream.linear.scatter [tilespmem:s22], [sflag:$0x7], $0x900, $0x38;
	[tilespmem:$0x1FB60] =	vst v63  }
0xb1: {  	_ =	swait.ge [sflag:s31], $0x900  }
0xb2: {  	s3 =	sld [smem:$0x7D8]  }
0xb3: {  	[sflag:s31] =	ssyncset.done $0x0  }
0xb4: {  	[sflag:s31] =	ssyncadd.s32 $0xFFFFF700  }
0xb5: {  	[spmem:s3] =	stream.linear.scatter [tilespmem:s22], [sflag:$0x7], $0x900, $0x38;
	[tilespmem:$0x1FB60] =	vst v63  }
0xb6: {  	_ =	swait.ge [sflag:s31], $0x900  }
0xb7: {  	s5 =	sld [smem:$0x7D9]  }
0xb8: {  	[sflag:s31] =	ssyncset.done $0x0  }
0xb9: {  	[sflag:s31] =	ssyncadd.s32 $0xFFFFF700  }
0xba: {  	[spmem:s5] =	stream.linear.scatter [tilespmem:s22], [sflag:$0x7], $0x900, $0x38;
	[tilespmem:$0x1FB60] =	vst v63  }
0xbb: {  	_ =	swait.ge [sflag:s31], $0x900  }
0xbc: {  	s7 =	sld [smem:$0x7DA]  }
0xbd: {  	[sflag:s31] =	ssyncset.done $0x0  }
0xbe: {  	[sflag:s31] =	ssyncadd.s32 $0xFFFFF700  }
0xbf: {  	[spmem:s7] =	stream.linear.scatter [tilespmem:s22], [sflag:$0x7], $0x900, $0x38;
	[tilespmem:$0x1FB60] =	vst v63  }
0xc0: {  	_ =	swait.ge [sflag:s31], $0x900  }
0xc1: {  	s15 =	sld [smem:$0x7DB]  }
0xc2: {  	[sflag:s31] =	ssyncset.done $0x0  }
0xc3: {  	[sflag:s31] =	ssyncadd.s32 $0xFFFFF700  }
0xc4: {  	[spmem:s15] =	stream.linear.scatter [tilespmem:s22], [sflag:$0x7], $0x900, $0x38;
	[tilespmem:$0x1FB60] =	vst v63  }
0xc5: {  	_ =	swait.ge [sflag:s31], $0x900  }
0xc6: {  	s16 =	sld [smem:$0x7DC]  }
0xc7: {  	[sflag:s31] =	ssyncset.done $0x0  }
0xc8: {  	[sflag:s31] =	ssyncadd.s32 $0xFFFFF700  }
0xc9: {  	[spmem:s16] =	stream.linear.scatter [tilespmem:s22], [sflag:$0x7], $0x900, $0x38;
	[tilespmem:$0x1FB60] =	vst v63  }
0xca: {  	_ =	swait.ge [sflag:s31], $0x900  }
0xcb: {  	s26 =	sld [smem:$0x7DD]  }
0xcc: {  	[sflag:s31] =	ssyncset.done $0x0  }
0xcd: {  	[sflag:s31] =	ssyncadd.s32 $0xFFFFF700  }
0xce: {  	[spmem:s26] =	stream.linear.scatter [tilespmem:s22], [sflag:$0x7], $0x900, $0x38;
	[tilespmem:$0x1FB60] =	vst v63  }
0xcf: {  	_ =	swait.ge [sflag:s31], $0x900  }
0xd0: {  	s29 =	sld [smem:$0x7DE]  }
0xd1: {  	[sflag:s31] =	ssyncset.done $0x0  }
0xd2: {  	[sflag:s31] =	ssyncadd.s32 $0xFFFFF700  }
0xd3: {  	[spmem:s29] =	stream.linear.scatter [tilespmem:s22], [sflag:$0x7], $0x900, $0x38;
	[tilespmem:$0x1FB60] =	vst v63  }
0xd4: {  	_ =	swait.ge [sflag:s31], $0x900  }
0xd5: {  	s3 =	sld [smem:$0x7DF]  }
0xd6: {  	[sflag:s31] =	ssyncset.done $0x0  }
0xd7: {  	[sflag:s31] =	ssyncadd.s32 $0xFFFFF700  }
0xd8: {  	[spmem:s3] =	stream.linear.scatter [tilespmem:s22], [sflag:$0x7], $0x900, $0x38;
	[tilespmem:$0x1FB60] =	vst v63  }
0xd9: {  	_ =	swait.ge [sflag:s31], $0x900  }
0xda: {  	s5 =	sld [smem:$0x7E0]  }
0xdb: {  	[sflag:s31] =	ssyncset.done $0x0  }
0xdc: {  	[sflag:s31] =	ssyncadd.s32 $0xFFFFF700  }
0xdd: {  	[spmem:s5] =	stream.linear.scatter [tilespmem:s22], [sflag:$0x7], $0x900, $0x38;
	[tilespmem:$0x1FB60] =	vst v63  }
0xde: {  	_ =	swait.ge [sflag:s31], $0x900  }
0xdf: {  	s7 =	sld [smem:$0x7E1]  }
0xe0: {  	[sflag:s31] =	ssyncset.done $0x0  }
0xe1: {  	[sflag:s31] =	ssyncadd.s32 $0xFFFFF700  }
0xe2: {  	[spmem:s7] =	stream.linear.scatter [tilespmem:s22], [sflag:$0x7], $0x900, $0x38;
	[tilespmem:$0x1FB60] =	vst v63  }
0xe3: {  	_ =	swait.ge [sflag:s31], $0x900  }
0xe4: {  	s15 =	sld [smem:$0x7E2]  }
0xe5: {  	[sflag:s31] =	ssyncset.done $0x0  }
0xe6: {  	[sflag:s31] =	ssyncadd.s32 $0xFFFFF700  }
0xe7: {  	[spmem:s15] =	stream.linear.scatter [tilespmem:s22], [sflag:$0x7], $0x900, $0x38;
	[tilespmem:$0x1FB60] =	vst v63  }
0xe8: {  	_ =	swait.ge [sflag:s31], $0x900  }
0xe9: {  	s16 =	sld [smem:$0x7E3]  }
0xea: {  	[sflag:s31] =	ssyncset.done $0x0  }
0xeb: {  	[sflag:s31] =	ssyncadd.s32 $0xFFFFF700  }
0xec: {  	[spmem:s16] =	stream.linear.scatter [tilespmem:s22], [sflag:$0x7], $0x900, $0x38;
	[tilespmem:$0x1FB60] =	vst v63  }
0xed: {  	_ =	swait.ge [sflag:s31], $0x900  }
0xee: {  	s26 =	sld [smem:$0x7E4]  }
0xef: {  	[sflag:s31] =	ssyncset.done $0x0  }
0xf0: {  	[sflag:s31] =	ssyncadd.s32 $0xFFFFF700  }
0xf1: {  	[spmem:s26] =	stream.linear.scatter [tilespmem:s22], [sflag:$0x7], $0x900, $0x38;
	[tilespmem:$0x1FB60] =	vst v63  }
0xf2: {  	_ =	swait.ge [sflag:s31], $0x900  }
0xf3: {  	s29 =	sld [smem:$0x7E5]  }
0xf4: {  	[sflag:s31] =	ssyncset.done $0x0  }
0xf5: {  	[sflag:s31] =	ssyncadd.s32 $0xFFFFF700  }
0xf6: {  	[spmem:s29] =	stream.linear.scatter [tilespmem:s22], [sflag:$0x7], $0x900, $0x38;
	[tilespmem:$0x1FB60] =	vst v63  }
0xf7: {  	_ =	swait.ge [sflag:s31], $0x900  }
0xf8: {  	s3 =	sld [smem:$0x7E6]  }
0xf9: {  	[sflag:s31] =	ssyncset.done $0x0  }
0xfa: {  	[sflag:s31] =	ssyncadd.s32 $0xFFFFF700  }
0xfb: {  	[spmem:s3] =	stream.linear.scatter [tilespmem:s22], [sflag:$0x7], $0x900, $0x38;
	[tilespmem:$0x1FB60] =	vst v63  }
0xfc: {  	_ =	swait.ge [sflag:s31], $0x900  }
0xfd: {  	s5 =	sld [smem:$0x7E7]  }
0xfe: {  	[sflag:s31] =	ssyncset.done $0x0  }
0xff: {  	[sflag:s31] =	ssyncadd.s32 $0xFFFFF700  }
0x100: {  	[spmem:s5] =	stream.linear.scatter [tilespmem:s22], [sflag:$0x7], $0x900, $0x38;
	[tilespmem:$0x1FB60] =	vst v63  }
0x101: {  	_ =	swait.ge [sflag:s31], $0x900  }
0x102: {  	s7 =	sld [smem:$0x7E8]  }
0x103: {  	[sflag:s31] =	ssyncset.done $0x0  }
0x104: {  	[sflag:s31] =	ssyncadd.s32 $0xFFFFF700  }
0x105: {  	[spmem:s7] =	stream.linear.scatter [tilespmem:s22], [sflag:$0x7], $0x900, $0x38;
	[tilespmem:$0x1FB60] =	vst v63  }
0x106: {  	_ =	swait.ge [sflag:s31], $0x900  }
0x107: {  	s15 =	sld [smem:$0x7E9]  }
0x108: {  	[sflag:s31] =	ssyncset.done $0x0  }
0x109: {  	[sflag:s31] =	ssyncadd.s32 $0xFFFFF700  }
0x10a: {  	[spmem:s15] =	stream.linear.scatter [tilespmem:s22], [sflag:$0x7], $0x900, $0x38;
	[tilespmem:$0x1FB60] =	vst v63  }
0x10b: {  	_ =	swait.ge [sflag:s31], $0x900  }
0x10c: {  	s16 =	sld [smem:$0x7EA]  }
0x10d: {  	[sflag:s31] =	ssyncset.done $0x0  }
0x10e: {  	[sflag:s31] =	ssyncadd.s32 $0xFFFFF700  }
0x10f: {  	[spmem:s16] =	stream.linear.scatter [tilespmem:s22], [sflag:$0x7], $0x900, $0x38;
	[tilespmem:$0x1FB60] =	vst v63  }
0x110: {  	_ =	swait.ge [sflag:s31], $0x900  }
0x111: {  	s26 =	sld [smem:$0x7EB]  }
0x112: {  	[sflag:s31] =	ssyncset.done $0x0  }
0x113: {  	[sflag:s31] =	ssyncadd.s32 $0xFFFFF700  }
0x114: {  	[spmem:s26] =	stream.linear.scatter [tilespmem:s22], [sflag:$0x7], $0x900, $0x38;
	[tilespmem:$0x1FB60] =	vst v63  }
0x115: {  	_ =	swait.ge [sflag:s31], $0x900  }
0x116: {  	s29 =	sld [smem:$0x7EC]  }
0x117: {  	[sflag:s31] =	ssyncset.done $0x0  }
0x118: {  	[sflag:s31] =	ssyncadd.s32 $0xFFFFF700  }
0x119: {  	[spmem:s29] =	stream.linear.scatter [tilespmem:s22], [sflag:$0x7], $0x900, $0x38;
	[tilespmem:$0x1FB60] =	vst v63  }
0x11a: {  	_ =	swait.ge [sflag:s31], $0x900  }
0x11b: {  	s3 =	sld [smem:$0x7ED]  }
0x11c: {  	[sflag:s31] =	ssyncset.done $0x0  }
0x11d: {  	[sflag:s31] =	ssyncadd.s32 $0xFFFFF700  }
0x11e: {  	[spmem:s3] =	stream.linear.scatter [tilespmem:s22], [sflag:$0x7], $0x900, $0x38;
	[tilespmem:$0x1FB60] =	vst v63  }
0x11f: {  	_ =	swait.ge [sflag:s31], $0x900  }
0x120: {  	s5 =	sld [smem:$0x7EE]  }
0x121: {  	[sflag:s31] =	ssyncset.done $0x0  }
0x122: {  	[sflag:s31] =	ssyncadd.s32 $0xFFFFF700  }
0x123: {  	[spmem:s5] =	stream.linear.scatter [tilespmem:s22], [sflag:$0x7], $0x900, $0x38;
	[tilespmem:$0x1FB60] =	vst v63  }
0x124: {  	_ =	swait.ge [sflag:s31], $0x900  }
0x125: {  	s7 =	sld [smem:$0x7EF]  }
0x126: {  	[sflag:s31] =	ssyncset.done $0x0  }
0x127: {  	[sflag:s31] =	ssyncadd.s32 $0xFFFFF700  }
0x128: {  	[spmem:s7] =	stream.linear.scatter [tilespmem:s22], [sflag:$0x7], $0x900, $0x38;
	[tilespmem:$0x1FB60] =	vst v63  }
0x129: {  	_ =	swait.ge [sflag:s31], $0x900  }
0x12a: {  	s15 =	sld [smem:$0x7F0]  }
0x12b: {  	[sflag:s31] =	ssyncset.done $0x0  }
0x12c: {  	[sflag:s31] =	ssyncadd.s32 $0xFFFFF700  }
0x12d: {  	[spmem:s15] =	stream.linear.scatter [tilespmem:s22], [sflag:$0x7], $0x900, $0x38;
	[tilespmem:$0x1FB60] =	vst v63  }
0x12e: {  	_ =	swait.ge [sflag:s31], $0x900  }
0x12f: {  	s16 =	sld [smem:$0x7F1]  }
0x130: {  	[sflag:s31] =	ssyncset.done $0x0  }
0x131: {  	[sflag:s31] =	ssyncadd.s32 $0xFFFFF700  }
0x132: {  	[spmem:s16] =	stream.linear.scatter [tilespmem:s22], [sflag:$0x7], $0x900, $0x38;
	[tilespmem:$0x1FB60] =	vst v63  }
0x133: {  	_ =	swait.ge [sflag:s31], $0x900  }
0x134: {  	s26 =	sld [smem:$0x7F2]  }
0x135: {  	[sflag:s31] =	ssyncset.done $0x0  }
0x136: {  	[sflag:s31] =	ssyncadd.s32 $0xFFFFF700  }
0x137: {  	[spmem:s26] =	stream.linear.scatter [tilespmem:s22], [sflag:$0x7], $0x900, $0x38;
	[tilespmem:$0x1FB60] =	vst v63  }
0x138: {  	_ =	swait.ge [sflag:s31], $0x900  }
0x139: {  	s29 =	sld [smem:$0x7F3]  }
0x13a: {  	[sflag:s31] =	ssyncset.done $0x0  }
0x13b: {  	[sflag:s31] =	ssyncadd.s32 $0xFFFFF700  }
0x13c: {  	[spmem:s29] =	stream.linear.scatter [tilespmem:s22], [sflag:$0x7], $0x900, $0x38;
	[tilespmem:$0x1FB60] =	vst v63  }
0x13d: {  	_ =	swait.ge [sflag:s31], $0x900  }
0x13e: {  	s3 =	sld [smem:$0x7F4]  }
0x13f: {  	[sflag:s31] =	ssyncset.done $0x0  }
0x140: {  	[sflag:s31] =	ssyncadd.s32 $0xFFFFF700  }
0x141: {  	[spmem:s3] =	stream.linear.scatter [tilespmem:s22], [sflag:$0x7], $0x900, $0x38;
	[tilespmem:$0x1FB60] =	vst v63  }
0x142: {  	_ =	swait.ge [sflag:s31], $0x900  }
0x143: {  	s5 =	sld [smem:$0x7F5]  }
0x144: {  	[sflag:s31] =	ssyncset.done $0x0  }
0x145: {  	[sflag:s31] =	ssyncadd.s32 $0xFFFFF700  }
0x146: {  	[spmem:s5] =	stream.linear.scatter [tilespmem:s22], [sflag:$0x7], $0x900, $0x38;
	[tilespmem:$0x1FB60] =	vst v63  }
0x147: {  	_ =	swait.ge [sflag:s31], $0x900  }
0x148: {  	s7 =	sld [smem:$0x7F6]  }
0x149: {  	[sflag:s31] =	ssyncset.done $0x0  }
0x14a: {  	[sflag:s31] =	ssyncadd.s32 $0xFFFFF700  }
0x14b: {  	[spmem:s7] =	stream.linear.scatter [tilespmem:s22], [sflag:$0x7], $0x900, $0x38;
	[tilespmem:$0x1FB60] =	vst v63  }
0x14c: {  	_ =	swait.ge [sflag:s31], $0x900  }
0x14d: {  	s15 =	sld [smem:$0x7F7]  }
0x14e: {  	[sflag:s31] =	ssyncset.done $0x0  }
0x14f: {  	[sflag:s31] =	ssyncadd.s32 $0xFFFFF700  }
0x150: {  	[spmem:s15] =	stream.linear.scatter [tilespmem:s22], [sflag:$0x7], $0x900, $0x38;
	[tilespmem:$0x1FB60] =	vst v63  }
0x151: {  	_ =	swait.ge [sflag:s31], $0x900  }
0x152: {  	s16 =	sld [smem:$0x7F8]  }
0x153: {  	[sflag:s31] =	ssyncset.done $0x0  }
0x154: {  	[sflag:s31] =	ssyncadd.s32 $0xFFFFF700  }
0x155: {  	[spmem:s16] =	stream.linear.scatter [tilespmem:s22], [sflag:$0x7], $0x900, $0x38;
	[tilespmem:$0x1FB60] =	vst v63  }
0x156: {  	_ =	swait.ge [sflag:s31], $0x900  }
0x157: {  	s26 =	sld [smem:$0x7F9]  }
0x158: {  	[sflag:s31] =	ssyncset.done $0x0  }
0x159: {  	[sflag:s31] =	ssyncadd.s32 $0xFFFFF700  }
0x15a: {  	[spmem:s26] =	stream.linear.scatter [tilespmem:s22], [sflag:$0x7], $0x900, $0x38;
	[tilespmem:$0x1FB60] =	vst v63  }
0x15b: {  	_ =	swait.ge [sflag:s31], $0x900  }
0x15c: {  	s29 =	sld [smem:$0x7FA]  }
0x15d: {  	[sflag:s31] =	ssyncset.done $0x0  }
0x15e: {  	[sflag:s31] =	ssyncadd.s32 $0xFFFFF700  }
0x15f: {  	[spmem:s29] =	stream.linear.scatter [tilespmem:s22], [sflag:$0x7], $0x900, $0x38;
	[tilespmem:$0x1FB60] =	vst v63  }
0x160: {  	_ =	swait.ge [sflag:s31], $0x900  }
0x161: {  	s3 =	sld [smem:$0x7FB]  }
0x162: {  	[sflag:s31] =	ssyncset.done $0x0  }
0x163: {  	[sflag:s31] =	ssyncadd.s32 $0xFFFFF700  }
0x164: {  	[spmem:s3] =	stream.linear.scatter [tilespmem:s22], [sflag:$0x7], $0x900, $0x38;
	[tilespmem:$0x1FB60] =	vst v63  }
0x165: {  	_ =	swait.ge [sflag:s31], $0x900  }
0x166: {  	s5 =	sld [smem:$0x7FC]  }
0x167: {  	[sflag:s31] =	ssyncset.done $0x0  }
0x168: {  	[sflag:s31] =	ssyncadd.s32 $0xFFFFF700  }
0x169: {  	[spmem:s5] =	stream.linear.scatter [tilespmem:s22], [sflag:$0x7], $0x900, $0x38;
	[tilespmem:$0x1FB60] =	vst v63  }
0x16a: {  	_ =	swait.ge [sflag:s31], $0x900  }
0x16b: {  	s7 =	sld [smem:$0x7FD]  }
0x16c: {  	[sflag:s31] =	ssyncset.done $0x0  }
0x16d: {  	[sflag:s31] =	ssyncadd.s32 $0xFFFFF700  }
0x16e: {  	[spmem:s7] =	stream.linear.scatter [tilespmem:s22], [sflag:$0x7], $0x480, $0x38;
	[tilespmem:$0x1FB60] =	vst v63  }
0x16f: {  	s15 =	stileid.u32;
	_ =	swait.ge [sflag:s31], $0x480  }
0x170: {  	s1 =	sshll.u32 s15, $0x6;
	s16 =	rddreg [dreg:$0x1a]  }
0x171: {  	[sflag:s31] =	ssyncset.done $0x0;
	s26 =	rddreg [dreg:$0x5];
	s3 =	sshrl.u32 s16, $0x3  }
0x172: {  	s5 =	sor.u32 $0x1C07, s1;
	[sflag:s31] =	ssyncadd.s32 $0xFFFFFB80;
	[smem:$0x7D1] =	sst s3  }
0x173: {  	[spmem:s3], [sflag:s5] =	dma.local [hbm:s26], $0x4F0  }
0x174: {  	_ =	swait.ge [sflag:s31], $0x4F0  }
0x175: {  	[sflag:s31] =	ssyncset.done $0x0  }
0x176: {  	[sflag:s31] =	ssyncadd.s32 $0xFFFFFB10  }
0x177: {  	[bflag:$0x0] =	sbarrier.arrive $0xFFFF  }
0x178: {  	s7 =	simm.s32 $0x0;
	s29 =	rddreg [dreg:$0x6]  }
0x179: {  	[hbm4b:s29+s7] =	stream.linear.scatter [tilespmem:s22], [sflag:$0x5], $0x900, $0x38;
	[tilespmem:$0x1FB60] =	vst v63  }
0x17a: {  	_ = 	snop  }
0x17b: {  	[hbm4b:s29+s7] =	stream.linear.scatter [tilespmem:s0], [sflag:$0x6], $0x900, $0x38;
	[tilespmem:$0x1FB60] =	vst v63  }
0x17c: {  	v3 =	vld [tilespmem:$0x0];
	_ =	sdelay $0x4  }
0x17d: {  	[tilespmem:$0x5440] =	vst v3;
	v3 =	vadd.s32 v0, v3  }
0x17e: {  	[tilespmem:$0x5400] =	vst v3  }
0x17f: {  	[tilespmem:s6], [sflag:$0x1] =	stream.indirect.gather [spmem:s25], $0x10, s4, s2, $0xb8;
	[tilespmem:$0x1FB60] =	vst v63  }
0x180: {  	_ = 	snop  }
0x181: {  	[tilespmem:s9], [sflag:$0x3] =	stream.indirect.gather [hbm4b:s18+s2], $0x40, s8, s2, $0xb8;
	[tilespmem:$0x1FB60] =	vst v63  }
0x182: {  	v3 =	vld [tilespmem:$0x10];
	_ =	sdelay $0x4  }
0x183: {  	[tilespmem:$0x5450] =	vst v3;
	v3 =	vadd.s32 v0, v3  }
0x184: {  	[tilespmem:$0x5410] =	vst v3  }
0x185: {  	[tilespmem:s11], [sflag:$0x2] =	stream.indirect.gather [spmem:s25], $0x10, s10, s2, $0xb8;
	[tilespmem:$0x1FB60] =	vst v63  }
0x186: {  	_ = 	snop  }
0x187: {  	[tilespmem:s13], [sflag:$0x4] =	stream.indirect.gather [hbm4b:s18+s2], $0x40, s12, s2, $0xb8;
	[tilespmem:$0x1FB60] =	vst v63  }
.LBB2_4:
0x188: {  	_ =	swait.ge [sflag:s14], $0x100  }
0x189: {  	[sflag:s14] =	ssyncset.done $0x0  }
0x18a: {  	[sflag:s14] =	ssyncadd.s32 $0xFFFFFF00  }
0x18b: {  	_ =	swait.ge [sflag:s17], $0x400  }
0x18c: {  	[sflag:s17] =	ssyncset.done $0x0  }
0x18d: {  	[sflag:s17] =	ssyncadd.s32 $0xFFFFFC00  }
0x18e: {  	_ =	swait.ge [sflag:s19], $0x900  }
0x18f: {  	s1 =	sshll.u32 s7, $0x5;
	[sflag:s19] =	ssyncset.done $0x0  }
0x190: {  	s15 =	sand.u32 $0x3FFFFFE0, s1;
	[sflag:s19] =	ssyncadd.s32 $0xFFFFF700  }
0x191: {  	v3 =	vld [tilespmem:s15+$0x2A00];
	_ =	sdelay $0x4  }
0x192: {  	s16 =	simm.s32 $0x5470;
	[tilespmem:$0x5420] =	vst v3  }
0x193: {  	v3 =	vld [tilespmem:s16+$0xFFFFFFF0];
	_ =	sdelay $0x4  }
0x194: {  	v3 =	vmul.f32 $1.442695020e+00, v3;
	_ =	sdelay $0x1  }
0x195: {  	(erf) = vpow2.f32 v3;
	_ =	sdelay $0x8  }
0x196: {  	s26 =	simm.s32 $0x5EF0;
	v3 =	vpop (erf)  }
0x197: {  	s1 =	simm.s32 $0x56A0;
	[tilespmem:s26+$0xFFFFFFF0] =	vst v3  }
0x198: {  	v4 =	vld [tilespmem:s1+$0xFFFFFFC0];
	_ =	sdelay $0x3  }
0x199: {  	v5 =	vbroadcast v3, $0x0  }
0x19a: {  	v6 =	vshll.u32 v4, $0x10  }
0x19b: {  	v4 =	vand.u32 $0xFFFF0000, v4;
	v6 =	vmul.f32 v6, v5  }
0x19c: {  	v4 =	vmul.f32 v4, v5  }
0x19d: {  	[tilespmem:s26+$0xFFFFFF70] =	vst v6  }
0x19e: {  	[tilespmem:s26+$0xFFFFFF80] =	vst v4  }
0x19f: {  	v4 =	vld [tilespmem:s1+$0xFFFFFFD0];
	_ =	sdelay $0x3  }
0x1a0: {  	v5 =	vbroadcast v3, $0x1  }
0x1a1: {  	v6 =	vshll.u32 v4, $0x10  }
0x1a2: {  	v4 =	vand.u32 $0xFFFF0000, v4;
	v6 =	vmul.f32 v6, v5  }
0x1a3: {  	v4 =	vmul.f32 v4, v5  }
0x1a4: {  	[tilespmem:s26+$0xFFFFFF90] =	vst v6  }
0x1a5: {  	[tilespmem:s26+$0xFFFFFFA0] =	vst v4  }
0x1a6: {  	v4 =	vld [tilespmem:s1+$0xFFFFFFE0];
	_ =	sdelay $0x3  }
0x1a7: {  	v5 =	vbroadcast v3, $0x2  }
0x1a8: {  	v6 =	vshll.u32 v4, $0x10  }
0x1a9: {  	v4 =	vand.u32 $0xFFFF0000, v4;
	v6 =	vmul.f32 v6, v5  }
0x1aa: {  	v4 =	vmul.f32 v4, v5  }
0x1ab: {  	[tilespmem:s26+$0xFFFFFFB0] =	vst v6  }
0x1ac: {  	[tilespmem:s26+$0xFFFFFFC0] =	vst v4  }
0x1ad: {  	v4 =	vld [tilespmem:s1+$0xFFFFFFF0];
	_ =	sdelay $0x3  }
0x1ae: {  	v3 =	vbroadcast v3, $0x3  }
0x1af: {  	v5 =	vshll.u32 v4, $0x10  }
0x1b0: {  	v4 =	vand.u32 $0xFFFF0000, v4;
	v5 =	vmul.f32 v5, v3  }
0x1b1: {  	v3 =	vmul.f32 v4, v3  }
0x1b2: {  	[tilespmem:s26+$0xFFFFFFD0] =	vst v5  }
0x1b3: {  	[tilespmem:s26+$0xFFFFFFE0] =	vst v3  }
0x1b4: {  	v3 =	vld [tilespmem:s16+$0x0];
	_ =	sdelay $0x4  }
0x1b5: {  	v3 =	vmul.f32 $1.442695020e+00, v3;
	_ =	sdelay $0x1  }
0x1b6: {  	(erf) = vpow2.f32 v3;
	_ =	sdelay $0x8  }
0x1b7: {  	v3 =	vpop (erf)  }
0x1b8: {  	[tilespmem:s26+$0x80] =	vst v3  }
0x1b9: {  	v4 =	vld [tilespmem:s1+$0x0];
	_ =	sdelay $0x3  }
0x1ba: {  	v5 =	vbroadcast v3, $0x0  }
0x1bb: {  	v6 =	vshll.u32 v4, $0x10  }
0x1bc: {  	v4 =	vand.u32 $0xFFFF0000, v4;
	v6 =	vmul.f32 v6, v5  }
0x1bd: {  	v4 =	vmul.f32 v4, v5  }
0x1be: {  	[tilespmem:s26+$0x0] =	vst v6  }
0x1bf: {  	[tilespmem:s26+$0x10] =	vst v4  }
0x1c0: {  	v4 =	vld [tilespmem:s1+$0x10];
	_ =	sdelay $0x3  }
0x1c1: {  	v5 =	vbroadcast v3, $0x1  }
0x1c2: {  	v6 =	vshll.u32 v4, $0x10  }
0x1c3: {  	v4 =	vand.u32 $0xFFFF0000, v4;
	v6 =	vmul.f32 v6, v5  }
0x1c4: {  	v4 =	vmul.f32 v4, v5  }
0x1c5: {  	[tilespmem:s26+$0x20] =	vst v6  }
0x1c6: {  	[tilespmem:s26+$0x30] =	vst v4  }
0x1c7: {  	v4 =	vld [tilespmem:s1+$0x20];
	_ =	sdelay $0x3  }
0x1c8: {  	v5 =	vbroadcast v3, $0x2  }
0x1c9: {  	v6 =	vshll.u32 v4, $0x10  }
0x1ca: {  	v4 =	vand.u32 $0xFFFF0000, v4;
	v6 =	vmul.f32 v6, v5  }
0x1cb: {  	v4 =	vmul.f32 v4, v5  }
0x1cc: {  	[tilespmem:s26+$0x40] =	vst v6  }
0x1cd: {  	[tilespmem:s26+$0x50] =	vst v4  }
0x1ce: {  	s3 =	simm.s32 $0x0;
	s29 =	simm.s32 $0x5EF0;
	v3 =	vbroadcast v3, $0x3;
	v4 =	vld [tilespmem:s1+$0x30];
	s1 =	simm.s32 $0x5720  }
.LBB2_5:
0x1cf: {  	s3 =	sadd.s32 $0x2, s3;
	s16 =	sadd.s32 $0x20, s16;
	s26 =	sadd.s32 $0x120, s26  }
0x1d0: {  	p0 =	slt.u32 s3, $0xE;
	_ =	sdelay $0x2  }
0x1d1: {  	v5 =	vshll.u32 v4, $0x10;
	v4 =	vand.u32 $0xFFFF0000, v4  }
0x1d2: {  	v5 =	vmul.f32 v5, v3;
	v3 =	vmul.f32 v4, v3;
	_ =	sdelay $0x1  }
0x1d3: {  	[tilespmem:s29+$0x60] =	vst v5  }
0x1d4: {  	[tilespmem:s29+$0x70] =	vst v3;
	s29 =	smov.u32 s26  }
0x1d5: {  	v3 =	vld [tilespmem:s16+$0xFFFFFFF0];
	_ =	sdelay $0x4  }
0x1d6: {  	v3 =	vmul.f32 $1.442695020e+00, v3;
	_ =	sdelay $0x1  }
0x1d7: {  	(erf) = vpow2.f32 v3;
	_ =	sdelay $0x8  }
0x1d8: {  	v3 =	vpop (erf)  }
0x1d9: {  	[tilespmem:s26+$0xFFFFFFF0] =	vst v3  }
0x1da: {  	v4 =	vld [tilespmem:s1+$0xFFFFFFC0];
	_ =	sdelay $0x3  }
0x1db: {  	v5 =	vbroadcast v3, $0x0  }
0x1dc: {  	v6 =	vshll.u32 v4, $0x10;
	v4 =	vand.u32 $0xFFFF0000, v4  }
0x1dd: {  	v6 =	vmul.f32 v6, v5;
	v4 =	vmul.f32 v4, v5;
	_ =	sdelay $0x1  }
0x1de: {  	[tilespmem:s26+$0xFFFFFF70] =	vst v6  }
0x1df: {  	[tilespmem:s26+$0xFFFFFF80] =	vst v4  }
0x1e0: {  	v4 =	vld [tilespmem:s1+$0xFFFFFFD0];
	_ =	sdelay $0x2  }
0x1e1: {  	v5 =	vbroadcast v3, $0x1;
	_ =	sdelay $0x1  }
0x1e2: {  	v6 =	vshll.u32 v4, $0x10;
	v4 =	vand.u32 $0xFFFF0000, v4  }
0x1e3: {  	v6 =	vmul.f32 v6, v5;
	v4 =	vmul.f32 v4, v5;
	_ =	sdelay $0x1  }
0x1e4: {  	[tilespmem:s26+$0xFFFFFF90] =	vst v6  }
0x1e5: {  	[tilespmem:s26+$0xFFFFFFA0] =	vst v4  }
0x1e6: {  	v4 =	vld [tilespmem:s1+$0xFFFFFFE0];
	_ =	sdelay $0x1  }
0x1e7: {  	v5 =	vbroadcast v3, $0x2;
	_ =	sdelay $0x2  }
0x1e8: {  	v6 =	vshll.u32 v4, $0x10;
	v4 =	vand.u32 $0xFFFF0000, v4  }
0x1e9: {  	v6 =	vmul.f32 v6, v5;
	v4 =	vmul.f32 v4, v5;
	_ =	sdelay $0x1  }
0x1ea: {  	[tilespmem:s26+$0xFFFFFFB0] =	vst v6  }
0x1eb: {  	[tilespmem:s26+$0xFFFFFFC0] =	vst v4  }
0x1ec: {  	v4 =	vld [tilespmem:s1+$0xFFFFFFF0]  }
0x1ed: {  	v3 =	vbroadcast v3, $0x3;
	_ =	sdelay $0x3  }
0x1ee: {  	v5 =	vshll.u32 v4, $0x10;
	v4 =	vand.u32 $0xFFFF0000, v4  }
0x1ef: {  	v5 =	vmul.f32 v5, v3;
	v3 =	vmul.f32 v4, v3;
	_ =	sdelay $0x1  }
0x1f0: {  	[tilespmem:s26+$0xFFFFFFD0] =	vst v5  }
0x1f1: {  	[tilespmem:s26+$0xFFFFFFE0] =	vst v3  }
0x1f2: {  	v3 =	vld [tilespmem:s16+$0x0];
	_ =	sdelay $0x4  }
0x1f3: {  	v3 =	vmul.f32 $1.442695020e+00, v3;
	_ =	sdelay $0x1  }
0x1f4: {  	(erf) = vpow2.f32 v3;
	_ =	sdelay $0x8  }
0x1f5: {  	v3 =	vpop (erf)  }
0x1f6: {  	[tilespmem:s26+$0x80] =	vst v3  }
0x1f7: {  	v5 =	vbroadcast v3, $0x0;
	v4 =	vld [tilespmem:s1+$0x0];
	_ =	sdelay $0x4  }
0x1f8: {  	v6 =	vshll.u32 v4, $0x10;
	v4 =	vand.u32 $0xFFFF0000, v4  }
0x1f9: {  	v6 =	vmul.f32 v6, v5;
	v4 =	vmul.f32 v4, v5;
	_ =	sdelay $0x1  }
0x1fa: {  	[tilespmem:s26+$0x0] =	vst v6  }
0x1fb: {  	[tilespmem:s26+$0x10] =	vst v4;
	v4 =	vbroadcast v3, $0x1  }
0x1fc: {  	v5 =	vld [tilespmem:s1+$0x10];
	_ =	sdelay $0x4  }
0x1fd: {  	v6 =	vshll.u32 v5, $0x10;
	v5 =	vand.u32 $0xFFFF0000, v5  }
0x1fe: {  	v6 =	vmul.f32 v6, v4;
	v4 =	vmul.f32 v5, v4;
	_ =	sdelay $0x1  }
0x1ff: {  	v5 =	vbroadcast v3, $0x2;
	[tilespmem:s26+$0x20] =	vst v6  }
0x200: {  	[tilespmem:s26+$0x30] =	vst v4  }
0x201: {  	v4 =	vld [tilespmem:s1+$0x20];
	_ =	sdelay $0x4  }
0x202: {  	v6 =	vshll.u32 v4, $0x10;
	v4 =	vand.u32 $0xFFFF0000, v4  }
.Ltmp1:
0x203: {  	v6 =	vmul.f32 v6, v5;
	v4 =	vmul.f32 v4, v5;
	(pc) =	sbr.rel @p0 .LBB2_5-.Ltmp1, $4  }
0x204: {  	v3 =	vbroadcast v3, $0x3  }
0x205: {  	[tilespmem:s26+$0x40] =	vst v6  }
0x206: {  	[tilespmem:s26+$0x50] =	vst v4  }
0x207: {  	v4 =	vld [tilespmem:s1+$0x30];
	s1 =	sadd.s32 $0x80, s1  }
0x208: {  	_ =	sdelay $0x3  }
0x209: {  	v5 =	vshll.u32 v4, $0x10  }
0x20a: {  	v4 =	vand.u32 $0xFFFF0000, v4;
	v5 =	vmul.f32 v5, v3  }
0x20b: {  	s16 =	sshll.u32 s7, $0x1;
	v3 =	vmul.f32 v4, v3  }
0x20c: {  	s1 =	smin.u32 s16, $0x29D;
	[tilespmem:s29+$0x60] =	vst v5  }
0x20d: {  	s1 =	sshll.u32 s1, $0x4;
	[tilespmem:s29+$0x70] =	vst v3  }
0x20e: {  	[spmem:s21] =	stream.indirect.scatter.add.f32 [tilespmem:s22], [sflag:$0x5], $0x90, s20, s2, $0xb8;
	[tilespmem:$0x1FB60] =	vst v63  }
0x20f: {  	v3 =	vld [tilespmem:s1+$0x20];
	_ =	sdelay $0x4  }
0x210: {  	[tilespmem:$0x5440] =	vst v3;
	v3 =	vadd.s32 v0, v3  }
0x211: {  	[tilespmem:$0x5400] =	vst v3  }
0x212: {  	[tilespmem:s6], [sflag:$0x1] =	stream.indirect.gather [spmem:s25], $0x10, s4, s2, $0xb8;
	[tilespmem:$0x1FB60] =	vst v63  }
0x213: {  	_ = 	snop  }
0x214: {  	[tilespmem:s9], [sflag:$0x3] =	stream.indirect.gather [hbm4b:s18+s2], $0x40, s8, s2, $0xb8;
	[tilespmem:$0x1FB60] =	vst v63  }
0x215: {  	_ =	swait.ge [sflag:s23], $0x100  }
0x216: {  	[sflag:s23] =	ssyncset.done $0x0  }
0x217: {  	[sflag:s23] =	ssyncadd.s32 $0xFFFFFF00  }
0x218: {  	_ =	swait.ge [sflag:s24], $0x400  }
0x219: {  	[sflag:s24] =	ssyncset.done $0x0  }
0x21a: {  	[sflag:s24] =	ssyncadd.s32 $0xFFFFFC00  }
0x21b: {  	_ =	swait.ge [sflag:s28], $0x900  }
0x21c: {  	[sflag:s28] =	ssyncset.done $0x0  }
0x21d: {  	[sflag:s28] =	ssyncadd.s32 $0xFFFFF700  }
0x21e: {  	v3 =	vld [tilespmem:s15+$0x2A10];
	_ =	sdelay $0x4  }
0x21f: {  	s15 =	simm.s32 $0x5570;
	[tilespmem:$0x5430] =	vst v3  }
0x220: {  	v3 =	vld [tilespmem:s15+$0xFFFFFFF0];
	_ =	sdelay $0x4  }
0x221: {  	v3 =	vmul.f32 $1.442695020e+00, v3;
	_ =	sdelay $0x1  }
0x222: {  	(erf) = vpow2.f32 v3;
	_ =	sdelay $0x8  }
0x223: {  	s26 =	simm.s32 $0x67F0;
	v3 =	vpop (erf)  }
0x224: {  	s1 =	simm.s32 $0x5AA0;
	[tilespmem:s26+$0xFFFFFFF0] =	vst v3  }
0x225: {  	v4 =	vld [tilespmem:s1+$0xFFFFFFC0];
	_ =	sdelay $0x3  }
0x226: {  	v5 =	vbroadcast v3, $0x0  }
0x227: {  	v6 =	vshll.u32 v4, $0x10  }
0x228: {  	v4 =	vand.u32 $0xFFFF0000, v4;
	v6 =	vmul.f32 v6, v5  }
0x229: {  	v4 =	vmul.f32 v4, v5  }
0x22a: {  	[tilespmem:s26+$0xFFFFFF70] =	vst v6  }
0x22b: {  	[tilespmem:s26+$0xFFFFFF80] =	vst v4  }
0x22c: {  	v4 =	vld [tilespmem:s1+$0xFFFFFFD0];
	_ =	sdelay $0x3  }
0x22d: {  	v5 =	vbroadcast v3, $0x1  }
0x22e: {  	v6 =	vshll.u32 v4, $0x10  }
0x22f: {  	v4 =	vand.u32 $0xFFFF0000, v4;
	v6 =	vmul.f32 v6, v5  }
0x230: {  	v4 =	vmul.f32 v4, v5  }
0x231: {  	[tilespmem:s26+$0xFFFFFF90] =	vst v6  }
0x232: {  	[tilespmem:s26+$0xFFFFFFA0] =	vst v4  }
0x233: {  	v4 =	vld [tilespmem:s1+$0xFFFFFFE0];
	_ =	sdelay $0x3  }
0x234: {  	v5 =	vbroadcast v3, $0x2  }
0x235: {  	v6 =	vshll.u32 v4, $0x10  }
0x236: {  	v4 =	vand.u32 $0xFFFF0000, v4;
	v6 =	vmul.f32 v6, v5  }
0x237: {  	v4 =	vmul.f32 v4, v5  }
0x238: {  	[tilespmem:s26+$0xFFFFFFB0] =	vst v6  }
0x239: {  	[tilespmem:s26+$0xFFFFFFC0] =	vst v4  }
0x23a: {  	v4 =	vld [tilespmem:s1+$0xFFFFFFF0];
	_ =	sdelay $0x3  }
0x23b: {  	v3 =	vbroadcast v3, $0x3  }
0x23c: {  	v5 =	vshll.u32 v4, $0x10  }
0x23d: {  	v4 =	vand.u32 $0xFFFF0000, v4;
	v5 =	vmul.f32 v5, v3  }
0x23e: {  	v3 =	vmul.f32 v4, v3  }
0x23f: {  	[tilespmem:s26+$0xFFFFFFD0] =	vst v5  }
0x240: {  	[tilespmem:s26+$0xFFFFFFE0] =	vst v3  }
0x241: {  	v3 =	vld [tilespmem:s15+$0x0];
	_ =	sdelay $0x4  }
0x242: {  	v3 =	vmul.f32 $1.442695020e+00, v3;
	_ =	sdelay $0x1  }
0x243: {  	(erf) = vpow2.f32 v3;
	_ =	sdelay $0x8  }
0x244: {  	v3 =	vpop (erf)  }
0x245: {  	[tilespmem:s26+$0x80] =	vst v3  }
0x246: {  	v4 =	vld [tilespmem:s1+$0x0];
	_ =	sdelay $0x3  }
0x247: {  	v5 =	vbroadcast v3, $0x0  }
0x248: {  	v6 =	vshll.u32 v4, $0x10  }
0x249: {  	v4 =	vand.u32 $0xFFFF0000, v4;
	v6 =	vmul.f32 v6, v5  }
0x24a: {  	v4 =	vmul.f32 v4, v5  }
0x24b: {  	[tilespmem:s26+$0x0] =	vst v6  }
0x24c: {  	[tilespmem:s26+$0x10] =	vst v4  }
0x24d: {  	v4 =	vld [tilespmem:s1+$0x10];
	_ =	sdelay $0x3  }
0x24e: {  	v5 =	vbroadcast v3, $0x1  }
0x24f: {  	v6 =	vshll.u32 v4, $0x10  }
0x250: {  	v4 =	vand.u32 $0xFFFF0000, v4;
	v6 =	vmul.f32 v6, v5  }
0x251: {  	v4 =	vmul.f32 v4, v5  }
0x252: {  	[tilespmem:s26+$0x20] =	vst v6  }
0x253: {  	[tilespmem:s26+$0x30] =	vst v4  }
0x254: {  	v4 =	vld [tilespmem:s1+$0x20];
	_ =	sdelay $0x3  }
0x255: {  	v5 =	vbroadcast v3, $0x2  }
0x256: {  	v6 =	vshll.u32 v4, $0x10  }
0x257: {  	v4 =	vand.u32 $0xFFFF0000, v4;
	v6 =	vmul.f32 v6, v5  }
0x258: {  	v4 =	vmul.f32 v4, v5  }
0x259: {  	[tilespmem:s26+$0x40] =	vst v6  }
0x25a: {  	[tilespmem:s26+$0x50] =	vst v4  }
0x25b: {  	s3 =	simm.s32 $0x0;
	s29 =	simm.s32 $0x67F0;
	v3 =	vbroadcast v3, $0x3;
	v4 =	vld [tilespmem:s1+$0x30];
	s1 =	simm.s32 $0x5B20  }
.LBB2_7:
0x25c: {  	s3 =	sadd.s32 $0x2, s3;
	s15 =	sadd.s32 $0x20, s15;
	s26 =	sadd.s32 $0x120, s26  }
0x25d: {  	p0 =	slt.u32 s3, $0xE;
	_ =	sdelay $0x2  }
0x25e: {  	v5 =	vshll.u32 v4, $0x10;
	v4 =	vand.u32 $0xFFFF0000, v4  }
0x25f: {  	v5 =	vmul.f32 v5, v3;
	v3 =	vmul.f32 v4, v3;
	_ =	sdelay $0x1  }
0x260: {  	[tilespmem:s29+$0x60] =	vst v5  }
0x261: {  	[tilespmem:s29+$0x70] =	vst v3;
	s29 =	smov.u32 s26  }
0x262: {  	v3 =	vld [tilespmem:s15+$0xFFFFFFF0];
	_ =	sdelay $0x4  }
0x263: {  	v3 =	vmul.f32 $1.442695020e+00, v3;
	_ =	sdelay $0x1  }
0x264: {  	(erf) = vpow2.f32 v3;
	_ =	sdelay $0x8  }
0x265: {  	v3 =	vpop (erf)  }
0x266: {  	[tilespmem:s26+$0xFFFFFFF0] =	vst v3  }
0x267: {  	v4 =	vld [tilespmem:s1+$0xFFFFFFC0];
	_ =	sdelay $0x3  }
0x268: {  	v5 =	vbroadcast v3, $0x0  }
0x269: {  	v6 =	vshll.u32 v4, $0x10;
	v4 =	vand.u32 $0xFFFF0000, v4  }
0x26a: {  	v6 =	vmul.f32 v6, v5;
	v4 =	vmul.f32 v4, v5;
	_ =	sdelay $0x1  }
0x26b: {  	[tilespmem:s26+$0xFFFFFF70] =	vst v6  }
0x26c: {  	[tilespmem:s26+$0xFFFFFF80] =	vst v4  }
0x26d: {  	v4 =	vld [tilespmem:s1+$0xFFFFFFD0];
	_ =	sdelay $0x2  }
0x26e: {  	v5 =	vbroadcast v3, $0x1;
	_ =	sdelay $0x1  }
0x26f: {  	v6 =	vshll.u32 v4, $0x10;
	v4 =	vand.u32 $0xFFFF0000, v4  }
0x270: {  	v6 =	vmul.f32 v6, v5;
	v4 =	vmul.f32 v4, v5;
	_ =	sdelay $0x1  }
0x271: {  	[tilespmem:s26+$0xFFFFFF90] =	vst v6  }
0x272: {  	[tilespmem:s26+$0xFFFFFFA0] =	vst v4  }
0x273: {  	v4 =	vld [tilespmem:s1+$0xFFFFFFE0];
	_ =	sdelay $0x1  }
0x274: {  	v5 =	vbroadcast v3, $0x2;
	_ =	sdelay $0x2  }
0x275: {  	v6 =	vshll.u32 v4, $0x10;
	v4 =	vand.u32 $0xFFFF0000, v4  }
0x276: {  	v6 =	vmul.f32 v6, v5;
	v4 =	vmul.f32 v4, v5;
	_ =	sdelay $0x1  }
0x277: {  	[tilespmem:s26+$0xFFFFFFB0] =	vst v6  }
0x278: {  	[tilespmem:s26+$0xFFFFFFC0] =	vst v4  }
0x279: {  	v4 =	vld [tilespmem:s1+$0xFFFFFFF0]  }
0x27a: {  	v3 =	vbroadcast v3, $0x3;
	_ =	sdelay $0x3  }
0x27b: {  	v5 =	vshll.u32 v4, $0x10;
	v4 =	vand.u32 $0xFFFF0000, v4  }
0x27c: {  	v5 =	vmul.f32 v5, v3;
	v3 =	vmul.f32 v4, v3;
	_ =	sdelay $0x1  }
0x27d: {  	[tilespmem:s26+$0xFFFFFFD0] =	vst v5  }
0x27e: {  	[tilespmem:s26+$0xFFFFFFE0] =	vst v3  }
0x27f: {  	v3 =	vld [tilespmem:s15+$0x0];
	_ =	sdelay $0x4  }
0x280: {  	v3 =	vmul.f32 $1.442695020e+00, v3;
	_ =	sdelay $0x1  }
0x281: {  	(erf) = vpow2.f32 v3;
	_ =	sdelay $0x8  }
0x282: {  	v3 =	vpop (erf)  }
0x283: {  	[tilespmem:s26+$0x80] =	vst v3  }
0x284: {  	v5 =	vbroadcast v3, $0x0;
	v4 =	vld [tilespmem:s1+$0x0];
	_ =	sdelay $0x4  }
0x285: {  	v6 =	vshll.u32 v4, $0x10;
	v4 =	vand.u32 $0xFFFF0000, v4  }
0x286: {  	v6 =	vmul.f32 v6, v5;
	v4 =	vmul.f32 v4, v5;
	_ =	sdelay $0x1  }
0x287: {  	[tilespmem:s26+$0x0] =	vst v6  }
0x288: {  	[tilespmem:s26+$0x10] =	vst v4;
	v4 =	vbroadcast v3, $0x1  }
0x289: {  	v5 =	vld [tilespmem:s1+$0x10];
	_ =	sdelay $0x4  }
0x28a: {  	v6 =	vshll.u32 v5, $0x10;
	v5 =	vand.u32 $0xFFFF0000, v5  }
0x28b: {  	v6 =	vmul.f32 v6, v4;
	v4 =	vmul.f32 v5, v4;
	_ =	sdelay $0x1  }
0x28c: {  	v5 =	vbroadcast v3, $0x2;
	[tilespmem:s26+$0x20] =	vst v6  }
0x28d: {  	[tilespmem:s26+$0x30] =	vst v4  }
0x28e: {  	v4 =	vld [tilespmem:s1+$0x20];
	_ =	sdelay $0x4  }
0x28f: {  	v6 =	vshll.u32 v4, $0x10;
	v4 =	vand.u32 $0xFFFF0000, v4  }
.Ltmp2:
0x290: {  	v6 =	vmul.f32 v6, v5;
	v4 =	vmul.f32 v4, v5;
	(pc) =	sbr.rel @p0 .LBB2_7-.Ltmp2, $4  }
0x291: {  	v3 =	vbroadcast v3, $0x3  }
0x292: {  	[tilespmem:s26+$0x40] =	vst v6  }
0x293: {  	[tilespmem:s26+$0x50] =	vst v4  }
0x294: {  	v4 =	vld [tilespmem:s1+$0x30];
	s1 =	sadd.s32 $0x80, s1  }
0x295: {  	_ =	sdelay $0x3  }
0x296: {  	v5 =	vshll.u32 v4, $0x10  }
0x297: {  	v63 =	vand.u32 $0xFFFF0000, v4;
	v5 =	vmul.f32 v5, v3  }
0x298: {  	v3 =	vmul.f32 v63, v3  }
0x299: {  	s1 =	smin.u32 s16, $0x29C;
	[tilespmem:s29+$0x60] =	vst v5  }
0x29a: {  	s1 =	sshll.u32 s1, $0x4;
	[tilespmem:s29+$0x70] =	vst v3  }
0x29b: {  	[spmem:s21] =	stream.indirect.scatter.add.f32 [tilespmem:s0], [sflag:$0x6], $0x90, s30, s2, $0xb8;
	[tilespmem:$0x1FB60] =	vst v63  }
0x29c: {  	v3 =	vld [tilespmem:s1+$0x30];
	_ =	sdelay $0x2  }
0x29d: {  	s7 =	sadd.s32 $0x1, s7  }
0x29e: {  	p0 =	sne.s32 s7, $0x150  }
.Ltmp3:
0x29f: {  	[tilespmem:$0x5450] =	vst v3;
	v3 =	vadd.s32 v0, v3;
	(pc) =	sbr.rel @p0 .LBB2_4-.Ltmp3, $4  }
0x2a0: {  	[tilespmem:$0x5410] =	vst v3  }
0x2a1: {  	[tilespmem:s11], [sflag:$0x2] =	stream.indirect.gather [spmem:s25], $0x10, s10, s2, $0xb8;
	[tilespmem:$0x1FB60] =	vst v63  }
0x2a2: {  	_ = 	snop  }
0x2a3: {  	[tilespmem:s13], [sflag:$0x4] =	stream.indirect.gather [hbm4b:s18+s2], $0x40, s12, s2, $0xb8;
	[tilespmem:$0x1FB60] =	vst v63  }
0x2a4: {  	_ =	swait.ge [sflag:s14], $0x100  }
0x2a5: {  	[sflag:s14] =	ssyncset.done $0x0  }
0x2a6: {  	[sflag:s14] =	ssyncadd.s32 $0xFFFFFF00  }
0x2a7: {  	_ =	swait.ge [sflag:s17], $0x400  }
0x2a8: {  	[sflag:s17] =	ssyncset.done $0x0  }
0x2a9: {  	[sflag:s17] =	ssyncadd.s32 $0xFFFFFC00  }
0x2aa: {  	_ =	swait.ge [sflag:s23], $0x100  }
0x2ab: {  	[sflag:s23] =	ssyncset.done $0x0  }
0x2ac: {  	[sflag:s23] =	ssyncadd.s32 $0xFFFFFF00  }
0x2ad: {  	_ =	swait.ge [sflag:s24], $0x400  }
0x2ae: {  	[sflag:s24] =	ssyncset.done $0x0  }
0x2af: {  	[sflag:s24] =	ssyncadd.s32 $0xFFFFFC00  }
0x2b0: {  	_ =	swait.ge [sflag:s19], $0x900  }
0x2b1: {  	[sflag:s19] =	ssyncset.done $0x0  }
0x2b2: {  	[sflag:s19] =	ssyncadd.s32 $0xFFFFF700  }
0x2b3: {  	_ =	swait.ge [sflag:s28], $0x900  }
0x2b4: {  	[sflag:s28] =	ssyncset.done $0x0  }
0x2b5: {  	[sflag:s28] =	ssyncadd.s32 $0xFFFFF700  }
0x2b6: {  	[bflag:$0x0] =	sbarrier.arrive $0xFFFF  }
0x2b7: {  	s1 =	rddreg [dreg:$0x19]  }
0x2b8: {  	s29 =	rddreg [dreg:$0x6];
	s3 =	sshrl.u32 s1, $0x3  }
0x2b9: {  	[smem:$0x7CC] =	sst s3  }
0x2ba: {  	[hbm:s29], [sflag:s5] =	dma.local [spmem:s3], $0x900  }
0x2bb: {  	_ =	swait.ge [sflag:s31], $0x900  }
0x2bc: {  	s3 =	sld [smem:$0x7DE];
	_ =	sdelay $0x2  }
0x2bd: {  	[sflag:s31] =	ssyncset.done $0x0;
	s15 =	rddreg [dreg:$0x1b];
	s7 =	sshrl.u32 s3, $0x3  }
0x2be: {  	[sflag:s31] =	ssyncadd.s32 $0xFFFFF700;
	[smem:$0x7CD] =	sst s7  }
0x2bf: {  	[hbm:s15], [sflag:s5] =	dma.local [spmem:s7], $0x900  }
0x2c0: {  	_ =	swait.ge [sflag:s31], $0x900  }
0x2c1: {  	s16 =	sld [smem:$0x7E6];
	_ =	sdelay $0x2  }
0x2c2: {  	[sflag:s31] =	ssyncset.done $0x0;
	s29 =	rddreg [dreg:$0x1c];
	s26 =	sshrl.u32 s16, $0x3  }
0x2c3: {  	[sflag:s31] =	ssyncadd.s32 $0xFFFFF700;
	[smem:$0x7CE] =	sst s26  }
0x2c4: {  	[hbm:s29], [sflag:s5] =	dma.local [spmem:s26], $0x900  }
0x2c5: {  	_ =	swait.ge [sflag:s31], $0x900  }
0x2c6: {  	s3 =	sld [smem:$0x7EE];
	_ =	sdelay $0x2  }
0x2c7: {  	[sflag:s31] =	ssyncset.done $0x0;
	s15 =	rddreg [dreg:$0x1d];
	s7 =	sshrl.u32 s3, $0x3  }
0x2c8: {  	[sflag:s31] =	ssyncadd.s32 $0xFFFFF700;
	[smem:$0x7CF] =	sst s7  }
0x2c9: {  	[hbm:s15], [sflag:s5] =	dma.local [spmem:s7], $0x900  }
0x2ca: {  	_ =	swait.ge [sflag:s31], $0x900  }
0x2cb: {  	s16 =	sld [smem:$0x7F6];
	_ =	sdelay $0x2  }
0x2cc: {  	[sflag:s31] =	ssyncset.done $0x0;
	s29 =	rddreg [dreg:$0x1e];
	s26 =	sshrl.u32 s16, $0x3  }
0x2cd: {  	[sflag:s31] =	ssyncadd.s32 $0xFFFFF700;
	[smem:$0x7D0] =	sst s26  }
0x2ce: {  	[hbm:s29], [sflag:s5] =	dma.local [spmem:s26], $0x870  }
0x2cf: {  	_ =	swait.ge [sflag:s31], $0x870  }
0x2d0: {  	[sflag:s31] =	ssyncset.done $0x0  }
0x2d1: {  	s1 =	simm.s32 $0x0;
	s3 =	simm.s32 $0x240;
	[sflag:s31] =	ssyncadd.s32 $0xFFFFF790  }
.LBB2_10:
0x2d2: {  	p0 =	sne.s32 s3, $0x21C0;
	[tilespmem:s1+$0x5EE0] =	vst v2  }
0x2d3: {  	[tilespmem:s1+$0x5E60] =	vst v2  }
0x2d4: {  	[tilespmem:s1+$0x5E70] =	vst v2  }
0x2d5: {  	[tilespmem:s1+$0x5E80] =	vst v2  }
.Ltmp4:
0x2d6: {  	[tilespmem:s1+$0x5E90] =	vst v2;
	(pc) =	sbr.rel @p0 .LBB2_10-.Ltmp4, $4  }
0x2d7: {  	[tilespmem:s1+$0x5EA0] =	vst v2  }
0x2d8: {  	[tilespmem:s1+$0x5EB0] =	vst v2  }
0x2d9: {  	[tilespmem:s1+$0x5EC0] =	vst v2  }
0x2da: {  	[tilespmem:s1+$0x5ED0] =	vst v2;
	s1 =	sshra.s32 s3, $0x2;
	s3 =	sadd.s32 $0x240, s3  }
0x2db: {  	[tilespmem:s1+$0x5EE0] =	vst v2  }
0x2dc: {  	[tilespmem:s1+$0x5E60] =	vst v2  }
0x2dd: {  	[tilespmem:s1+$0x5E70] =	vst v2  }
0x2de: {  	[tilespmem:s1+$0x5E80] =	vst v2  }
0x2df: {  	[tilespmem:s1+$0x5E90] =	vst v2  }
0x2e0: {  	[tilespmem:s1+$0x5EA0] =	vst v2  }
0x2e1: {  	[tilespmem:s1+$0x5EB0] =	vst v2  }
0x2e2: {  	[tilespmem:s1+$0x5EC0] =	vst v2  }
0x2e3: {  	[tilespmem:s1+$0x5ED0] =	vst v2;
	s16 =	rddreg [dreg:$0x19]  }
0x2e4: {  	[spmem:s16] =	stream.linear.scatter [tilespmem:s22], [sflag:$0x7], $0x900, $0x38;
	[tilespmem:$0x1FB60] =	vst v63  }
0x2e5: {  	_ =	swait.ge [sflag:s31], $0x900  }
0x2e6: {  	s26 =	sld [smem:$0x7D7]  }
0x2e7: {  	[sflag:s31] =	ssyncset.done $0x0  }
0x2e8: {  	[sflag:s31] =	ssyncadd.s32 $0xFFFFF700  }
0x2e9: {  	[spmem:s26] =	stream.linear.scatter [tilespmem:s22], [sflag:$0x7], $0x900, $0x38;
	[tilespmem:$0x1FB60] =	vst v63  }
0x2ea: {  	_ =	swait.ge [sflag:s31], $0x900  }
0x2eb: {  	s3 =	sld [smem:$0x7D8]  }
0x2ec: {  	[sflag:s31] =	ssyncset.done $0x0  }
0x2ed: {  	[sflag:s31] =	ssyncadd.s32 $0xFFFFF700  }
0x2ee: {  	[spmem:s3] =	stream.linear.scatter [tilespmem:s22], [sflag:$0x7], $0x900, $0x38;
	[tilespmem:$0x1FB60] =	vst v63  }
0x2ef: {  	_ =	swait.ge [sflag:s31], $0x900  }
0x2f0: {  	s7 =	sld [smem:$0x7D9]  }
0x2f1: {  	[sflag:s31] =	ssyncset.done $0x0  }
0x2f2: {  	[sflag:s31] =	ssyncadd.s32 $0xFFFFF700  }
0x2f3: {  	[spmem:s7] =	stream.linear.scatter [tilespmem:s22], [sflag:$0x7], $0x900, $0x38;
	[tilespmem:$0x1FB60] =	vst v63  }
0x2f4: {  	_ =	swait.ge [sflag:s31], $0x900  }
0x2f5: {  	s15 =	sld [smem:$0x7DA]  }
0x2f6: {  	[sflag:s31] =	ssyncset.done $0x0  }
0x2f7: {  	[sflag:s31] =	ssyncadd.s32 $0xFFFFF700  }
0x2f8: {  	[spmem:s15] =	stream.linear.scatter [tilespmem:s22], [sflag:$0x7], $0x900, $0x38;
	[tilespmem:$0x1FB60] =	vst v63  }
0x2f9: {  	_ =	swait.ge [sflag:s31], $0x900  }
0x2fa: {  	s16 =	sld [smem:$0x7DB]  }
0x2fb: {  	[sflag:s31] =	ssyncset.done $0x0  }
0x2fc: {  	[sflag:s31] =	ssyncadd.s32 $0xFFFFF700  }
0x2fd: {  	[spmem:s16] =	stream.linear.scatter [tilespmem:s22], [sflag:$0x7], $0x900, $0x38;
	[tilespmem:$0x1FB60] =	vst v63  }
0x2fe: {  	_ =	swait.ge [sflag:s31], $0x900  }
0x2ff: {  	s26 =	sld [smem:$0x7DC]  }
0x300: {  	[sflag:s31] =	ssyncset.done $0x0  }
0x301: {  	[sflag:s31] =	ssyncadd.s32 $0xFFFFF700  }
0x302: {  	[spmem:s26] =	stream.linear.scatter [tilespmem:s22], [sflag:$0x7], $0x900, $0x38;
	[tilespmem:$0x1FB60] =	vst v63  }
0x303: {  	_ =	swait.ge [sflag:s31], $0x900  }
0x304: {  	s3 =	sld [smem:$0x7DD]  }
0x305: {  	[sflag:s31] =	ssyncset.done $0x0  }
0x306: {  	[sflag:s31] =	ssyncadd.s32 $0xFFFFF700  }
0x307: {  	[spmem:s3] =	stream.linear.scatter [tilespmem:s22], [sflag:$0x7], $0x900, $0x38;
	[tilespmem:$0x1FB60] =	vst v63  }
0x308: {  	_ =	swait.ge [sflag:s31], $0x900  }
0x309: {  	s7 =	sld [smem:$0x7DE]  }
0x30a: {  	[sflag:s31] =	ssyncset.done $0x0  }
0x30b: {  	[sflag:s31] =	ssyncadd.s32 $0xFFFFF700  }
0x30c: {  	[spmem:s7] =	stream.linear.scatter [tilespmem:s22], [sflag:$0x7], $0x900, $0x38;
	[tilespmem:$0x1FB60] =	vst v63  }
0x30d: {  	_ =	swait.ge [sflag:s31], $0x900  }
0x30e: {  	s15 =	sld [smem:$0x7DF]  }
0x30f: {  	[sflag:s31] =	ssyncset.done $0x0  }
0x310: {  	[sflag:s31] =	ssyncadd.s32 $0xFFFFF700  }
0x311: {  	[spmem:s15] =	stream.linear.scatter [tilespmem:s22], [sflag:$0x7], $0x900, $0x38;
	[tilespmem:$0x1FB60] =	vst v63  }
0x312: {  	_ =	swait.ge [sflag:s31], $0x900  }
0x313: {  	s16 =	sld [smem:$0x7E0]  }
0x314: {  	[sflag:s31] =	ssyncset.done $0x0  }
0x315: {  	[sflag:s31] =	ssyncadd.s32 $0xFFFFF700  }
0x316: {  	[spmem:s16] =	stream.linear.scatter [tilespmem:s22], [sflag:$0x7], $0x900, $0x38;
	[tilespmem:$0x1FB60] =	vst v63  }
0x317: {  	_ =	swait.ge [sflag:s31], $0x900  }
0x318: {  	s26 =	sld [smem:$0x7E1]  }
0x319: {  	[sflag:s31] =	ssyncset.done $0x0  }
0x31a: {  	[sflag:s31] =	ssyncadd.s32 $0xFFFFF700  }
0x31b: {  	[spmem:s26] =	stream.linear.scatter [tilespmem:s22], [sflag:$0x7], $0x900, $0x38;
	[tilespmem:$0x1FB60] =	vst v63  }
0x31c: {  	_ =	swait.ge [sflag:s31], $0x900  }
0x31d: {  	s3 =	sld [smem:$0x7E2]  }
0x31e: {  	[sflag:s31] =	ssyncset.done $0x0  }
0x31f: {  	[sflag:s31] =	ssyncadd.s32 $0xFFFFF700  }
0x320: {  	[spmem:s3] =	stream.linear.scatter [tilespmem:s22], [sflag:$0x7], $0x900, $0x38;
	[tilespmem:$0x1FB60] =	vst v63  }
0x321: {  	_ =	swait.ge [sflag:s31], $0x900  }
0x322: {  	s7 =	sld [smem:$0x7E3]  }
0x323: {  	[sflag:s31] =	ssyncset.done $0x0  }
0x324: {  	[sflag:s31] =	ssyncadd.s32 $0xFFFFF700  }
0x325: {  	[spmem:s7] =	stream.linear.scatter [tilespmem:s22], [sflag:$0x7], $0x900, $0x38;
	[tilespmem:$0x1FB60] =	vst v63  }
0x326: {  	_ =	swait.ge [sflag:s31], $0x900  }
0x327: {  	s15 =	sld [smem:$0x7E4]  }
0x328: {  	[sflag:s31] =	ssyncset.done $0x0  }
0x329: {  	[sflag:s31] =	ssyncadd.s32 $0xFFFFF700  }
0x32a: {  	[spmem:s15] =	stream.linear.scatter [tilespmem:s22], [sflag:$0x7], $0x900, $0x38;
	[tilespmem:$0x1FB60] =	vst v63  }
0x32b: {  	_ =	swait.ge [sflag:s31], $0x900  }
0x32c: {  	s16 =	sld [smem:$0x7E5]  }
0x32d: {  	[sflag:s31] =	ssyncset.done $0x0  }
0x32e: {  	[sflag:s31] =	ssyncadd.s32 $0xFFFFF700  }
0x32f: {  	[spmem:s16] =	stream.linear.scatter [tilespmem:s22], [sflag:$0x7], $0x900, $0x38;
	[tilespmem:$0x1FB60] =	vst v63  }
0x330: {  	_ =	swait.ge [sflag:s31], $0x900  }
0x331: {  	s26 =	sld [smem:$0x7E6]  }
0x332: {  	[sflag:s31] =	ssyncset.done $0x0  }
0x333: {  	[sflag:s31] =	ssyncadd.s32 $0xFFFFF700  }
0x334: {  	[spmem:s26] =	stream.linear.scatter [tilespmem:s22], [sflag:$0x7], $0x900, $0x38;
	[tilespmem:$0x1FB60] =	vst v63  }
0x335: {  	_ =	swait.ge [sflag:s31], $0x900  }
0x336: {  	s3 =	sld [smem:$0x7E7]  }
0x337: {  	[sflag:s31] =	ssyncset.done $0x0  }
0x338: {  	[sflag:s31] =	ssyncadd.s32 $0xFFFFF700  }
0x339: {  	[spmem:s3] =	stream.linear.scatter [tilespmem:s22], [sflag:$0x7], $0x900, $0x38;
	[tilespmem:$0x1FB60] =	vst v63  }
0x33a: {  	_ =	swait.ge [sflag:s31], $0x900  }
0x33b: {  	s7 =	sld [smem:$0x7E8]  }
0x33c: {  	[sflag:s31] =	ssyncset.done $0x0  }
0x33d: {  	[sflag:s31] =	ssyncadd.s32 $0xFFFFF700  }
0x33e: {  	[spmem:s7] =	stream.linear.scatter [tilespmem:s22], [sflag:$0x7], $0x900, $0x38;
	[tilespmem:$0x1FB60] =	vst v63  }
0x33f: {  	_ =	swait.ge [sflag:s31], $0x900  }
0x340: {  	s15 =	sld [smem:$0x7E9]  }
0x341: {  	[sflag:s31] =	ssyncset.done $0x0  }
0x342: {  	[sflag:s31] =	ssyncadd.s32 $0xFFFFF700  }
0x343: {  	[spmem:s15] =	stream.linear.scatter [tilespmem:s22], [sflag:$0x7], $0x900, $0x38;
	[tilespmem:$0x1FB60] =	vst v63  }
0x344: {  	_ =	swait.ge [sflag:s31], $0x900  }
0x345: {  	s16 =	sld [smem:$0x7EA]  }
0x346: {  	[sflag:s31] =	ssyncset.done $0x0  }
0x347: {  	[sflag:s31] =	ssyncadd.s32 $0xFFFFF700  }
0x348: {  	[spmem:s16] =	stream.linear.scatter [tilespmem:s22], [sflag:$0x7], $0x900, $0x38;
	[tilespmem:$0x1FB60] =	vst v63  }
0x349: {  	_ =	swait.ge [sflag:s31], $0x900  }
0x34a: {  	s26 =	sld [smem:$0x7EB]  }
0x34b: {  	[sflag:s31] =	ssyncset.done $0x0  }
0x34c: {  	[sflag:s31] =	ssyncadd.s32 $0xFFFFF700  }
0x34d: {  	[spmem:s26] =	stream.linear.scatter [tilespmem:s22], [sflag:$0x7], $0x900, $0x38;
	[tilespmem:$0x1FB60] =	vst v63  }
0x34e: {  	_ =	swait.ge [sflag:s31], $0x900  }
0x34f: {  	s3 =	sld [smem:$0x7EC]  }
0x350: {  	[sflag:s31] =	ssyncset.done $0x0  }
0x351: {  	[sflag:s31] =	ssyncadd.s32 $0xFFFFF700  }
0x352: {  	[spmem:s3] =	stream.linear.scatter [tilespmem:s22], [sflag:$0x7], $0x900, $0x38;
	[tilespmem:$0x1FB60] =	vst v63  }
0x353: {  	_ =	swait.ge [sflag:s31], $0x900  }
0x354: {  	s7 =	sld [smem:$0x7ED]  }
0x355: {  	[sflag:s31] =	ssyncset.done $0x0  }
0x356: {  	[sflag:s31] =	ssyncadd.s32 $0xFFFFF700  }
0x357: {  	[spmem:s7] =	stream.linear.scatter [tilespmem:s22], [sflag:$0x7], $0x900, $0x38;
	[tilespmem:$0x1FB60] =	vst v63  }
0x358: {  	_ =	swait.ge [sflag:s31], $0x900  }
0x359: {  	s15 =	sld [smem:$0x7EE]  }
0x35a: {  	[sflag:s31] =	ssyncset.done $0x0  }
0x35b: {  	[sflag:s31] =	ssyncadd.s32 $0xFFFFF700  }
0x35c: {  	[spmem:s15] =	stream.linear.scatter [tilespmem:s22], [sflag:$0x7], $0x900, $0x38;
	[tilespmem:$0x1FB60] =	vst v63  }
0x35d: {  	_ =	swait.ge [sflag:s31], $0x900  }
0x35e: {  	s16 =	sld [smem:$0x7EF]  }
0x35f: {  	[sflag:s31] =	ssyncset.done $0x0  }
0x360: {  	[sflag:s31] =	ssyncadd.s32 $0xFFFFF700  }
0x361: {  	[spmem:s16] =	stream.linear.scatter [tilespmem:s22], [sflag:$0x7], $0x900, $0x38;
	[tilespmem:$0x1FB60] =	vst v63  }
0x362: {  	_ =	swait.ge [sflag:s31], $0x900  }
0x363: {  	s26 =	sld [smem:$0x7F0]  }
0x364: {  	[sflag:s31] =	ssyncset.done $0x0  }
0x365: {  	[sflag:s31] =	ssyncadd.s32 $0xFFFFF700  }
0x366: {  	[spmem:s26] =	stream.linear.scatter [tilespmem:s22], [sflag:$0x7], $0x900, $0x38;
	[tilespmem:$0x1FB60] =	vst v63  }
0x367: {  	_ =	swait.ge [sflag:s31], $0x900  }
0x368: {  	s3 =	sld [smem:$0x7F1]  }
0x369: {  	[sflag:s31] =	ssyncset.done $0x0  }
0x36a: {  	[sflag:s31] =	ssyncadd.s32 $0xFFFFF700  }
0x36b: {  	[spmem:s3] =	stream.linear.scatter [tilespmem:s22], [sflag:$0x7], $0x900, $0x38;
	[tilespmem:$0x1FB60] =	vst v63  }
0x36c: {  	_ =	swait.ge [sflag:s31], $0x900  }
0x36d: {  	s7 =	sld [smem:$0x7F2]  }
0x36e: {  	[sflag:s31] =	ssyncset.done $0x0  }
0x36f: {  	[sflag:s31] =	ssyncadd.s32 $0xFFFFF700  }
0x370: {  	[spmem:s7] =	stream.linear.scatter [tilespmem:s22], [sflag:$0x7], $0x900, $0x38;
	[tilespmem:$0x1FB60] =	vst v63  }
0x371: {  	_ =	swait.ge [sflag:s31], $0x900  }
0x372: {  	s15 =	sld [smem:$0x7F3]  }
0x373: {  	[sflag:s31] =	ssyncset.done $0x0  }
0x374: {  	[sflag:s31] =	ssyncadd.s32 $0xFFFFF700  }
0x375: {  	[spmem:s15] =	stream.linear.scatter [tilespmem:s22], [sflag:$0x7], $0x900, $0x38;
	[tilespmem:$0x1FB60] =	vst v63  }
0x376: {  	_ =	swait.ge [sflag:s31], $0x900  }
0x377: {  	s16 =	sld [smem:$0x7F4]  }
0x378: {  	[sflag:s31] =	ssyncset.done $0x0  }
0x379: {  	[sflag:s31] =	ssyncadd.s32 $0xFFFFF700  }
0x37a: {  	[spmem:s16] =	stream.linear.scatter [tilespmem:s22], [sflag:$0x7], $0x900, $0x38;
	[tilespmem:$0x1FB60] =	vst v63  }
0x37b: {  	_ =	swait.ge [sflag:s31], $0x900  }
0x37c: {  	s26 =	sld [smem:$0x7F5]  }
0x37d: {  	[sflag:s31] =	ssyncset.done $0x0  }
0x37e: {  	[sflag:s31] =	ssyncadd.s32 $0xFFFFF700  }
0x37f: {  	[spmem:s26] =	stream.linear.scatter [tilespmem:s22], [sflag:$0x7], $0x900, $0x38;
	[tilespmem:$0x1FB60] =	vst v63  }
0x380: {  	_ =	swait.ge [sflag:s31], $0x900  }
0x381: {  	s3 =	sld [smem:$0x7F6]  }
0x382: {  	[sflag:s31] =	ssyncset.done $0x0  }
0x383: {  	[sflag:s31] =	ssyncadd.s32 $0xFFFFF700  }
0x384: {  	[spmem:s3] =	stream.linear.scatter [tilespmem:s22], [sflag:$0x7], $0x900, $0x38;
	[tilespmem:$0x1FB60] =	vst v63  }
0x385: {  	_ =	swait.ge [sflag:s31], $0x900  }
0x386: {  	s7 =	sld [smem:$0x7F7]  }
0x387: {  	[sflag:s31] =	ssyncset.done $0x0  }
0x388: {  	[sflag:s31] =	ssyncadd.s32 $0xFFFFF700  }
0x389: {  	[spmem:s7] =	stream.linear.scatter [tilespmem:s22], [sflag:$0x7], $0x900, $0x38;
	[tilespmem:$0x1FB60] =	vst v63  }
0x38a: {  	_ =	swait.ge [sflag:s31], $0x900  }
0x38b: {  	s15 =	sld [smem:$0x7F8]  }
0x38c: {  	[sflag:s31] =	ssyncset.done $0x0  }
0x38d: {  	[sflag:s31] =	ssyncadd.s32 $0xFFFFF700  }
0x38e: {  	[spmem:s15] =	stream.linear.scatter [tilespmem:s22], [sflag:$0x7], $0x900, $0x38;
	[tilespmem:$0x1FB60] =	vst v63  }
0x38f: {  	_ =	swait.ge [sflag:s31], $0x900  }
0x390: {  	s16 =	sld [smem:$0x7F9]  }
0x391: {  	[sflag:s31] =	ssyncset.done $0x0  }
0x392: {  	[sflag:s31] =	ssyncadd.s32 $0xFFFFF700  }
0x393: {  	[spmem:s16] =	stream.linear.scatter [tilespmem:s22], [sflag:$0x7], $0x900, $0x38;
	[tilespmem:$0x1FB60] =	vst v63  }
0x394: {  	_ =	swait.ge [sflag:s31], $0x900  }
0x395: {  	s26 =	sld [smem:$0x7FA]  }
0x396: {  	[sflag:s31] =	ssyncset.done $0x0  }
0x397: {  	[sflag:s31] =	ssyncadd.s32 $0xFFFFF700  }
0x398: {  	[spmem:s26] =	stream.linear.scatter [tilespmem:s22], [sflag:$0x7], $0x900, $0x38;
	[tilespmem:$0x1FB60] =	vst v63  }
0x399: {  	_ =	swait.ge [sflag:s31], $0x900  }
0x39a: {  	s3 =	sld [smem:$0x7FB]  }
0x39b: {  	[sflag:s31] =	ssyncset.done $0x0  }
0x39c: {  	[sflag:s31] =	ssyncadd.s32 $0xFFFFF700  }
0x39d: {  	[spmem:s3] =	stream.linear.scatter [tilespmem:s22], [sflag:$0x7], $0x900, $0x38;
	[tilespmem:$0x1FB60] =	vst v63  }
0x39e: {  	_ =	swait.ge [sflag:s31], $0x900  }
0x39f: {  	s7 =	sld [smem:$0x7FC]  }
0x3a0: {  	[sflag:s31] =	ssyncset.done $0x0  }
0x3a1: {  	[sflag:s31] =	ssyncadd.s32 $0xFFFFF700  }
0x3a2: {  	[spmem:s7] =	stream.linear.scatter [tilespmem:s22], [sflag:$0x7], $0x900, $0x38;
	[tilespmem:$0x1FB60] =	vst v63  }
0x3a3: {  	_ =	swait.ge [sflag:s31], $0x900  }
0x3a4: {  	s15 =	sld [smem:$0x7FD]  }
0x3a5: {  	[sflag:s31] =	ssyncset.done $0x0  }
0x3a6: {  	[sflag:s31] =	ssyncadd.s32 $0xFFFFF700  }
0x3a7: {  	[spmem:s15] =	stream.linear.scatter [tilespmem:s22], [sflag:$0x7], $0x480, $0x38;
	[tilespmem:$0x1FB60] =	vst v63  }
0x3a8: {  	_ =	swait.ge [sflag:s31], $0x480  }
0x3a9: {  	s3 =	sld [smem:$0x7D1]  }
0x3aa: {  	[sflag:s31] =	ssyncset.done $0x0  }
0x3ab: {  	s16 =	rddreg [dreg:$0x7];
	[sflag:s31] =	ssyncadd.s32 $0xFFFFFB80  }
0x3ac: {  	[spmem:s3], [sflag:s5] =	dma.local [hbm:s16], $0x4F0  }
0x3ad: {  	_ =	swait.ge [sflag:s31], $0x4F0  }
0x3ae: {  	[sflag:s31] =	ssyncset.done $0x0  }
0x3af: {  	[sflag:s31] =	ssyncadd.s32 $0xFFFFFB10  }
0x3b0: {  	[bflag:$0x0] =	sbarrier.arrive $0xFFFF  }
0x3b1: {  	s29 =	simm.s32 $0x0;
	s26 =	rddreg [dreg:$0x8]  }
0x3b2: {  	[hbm4b:s26+s29] =	stream.linear.scatter [tilespmem:s22], [sflag:$0x5], $0x900, $0x38;
	[tilespmem:$0x1FB60] =	vst v63  }
0x3b3: {  	_ = 	snop  }
0x3b4: {  	[hbm4b:s26+s29] =	stream.linear.scatter [tilespmem:s0], [sflag:$0x6], $0x900, $0x38;
	[tilespmem:$0x1FB60] =	vst v63  }
0x3b5: {  	v3 =	vld [tilespmem:$0x0];
	_ =	sdelay $0x4  }
0x3b6: {  	[tilespmem:$0x5440] =	vst v3;
	v3 =	vadd.s32 v1, v3  }
0x3b7: {  	[tilespmem:$0x5400] =	vst v3  }
0x3b8: {  	[tilespmem:s6], [sflag:$0x1] =	stream.indirect.gather [spmem:s25], $0x10, s4, s2, $0xb8;
	[tilespmem:$0x1FB60] =	vst v63  }
0x3b9: {  	_ = 	snop  }
0x3ba: {  	[tilespmem:s9], [sflag:$0x3] =	stream.indirect.gather [hbm4b:s18+s2], $0x40, s8, s2, $0xb8;
	[tilespmem:$0x1FB60] =	vst v63  }
0x3bb: {  	v3 =	vld [tilespmem:$0x10];
	_ =	sdelay $0x4  }
0x3bc: {  	[tilespmem:$0x5450] =	vst v3;
	v3 =	vadd.s32 v1, v3  }
0x3bd: {  	[tilespmem:$0x5410] =	vst v3  }
0x3be: {  	[tilespmem:s11], [sflag:$0x2] =	stream.indirect.gather [spmem:s25], $0x10, s10, s2, $0xb8;
	[tilespmem:$0x1FB60] =	vst v63  }
0x3bf: {  	_ = 	snop  }
0x3c0: {  	[tilespmem:s13], [sflag:$0x4] =	stream.indirect.gather [hbm4b:s18+s2], $0x40, s12, s2, $0xb8;
	[tilespmem:$0x1FB60] =	vst v63  }
.LBB2_12:
0x3c1: {  	_ =	swait.ge [sflag:s14], $0x100  }
0x3c2: {  	[sflag:s14] =	ssyncset.done $0x0  }
0x3c3: {  	[sflag:s14] =	ssyncadd.s32 $0xFFFFFF00  }
0x3c4: {  	_ =	swait.ge [sflag:s17], $0x400  }
0x3c5: {  	[sflag:s17] =	ssyncset.done $0x0  }
0x3c6: {  	[sflag:s17] =	ssyncadd.s32 $0xFFFFFC00  }
0x3c7: {  	_ =	swait.ge [sflag:s19], $0x900  }
0x3c8: {  	s1 =	sshll.u32 s29, $0x5;
	[sflag:s19] =	ssyncset.done $0x0  }
0x3c9: {  	s7 =	sand.u32 $0x3FFFFFE0, s1;
	[sflag:s19] =	ssyncadd.s32 $0xFFFFF700  }
0x3ca: {  	v3 =	vld [tilespmem:s7+$0x2A00];
	_ =	sdelay $0x4  }
0x3cb: {  	s16 =	simm.s32 $0x5470;
	[tilespmem:$0x5420] =	vst v3  }
0x3cc: {  	v3 =	vld [tilespmem:s16+$0xFFFFFFF0];
	_ =	sdelay $0x4  }
0x3cd: {  	v3 =	vmul.f32 $1.442695020e+00, v3;
	_ =	sdelay $0x1  }
0x3ce: {  	(erf) = vpow2.f32 v3;
	_ =	sdelay $0x8  }
0x3cf: {  	s26 =	simm.s32 $0x5EF0;
	v3 =	vpop (erf)  }
0x3d0: {  	s15 =	simm.s32 $0x56A0;
	[tilespmem:s26+$0xFFFFFFF0] =	vst v3  }
0x3d1: {  	v4 =	vld [tilespmem:s15+$0xFFFFFFC0];
	_ =	sdelay $0x3  }
0x3d2: {  	v5 =	vbroadcast v3, $0x0  }
0x3d3: {  	v6 =	vshll.u32 v4, $0x10  }
0x3d4: {  	v4 =	vand.u32 $0xFFFF0000, v4;
	v6 =	vmul.f32 v6, v5  }
0x3d5: {  	v4 =	vmul.f32 v4, v5  }
0x3d6: {  	[tilespmem:s26+$0xFFFFFF70] =	vst v6  }
0x3d7: {  	[tilespmem:s26+$0xFFFFFF80] =	vst v4  }
0x3d8: {  	v4 =	vld [tilespmem:s15+$0xFFFFFFD0];
	_ =	sdelay $0x3  }
0x3d9: {  	v5 =	vbroadcast v3, $0x1  }
0x3da: {  	v6 =	vshll.u32 v4, $0x10  }
0x3db: {  	v4 =	vand.u32 $0xFFFF0000, v4;
	v6 =	vmul.f32 v6, v5  }
0x3dc: {  	v4 =	vmul.f32 v4, v5  }
0x3dd: {  	[tilespmem:s26+$0xFFFFFF90] =	vst v6  }
0x3de: {  	[tilespmem:s26+$0xFFFFFFA0] =	vst v4  }
0x3df: {  	v4 =	vld [tilespmem:s15+$0xFFFFFFE0];
	_ =	sdelay $0x3  }
0x3e0: {  	v5 =	vbroadcast v3, $0x2  }
0x3e1: {  	v6 =	vshll.u32 v4, $0x10  }
0x3e2: {  	v4 =	vand.u32 $0xFFFF0000, v4;
	v6 =	vmul.f32 v6, v5  }
0x3e3: {  	v4 =	vmul.f32 v4, v5  }
0x3e4: {  	[tilespmem:s26+$0xFFFFFFB0] =	vst v6  }
0x3e5: {  	[tilespmem:s26+$0xFFFFFFC0] =	vst v4  }
0x3e6: {  	v4 =	vld [tilespmem:s15+$0xFFFFFFF0];
	_ =	sdelay $0x3  }
0x3e7: {  	v3 =	vbroadcast v3, $0x3  }
0x3e8: {  	v5 =	vshll.u32 v4, $0x10  }
0x3e9: {  	v4 =	vand.u32 $0xFFFF0000, v4;
	v5 =	vmul.f32 v5, v3  }
0x3ea: {  	v3 =	vmul.f32 v4, v3  }
0x3eb: {  	[tilespmem:s26+$0xFFFFFFD0] =	vst v5  }
0x3ec: {  	[tilespmem:s26+$0xFFFFFFE0] =	vst v3  }
0x3ed: {  	v3 =	vld [tilespmem:s16+$0x0];
	_ =	sdelay $0x4  }
0x3ee: {  	v3 =	vmul.f32 $1.442695020e+00, v3;
	_ =	sdelay $0x1  }
0x3ef: {  	(erf) = vpow2.f32 v3;
	_ =	sdelay $0x8  }
0x3f0: {  	v3 =	vpop (erf)  }
0x3f1: {  	[tilespmem:s26+$0x80] =	vst v3  }
0x3f2: {  	v4 =	vld [tilespmem:s15+$0x0];
	_ =	sdelay $0x3  }
0x3f3: {  	v5 =	vbroadcast v3, $0x0  }
0x3f4: {  	v6 =	vshll.u32 v4, $0x10  }
0x3f5: {  	v4 =	vand.u32 $0xFFFF0000, v4;
	v6 =	vmul.f32 v6, v5  }
0x3f6: {  	v4 =	vmul.f32 v4, v5  }
0x3f7: {  	[tilespmem:s26+$0x0] =	vst v6  }
0x3f8: {  	[tilespmem:s26+$0x10] =	vst v4  }
0x3f9: {  	v4 =	vld [tilespmem:s15+$0x10];
	_ =	sdelay $0x3  }
0x3fa: {  	v5 =	vbroadcast v3, $0x1  }
0x3fb: {  	v6 =	vshll.u32 v4, $0x10  }
0x3fc: {  	v4 =	vand.u32 $0xFFFF0000, v4;
	v6 =	vmul.f32 v6, v5  }
0x3fd: {  	v4 =	vmul.f32 v4, v5  }
0x3fe: {  	[tilespmem:s26+$0x20] =	vst v6  }
0x3ff: {  	[tilespmem:s26+$0x30] =	vst v4  }
0x400: {  	v4 =	vld [tilespmem:s15+$0x20];
	_ =	sdelay $0x3  }
0x401: {  	v5 =	vbroadcast v3, $0x2  }
0x402: {  	v6 =	vshll.u32 v4, $0x10  }
0x403: {  	v4 =	vand.u32 $0xFFFF0000, v4;
	v6 =	vmul.f32 v6, v5  }
0x404: {  	v4 =	vmul.f32 v4, v5  }
0x405: {  	[tilespmem:s26+$0x40] =	vst v6  }
0x406: {  	[tilespmem:s26+$0x50] =	vst v4  }
0x407: {  	s3 =	simm.s32 $0x0;
	s1 =	simm.s32 $0x5720;
	v3 =	vbroadcast v3, $0x3;
	v4 =	vld [tilespmem:s15+$0x30];
	s15 =	simm.s32 $0x5EF0  }
.LBB2_13:
0x408: {  	s3 =	sadd.s32 $0x2, s3;
	s16 =	sadd.s32 $0x20, s16;
	s26 =	sadd.s32 $0x120, s26  }
0x409: {  	p0 =	slt.u32 s3, $0xE;
	_ =	sdelay $0x2  }
0x40a: {  	v5 =	vshll.u32 v4, $0x10;
	v4 =	vand.u32 $0xFFFF0000, v4  }
0x40b: {  	v5 =	vmul.f32 v5, v3;
	v3 =	vmul.f32 v4, v3;
	_ =	sdelay $0x1  }
0x40c: {  	[tilespmem:s15+$0x60] =	vst v5  }
0x40d: {  	[tilespmem:s15+$0x70] =	vst v3;
	s15 =	smov.u32 s26  }
0x40e: {  	v3 =	vld [tilespmem:s16+$0xFFFFFFF0];
	_ =	sdelay $0x4  }
0x40f: {  	v3 =	vmul.f32 $1.442695020e+00, v3;
	_ =	sdelay $0x1  }
0x410: {  	(erf) = vpow2.f32 v3;
	_ =	sdelay $0x8  }
0x411: {  	v3 =	vpop (erf)  }
0x412: {  	[tilespmem:s26+$0xFFFFFFF0] =	vst v3  }
0x413: {  	v4 =	vld [tilespmem:s1+$0xFFFFFFC0];
	_ =	sdelay $0x3  }
0x414: {  	v5 =	vbroadcast v3, $0x0  }
0x415: {  	v6 =	vshll.u32 v4, $0x10;
	v4 =	vand.u32 $0xFFFF0000, v4  }
0x416: {  	v6 =	vmul.f32 v6, v5;
	v4 =	vmul.f32 v4, v5;
	_ =	sdelay $0x1  }
0x417: {  	[tilespmem:s26+$0xFFFFFF70] =	vst v6  }
0x418: {  	[tilespmem:s26+$0xFFFFFF80] =	vst v4  }
0x419: {  	v4 =	vld [tilespmem:s1+$0xFFFFFFD0];
	_ =	sdelay $0x2  }
0x41a: {  	v5 =	vbroadcast v3, $0x1;
	_ =	sdelay $0x1  }
0x41b: {  	v6 =	vshll.u32 v4, $0x10;
	v4 =	vand.u32 $0xFFFF0000, v4  }
0x41c: {  	v6 =	vmul.f32 v6, v5;
	v4 =	vmul.f32 v4, v5;
	_ =	sdelay $0x1  }
0x41d: {  	[tilespmem:s26+$0xFFFFFF90] =	vst v6  }
0x41e: {  	[tilespmem:s26+$0xFFFFFFA0] =	vst v4  }
0x41f: {  	v4 =	vld [tilespmem:s1+$0xFFFFFFE0];
	_ =	sdelay $0x1  }
0x420: {  	v5 =	vbroadcast v3, $0x2;
	_ =	sdelay $0x2  }
0x421: {  	v6 =	vshll.u32 v4, $0x10;
	v4 =	vand.u32 $0xFFFF0000, v4  }
0x422: {  	v6 =	vmul.f32 v6, v5;
	v4 =	vmul.f32 v4, v5;
	_ =	sdelay $0x1  }
0x423: {  	[tilespmem:s26+$0xFFFFFFB0] =	vst v6  }
0x424: {  	[tilespmem:s26+$0xFFFFFFC0] =	vst v4  }
0x425: {  	v4 =	vld [tilespmem:s1+$0xFFFFFFF0]  }
0x426: {  	v3 =	vbroadcast v3, $0x3;
	_ =	sdelay $0x3  }
0x427: {  	v5 =	vshll.u32 v4, $0x10;
	v4 =	vand.u32 $0xFFFF0000, v4  }
0x428: {  	v5 =	vmul.f32 v5, v3;
	v3 =	vmul.f32 v4, v3;
	_ =	sdelay $0x1  }
0x429: {  	[tilespmem:s26+$0xFFFFFFD0] =	vst v5  }
0x42a: {  	[tilespmem:s26+$0xFFFFFFE0] =	vst v3  }
0x42b: {  	v3 =	vld [tilespmem:s16+$0x0];
	_ =	sdelay $0x4  }
0x42c: {  	v3 =	vmul.f32 $1.442695020e+00, v3;
	_ =	sdelay $0x1  }
0x42d: {  	(erf) = vpow2.f32 v3;
	_ =	sdelay $0x8  }
0x42e: {  	v3 =	vpop (erf)  }
0x42f: {  	[tilespmem:s26+$0x80] =	vst v3  }
0x430: {  	v5 =	vbroadcast v3, $0x0;
	v4 =	vld [tilespmem:s1+$0x0];
	_ =	sdelay $0x4  }
0x431: {  	v6 =	vshll.u32 v4, $0x10;
	v4 =	vand.u32 $0xFFFF0000, v4  }
0x432: {  	v6 =	vmul.f32 v6, v5;
	v4 =	vmul.f32 v4, v5;
	_ =	sdelay $0x1  }
0x433: {  	[tilespmem:s26+$0x0] =	vst v6  }
0x434: {  	[tilespmem:s26+$0x10] =	vst v4;
	v4 =	vbroadcast v3, $0x1  }
0x435: {  	v5 =	vld [tilespmem:s1+$0x10];
	_ =	sdelay $0x4  }
0x436: {  	v6 =	vshll.u32 v5, $0x10;
	v5 =	vand.u32 $0xFFFF0000, v5  }
0x437: {  	v6 =	vmul.f32 v6, v4;
	v4 =	vmul.f32 v5, v4;
	_ =	sdelay $0x1  }
0x438: {  	v5 =	vbroadcast v3, $0x2;
	[tilespmem:s26+$0x20] =	vst v6  }
0x439: {  	[tilespmem:s26+$0x30] =	vst v4  }
0x43a: {  	v4 =	vld [tilespmem:s1+$0x20];
	_ =	sdelay $0x4  }
0x43b: {  	v6 =	vshll.u32 v4, $0x10;
	v4 =	vand.u32 $0xFFFF0000, v4  }
.Ltmp5:
0x43c: {  	v6 =	vmul.f32 v6, v5;
	v4 =	vmul.f32 v4, v5;
	(pc) =	sbr.rel @p0 .LBB2_13-.Ltmp5, $4  }
0x43d: {  	v3 =	vbroadcast v3, $0x3  }
0x43e: {  	[tilespmem:s26+$0x40] =	vst v6  }
0x43f: {  	[tilespmem:s26+$0x50] =	vst v4  }
0x440: {  	v4 =	vld [tilespmem:s1+$0x30];
	s1 =	sadd.s32 $0x80, s1  }
0x441: {  	_ =	sdelay $0x3  }
0x442: {  	v5 =	vshll.u32 v4, $0x10  }
0x443: {  	v4 =	vand.u32 $0xFFFF0000, v4;
	v5 =	vmul.f32 v5, v3  }
0x444: {  	s16 =	sshll.u32 s29, $0x1;
	v3 =	vmul.f32 v4, v3  }
0x445: {  	s1 =	smin.u32 s16, $0x29D;
	[tilespmem:s15+$0x60] =	vst v5  }
0x446: {  	s1 =	sshll.u32 s1, $0x4;
	[tilespmem:s15+$0x70] =	vst v3  }
0x447: {  	[spmem:s21] =	stream.indirect.scatter.add.f32 [tilespmem:s22], [sflag:$0x5], $0x90, s20, s2, $0xb8;
	[tilespmem:$0x1FB60] =	vst v63  }
0x448: {  	v3 =	vld [tilespmem:s1+$0x20];
	_ =	sdelay $0x4  }
0x449: {  	[tilespmem:$0x5440] =	vst v3;
	v3 =	vadd.s32 v1, v3  }
0x44a: {  	[tilespmem:$0x5400] =	vst v3  }
0x44b: {  	[tilespmem:s6], [sflag:$0x1] =	stream.indirect.gather [spmem:s25], $0x10, s4, s2, $0xb8;
	[tilespmem:$0x1FB60] =	vst v63  }
0x44c: {  	_ = 	snop  }
0x44d: {  	[tilespmem:s9], [sflag:$0x3] =	stream.indirect.gather [hbm4b:s18+s2], $0x40, s8, s2, $0xb8;
	[tilespmem:$0x1FB60] =	vst v63  }
0x44e: {  	_ =	swait.ge [sflag:s23], $0x100  }
0x44f: {  	[sflag:s23] =	ssyncset.done $0x0  }
0x450: {  	[sflag:s23] =	ssyncadd.s32 $0xFFFFFF00  }
0x451: {  	_ =	swait.ge [sflag:s24], $0x400  }
0x452: {  	[sflag:s24] =	ssyncset.done $0x0  }
0x453: {  	[sflag:s24] =	ssyncadd.s32 $0xFFFFFC00  }
0x454: {  	_ =	swait.ge [sflag:s28], $0x900  }
0x455: {  	[sflag:s28] =	ssyncset.done $0x0  }
0x456: {  	[sflag:s28] =	ssyncadd.s32 $0xFFFFF700  }
0x457: {  	v3 =	vld [tilespmem:s7+$0x2A10];
	_ =	sdelay $0x4  }
0x458: {  	s7 =	simm.s32 $0x5570;
	[tilespmem:$0x5430] =	vst v3  }
0x459: {  	v3 =	vld [tilespmem:s7+$0xFFFFFFF0];
	_ =	sdelay $0x4  }
0x45a: {  	v3 =	vmul.f32 $1.442695020e+00, v3;
	_ =	sdelay $0x1  }
0x45b: {  	(erf) = vpow2.f32 v3;
	_ =	sdelay $0x8  }
0x45c: {  	s26 =	simm.s32 $0x67F0;
	v3 =	vpop (erf)  }
0x45d: {  	s15 =	simm.s32 $0x5AA0;
	[tilespmem:s26+$0xFFFFFFF0] =	vst v3  }
0x45e: {  	v4 =	vld [tilespmem:s15+$0xFFFFFFC0];
	_ =	sdelay $0x3  }
0x45f: {  	v5 =	vbroadcast v3, $0x0  }
0x460: {  	v6 =	vshll.u32 v4, $0x10  }
0x461: {  	v4 =	vand.u32 $0xFFFF0000, v4;
	v6 =	vmul.f32 v6, v5  }
0x462: {  	v4 =	vmul.f32 v4, v5  }
0x463: {  	[tilespmem:s26+$0xFFFFFF70] =	vst v6  }
0x464: {  	[tilespmem:s26+$0xFFFFFF80] =	vst v4  }
0x465: {  	v4 =	vld [tilespmem:s15+$0xFFFFFFD0];
	_ =	sdelay $0x3  }
0x466: {  	v5 =	vbroadcast v3, $0x1  }
0x467: {  	v6 =	vshll.u32 v4, $0x10  }
0x468: {  	v4 =	vand.u32 $0xFFFF0000, v4;
	v6 =	vmul.f32 v6, v5  }
0x469: {  	v4 =	vmul.f32 v4, v5  }
0x46a: {  	[tilespmem:s26+$0xFFFFFF90] =	vst v6  }
0x46b: {  	[tilespmem:s26+$0xFFFFFFA0] =	vst v4  }
0x46c: {  	v4 =	vld [tilespmem:s15+$0xFFFFFFE0];
	_ =	sdelay $0x3  }
0x46d: {  	v5 =	vbroadcast v3, $0x2  }
0x46e: {  	v6 =	vshll.u32 v4, $0x10  }
0x46f: {  	v4 =	vand.u32 $0xFFFF0000, v4;
	v6 =	vmul.f32 v6, v5  }
0x470: {  	v4 =	vmul.f32 v4, v5  }
0x471: {  	[tilespmem:s26+$0xFFFFFFB0] =	vst v6  }
0x472: {  	[tilespmem:s26+$0xFFFFFFC0] =	vst v4  }
0x473: {  	v4 =	vld [tilespmem:s15+$0xFFFFFFF0];
	_ =	sdelay $0x3  }
0x474: {  	v3 =	vbroadcast v3, $0x3  }
0x475: {  	v5 =	vshll.u32 v4, $0x10  }
0x476: {  	v4 =	vand.u32 $0xFFFF0000, v4;
	v5 =	vmul.f32 v5, v3  }
0x477: {  	v3 =	vmul.f32 v4, v3  }
0x478: {  	[tilespmem:s26+$0xFFFFFFD0] =	vst v5  }
0x479: {  	[tilespmem:s26+$0xFFFFFFE0] =	vst v3  }
0x47a: {  	v3 =	vld [tilespmem:s7+$0x0];
	_ =	sdelay $0x4  }
0x47b: {  	v3 =	vmul.f32 $1.442695020e+00, v3;
	_ =	sdelay $0x1  }
0x47c: {  	(erf) = vpow2.f32 v3;
	_ =	sdelay $0x8  }
0x47d: {  	v3 =	vpop (erf)  }
0x47e: {  	[tilespmem:s26+$0x80] =	vst v3  }
0x47f: {  	v4 =	vld [tilespmem:s15+$0x0];
	_ =	sdelay $0x3  }
0x480: {  	v5 =	vbroadcast v3, $0x0  }
0x481: {  	v6 =	vshll.u32 v4, $0x10  }
0x482: {  	v4 =	vand.u32 $0xFFFF0000, v4;
	v6 =	vmul.f32 v6, v5  }
0x483: {  	v4 =	vmul.f32 v4, v5  }
0x484: {  	[tilespmem:s26+$0x0] =	vst v6  }
0x485: {  	[tilespmem:s26+$0x10] =	vst v4  }
0x486: {  	v4 =	vld [tilespmem:s15+$0x10];
	_ =	sdelay $0x3  }
0x487: {  	v5 =	vbroadcast v3, $0x1  }
0x488: {  	v6 =	vshll.u32 v4, $0x10  }
0x489: {  	v4 =	vand.u32 $0xFFFF0000, v4;
	v6 =	vmul.f32 v6, v5  }
0x48a: {  	v4 =	vmul.f32 v4, v5  }
0x48b: {  	[tilespmem:s26+$0x20] =	vst v6  }
0x48c: {  	[tilespmem:s26+$0x30] =	vst v4  }
0x48d: {  	v4 =	vld [tilespmem:s15+$0x20];
	_ =	sdelay $0x3  }
0x48e: {  	v5 =	vbroadcast v3, $0x2  }
0x48f: {  	v6 =	vshll.u32 v4, $0x10  }
0x490: {  	v4 =	vand.u32 $0xFFFF0000, v4;
	v6 =	vmul.f32 v6, v5  }
0x491: {  	v4 =	vmul.f32 v4, v5  }
0x492: {  	[tilespmem:s26+$0x40] =	vst v6  }
0x493: {  	[tilespmem:s26+$0x50] =	vst v4  }
0x494: {  	s3 =	simm.s32 $0x0;
	s1 =	simm.s32 $0x5B20;
	v3 =	vbroadcast v3, $0x3;
	v4 =	vld [tilespmem:s15+$0x30];
	s15 =	simm.s32 $0x67F0  }
.LBB2_15:
0x495: {  	s3 =	sadd.s32 $0x2, s3;
	s7 =	sadd.s32 $0x20, s7;
	s26 =	sadd.s32 $0x120, s26  }
0x496: {  	p0 =	slt.u32 s3, $0xE;
	_ =	sdelay $0x2  }
0x497: {  	v5 =	vshll.u32 v4, $0x10;
	v4 =	vand.u32 $0xFFFF0000, v4  }
0x498: {  	v5 =	vmul.f32 v5, v3;
	v3 =	vmul.f32 v4, v3;
	_ =	sdelay $0x1  }
0x499: {  	[tilespmem:s15+$0x60] =	vst v5  }
0x49a: {  	[tilespmem:s15+$0x70] =	vst v3;
	s15 =	smov.u32 s26  }
0x49b: {  	v3 =	vld [tilespmem:s7+$0xFFFFFFF0];
	_ =	sdelay $0x4  }
0x49c: {  	v3 =	vmul.f32 $1.442695020e+00, v3;
	_ =	sdelay $0x1  }
0x49d: {  	(erf) = vpow2.f32 v3;
	_ =	sdelay $0x8  }
0x49e: {  	v3 =	vpop (erf)  }
0x49f: {  	[tilespmem:s26+$0xFFFFFFF0] =	vst v3  }
0x4a0: {  	v4 =	vld [tilespmem:s1+$0xFFFFFFC0];
	_ =	sdelay $0x3  }
0x4a1: {  	v5 =	vbroadcast v3, $0x0  }
0x4a2: {  	v6 =	vshll.u32 v4, $0x10;
	v4 =	vand.u32 $0xFFFF0000, v4  }
0x4a3: {  	v6 =	vmul.f32 v6, v5;
	v4 =	vmul.f32 v4, v5;
	_ =	sdelay $0x1  }
0x4a4: {  	[tilespmem:s26+$0xFFFFFF70] =	vst v6  }
0x4a5: {  	[tilespmem:s26+$0xFFFFFF80] =	vst v4  }
0x4a6: {  	v4 =	vld [tilespmem:s1+$0xFFFFFFD0];
	_ =	sdelay $0x2  }
0x4a7: {  	v5 =	vbroadcast v3, $0x1;
	_ =	sdelay $0x1  }
0x4a8: {  	v6 =	vshll.u32 v4, $0x10;
	v4 =	vand.u32 $0xFFFF0000, v4  }
0x4a9: {  	v6 =	vmul.f32 v6, v5;
	v4 =	vmul.f32 v4, v5;
	_ =	sdelay $0x1  }
0x4aa: {  	[tilespmem:s26+$0xFFFFFF90] =	vst v6  }
0x4ab: {  	[tilespmem:s26+$0xFFFFFFA0] =	vst v4  }
0x4ac: {  	v4 =	vld [tilespmem:s1+$0xFFFFFFE0];
	_ =	sdelay $0x1  }
0x4ad: {  	v5 =	vbroadcast v3, $0x2;
	_ =	sdelay $0x2  }
0x4ae: {  	v6 =	vshll.u32 v4, $0x10;
	v4 =	vand.u32 $0xFFFF0000, v4  }
0x4af: {  	v6 =	vmul.f32 v6, v5;
	v4 =	vmul.f32 v4, v5;
	_ =	sdelay $0x1  }
0x4b0: {  	[tilespmem:s26+$0xFFFFFFB0] =	vst v6  }
0x4b1: {  	[tilespmem:s26+$0xFFFFFFC0] =	vst v4  }
0x4b2: {  	v4 =	vld [tilespmem:s1+$0xFFFFFFF0]  }
0x4b3: {  	v3 =	vbroadcast v3, $0x3;
	_ =	sdelay $0x3  }
0x4b4: {  	v5 =	vshll.u32 v4, $0x10;
	v4 =	vand.u32 $0xFFFF0000, v4  }
0x4b5: {  	v5 =	vmul.f32 v5, v3;
	v3 =	vmul.f32 v4, v3;
	_ =	sdelay $0x1  }
0x4b6: {  	[tilespmem:s26+$0xFFFFFFD0] =	vst v5  }
0x4b7: {  	[tilespmem:s26+$0xFFFFFFE0] =	vst v3  }
0x4b8: {  	v3 =	vld [tilespmem:s7+$0x0];
	_ =	sdelay $0x4  }
0x4b9: {  	v3 =	vmul.f32 $1.442695020e+00, v3;
	_ =	sdelay $0x1  }
0x4ba: {  	(erf) = vpow2.f32 v3;
	_ =	sdelay $0x8  }
0x4bb: {  	v3 =	vpop (erf)  }
0x4bc: {  	[tilespmem:s26+$0x80] =	vst v3  }
0x4bd: {  	v5 =	vbroadcast v3, $0x0;
	v4 =	vld [tilespmem:s1+$0x0];
	_ =	sdelay $0x4  }
0x4be: {  	v6 =	vshll.u32 v4, $0x10;
	v4 =	vand.u32 $0xFFFF0000, v4  }
0x4bf: {  	v6 =	vmul.f32 v6, v5;
	v4 =	vmul.f32 v4, v5;
	_ =	sdelay $0x1  }
0x4c0: {  	[tilespmem:s26+$0x0] =	vst v6  }
0x4c1: {  	[tilespmem:s26+$0x10] =	vst v4;
	v4 =	vbroadcast v3, $0x1  }
0x4c2: {  	v5 =	vld [tilespmem:s1+$0x10];
	_ =	sdelay $0x4  }
0x4c3: {  	v6 =	vshll.u32 v5, $0x10;
	v5 =	vand.u32 $0xFFFF0000, v5  }
0x4c4: {  	v6 =	vmul.f32 v6, v4;
	v4 =	vmul.f32 v5, v4;
	_ =	sdelay $0x1  }
0x4c5: {  	v5 =	vbroadcast v3, $0x2;
	[tilespmem:s26+$0x20] =	vst v6  }
0x4c6: {  	[tilespmem:s26+$0x30] =	vst v4  }
0x4c7: {  	v4 =	vld [tilespmem:s1+$0x20];
	_ =	sdelay $0x4  }
0x4c8: {  	v6 =	vshll.u32 v4, $0x10;
	v4 =	vand.u32 $0xFFFF0000, v4  }
.Ltmp6:
0x4c9: {  	v6 =	vmul.f32 v6, v5;
	v4 =	vmul.f32 v4, v5;
	(pc) =	sbr.rel @p0 .LBB2_15-.Ltmp6, $4  }
0x4ca: {  	v3 =	vbroadcast v3, $0x3  }
0x4cb: {  	[tilespmem:s26+$0x40] =	vst v6  }
0x4cc: {  	[tilespmem:s26+$0x50] =	vst v4  }
0x4cd: {  	v4 =	vld [tilespmem:s1+$0x30];
	s1 =	sadd.s32 $0x80, s1  }
0x4ce: {  	_ =	sdelay $0x3  }
0x4cf: {  	v5 =	vshll.u32 v4, $0x10  }
0x4d0: {  	v63 =	vand.u32 $0xFFFF0000, v4;
	v5 =	vmul.f32 v5, v3  }
0x4d1: {  	v3 =	vmul.f32 v63, v3  }
0x4d2: {  	s1 =	smin.u32 s16, $0x29C;
	[tilespmem:s15+$0x60] =	vst v5  }
0x4d3: {  	s1 =	sshll.u32 s1, $0x4;
	[tilespmem:s15+$0x70] =	vst v3  }
0x4d4: {  	[spmem:s21] =	stream.indirect.scatter.add.f32 [tilespmem:s0], [sflag:$0x6], $0x90, s30, s2, $0xb8;
	[tilespmem:$0x1FB60] =	vst v63  }
0x4d5: {  	v3 =	vld [tilespmem:s1+$0x30];
	_ =	sdelay $0x2  }
0x4d6: {  	s29 =	sadd.s32 $0x1, s29  }
0x4d7: {  	p0 =	sne.s32 s29, $0x150  }
.Ltmp7:
0x4d8: {  	[tilespmem:$0x5450] =	vst v3;
	v3 =	vadd.s32 v1, v3;
	(pc) =	sbr.rel @p0 .LBB2_12-.Ltmp7, $4  }
0x4d9: {  	[tilespmem:$0x5410] =	vst v3  }
0x4da: {  	[tilespmem:s11], [sflag:$0x2] =	stream.indirect.gather [spmem:s25], $0x10, s10, s2, $0xb8;
	[tilespmem:$0x1FB60] =	vst v63  }
0x4db: {  	_ = 	snop  }
0x4dc: {  	[tilespmem:s13], [sflag:$0x4] =	stream.indirect.gather [hbm4b:s18+s2], $0x40, s12, s2, $0xb8;
	[tilespmem:$0x1FB60] =	vst v63  }
0x4dd: {  	_ =	swait.ge [sflag:s14], $0x100  }
0x4de: {  	[sflag:s14] =	ssyncset.done $0x0  }
0x4df: {  	[sflag:s14] =	ssyncadd.s32 $0xFFFFFF00  }
0x4e0: {  	_ =	swait.ge [sflag:s17], $0x400  }
0x4e1: {  	[sflag:s17] =	ssyncset.done $0x0  }
0x4e2: {  	[sflag:s17] =	ssyncadd.s32 $0xFFFFFC00  }
0x4e3: {  	_ =	swait.ge [sflag:s23], $0x100  }
0x4e4: {  	[sflag:s23] =	ssyncset.done $0x0  }
0x4e5: {  	[sflag:s23] =	ssyncadd.s32 $0xFFFFFF00  }
0x4e6: {  	_ =	swait.ge [sflag:s24], $0x400  }
0x4e7: {  	[sflag:s24] =	ssyncset.done $0x0  }
0x4e8: {  	[sflag:s24] =	ssyncadd.s32 $0xFFFFFC00  }
0x4e9: {  	_ =	swait.ge [sflag:s19], $0x900  }
0x4ea: {  	[sflag:s19] =	ssyncset.done $0x0  }
0x4eb: {  	[sflag:s19] =	ssyncadd.s32 $0xFFFFF700  }
0x4ec: {  	_ =	swait.ge [sflag:s28], $0x900  }
0x4ed: {  	[sflag:s28] =	ssyncset.done $0x0  }
0x4ee: {  	[sflag:s28] =	ssyncadd.s32 $0xFFFFF700  }
0x4ef: {  	[bflag:$0x0] =	sbarrier.arrive $0xFFFF  }
0x4f0: {  	s3 =	sld [smem:$0x7CC];
	_ =	sdelay $0x1  }
0x4f1: {  	s1 =	rddreg [dreg:$0x8]  }
0x4f2: {  	[hbm:s1], [sflag:s5] =	dma.local [spmem:s3], $0x900  }
0x4f3: {  	_ =	swait.ge [sflag:s31], $0x900  }
0x4f4: {  	s16 =	sld [smem:$0x7CD]  }
0x4f5: {  	[sflag:s31] =	ssyncset.done $0x0  }
0x4f6: {  	s15 =	rddreg [dreg:$0x1f];
	[sflag:s31] =	ssyncadd.s32 $0xFFFFF700  }
0x4f7: {  	[hbm:s15], [sflag:s5] =	dma.local [spmem:s16], $0x900  }
0x4f8: {  	_ =	swait.ge [sflag:s31], $0x900  }
0x4f9: {  	s26 =	sld [smem:$0x7D3]  }
0x4fa: {  	s29 =	sld [smem:$0x7CE]  }
0x4fb: {  	[sflag:s31] =	ssyncset.done $0x0  }
0x4fc: {  	[sflag:s31] =	ssyncadd.s32 $0xFFFFF700  }
0x4fd: {  	[hbm:s26], [sflag:s5] =	dma.local [spmem:s29], $0x900  }
0x4fe: {  	_ =	swait.ge [sflag:s31], $0x900  }
0x4ff: {  	s3 =	sld [smem:$0x7D4]  }
0x500: {  	s7 =	sld [smem:$0x7CF]  }
0x501: {  	[sflag:s31] =	ssyncset.done $0x0  }
0x502: {  	[sflag:s31] =	ssyncadd.s32 $0xFFFFF700  }
0x503: {  	[hbm:s3], [sflag:s5] =	dma.local [spmem:s7], $0x900  }
0x504: {  	_ =	swait.ge [sflag:s31], $0x900  }
0x505: {  	s15 =	sld [smem:$0x7D5]  }
0x506: {  	s16 =	sld [smem:$0x7D0]  }
0x507: {  	[sflag:s31] =	ssyncset.done $0x0  }
0x508: {  	[sflag:s31] =	ssyncadd.s32 $0xFFFFF700  }
0x509: {  	[hbm:s15], [sflag:s5] =	dma.local [spmem:s16], $0x870  }
0x50a: {  	_ =	swait.ge [sflag:s31], $0x870  }
0x50b: {  	s26 =	sld [smem:$0x7D2]  }
0x50c: {  	s29 =	sld [smem:$0x7D6];
	_ =	sdelay $0x1  }
0x50d: {  	s3 =	sadd.s32 $0x1, s26  }
0x50e: {  	p0 =	sne.s32 s3, s29  }
.Ltmp8:
0x50f: {  	_ = 	snop;
	(pc) =	sbr.rel @p0 .LBB2_1-.Ltmp8, $3  }
0x510: {  	_ =	sdelay $0x1  }
0x511: {  	[sflag:s31] =	ssyncset.done $0x0  }
0x512: {  	[sflag:s31] =	ssyncadd.s32 $0xFFFFF790  }
0x513: {  	_ =	sfence.sel $0x180000  }
0x514: {  	[bflag:$0x0] =	sbarrier.arrive $0xFFFF  }
0x515: {  	_ =	strace $0x90000047  }
0x516: {  	s0 =	stileid.u32;
	[bflag:$0x2] =	sbarrier.arrive $0xFFFF  }
0x517: {  	p0 =	sne.s32 s0, $0x0;
	s0 =	rddreg [dreg:$0x4]  }
0x518: {  	s0 =	sadd.s32 @!p0 $0x100000, s0  }
0x519: {  	[sflag:s0] =	ssyncadd.tile.s32 @!p0 $0x1;
	_ =	shalt  }
.Lfunc_end2:
_tile_overlayer_lowered:
.L_overlay_start_2:
0x51a: {  	(tag) =	ssettag $0x2  }
0x51b: {  	s0 =	rddreg [dreg:$0x0];
	s2 =	stileid.u32  }
0x51c: {  	s1 =	rddreg [dreg:$0x1];
	p0 =	sne.s32 s2, $0x0  }
0x51d: {  	s3 =	rddreg [dreg:$0x2];
	[bflag:$0x3] =	sbarrier.arrive $0xFFFF;
	s2 =	simm.s32 @!p0 $0x1C07  }
0x51e: {  	[timem:s3], [sflag:s2] =	dma.local @!p0 [hbm:s0], s1  }
0x51f: {  	s0 =	simm.s32 @!p0 $0x7  }
0x520: {  	_ =	swait.ge @!p0 [sflag:s0], s1  }
0x521: {  	s1 =	ssub.s32 @!p0 $0x0, s1;
	[sflag:s0] =	ssyncset.done @!p0 $0x0  }
0x522: {  	[sflag:s0] =	ssyncadd.s32 @!p0 s1  }
0x523: {  	[bflag:$0x3] =	sbarrier.arrive $0xFFFF  }
0x524: {  	_ =	shalt  }

</sc_bundles>
